<compile_context>
chip_gen: v7x
topology: tpu7x:2x2x1
jax: 0.10.2.dev20260603
libtpu: 0.0.44.dev20260713+nightly
codegen_flags: <defaults>
</compile_context>

<pallas_src>
import dataclasses
import functools

import jax
import jax.numpy as jnp
from jax import lax
from jax.experimental import pallas as pl
from jax.experimental.pallas import tpu as pltpu
from jax.experimental.pallas import tpu_sc as plsc

_VOCAB = 1000000
_EMBED = 16
_NUM_SAMPLED = 64
_BATCH = 16384

_NC = 2
_NSUB = 16
_NW = _NC * _NSUB

_PACK = 128 // _EMBED
_LANE = 128
_R_TILE = _BATCH // _NW
_BLK = 8
_RING = 2
_NBLK = _R_TILE // _BLK

_SAMP_PAD = _NW * _BLK
_BW = _BATCH + _SAMP_PAD
_BB_TILE = _BW // _NW

_CHUNK = 128


def _chunks(total):
  out = []
  c0 = 0
  while c0 < total:
    n = min(_CHUNK, total - c0)
    out.append((c0, n))
    c0 += n
  return out


def _sc_gather(emb, w, biases, base_e, sub_e, base_w, sub_w,
               base_s, sub_s, idx_b):
  mesh = plsc.VectorSubcoreMesh(core_axis_name="c", subcore_axis_name="s")
  cp = pltpu.CompilerParams()
  if "needs_layout_passes" in pltpu.CompilerParams.__dataclass_fields__:
    cp = dataclasses.replace(cp, needs_layout_passes=False)

  @functools.partial(
      pl.kernel,
      mesh=mesh,
      compiler_params=cp,
      out_type=(
          jax.ShapeDtypeStruct((_BATCH * _EMBED,), jnp.float32),
          jax.ShapeDtypeStruct((_BW * _EMBED,), jnp.float32),
          jax.ShapeDtypeStruct((_BW,), jnp.float32),
      ),
      scratch_types=[
          pltpu.VMEM((_R_TILE + 16,), jnp.int32),
          pltpu.VMEM((_R_TILE + 16,), jnp.int32),
          pltpu.VMEM((_R_TILE + 16,), jnp.int32),
          pltpu.VMEM((_R_TILE + 16,), jnp.int32),
          pltpu.VMEM((16,), jnp.int32),
          pltpu.VMEM((16,), jnp.int32),
          pltpu.VMEM((_BB_TILE,), jnp.int32),
          pltpu.VMEM((_RING * _BLK, _EMBED, _LANE), jnp.float32),
          pltpu.VMEM((_RING * _BLK, _EMBED, _LANE), jnp.float32),
          pltpu.VMEM((_R_TILE * _EMBED,), jnp.float32),
          pltpu.VMEM((_R_TILE * _EMBED,), jnp.float32),
          pltpu.VMEM((_BLK * _EMBED,), jnp.float32),
          pltpu.VMEM((_BB_TILE,), jnp.float32),
          pltpu.SemaphoreType.DMA,
          pltpu.SemaphoreType.DMA,
          pltpu.SemaphoreType.DMA,
          pltpu.SemaphoreType.DMA,
          pltpu.SemaphoreType.DMA,
          pltpu.SemaphoreType.DMA,
          pltpu.SemaphoreType.DMA,
      ],
  )
  def k(emb_hbm, w_hbm, b_hbm, basee_hbm, sube_hbm, basew_hbm, subw_hbm,
        bases_hbm, subs_hbm, idxb_hbm, out_e, out_w, out_b,
        basee_v, sube_v, basew_v, subw_v, bases_v, subs_v, idxb_v,
        ring_e, ring_w, ext_e, ext_w, ext_s, rows_b,
        sem0, sem1, sem2, sem3, semsmp, semb, semo):
    wid = lax.axis_index("s") * _NC + lax.axis_index("c")
    base_r = wid * _R_TILE
    base_bb = wid * _BB_TILE
    iota16 = lax.iota(jnp.int32, 16)
    sems = (sem0, sem1, sem2, sem3)

    pltpu.sync_copy(basee_hbm.at[pl.ds(base_r, _R_TILE)],
                    basee_v.at[pl.ds(0, _R_TILE)])
    pltpu.sync_copy(sube_hbm.at[pl.ds(base_r, _R_TILE)],
                    sube_v.at[pl.ds(0, _R_TILE)])
    pltpu.sync_copy(basew_hbm.at[pl.ds(base_r, _R_TILE)],
                    basew_v.at[pl.ds(0, _R_TILE)])
    pltpu.sync_copy(subw_hbm.at[pl.ds(base_r, _R_TILE)],
                    subw_v.at[pl.ds(0, _R_TILE)])
    pltpu.sync_copy(bases_hbm.at[pl.ds(wid * _BLK, _BLK)],
                    bases_v.at[pl.ds(0, _BLK)])
    pltpu.sync_copy(subs_hbm.at[pl.ds(wid * _BLK, _BLK)],
                    subs_v.at[pl.ds(0, _BLK)])
    pltpu.sync_copy(idxb_hbm.at[pl.ds(base_bb, _BB_TILE)], idxb_v)

    bias_copies = []
    for c0, n in _chunks(_BB_TILE):
      bias_copies.append(pltpu.make_async_copy(
          b_hbm.at[idxb_v.at[pl.ds(c0, n)]], rows_b.at[pl.ds(c0, n)], semb))
    for cpy in bias_copies:
      cpy.start()

    m8 = iota16 < _BLK

    def fire(table_hbm, base_v, ringbuf, sem_pair, bdyn, slot):
      bases16 = base_v[pl.ds(bdyn * _BLK, 16)]
      for j in range(_BLK):
        bj = pl.multiple_of(
            jnp.sum(jnp.where(iota16 == j, bases16, 0), axis=0), _LANE)
        pltpu.make_async_copy(
            table_hbm.at[:, pl.ds(bj, _LANE)],
            ringbuf.at[slot * _BLK + j], sem_pair[slot]).start()

    def drain(ringbuf, sem_pair, slot):
      pltpu.make_async_copy(
          emb_hbm.at[:, pl.ds(0, _LANE * _BLK)],
          ringbuf.at[pl.ds(slot * _BLK, _BLK)], sem_pair[slot]).wait()

    def extract(sub_v, src_buf, slot, bdyn, ext):
      sub16 = sub_v[pl.ds(bdyn * _BLK, 16)] & (_LANE - 1)
      blk_ids = slot * _BLK + (iota16 & (_BLK - 1))
      dst_base = iota16 * _EMBED + bdyn * (_BLK * _EMBED)

      @pl.loop(0, _EMBED)
      def _(kk):
        lane_k = jnp.full((16,), 0, jnp.int32) + kk
        vals = plsc.load_gather(src_buf, [blk_ids, lane_k, sub16], mask=m8)
        plsc.store_scatter(ext, [dst_base + kk], vals, mask=m8)

    sems_e = (sem0, sem1)
    sems_w = (sem2, sem3)
    for r in range(_RING):
      fire(emb_hbm, basee_v, ring_e, sems_e, jnp.int32(r), r)
      fire(w_hbm, basew_v, ring_w, sems_w, jnp.int32(r), r)

    @pl.loop(0, _NBLK // _RING)
    def _(phase):
      for r in range(_RING):
        b = phase * _RING + r
        drain(ring_e, sems_e, r)
        extract(sube_v, ring_e, r, b, ext_e)

        @pl.when(phase < _NBLK // _RING - 1)
        def _():
          fire(emb_hbm, basee_v, ring_e, sems_e, b + _RING, r)
        drain(ring_w, sems_w, r)
        extract(subw_v, ring_w, r, b, ext_w)

        @pl.when(phase < _NBLK // _RING - 1)
        def _():
          fire(w_hbm, basew_v, ring_w, sems_w, b + _RING, r)

    w_e = pltpu.make_async_copy(
        ext_e, out_e.at[pl.ds(base_r * _EMBED, _R_TILE * _EMBED)], semo)
    w_e.start()
    w_w = pltpu.make_async_copy(
        ext_w, out_w.at[pl.ds(base_r * _EMBED, _R_TILE * _EMBED)], semo)
    w_w.start()

    samp_bases = bases_v[...]
    for j in range(_BLK):
      bj = pl.multiple_of(
          jnp.sum(jnp.where(iota16 == j, samp_bases, 0), axis=0), _LANE)
      pltpu.make_async_copy(
          w_hbm.at[:, pl.ds(bj, _LANE)], ring_w.at[j], semsmp).start()
    pltpu.make_async_copy(
        emb_hbm.at[:, pl.ds(0, _LANE * _BLK)],
        ring_w.at[pl.ds(0, _BLK)], semsmp).wait()
    sub16 = subs_v[...] & (_LANE - 1)
    blk_ids = iota16 & (_BLK - 1)
    dst_base = iota16 * _EMBED

    @pl.loop(0, _EMBED)
    def _(kk):
      lane_k = jnp.full((16,), 0, jnp.int32) + kk
      vals = plsc.load_gather(ring_w, [blk_ids, lane_k, sub16], mask=m8)
      plsc.store_scatter(ext_s, [dst_base + kk], vals, mask=m8)
    w_s = pltpu.make_async_copy(
        ext_s,
        out_w.at[pl.ds((_BATCH + wid * _BLK) * _EMBED, _BLK * _EMBED)], semo)
    w_s.start()

    for cpy in bias_copies:
      cpy.wait()
    w_b = pltpu.make_async_copy(
        rows_b, out_b.at[pl.ds(base_bb, _BB_TILE)], semo)
    w_b.start()
    w_e.wait()
    w_w.wait()
    w_s.wait()
    w_b.wait()

  return k(emb, w, biases, base_e, sub_e, base_w, sub_w, base_s, sub_s, idx_b)


def _tc_loss_body(embp_ref, wp_ref, bw_ref, bs_ref, labw_ref, samp_ref,
                  swt_ref, out_ref):
  embp = embp_ref[...]
  wp = wp_ref[...]
  bw = bw_ref[...]
  labs = labw_ref[...].astype(jnp.float32)
  samp = samp_ref[...].astype(jnp.float32)
  samp_b = bs_ref[...]
  swt = swt_ref[...]

  logv = jnp.log(float(_VOCAB) + 1.0)
  q_true = (jnp.log(labs + 2.0) - jnp.log(labs + 1.0)) / logv
  q_samp = (jnp.log(samp + 2.0) - jnp.log(samp + 1.0)) / logv

  i0 = lax.broadcasted_iota(jnp.int32, (128, 8), 0)
  i1 = lax.broadcasted_iota(jnp.int32, (128, 8), 1)
  m = jnp.where(i0 // _EMBED == i1, 1.0, 0.0)
  tl8 = lax.dot_general(embp * wp, m, (((1,), (0,)), ((), ())),
                        preferred_element_type=jnp.float32)
  tlw = tl8 + bw - jnp.log(_NUM_SAMPLED * q_true)

  zeros = jnp.zeros((_EMBED, _NUM_SAMPLED), jnp.float32)
  wbig = jnp.concatenate(
      [jnp.concatenate([swt if jj == j else zeros for jj in range(_PACK)],
                       axis=1) for j in range(_PACK)], axis=0)
  sl = lax.dot_general(embp, wbig, (((1,), (0,)), ((), ())),
                       preferred_element_type=jnp.float32)
  corr = samp_b - jnp.log(_NUM_SAMPLED * q_samp)
  sl = sl + jnp.concatenate([corr] * _PACK, axis=1)

  total = jnp.sum(jax.nn.softplus(-tlw)) + jnp.sum(jax.nn.softplus(sl))
  out_ref[...] = jnp.reshape(total / float(_BATCH), (1, 1))


def kernel(inputs, train_labels, embeddings, nce_weights, nce_biases):
  idx_e = inputs.astype(jnp.int32)
  labels = train_labels[:, 0].astype(jnp.int32)
  skey = jax.random.key(12345)
  sampled = jax.random.randint(skey, (_NUM_SAMPLED,), 0, _VOCAB).astype(
      jnp.int32)
  samp_padded = jnp.zeros((_SAMP_PAD,), jnp.int32).at[0:_NUM_SAMPLED].set(
      sampled)
  idx_b = jnp.concatenate([labels, samp_padded])

  base_e = (idx_e // _LANE) * _LANE
  sub_e = idx_e % _LANE
  base_w = (labels // _LANE) * _LANE
  sub_w = labels % _LANE
  base_s = (samp_padded // _LANE) * _LANE
  sub_s = samp_padded % _LANE

  embed_flat, w_flat, b_vals = _sc_gather(
      embeddings.T, nce_weights.T, nce_biases,
      base_e, sub_e, base_w, sub_w, base_s, sub_s, idx_b)
  embed = embed_flat.reshape(_BATCH, _EMBED)

  embp = embed_flat.reshape(_BATCH * _EMBED // 128, 128)
  wp_true = w_flat[: _BATCH * _EMBED].reshape(_BATCH * _EMBED // 128, 128)
  bw = b_vals[:_BATCH].reshape(_BATCH // _PACK, _PACK)
  bs = b_vals[_BATCH:_BATCH + _NUM_SAMPLED].reshape(1, _NUM_SAMPLED)
  labw = labels.reshape(_BATCH // _PACK, _PACK)
  swt = w_flat[_BATCH * _EMBED:(_BATCH + _NUM_SAMPLED) * _EMBED].reshape(
      _NUM_SAMPLED, _EMBED).T

  nce_cost = pl.pallas_call(
      _tc_loss_body,
      out_shape=jax.ShapeDtypeStruct((1, 1), jnp.float32),
  )(embp, wp_true, bw, bs, labw, sampled.reshape(1, _NUM_SAMPLED), swt)[0, 0]

  return embed, nce_cost

# --- scband reference (transcript-rebuilt; emitter-appended) ---
"""Pipeline reference for scband-word2vec-embedding-inputlayer-59957743452947 (READ-ONLY COPY).

The authoritative reference and input builder live on the scoring server;
editing this copy changes nothing except your own understanding.
"""

import jax, jax.numpy as jnp
import numpy as np

VOCAB = 1000000
EMBED = 16
NUM_SAMPLED = 64
BATCH = 16384


def setup_inputs(seed: int = 0) -> dict:
    key = jax.random.key(seed)
    k1, k2, k3, k4 = jax.random.split(key, 4)
    inputs = jax.random.randint(k1, (BATCH,), 0, VOCAB)
    train_labels = jax.random.randint(k2, (BATCH, 1), 0, VOCAB)
    # E_init: uniform(-1, 1)
    embeddings = jax.random.uniform(k3, (VOCAB, EMBED), minval=-1.0, maxval=1.0, dtype=jnp.float32)
    # nce_W_init: truncated_normal(stddev=0.03)
    nce_weights = 0.03 * jax.random.truncated_normal(k4, -2.0, 2.0, (VOCAB, EMBED), dtype=jnp.float32)
    # nce_b_init: zeros
    nce_biases = jnp.zeros((VOCAB,), dtype=jnp.float32)
    return {
        "inputs": inputs,
        "train_labels": train_labels,
        "embeddings": embeddings,
        "nce_weights": nce_weights,
        "nce_biases": nce_biases,
    }


def _log_uniform_prob(classes, vocab):
    c = classes.astype(jnp.float32)
    return (jnp.log(c + 2.0) - jnp.log(c + 1.0)) / jnp.log(float(vocab) + 1.0)


def reference(inputs, train_labels, embeddings, nce_weights, nce_biases):
    vocab, _ = embeddings.shape
    # embedding lookup (SparseCore gather)
    embed = jnp.take(embeddings, inputs, axis=0)

    # NCE loss with a fixed log-uniform-style candidate sample (deterministic key)
    skey = jax.random.key(12345)
    sampled = jax.random.randint(skey, (NUM_SAMPLED,), 0, vocab)

    labels_flat = train_labels[:, 0]
    true_w = jnp.take(nce_weights, labels_flat, axis=0)
    true_b = jnp.take(nce_biases, labels_flat, axis=0)
    true_logits = jnp.sum(embed * true_w, axis=1) + true_b

    sampled_w = jnp.take(nce_weights, sampled, axis=0)
    sampled_b = jnp.take(nce_biases, sampled, axis=0)
    sampled_logits = embed @ sampled_w.T + sampled_b[None, :]

    # subtract log expected counts (subtract_log_q=True in tf.nn.nce_loss)
    true_logits = true_logits - jnp.log(NUM_SAMPLED * _log_uniform_prob(labels_flat, vocab))
    sampled_logits = sampled_logits - jnp.log(NUM_SAMPLED * _log_uniform_prob(sampled, vocab))[None, :]

    # sigmoid cross-entropy: label 1 for true, 0 for sampled
    per_example = jax.nn.softplus(-true_logits) + jnp.sum(jax.nn.softplus(sampled_logits), axis=1)
    nce_cost = jnp.mean(per_example)
    return embed, nce_cost

if __name__ == "__main__":
    import jax
    _d = setup_inputs()
    print(jax.jit(kernel)(*tuple(_d.values())))

</pallas_src>

<mosaic_0001>
#map = affine_map<(d0, d1) -> (0, 0)>
#map1 = affine_map<(d0, d1) -> (0)>
module attributes {stable_mosaic.version = 14 : i64} {
  func.func @k(%arg0: i32, %arg1: i32, %arg2: memref<16x1000000xf32, #tpu.memory_space<hbm>>, %arg3: memref<16x1000000xf32, #tpu.memory_space<hbm>>, %arg4: memref<1000000xf32, #tpu.memory_space<hbm>>, %arg5: memref<16384xi32, #tpu.memory_space<hbm>>, %arg6: memref<16384xi32, #tpu.memory_space<hbm>>, %arg7: memref<16384xi32, #tpu.memory_space<hbm>>, %arg8: memref<16384xi32, #tpu.memory_space<hbm>>, %arg9: memref<256xi32, #tpu.memory_space<hbm>>, %arg10: memref<256xi32, #tpu.memory_space<hbm>>, %arg11: memref<16640xi32, #tpu.memory_space<hbm>>, %arg12: memref<262144xf32, #tpu.memory_space<hbm>>, %arg13: memref<266240xf32, #tpu.memory_space<hbm>>, %arg14: memref<16640xf32, #tpu.memory_space<hbm>>, %arg15: memref<528xi32, #tpu.memory_space<vmem>>, %arg16: memref<528xi32, #tpu.memory_space<vmem>>, %arg17: memref<528xi32, #tpu.memory_space<vmem>>, %arg18: memref<528xi32, #tpu.memory_space<vmem>>, %arg19: memref<16xi32, #tpu.memory_space<vmem>>, %arg20: memref<16xi32, #tpu.memory_space<vmem>>, %arg21: memref<520xi32, #tpu.memory_space<vmem>>, %arg22: memref<16x16x128xf32, #tpu.memory_space<vmem>>, %arg23: memref<16x16x128xf32, #tpu.memory_space<vmem>>, %arg24: memref<8192xf32, #tpu.memory_space<vmem>>, %arg25: memref<8192xf32, #tpu.memory_space<vmem>>, %arg26: memref<128xf32, #tpu.memory_space<vmem>>, %arg27: memref<520xf32, #tpu.memory_space<vmem>>, %arg28: memref<!tpu.dma_semaphore, #tpu.memory_space<semaphore_mem>>, %arg29: memref<!tpu.dma_semaphore, #tpu.memory_space<semaphore_mem>>, %arg30: memref<!tpu.dma_semaphore, #tpu.memory_space<semaphore_mem>>, %arg31: memref<!tpu.dma_semaphore, #tpu.memory_space<semaphore_mem>>, %arg32: memref<!tpu.dma_semaphore, #tpu.memory_space<semaphore_mem>>, %arg33: memref<!tpu.dma_semaphore, #tpu.memory_space<semaphore_mem>>, %arg34: memref<!tpu.dma_semaphore, #tpu.memory_space<semaphore_mem>>) attributes {dimension_semantics = [#tpu.dimension_semantics<core_parallel>, #tpu.dimension_semantics<subcore_parallel>], iteration_bounds = array<i64: 2, 16>, scalar_prefetch = 0 : i64, scratch_operands = 20 : i64, tpu.core_type = #tpu.core_type<sc_vector_subcore>, window_params = [{transform_indices = #map}, {transform_indices = #map}, {transform_indices = #map1}, {transform_indices = #map1}, {transform_indices = #map1}, {transform_indices = #map1}, {transform_indices = #map1}, {transform_indices = #map1}, {transform_indices = #map1}, {transform_indices = #map1}, {transform_indices = #map1}, {transform_indices = #map1}, {transform_indices = #map1}]} {
    %mul3A = arith.constant 2 : i32
    %mul3A_0 = arith.muli %arg1, %mul3A : i32
    %add3A = arith.addi %mul3A_0, %arg0 : i32
    %mul3A_1 = arith.constant 512 : i32
    %mul3A_2 = arith.muli %add3A, %mul3A_1 : i32
    %mul3A_3 = arith.constant 520 : i32
    %mul3A_4 = arith.muli %add3A, %mul3A_3 : i32
    %iota3A = tpu.iota {dimensions = array<i32: 0>} : vector<16xi32>
    "tpu.region"() ({
      %run_scoped3A = tpu.sem_alloc : memref<!tpu.dma_semaphore, #tpu.memory_space<semaphore_mem>>
      %dma_start3A_1103 = arith.constant 0 : i32
      %dma_start3A_1104 = tpu.memref_slice %arg15[%dma_start3A_1103] : memref<528xi32, #tpu.memory_space<vmem>> -> memref<512xi32, #tpu.memory_space<vmem>>
      %dma_start3A_1105 = tpu.memref_slice %arg5[%mul3A_2] : memref<16384xi32, #tpu.memory_space<hbm>> -> memref<512xi32, #tpu.memory_space<hbm>>
      %dma_start3A_1106 = arith.constant 0 : i32
      %dma_start3A_1107 = tpu.memref_slice %arg15[%dma_start3A_1106] : memref<528xi32, #tpu.memory_space<vmem>> -> memref<512xi32, #tpu.memory_space<vmem>>
      %dma_start3A_1108 = tpu.memref_slice %arg5[%mul3A_2] : memref<16384xi32, #tpu.memory_space<hbm>> -> memref<512xi32, #tpu.memory_space<hbm>>
      tpu.enqueue_dma source(%dma_start3A_1108 : memref<512xi32, #tpu.memory_space<hbm>>) target(%dma_start3A_1107 : memref<512xi32, #tpu.memory_space<vmem>>) target_semaphore(%run_scoped3A : memref<!tpu.dma_semaphore, #tpu.memory_space<semaphore_mem>>)
      %dma_wait3A_1109 = arith.constant 0 : i32
      %dma_wait3A_1110 = tpu.memref_slice %arg15[%dma_wait3A_1109] : memref<528xi32, #tpu.memory_space<vmem>> -> memref<512xi32, #tpu.memory_space<vmem>>
      %dma_wait3A_1111 = tpu.memref_slice %arg5[%mul3A_2] : memref<16384xi32, #tpu.memory_space<hbm>> -> memref<512xi32, #tpu.memory_space<hbm>>
      %dma_wait3A_1112 = arith.constant 0 : i32
      %dma_wait3A_1113 = tpu.memref_slice %arg15[%dma_wait3A_1112] : memref<528xi32, #tpu.memory_space<vmem>> -> memref<512xi32, #tpu.memory_space<vmem>>
      %dma_wait3A_1114 = tpu.memref_slice %arg5[%mul3A_2] : memref<16384xi32, #tpu.memory_space<hbm>> -> memref<512xi32, #tpu.memory_space<hbm>>
      tpu.wait_dma2 semaphore(%run_scoped3A : memref<!tpu.dma_semaphore, #tpu.memory_space<semaphore_mem>>) src(%dma_wait3A_1114 : memref<512xi32, #tpu.memory_space<hbm>>) dst(%dma_wait3A_1113 : memref<512xi32, #tpu.memory_space<vmem>>)
      tpu.yield
    }) : () -> ()
    "tpu.region"() ({
      %run_scoped3A = tpu.sem_alloc : memref<!tpu.dma_semaphore, #tpu.memory_space<semaphore_mem>>
      %dma_start3A_1103 = arith.constant 0 : i32
      %dma_start3A_1104 = tpu.memref_slice %arg16[%dma_start3A_1103] : memref<528xi32, #tpu.memory_space<vmem>> -> memref<512xi32, #tpu.memory_space<vmem>>
      %dma_start3A_1105 = tpu.memref_slice %arg6[%mul3A_2] : memref<16384xi32, #tpu.memory_space<hbm>> -> memref<512xi32, #tpu.memory_space<hbm>>
      %dma_start3A_1106 = arith.constant 0 : i32
      %dma_start3A_1107 = tpu.memref_slice %arg16[%dma_start3A_1106] : memref<528xi32, #tpu.memory_space<vmem>> -> memref<512xi32, #tpu.memory_space<vmem>>
      %dma_start3A_1108 = tpu.memref_slice %arg6[%mul3A_2] : memref<16384xi32, #tpu.memory_space<hbm>> -> memref<512xi32, #tpu.memory_space<hbm>>
      tpu.enqueue_dma source(%dma_start3A_1108 : memref<512xi32, #tpu.memory_space<hbm>>) target(%dma_start3A_1107 : memref<512xi32, #tpu.memory_space<vmem>>) target_semaphore(%run_scoped3A : memref<!tpu.dma_semaphore, #tpu.memory_space<semaphore_mem>>)
      %dma_wait3A_1109 = arith.constant 0 : i32
      %dma_wait3A_1110 = tpu.memref_slice %arg16[%dma_wait3A_1109] : memref<528xi32, #tpu.memory_space<vmem>> -> memref<512xi32, #tpu.memory_space<vmem>>
      %dma_wait3A_1111 = tpu.memref_slice %arg6[%mul3A_2] : memref<16384xi32, #tpu.memory_space<hbm>> -> memref<512xi32, #tpu.memory_space<hbm>>
      %dma_wait3A_1112 = arith.constant 0 : i32
      %dma_wait3A_1113 = tpu.memref_slice %arg16[%dma_wait3A_1112] : memref<528xi32, #tpu.memory_space<vmem>> -> memref<512xi32, #tpu.memory_space<vmem>>
      %dma_wait3A_1114 = tpu.memref_slice %arg6[%mul3A_2] : memref<16384xi32, #tpu.memory_space<hbm>> -> memref<512xi32, #tpu.memory_space<hbm>>
      tpu.wait_dma2 semaphore(%run_scoped3A : memref<!tpu.dma_semaphore, #tpu.memory_space<semaphore_mem>>) src(%dma_wait3A_1114 : memref<512xi32, #tpu.memory_space<hbm>>) dst(%dma_wait3A_1113 : memref<512xi32, #tpu.memory_space<vmem>>)
      tpu.yield
    }) : () -> ()
    "tpu.region"() ({
      %run_scoped3A = tpu.sem_alloc : memref<!tpu.dma_semaphore, #tpu.memory_space<semaphore_mem>>
      %dma_start3A_1103 = arith.constant 0 : i32
      %dma_start3A_1104 = tpu.memref_slice %arg17[%dma_start3A_1103] : memref<528xi32, #tpu.memory_space<vmem>> -> memref<512xi32, #tpu.memory_space<vmem>>
      %dma_start3A_1105 = tpu.memref_slice %arg7[%mul3A_2] : memref<16384xi32, #tpu.memory_space<hbm>> -> memref<512xi32, #tpu.memory_space<hbm>>
      %dma_start3A_1106 = arith.constant 0 : i32
      %dma_start3A_1107 = tpu.memref_slice %arg17[%dma_start3A_1106] : memref<528xi32, #tpu.memory_space<vmem>> -> memref<512xi32, #tpu.memory_space<vmem>>
      %dma_start3A_1108 = tpu.memref_slice %arg7[%mul3A_2] : memref<16384xi32, #tpu.memory_space<hbm>> -> memref<512xi32, #tpu.memory_space<hbm>>
      tpu.enqueue_dma source(%dma_start3A_1108 : memref<512xi32, #tpu.memory_space<hbm>>) target(%dma_start3A_1107 : memref<512xi32, #tpu.memory_space<vmem>>) target_semaphore(%run_scoped3A : memref<!tpu.dma_semaphore, #tpu.memory_space<semaphore_mem>>)
      %dma_wait3A_1109 = arith.constant 0 : i32
      %dma_wait3A_1110 = tpu.memref_slice %arg17[%dma_wait3A_1109] : memref<528xi32, #tpu.memory_space<vmem>> -> memref<512xi32, #tpu.memory_space<vmem>>
      %dma_wait3A_1111 = tpu.memref_slice %arg7[%mul3A_2] : memref<16384xi32, #tpu.memory_space<hbm>> -> memref<512xi32, #tpu.memory_space<hbm>>
      %dma_wait3A_1112 = arith.constant 0 : i32
      %dma_wait3A_1113 = tpu.memref_slice %arg17[%dma_wait3A_1112] : memref<528xi32, #tpu.memory_space<vmem>> -> memref<512xi32, #tpu.memory_space<vmem>>
      %dma_wait3A_1114 = tpu.memref_slice %arg7[%mul3A_2] : memref<16384xi32, #tpu.memory_space<hbm>> -> memref<512xi32, #tpu.memory_space<hbm>>
      tpu.wait_dma2 semaphore(%run_scoped3A : memref<!tpu.dma_semaphore, #tpu.memory_space<semaphore_mem>>) src(%dma_wait3A_1114 : memref<512xi32, #tpu.memory_space<hbm>>) dst(%dma_wait3A_1113 : memref<512xi32, #tpu.memory_space<vmem>>)
      tpu.yield
    }) : () -> ()
    "tpu.region"() ({
      %run_scoped3A = tpu.sem_alloc : memref<!tpu.dma_semaphore, #tpu.memory_space<semaphore_mem>>
      %dma_start3A_1103 = arith.constant 0 : i32
      %dma_start3A_1104 = tpu.memref_slice %arg18[%dma_start3A_1103] : memref<528xi32, #tpu.memory_space<vmem>> -> memref<512xi32, #tpu.memory_space<vmem>>
      %dma_start3A_1105 = tpu.memref_slice %arg8[%mul3A_2] : memref<16384xi32, #tpu.memory_space<hbm>> -> memref<512xi32, #tpu.memory_space<hbm>>
      %dma_start3A_1106 = arith.constant 0 : i32
      %dma_start3A_1107 = tpu.memref_slice %arg18[%dma_start3A_1106] : memref<528xi32, #tpu.memory_space<vmem>> -> memref<512xi32, #tpu.memory_space<vmem>>
      %dma_start3A_1108 = tpu.memref_slice %arg8[%mul3A_2] : memref<16384xi32, #tpu.memory_space<hbm>> -> memref<512xi32, #tpu.memory_space<hbm>>
      tpu.enqueue_dma source(%dma_start3A_1108 : memref<512xi32, #tpu.memory_space<hbm>>) target(%dma_start3A_1107 : memref<512xi32, #tpu.memory_space<vmem>>) target_semaphore(%run_scoped3A : memref<!tpu.dma_semaphore, #tpu.memory_space<semaphore_mem>>)
      %dma_wait3A_1109 = arith.constant 0 : i32
      %dma_wait3A_1110 = tpu.memref_slice %arg18[%dma_wait3A_1109] : memref<528xi32, #tpu.memory_space<vmem>> -> memref<512xi32, #tpu.memory_space<vmem>>
      %dma_wait3A_1111 = tpu.memref_slice %arg8[%mul3A_2] : memref<16384xi32, #tpu.memory_space<hbm>> -> memref<512xi32, #tpu.memory_space<hbm>>
      %dma_wait3A_1112 = arith.constant 0 : i32
      %dma_wait3A_1113 = tpu.memref_slice %arg18[%dma_wait3A_1112] : memref<528xi32, #tpu.memory_space<vmem>> -> memref<512xi32, #tpu.memory_space<vmem>>
      %dma_wait3A_1114 = tpu.memref_slice %arg8[%mul3A_2] : memref<16384xi32, #tpu.memory_space<hbm>> -> memref<512xi32, #tpu.memory_space<hbm>>
      tpu.wait_dma2 semaphore(%run_scoped3A : memref<!tpu.dma_semaphore, #tpu.memory_space<semaphore_mem>>) src(%dma_wait3A_1114 : memref<512xi32, #tpu.memory_space<hbm>>) dst(%dma_wait3A_1113 : memref<512xi32, #tpu.memory_space<vmem>>)
      tpu.yield
    }) : () -> ()
    %mul3A_5 = arith.constant 8 : i32
    %mul3A_6 = arith.muli %add3A, %mul3A_5 : i32
    "tpu.region"() ({
      %run_scoped3A = tpu.sem_alloc : memref<!tpu.dma_semaphore, #tpu.memory_space<semaphore_mem>>
      %dma_start3A_1103 = arith.constant 0 : i32
      %dma_start3A_1104 = tpu.memref_slice %arg19[%dma_start3A_1103] : memref<16xi32, #tpu.memory_space<vmem>> -> memref<8xi32, #tpu.memory_space<vmem>>
      %dma_start3A_1105 = tpu.memref_slice %arg9[%mul3A_6] : memref<256xi32, #tpu.memory_space<hbm>> -> memref<8xi32, #tpu.memory_space<hbm>>
      %dma_start3A_1106 = arith.constant 0 : i32
      %dma_start3A_1107 = tpu.memref_slice %arg19[%dma_start3A_1106] : memref<16xi32, #tpu.memory_space<vmem>> -> memref<8xi32, #tpu.memory_space<vmem>>
      %dma_start3A_1108 = tpu.memref_slice %arg9[%mul3A_6] : memref<256xi32, #tpu.memory_space<hbm>> -> memref<8xi32, #tpu.memory_space<hbm>>
      tpu.enqueue_dma source(%dma_start3A_1108 : memref<8xi32, #tpu.memory_space<hbm>>) target(%dma_start3A_1107 : memref<8xi32, #tpu.memory_space<vmem>>) target_semaphore(%run_scoped3A : memref<!tpu.dma_semaphore, #tpu.memory_space<semaphore_mem>>)
      %dma_wait3A_1109 = arith.constant 0 : i32
      %dma_wait3A_1110 = tpu.memref_slice %arg19[%dma_wait3A_1109] : memref<16xi32, #tpu.memory_space<vmem>> -> memref<8xi32, #tpu.memory_space<vmem>>
      %dma_wait3A_1111 = tpu.memref_slice %arg9[%mul3A_6] : memref<256xi32, #tpu.memory_space<hbm>> -> memref<8xi32, #tpu.memory_space<hbm>>
      %dma_wait3A_1112 = arith.constant 0 : i32
      %dma_wait3A_1113 = tpu.memref_slice %arg19[%dma_wait3A_1112] : memref<16xi32, #tpu.memory_space<vmem>> -> memref<8xi32, #tpu.memory_space<vmem>>
      %dma_wait3A_1114 = tpu.memref_slice %arg9[%mul3A_6] : memref<256xi32, #tpu.memory_space<hbm>> -> memref<8xi32, #tpu.memory_space<hbm>>
      tpu.wait_dma2 semaphore(%run_scoped3A : memref<!tpu.dma_semaphore, #tpu.memory_space<semaphore_mem>>) src(%dma_wait3A_1114 : memref<8xi32, #tpu.memory_space<hbm>>) dst(%dma_wait3A_1113 : memref<8xi32, #tpu.memory_space<vmem>>)
      tpu.yield
    }) : () -> ()
    %mul3A_7 = arith.constant 8 : i32
    %mul3A_8 = arith.muli %add3A, %mul3A_7 : i32
    "tpu.region"() ({
      %run_scoped3A = tpu.sem_alloc : memref<!tpu.dma_semaphore, #tpu.memory_space<semaphore_mem>>
      %dma_start3A_1103 = arith.constant 0 : i32
      %dma_start3A_1104 = tpu.memref_slice %arg20[%dma_start3A_1103] : memref<16xi32, #tpu.memory_space<vmem>> -> memref<8xi32, #tpu.memory_space<vmem>>
      %dma_start3A_1105 = tpu.memref_slice %arg10[%mul3A_8] : memref<256xi32, #tpu.memory_space<hbm>> -> memref<8xi32, #tpu.memory_space<hbm>>
      %dma_start3A_1106 = arith.constant 0 : i32
      %dma_start3A_1107 = tpu.memref_slice %arg20[%dma_start3A_1106] : memref<16xi32, #tpu.memory_space<vmem>> -> memref<8xi32, #tpu.memory_space<vmem>>
      %dma_start3A_1108 = tpu.memref_slice %arg10[%mul3A_8] : memref<256xi32, #tpu.memory_space<hbm>> -> memref<8xi32, #tpu.memory_space<hbm>>
      tpu.enqueue_dma source(%dma_start3A_1108 : memref<8xi32, #tpu.memory_space<hbm>>) target(%dma_start3A_1107 : memref<8xi32, #tpu.memory_space<vmem>>) target_semaphore(%run_scoped3A : memref<!tpu.dma_semaphore, #tpu.memory_space<semaphore_mem>>)
      %dma_wait3A_1109 = arith.constant 0 : i32
      %dma_wait3A_1110 = tpu.memref_slice %arg20[%dma_wait3A_1109] : memref<16xi32, #tpu.memory_space<vmem>> -> memref<8xi32, #tpu.memory_space<vmem>>
      %dma_wait3A_1111 = tpu.memref_slice %arg10[%mul3A_8] : memref<256xi32, #tpu.memory_space<hbm>> -> memref<8xi32, #tpu.memory_space<hbm>>
      %dma_wait3A_1112 = arith.constant 0 : i32
      %dma_wait3A_1113 = tpu.memref_slice %arg20[%dma_wait3A_1112] : memref<16xi32, #tpu.memory_space<vmem>> -> memref<8xi32, #tpu.memory_space<vmem>>
      %dma_wait3A_1114 = tpu.memref_slice %arg10[%mul3A_8] : memref<256xi32, #tpu.memory_space<hbm>> -> memref<8xi32, #tpu.memory_space<hbm>>
      tpu.wait_dma2 semaphore(%run_scoped3A : memref<!tpu.dma_semaphore, #tpu.memory_space<semaphore_mem>>) src(%dma_wait3A_1114 : memref<8xi32, #tpu.memory_space<hbm>>) dst(%dma_wait3A_1113 : memref<8xi32, #tpu.memory_space<vmem>>)
      tpu.yield
    }) : () -> ()
    "tpu.region"() ({
      %run_scoped3A = tpu.sem_alloc : memref<!tpu.dma_semaphore, #tpu.memory_space<semaphore_mem>>
      %dma_start3A_1103 = tpu.memref_slice %arg11[%mul3A_4] : memref<16640xi32, #tpu.memory_space<hbm>> -> memref<520xi32, #tpu.memory_space<hbm>>
      %dma_start3A_1104 = tpu.memref_slice %arg11[%mul3A_4] : memref<16640xi32, #tpu.memory_space<hbm>> -> memref<520xi32, #tpu.memory_space<hbm>>
      tpu.enqueue_dma source(%dma_start3A_1104 : memref<520xi32, #tpu.memory_space<hbm>>) target(%arg21 : memref<520xi32, #tpu.memory_space<vmem>>) target_semaphore(%run_scoped3A : memref<!tpu.dma_semaphore, #tpu.memory_space<semaphore_mem>>)
      %dma_wait3A_1105 = tpu.memref_slice %arg11[%mul3A_4] : memref<16640xi32, #tpu.memory_space<hbm>> -> memref<520xi32, #tpu.memory_space<hbm>>
      %dma_wait3A_1106 = tpu.memref_slice %arg11[%mul3A_4] : memref<16640xi32, #tpu.memory_space<hbm>> -> memref<520xi32, #tpu.memory_space<hbm>>
      tpu.wait_dma2 semaphore(%run_scoped3A : memref<!tpu.dma_semaphore, #tpu.memory_space<semaphore_mem>>) src(%dma_wait3A_1106 : memref<520xi32, #tpu.memory_space<hbm>>) dst(%arg21 : memref<520xi32, #tpu.memory_space<vmem>>)
      tpu.yield
    }) : () -> ()
    %dma_start3A = arith.constant 0 : i32
    %dma_start3A_9 = tpu.memref_slice %arg27[%dma_start3A] : memref<520xf32, #tpu.memory_space<vmem>> -> memref<128xf32, #tpu.memory_space<vmem>>
    %dma_start3A_10 = arith.constant 0 : i32
    %dma_start3A_11 = tpu.memref_slice %arg21[%dma_start3A_10] : memref<520xi32, #tpu.memory_space<vmem>> -> memref<128xi32, #tpu.memory_space<vmem>>
    %dma_start3A_12 = arith.constant 0 : i32
    %dma_start3A_13 = tpu.memref_slice %arg4[%dma_start3A_12] : memref<1000000xf32, #tpu.memory_space<hbm>> -> memref<1000000xf32, #tpu.memory_space<hbm>>
    tpu.enqueue_indirect_dma source(%dma_start3A_13 : memref<1000000xf32, #tpu.memory_space<hbm>>) target(%dma_start3A_9 : memref<128xf32, #tpu.memory_space<vmem>>) offsets(%dma_start3A_11 : memref<128xi32, #tpu.memory_space<vmem>>) semaphore(%arg33 : memref<!tpu.dma_semaphore, #tpu.memory_space<semaphore_mem>>)
    %dma_start3A_14 = arith.constant 128 : i32
    %dma_start3A_15 = tpu.memref_slice %arg27[%dma_start3A_14] : memref<520xf32, #tpu.memory_space<vmem>> -> memref<128xf32, #tpu.memory_space<vmem>>
    %dma_start3A_16 = arith.constant 128 : i32
    %dma_start3A_17 = tpu.memref_slice %arg21[%dma_start3A_16] : memref<520xi32, #tpu.memory_space<vmem>> -> memref<128xi32, #tpu.memory_space<vmem>>
    %dma_start3A_18 = arith.constant 0 : i32
    %dma_start3A_19 = tpu.memref_slice %arg4[%dma_start3A_18] : memref<1000000xf32, #tpu.memory_space<hbm>> -> memref<1000000xf32, #tpu.memory_space<hbm>>
    tpu.enqueue_indirect_dma source(%dma_start3A_19 : memref<1000000xf32, #tpu.memory_space<hbm>>) target(%dma_start3A_15 : memref<128xf32, #tpu.memory_space<vmem>>) offsets(%dma_start3A_17 : memref<128xi32, #tpu.memory_space<vmem>>) semaphore(%arg33 : memref<!tpu.dma_semaphore, #tpu.memory_space<semaphore_mem>>)
    %dma_start3A_20 = arith.constant 256 : i32
    %dma_start3A_21 = tpu.memref_slice %arg27[%dma_start3A_20] : memref<520xf32, #tpu.memory_space<vmem>> -> memref<128xf32, #tpu.memory_space<vmem>>
    %dma_start3A_22 = arith.constant 256 : i32
    %dma_start3A_23 = tpu.memref_slice %arg21[%dma_start3A_22] : memref<520xi32, #tpu.memory_space<vmem>> -> memref<128xi32, #tpu.memory_space<vmem>>
    %dma_start3A_24 = arith.constant 0 : i32
    %dma_start3A_25 = tpu.memref_slice %arg4[%dma_start3A_24] : memref<1000000xf32, #tpu.memory_space<hbm>> -> memref<1000000xf32, #tpu.memory_space<hbm>>
    tpu.enqueue_indirect_dma source(%dma_start3A_25 : memref<1000000xf32, #tpu.memory_space<hbm>>) target(%dma_start3A_21 : memref<128xf32, #tpu.memory_space<vmem>>) offsets(%dma_start3A_23 : memref<128xi32, #tpu.memory_space<vmem>>) semaphore(%arg33 : memref<!tpu.dma_semaphore, #tpu.memory_space<semaphore_mem>>)
    %dma_start3A_26 = arith.constant 384 : i32
    %dma_start3A_27 = tpu.memref_slice %arg27[%dma_start3A_26] : memref<520xf32, #tpu.memory_space<vmem>> -> memref<128xf32, #tpu.memory_space<vmem>>
    %dma_start3A_28 = arith.constant 384 : i32
    %dma_start3A_29 = tpu.memref_slice %arg21[%dma_start3A_28] : memref<520xi32, #tpu.memory_space<vmem>> -> memref<128xi32, #tpu.memory_space<vmem>>
    %dma_start3A_30 = arith.constant 0 : i32
    %dma_start3A_31 = tpu.memref_slice %arg4[%dma_start3A_30] : memref<1000000xf32, #tpu.memory_space<hbm>> -> memref<1000000xf32, #tpu.memory_space<hbm>>
    tpu.enqueue_indirect_dma source(%dma_start3A_31 : memref<1000000xf32, #tpu.memory_space<hbm>>) target(%dma_start3A_27 : memref<128xf32, #tpu.memory_space<vmem>>) offsets(%dma_start3A_29 : memref<128xi32, #tpu.memory_space<vmem>>) semaphore(%arg33 : memref<!tpu.dma_semaphore, #tpu.memory_space<semaphore_mem>>)
    %dma_start3A_32 = arith.constant 512 : i32
    %dma_start3A_33 = tpu.memref_slice %arg27[%dma_start3A_32] : memref<520xf32, #tpu.memory_space<vmem>> -> memref<8xf32, #tpu.memory_space<vmem>>
    %dma_start3A_34 = arith.constant 512 : i32
    %dma_start3A_35 = tpu.memref_slice %arg21[%dma_start3A_34] : memref<520xi32, #tpu.memory_space<vmem>> -> memref<8xi32, #tpu.memory_space<vmem>>
    %dma_start3A_36 = arith.constant 0 : i32
    %dma_start3A_37 = tpu.memref_slice %arg4[%dma_start3A_36] : memref<1000000xf32, #tpu.memory_space<hbm>> -> memref<1000000xf32, #tpu.memory_space<hbm>>
    tpu.enqueue_indirect_dma source(%dma_start3A_37 : memref<1000000xf32, #tpu.memory_space<hbm>>) target(%dma_start3A_33 : memref<8xf32, #tpu.memory_space<vmem>>) offsets(%dma_start3A_35 : memref<8xi32, #tpu.memory_space<vmem>>) semaphore(%arg33 : memref<!tpu.dma_semaphore, #tpu.memory_space<semaphore_mem>>)
    %lt3A = arith.constant 8 : i32
    %lt3A_38 = vector.broadcast %lt3A : i32 to vector<16xi32>
    %lt3A_39 = arith.cmpi slt, %iota3A, %lt3A_38 : vector<16xi32>
    %mul3A_40 = arith.constant 0 : i32
    %mul3A_41 = arith.constant 8 : i32
    %mul3A_42 = arith.muli %mul3A_40, %mul3A_41 : i32
    %get3A = arith.index_cast %mul3A_42 : i32 to index
    %get3A_43 = tpu.vector_load %arg15[%get3A] {strides = array<i32>} : memref<528xi32, #tpu.memory_space<vmem>>, vector<16xi32>,
    %eq3A = arith.constant 0 : i32
    %eq3A_44 = vector.broadcast %eq3A : i32 to vector<16xi32>
    %eq3A_45 = arith.cmpi eq, %iota3A, %eq3A_44 : vector<16xi32>
    %jit3A = arith.constant 0 : i32
    %broadcast_in_dim3A = vector.broadcast %jit3A : i32 to vector<16xi32>
    %select_n3A = arith.select %eq3A_45, %get3A_43, %broadcast_in_dim3A : vector<16xi1>, vector<16xi32>
    %reduce_sum3A = arith.constant true
    %reduce_sum3A_46 = vector.broadcast %reduce_sum3A : i1 to vector<16xi1>
    %reduce_sum3A_47 = tpu.scan <sum>, %select_n3A masked %reduce_sum3A_46 : vector<16xi32>, vector<16xi1> -> vector<16xi32>
    %reduce_sum3A_48 = vector.extract %reduce_sum3A_47[15] : i32 from vector<16xi32>
    %multiple_of3A = tpu.assume_multiple %reduce_sum3A_48, 128 : i32
    %dma_start3A_49 = arith.constant 0 : i32
    %dma_start3A_50 = arith.constant 0 : i32
    %dma_start3A_51 = arith.constant 0 : i32
    %dma_start3A_52 = tpu.memref_slice %arg22[%dma_start3A_49, %dma_start3A_50, %dma_start3A_51] : memref<16x16x128xf32, #tpu.memory_space<vmem>> -> memref<1x16x128xf32, #tpu.memory_space<vmem>>
    %dma_start3A_53 = tpu.memref_squeeze %dma_start3A_52 : memref<1x16x128xf32, #tpu.memory_space<vmem>> -> memref<16x128xf32, #tpu.memory_space<vmem>>
    %dma_start3A_54 = arith.constant 0 : i32
    %dma_start3A_55 = tpu.memref_slice %arg2[%dma_start3A_54, %multiple_of3A] : memref<16x1000000xf32, #tpu.memory_space<hbm>> -> memref<16x128xf32, #tpu.memory_space<hbm>>
    %dma_start3A_56 = arith.constant 0 : i32
    %dma_start3A_57 = arith.constant 0 : i32
    %dma_start3A_58 = tpu.memref_slice %arg22[%dma_start3A_49, %dma_start3A_56, %dma_start3A_57] : memref<16x16x128xf32, #tpu.memory_space<vmem>> -> memref<1x16x128xf32, #tpu.memory_space<vmem>>
    %dma_start3A_59 = tpu.memref_squeeze %dma_start3A_58 : memref<1x16x128xf32, #tpu.memory_space<vmem>> -> memref<16x128xf32, #tpu.memory_space<vmem>>
    %dma_start3A_60 = arith.constant 0 : i32
    %dma_start3A_61 = tpu.memref_slice %arg2[%dma_start3A_60, %multiple_of3A] : memref<16x1000000xf32, #tpu.memory_space<hbm>> -> memref<16x128xf32, #tpu.memory_space<hbm>>
    tpu.enqueue_dma source(%dma_start3A_61 : memref<16x128xf32, #tpu.memory_space<hbm>>) target(%dma_start3A_59 : memref<16x128xf32, #tpu.memory_space<vmem>>) target_semaphore(%arg28 : memref<!tpu.dma_semaphore, #tpu.memory_space<semaphore_mem>>)
    %eq3A_62 = arith.constant 1 : i32
    %eq3A_63 = vector.broadcast %eq3A_62 : i32 to vector<16xi32>
    %eq3A_64 = arith.cmpi eq, %iota3A, %eq3A_63 : vector<16xi32>
    %jit3A_65 = arith.constant 0 : i32
    %broadcast_in_dim3A_66 = vector.broadcast %jit3A_65 : i32 to vector<16xi32>
    %select_n3A_67 = arith.select %eq3A_64, %get3A_43, %broadcast_in_dim3A_66 : vector<16xi1>, vector<16xi32>
    %reduce_sum3A_68 = arith.constant true
    %reduce_sum3A_69 = vector.broadcast %reduce_sum3A_68 : i1 to vector<16xi1>
    %reduce_sum3A_70 = tpu.scan <sum>, %select_n3A_67 masked %reduce_sum3A_69 : vector<16xi32>, vector<16xi1> -> vector<16xi32>
    %reduce_sum3A_71 = vector.extract %reduce_sum3A_70[15] : i32 from vector<16xi32>
    %multiple_of3A_72 = tpu.assume_multiple %reduce_sum3A_71, 128 : i32
    %dma_start3A_73 = arith.constant 1 : i32
    %dma_start3A_74 = arith.constant 0 : i32
    %dma_start3A_75 = arith.constant 0 : i32
    %dma_start3A_76 = tpu.memref_slice %arg22[%dma_start3A_73, %dma_start3A_74, %dma_start3A_75] : memref<16x16x128xf32, #tpu.memory_space<vmem>> -> memref<1x16x128xf32, #tpu.memory_space<vmem>>
    %dma_start3A_77 = tpu.memref_squeeze %dma_start3A_76 : memref<1x16x128xf32, #tpu.memory_space<vmem>> -> memref<16x128xf32, #tpu.memory_space<vmem>>
    %dma_start3A_78 = arith.constant 0 : i32
    %dma_start3A_79 = tpu.memref_slice %arg2[%dma_start3A_78, %multiple_of3A_72] : memref<16x1000000xf32, #tpu.memory_space<hbm>> -> memref<16x128xf32, #tpu.memory_space<hbm>>
    %dma_start3A_80 = arith.constant 0 : i32
    %dma_start3A_81 = arith.constant 0 : i32
    %dma_start3A_82 = tpu.memref_slice %arg22[%dma_start3A_73, %dma_start3A_80, %dma_start3A_81] : memref<16x16x128xf32, #tpu.memory_space<vmem>> -> memref<1x16x128xf32, #tpu.memory_space<vmem>>
    %dma_start3A_83 = tpu.memref_squeeze %dma_start3A_82 : memref<1x16x128xf32, #tpu.memory_space<vmem>> -> memref<16x128xf32, #tpu.memory_space<vmem>>
    %dma_start3A_84 = arith.constant 0 : i32
    %dma_start3A_85 = tpu.memref_slice %arg2[%dma_start3A_84, %multiple_of3A_72] : memref<16x1000000xf32, #tpu.memory_space<hbm>> -> memref<16x128xf32, #tpu.memory_space<hbm>>
    tpu.enqueue_dma source(%dma_start3A_85 : memref<16x128xf32, #tpu.memory_space<hbm>>) target(%dma_start3A_83 : memref<16x128xf32, #tpu.memory_space<vmem>>) target_semaphore(%arg28 : memref<!tpu.dma_semaphore, #tpu.memory_space<semaphore_mem>>)
    %eq3A_86 = arith.constant 2 : i32
    %eq3A_87 = vector.broadcast %eq3A_86 : i32 to vector<16xi32>
    %eq3A_88 = arith.cmpi eq, %iota3A, %eq3A_87 : vector<16xi32>
    %jit3A_89 = arith.constant 0 : i32
    %broadcast_in_dim3A_90 = vector.broadcast %jit3A_89 : i32 to vector<16xi32>
    %select_n3A_91 = arith.select %eq3A_88, %get3A_43, %broadcast_in_dim3A_90 : vector<16xi1>, vector<16xi32>
    %reduce_sum3A_92 = arith.constant true
    %reduce_sum3A_93 = vector.broadcast %reduce_sum3A_92 : i1 to vector<16xi1>
    %reduce_sum3A_94 = tpu.scan <sum>, %select_n3A_91 masked %reduce_sum3A_93 : vector<16xi32>, vector<16xi1> -> vector<16xi32>
    %reduce_sum3A_95 = vector.extract %reduce_sum3A_94[15] : i32 from vector<16xi32>
    %multiple_of3A_96 = tpu.assume_multiple %reduce_sum3A_95, 128 : i32
    %dma_start3A_97 = arith.constant 2 : i32
    %dma_start3A_98 = arith.constant 0 : i32
    %dma_start3A_99 = arith.constant 0 : i32
    %dma_start3A_100 = tpu.memref_slice %arg22[%dma_start3A_97, %dma_start3A_98, %dma_start3A_99] : memref<16x16x128xf32, #tpu.memory_space<vmem>> -> memref<1x16x128xf32, #tpu.memory_space<vmem>>
    %dma_start3A_101 = tpu.memref_squeeze %dma_start3A_100 : memref<1x16x128xf32, #tpu.memory_space<vmem>> -> memref<16x128xf32, #tpu.memory_space<vmem>>
    %dma_start3A_102 = arith.constant 0 : i32
    %dma_start3A_103 = tpu.memref_slice %arg2[%dma_start3A_102, %multiple_of3A_96] : memref<16x1000000xf32, #tpu.memory_space<hbm>> -> memref<16x128xf32, #tpu.memory_space<hbm>>
    %dma_start3A_104 = arith.constant 0 : i32
    %dma_start3A_105 = arith.constant 0 : i32
    %dma_start3A_106 = tpu.memref_slice %arg22[%dma_start3A_97, %dma_start3A_104, %dma_start3A_105] : memref<16x16x128xf32, #tpu.memory_space<vmem>> -> memref<1x16x128xf32, #tpu.memory_space<vmem>>
    %dma_start3A_107 = tpu.memref_squeeze %dma_start3A_106 : memref<1x16x128xf32, #tpu.memory_space<vmem>> -> memref<16x128xf32, #tpu.memory_space<vmem>>
    %dma_start3A_108 = arith.constant 0 : i32
    %dma_start3A_109 = tpu.memref_slice %arg2[%dma_start3A_108, %multiple_of3A_96] : memref<16x1000000xf32, #tpu.memory_space<hbm>> -> memref<16x128xf32, #tpu.memory_space<hbm>>
    tpu.enqueue_dma source(%dma_start3A_109 : memref<16x128xf32, #tpu.memory_space<hbm>>) target(%dma_start3A_107 : memref<16x128xf32, #tpu.memory_space<vmem>>) target_semaphore(%arg28 : memref<!tpu.dma_semaphore, #tpu.memory_space<semaphore_mem>>)
    %eq3A_110 = arith.constant 3 : i32
    %eq3A_111 = vector.broadcast %eq3A_110 : i32 to vector<16xi32>
    %eq3A_112 = arith.cmpi eq, %iota3A, %eq3A_111 : vector<16xi32>
    %jit3A_113 = arith.constant 0 : i32
    %broadcast_in_dim3A_114 = vector.broadcast %jit3A_113 : i32 to vector<16xi32>
    %select_n3A_115 = arith.select %eq3A_112, %get3A_43, %broadcast_in_dim3A_114 : vector<16xi1>, vector<16xi32>
    %reduce_sum3A_116 = arith.constant true
    %reduce_sum3A_117 = vector.broadcast %reduce_sum3A_116 : i1 to vector<16xi1>
    %reduce_sum3A_118 = tpu.scan <sum>, %select_n3A_115 masked %reduce_sum3A_117 : vector<16xi32>, vector<16xi1> -> vector<16xi32>
    %reduce_sum3A_119 = vector.extract %reduce_sum3A_118[15] : i32 from vector<16xi32>
    %multiple_of3A_120 = tpu.assume_multiple %reduce_sum3A_119, 128 : i32
    %dma_start3A_121 = arith.constant 3 : i32
    %dma_start3A_122 = arith.constant 0 : i32
    %dma_start3A_123 = arith.constant 0 : i32
    %dma_start3A_124 = tpu.memref_slice %arg22[%dma_start3A_121, %dma_start3A_122, %dma_start3A_123] : memref<16x16x128xf32, #tpu.memory_space<vmem>> -> memref<1x16x128xf32, #tpu.memory_space<vmem>>
    %dma_start3A_125 = tpu.memref_squeeze %dma_start3A_124 : memref<1x16x128xf32, #tpu.memory_space<vmem>> -> memref<16x128xf32, #tpu.memory_space<vmem>>
    %dma_start3A_126 = arith.constant 0 : i32
    %dma_start3A_127 = tpu.memref_slice %arg2[%dma_start3A_126, %multiple_of3A_120] : memref<16x1000000xf32, #tpu.memory_space<hbm>> -> memref<16x128xf32, #tpu.memory_space<hbm>>
    %dma_start3A_128 = arith.constant 0 : i32
    %dma_start3A_129 = arith.constant 0 : i32
    %dma_start3A_130 = tpu.memref_slice %arg22[%dma_start3A_121, %dma_start3A_128, %dma_start3A_129] : memref<16x16x128xf32, #tpu.memory_space<vmem>> -> memref<1x16x128xf32, #tpu.memory_space<vmem>>
    %dma_start3A_131 = tpu.memref_squeeze %dma_start3A_130 : memref<1x16x128xf32, #tpu.memory_space<vmem>> -> memref<16x128xf32, #tpu.memory_space<vmem>>
    %dma_start3A_132 = arith.constant 0 : i32
    %dma_start3A_133 = tpu.memref_slice %arg2[%dma_start3A_132, %multiple_of3A_120] : memref<16x1000000xf32, #tpu.memory_space<hbm>> -> memref<16x128xf32, #tpu.memory_space<hbm>>
    tpu.enqueue_dma source(%dma_start3A_133 : memref<16x128xf32, #tpu.memory_space<hbm>>) target(%dma_start3A_131 : memref<16x128xf32, #tpu.memory_space<vmem>>) target_semaphore(%arg28 : memref<!tpu.dma_semaphore, #tpu.memory_space<semaphore_mem>>)
    %eq3A_134 = arith.constant 4 : i32
    %eq3A_135 = vector.broadcast %eq3A_134 : i32 to vector<16xi32>
    %eq3A_136 = arith.cmpi eq, %iota3A, %eq3A_135 : vector<16xi32>
    %jit3A_137 = arith.constant 0 : i32
    %broadcast_in_dim3A_138 = vector.broadcast %jit3A_137 : i32 to vector<16xi32>
    %select_n3A_139 = arith.select %eq3A_136, %get3A_43, %broadcast_in_dim3A_138 : vector<16xi1>, vector<16xi32>
    %reduce_sum3A_140 = arith.constant true
    %reduce_sum3A_141 = vector.broadcast %reduce_sum3A_140 : i1 to vector<16xi1>
    %reduce_sum3A_142 = tpu.scan <sum>, %select_n3A_139 masked %reduce_sum3A_141 : vector<16xi32>, vector<16xi1> -> vector<16xi32>
    %reduce_sum3A_143 = vector.extract %reduce_sum3A_142[15] : i32 from vector<16xi32>
    %multiple_of3A_144 = tpu.assume_multiple %reduce_sum3A_143, 128 : i32
    %dma_start3A_145 = arith.constant 4 : i32
    %dma_start3A_146 = arith.constant 0 : i32
    %dma_start3A_147 = arith.constant 0 : i32
    %dma_start3A_148 = tpu.memref_slice %arg22[%dma_start3A_145, %dma_start3A_146, %dma_start3A_147] : memref<16x16x128xf32, #tpu.memory_space<vmem>> -> memref<1x16x128xf32, #tpu.memory_space<vmem>>
    %dma_start3A_149 = tpu.memref_squeeze %dma_start3A_148 : memref<1x16x128xf32, #tpu.memory_space<vmem>> -> memref<16x128xf32, #tpu.memory_space<vmem>>
    %dma_start3A_150 = arith.constant 0 : i32
    %dma_start3A_151 = tpu.memref_slice %arg2[%dma_start3A_150, %multiple_of3A_144] : memref<16x1000000xf32, #tpu.memory_space<hbm>> -> memref<16x128xf32, #tpu.memory_space<hbm>>
    %dma_start3A_152 = arith.constant 0 : i32
    %dma_start3A_153 = arith.constant 0 : i32
    %dma_start3A_154 = tpu.memref_slice %arg22[%dma_start3A_145, %dma_start3A_152, %dma_start3A_153] : memref<16x16x128xf32, #tpu.memory_space<vmem>> -> memref<1x16x128xf32, #tpu.memory_space<vmem>>
    %dma_start3A_155 = tpu.memref_squeeze %dma_start3A_154 : memref<1x16x128xf32, #tpu.memory_space<vmem>> -> memref<16x128xf32, #tpu.memory_space<vmem>>
    %dma_start3A_156 = arith.constant 0 : i32
    %dma_start3A_157 = tpu.memref_slice %arg2[%dma_start3A_156, %multiple_of3A_144] : memref<16x1000000xf32, #tpu.memory_space<hbm>> -> memref<16x128xf32, #tpu.memory_space<hbm>>
    tpu.enqueue_dma source(%dma_start3A_157 : memref<16x128xf32, #tpu.memory_space<hbm>>) target(%dma_start3A_155 : memref<16x128xf32, #tpu.memory_space<vmem>>) target_semaphore(%arg28 : memref<!tpu.dma_semaphore, #tpu.memory_space<semaphore_mem>>)
    %eq3A_158 = arith.constant 5 : i32
    %eq3A_159 = vector.broadcast %eq3A_158 : i32 to vector<16xi32>
    %eq3A_160 = arith.cmpi eq, %iota3A, %eq3A_159 : vector<16xi32>
    %jit3A_161 = arith.constant 0 : i32
    %broadcast_in_dim3A_162 = vector.broadcast %jit3A_161 : i32 to vector<16xi32>
    %select_n3A_163 = arith.select %eq3A_160, %get3A_43, %broadcast_in_dim3A_162 : vector<16xi1>, vector<16xi32>
    %reduce_sum3A_164 = arith.constant true
    %reduce_sum3A_165 = vector.broadcast %reduce_sum3A_164 : i1 to vector<16xi1>
    %reduce_sum3A_166 = tpu.scan <sum>, %select_n3A_163 masked %reduce_sum3A_165 : vector<16xi32>, vector<16xi1> -> vector<16xi32>
    %reduce_sum3A_167 = vector.extract %reduce_sum3A_166[15] : i32 from vector<16xi32>
    %multiple_of3A_168 = tpu.assume_multiple %reduce_sum3A_167, 128 : i32
    %dma_start3A_169 = arith.constant 5 : i32
    %dma_start3A_170 = arith.constant 0 : i32
    %dma_start3A_171 = arith.constant 0 : i32
    %dma_start3A_172 = tpu.memref_slice %arg22[%dma_start3A_169, %dma_start3A_170, %dma_start3A_171] : memref<16x16x128xf32, #tpu.memory_space<vmem>> -> memref<1x16x128xf32, #tpu.memory_space<vmem>>
    %dma_start3A_173 = tpu.memref_squeeze %dma_start3A_172 : memref<1x16x128xf32, #tpu.memory_space<vmem>> -> memref<16x128xf32, #tpu.memory_space<vmem>>
    %dma_start3A_174 = arith.constant 0 : i32
    %dma_start3A_175 = tpu.memref_slice %arg2[%dma_start3A_174, %multiple_of3A_168] : memref<16x1000000xf32, #tpu.memory_space<hbm>> -> memref<16x128xf32, #tpu.memory_space<hbm>>
    %dma_start3A_176 = arith.constant 0 : i32
    %dma_start3A_177 = arith.constant 0 : i32
    %dma_start3A_178 = tpu.memref_slice %arg22[%dma_start3A_169, %dma_start3A_176, %dma_start3A_177] : memref<16x16x128xf32, #tpu.memory_space<vmem>> -> memref<1x16x128xf32, #tpu.memory_space<vmem>>
    %dma_start3A_179 = tpu.memref_squeeze %dma_start3A_178 : memref<1x16x128xf32, #tpu.memory_space<vmem>> -> memref<16x128xf32, #tpu.memory_space<vmem>>
    %dma_start3A_180 = arith.constant 0 : i32
    %dma_start3A_181 = tpu.memref_slice %arg2[%dma_start3A_180, %multiple_of3A_168] : memref<16x1000000xf32, #tpu.memory_space<hbm>> -> memref<16x128xf32, #tpu.memory_space<hbm>>
    tpu.enqueue_dma source(%dma_start3A_181 : memref<16x128xf32, #tpu.memory_space<hbm>>) target(%dma_start3A_179 : memref<16x128xf32, #tpu.memory_space<vmem>>) target_semaphore(%arg28 : memref<!tpu.dma_semaphore, #tpu.memory_space<semaphore_mem>>)
    %eq3A_182 = arith.constant 6 : i32
    %eq3A_183 = vector.broadcast %eq3A_182 : i32 to vector<16xi32>
    %eq3A_184 = arith.cmpi eq, %iota3A, %eq3A_183 : vector<16xi32>
    %jit3A_185 = arith.constant 0 : i32
    %broadcast_in_dim3A_186 = vector.broadcast %jit3A_185 : i32 to vector<16xi32>
    %select_n3A_187 = arith.select %eq3A_184, %get3A_43, %broadcast_in_dim3A_186 : vector<16xi1>, vector<16xi32>
    %reduce_sum3A_188 = arith.constant true
    %reduce_sum3A_189 = vector.broadcast %reduce_sum3A_188 : i1 to vector<16xi1>
    %reduce_sum3A_190 = tpu.scan <sum>, %select_n3A_187 masked %reduce_sum3A_189 : vector<16xi32>, vector<16xi1> -> vector<16xi32>
    %reduce_sum3A_191 = vector.extract %reduce_sum3A_190[15] : i32 from vector<16xi32>
    %multiple_of3A_192 = tpu.assume_multiple %reduce_sum3A_191, 128 : i32
    %dma_start3A_193 = arith.constant 6 : i32
    %dma_start3A_194 = arith.constant 0 : i32
    %dma_start3A_195 = arith.constant 0 : i32
    %dma_start3A_196 = tpu.memref_slice %arg22[%dma_start3A_193, %dma_start3A_194, %dma_start3A_195] : memref<16x16x128xf32, #tpu.memory_space<vmem>> -> memref<1x16x128xf32, #tpu.memory_space<vmem>>
    %dma_start3A_197 = tpu.memref_squeeze %dma_start3A_196 : memref<1x16x128xf32, #tpu.memory_space<vmem>> -> memref<16x128xf32, #tpu.memory_space<vmem>>
    %dma_start3A_198 = arith.constant 0 : i32
    %dma_start3A_199 = tpu.memref_slice %arg2[%dma_start3A_198, %multiple_of3A_192] : memref<16x1000000xf32, #tpu.memory_space<hbm>> -> memref<16x128xf32, #tpu.memory_space<hbm>>
    %dma_start3A_200 = arith.constant 0 : i32
    %dma_start3A_201 = arith.constant 0 : i32
    %dma_start3A_202 = tpu.memref_slice %arg22[%dma_start3A_193, %dma_start3A_200, %dma_start3A_201] : memref<16x16x128xf32, #tpu.memory_space<vmem>> -> memref<1x16x128xf32, #tpu.memory_space<vmem>>
    %dma_start3A_203 = tpu.memref_squeeze %dma_start3A_202 : memref<1x16x128xf32, #tpu.memory_space<vmem>> -> memref<16x128xf32, #tpu.memory_space<vmem>>
    %dma_start3A_204 = arith.constant 0 : i32
    %dma_start3A_205 = tpu.memref_slice %arg2[%dma_start3A_204, %multiple_of3A_192] : memref<16x1000000xf32, #tpu.memory_space<hbm>> -> memref<16x128xf32, #tpu.memory_space<hbm>>
    tpu.enqueue_dma source(%dma_start3A_205 : memref<16x128xf32, #tpu.memory_space<hbm>>) target(%dma_start3A_203 : memref<16x128xf32, #tpu.memory_space<vmem>>) target_semaphore(%arg28 : memref<!tpu.dma_semaphore, #tpu.memory_space<semaphore_mem>>)
    %eq3A_206 = arith.constant 7 : i32
    %eq3A_207 = vector.broadcast %eq3A_206 : i32 to vector<16xi32>
    %eq3A_208 = arith.cmpi eq, %iota3A, %eq3A_207 : vector<16xi32>
    %jit3A_209 = arith.constant 0 : i32
    %broadcast_in_dim3A_210 = vector.broadcast %jit3A_209 : i32 to vector<16xi32>
    %select_n3A_211 = arith.select %eq3A_208, %get3A_43, %broadcast_in_dim3A_210 : vector<16xi1>, vector<16xi32>
    %reduce_sum3A_212 = arith.constant true
    %reduce_sum3A_213 = vector.broadcast %reduce_sum3A_212 : i1 to vector<16xi1>
    %reduce_sum3A_214 = tpu.scan <sum>, %select_n3A_211 masked %reduce_sum3A_213 : vector<16xi32>, vector<16xi1> -> vector<16xi32>
    %reduce_sum3A_215 = vector.extract %reduce_sum3A_214[15] : i32 from vector<16xi32>
    %multiple_of3A_216 = tpu.assume_multiple %reduce_sum3A_215, 128 : i32
    %dma_start3A_217 = arith.constant 7 : i32
    %dma_start3A_218 = arith.constant 0 : i32
    %dma_start3A_219 = arith.constant 0 : i32
    %dma_start3A_220 = tpu.memref_slice %arg22[%dma_start3A_217, %dma_start3A_218, %dma_start3A_219] : memref<16x16x128xf32, #tpu.memory_space<vmem>> -> memref<1x16x128xf32, #tpu.memory_space<vmem>>
    %dma_start3A_221 = tpu.memref_squeeze %dma_start3A_220 : memref<1x16x128xf32, #tpu.memory_space<vmem>> -> memref<16x128xf32, #tpu.memory_space<vmem>>
    %dma_start3A_222 = arith.constant 0 : i32
    %dma_start3A_223 = tpu.memref_slice %arg2[%dma_start3A_222, %multiple_of3A_216] : memref<16x1000000xf32, #tpu.memory_space<hbm>> -> memref<16x128xf32, #tpu.memory_space<hbm>>
    %dma_start3A_224 = arith.constant 0 : i32
    %dma_start3A_225 = arith.constant 0 : i32
    %dma_start3A_226 = tpu.memref_slice %arg22[%dma_start3A_217, %dma_start3A_224, %dma_start3A_225] : memref<16x16x128xf32, #tpu.memory_space<vmem>> -> memref<1x16x128xf32, #tpu.memory_space<vmem>>
    %dma_start3A_227 = tpu.memref_squeeze %dma_start3A_226 : memref<1x16x128xf32, #tpu.memory_space<vmem>> -> memref<16x128xf32, #tpu.memory_space<vmem>>
    %dma_start3A_228 = arith.constant 0 : i32
    %dma_start3A_229 = tpu.memref_slice %arg2[%dma_start3A_228, %multiple_of3A_216] : memref<16x1000000xf32, #tpu.memory_space<hbm>> -> memref<16x128xf32, #tpu.memory_space<hbm>>
    tpu.enqueue_dma source(%dma_start3A_229 : memref<16x128xf32, #tpu.memory_space<hbm>>) target(%dma_start3A_227 : memref<16x128xf32, #tpu.memory_space<vmem>>) target_semaphore(%arg28 : memref<!tpu.dma_semaphore, #tpu.memory_space<semaphore_mem>>)
    %mul3A_230 = arith.constant 0 : i32
    %mul3A_231 = arith.constant 8 : i32
    %mul3A_232 = arith.muli %mul3A_230, %mul3A_231 : i32
    %get3A_233 = arith.index_cast %mul3A_232 : i32 to index
    %get3A_234 = tpu.vector_load %arg17[%get3A_233] {strides = array<i32>} : memref<528xi32, #tpu.memory_space<vmem>>, vector<16xi32>,
    %eq3A_235 = arith.constant 0 : i32
    %eq3A_236 = vector.broadcast %eq3A_235 : i32 to vector<16xi32>
    %eq3A_237 = arith.cmpi eq, %iota3A, %eq3A_236 : vector<16xi32>
    %jit3A_238 = arith.constant 0 : i32
    %broadcast_in_dim3A_239 = vector.broadcast %jit3A_238 : i32 to vector<16xi32>
    %select_n3A_240 = arith.select %eq3A_237, %get3A_234, %broadcast_in_dim3A_239 : vector<16xi1>, vector<16xi32>
    %reduce_sum3A_241 = arith.constant true
    %reduce_sum3A_242 = vector.broadcast %reduce_sum3A_241 : i1 to vector<16xi1>
    %reduce_sum3A_243 = tpu.scan <sum>, %select_n3A_240 masked %reduce_sum3A_242 : vector<16xi32>, vector<16xi1> -> vector<16xi32>
    %reduce_sum3A_244 = vector.extract %reduce_sum3A_243[15] : i32 from vector<16xi32>
    %multiple_of3A_245 = tpu.assume_multiple %reduce_sum3A_244, 128 : i32
    %dma_start3A_246 = arith.constant 0 : i32
    %dma_start3A_247 = arith.constant 0 : i32
    %dma_start3A_248 = arith.constant 0 : i32
    %dma_start3A_249 = tpu.memref_slice %arg23[%dma_start3A_246, %dma_start3A_247, %dma_start3A_248] : memref<16x16x128xf32, #tpu.memory_space<vmem>> -> memref<1x16x128xf32, #tpu.memory_space<vmem>>
    %dma_start3A_250 = tpu.memref_squeeze %dma_start3A_249 : memref<1x16x128xf32, #tpu.memory_space<vmem>> -> memref<16x128xf32, #tpu.memory_space<vmem>>
    %dma_start3A_251 = arith.constant 0 : i32
    %dma_start3A_252 = tpu.memref_slice %arg3[%dma_start3A_251, %multiple_of3A_245] : memref<16x1000000xf32, #tpu.memory_space<hbm>> -> memref<16x128xf32, #tpu.memory_space<hbm>>
    %dma_start3A_253 = arith.constant 0 : i32
    %dma_start3A_254 = arith.constant 0 : i32
    %dma_start3A_255 = tpu.memref_slice %arg23[%dma_start3A_246, %dma_start3A_253, %dma_start3A_254] : memref<16x16x128xf32, #tpu.memory_space<vmem>> -> memref<1x16x128xf32, #tpu.memory_space<vmem>>
    %dma_start3A_256 = tpu.memref_squeeze %dma_start3A_255 : memref<1x16x128xf32, #tpu.memory_space<vmem>> -> memref<16x128xf32, #tpu.memory_space<vmem>>
    %dma_start3A_257 = arith.constant 0 : i32
    %dma_start3A_258 = tpu.memref_slice %arg3[%dma_start3A_257, %multiple_of3A_245] : memref<16x1000000xf32, #tpu.memory_space<hbm>> -> memref<16x128xf32, #tpu.memory_space<hbm>>
    tpu.enqueue_dma source(%dma_start3A_258 : memref<16x128xf32, #tpu.memory_space<hbm>>) target(%dma_start3A_256 : memref<16x128xf32, #tpu.memory_space<vmem>>) target_semaphore(%arg30 : memref<!tpu.dma_semaphore, #tpu.memory_space<semaphore_mem>>)
    %eq3A_259 = arith.constant 1 : i32
    %eq3A_260 = vector.broadcast %eq3A_259 : i32 to vector<16xi32>
    %eq3A_261 = arith.cmpi eq, %iota3A, %eq3A_260 : vector<16xi32>
    %jit3A_262 = arith.constant 0 : i32
    %broadcast_in_dim3A_263 = vector.broadcast %jit3A_262 : i32 to vector<16xi32>
    %select_n3A_264 = arith.select %eq3A_261, %get3A_234, %broadcast_in_dim3A_263 : vector<16xi1>, vector<16xi32>
    %reduce_sum3A_265 = arith.constant true
    %reduce_sum3A_266 = vector.broadcast %reduce_sum3A_265 : i1 to vector<16xi1>
    %reduce_sum3A_267 = tpu.scan <sum>, %select_n3A_264 masked %reduce_sum3A_266 : vector<16xi32>, vector<16xi1> -> vector<16xi32>
    %reduce_sum3A_268 = vector.extract %reduce_sum3A_267[15] : i32 from vector<16xi32>
    %multiple_of3A_269 = tpu.assume_multiple %reduce_sum3A_268, 128 : i32
    %dma_start3A_270 = arith.constant 1 : i32
    %dma_start3A_271 = arith.constant 0 : i32
    %dma_start3A_272 = arith.constant 0 : i32
    %dma_start3A_273 = tpu.memref_slice %arg23[%dma_start3A_270, %dma_start3A_271, %dma_start3A_272] : memref<16x16x128xf32, #tpu.memory_space<vmem>> -> memref<1x16x128xf32, #tpu.memory_space<vmem>>
    %dma_start3A_274 = tpu.memref_squeeze %dma_start3A_273 : memref<1x16x128xf32, #tpu.memory_space<vmem>> -> memref<16x128xf32, #tpu.memory_space<vmem>>
    %dma_start3A_275 = arith.constant 0 : i32
    %dma_start3A_276 = tpu.memref_slice %arg3[%dma_start3A_275, %multiple_of3A_269] : memref<16x1000000xf32, #tpu.memory_space<hbm>> -> memref<16x128xf32, #tpu.memory_space<hbm>>
    %dma_start3A_277 = arith.constant 0 : i32
    %dma_start3A_278 = arith.constant 0 : i32
    %dma_start3A_279 = tpu.memref_slice %arg23[%dma_start3A_270, %dma_start3A_277, %dma_start3A_278] : memref<16x16x128xf32, #tpu.memory_space<vmem>> -> memref<1x16x128xf32, #tpu.memory_space<vmem>>
    %dma_start3A_280 = tpu.memref_squeeze %dma_start3A_279 : memref<1x16x128xf32, #tpu.memory_space<vmem>> -> memref<16x128xf32, #tpu.memory_space<vmem>>
    %dma_start3A_281 = arith.constant 0 : i32
    %dma_start3A_282 = tpu.memref_slice %arg3[%dma_start3A_281, %multiple_of3A_269] : memref<16x1000000xf32, #tpu.memory_space<hbm>> -> memref<16x128xf32, #tpu.memory_space<hbm>>
    tpu.enqueue_dma source(%dma_start3A_282 : memref<16x128xf32, #tpu.memory_space<hbm>>) target(%dma_start3A_280 : memref<16x128xf32, #tpu.memory_space<vmem>>) target_semaphore(%arg30 : memref<!tpu.dma_semaphore, #tpu.memory_space<semaphore_mem>>)
    %eq3A_283 = arith.constant 2 : i32
    %eq3A_284 = vector.broadcast %eq3A_283 : i32 to vector<16xi32>
    %eq3A_285 = arith.cmpi eq, %iota3A, %eq3A_284 : vector<16xi32>
    %jit3A_286 = arith.constant 0 : i32
    %broadcast_in_dim3A_287 = vector.broadcast %jit3A_286 : i32 to vector<16xi32>
    %select_n3A_288 = arith.select %eq3A_285, %get3A_234, %broadcast_in_dim3A_287 : vector<16xi1>, vector<16xi32>
    %reduce_sum3A_289 = arith.constant true
    %reduce_sum3A_290 = vector.broadcast %reduce_sum3A_289 : i1 to vector<16xi1>
    %reduce_sum3A_291 = tpu.scan <sum>, %select_n3A_288 masked %reduce_sum3A_290 : vector<16xi32>, vector<16xi1> -> vector<16xi32>
    %reduce_sum3A_292 = vector.extract %reduce_sum3A_291[15] : i32 from vector<16xi32>
    %multiple_of3A_293 = tpu.assume_multiple %reduce_sum3A_292, 128 : i32
    %dma_start3A_294 = arith.constant 2 : i32
    %dma_start3A_295 = arith.constant 0 : i32
    %dma_start3A_296 = arith.constant 0 : i32
    %dma_start3A_297 = tpu.memref_slice %arg23[%dma_start3A_294, %dma_start3A_295, %dma_start3A_296] : memref<16x16x128xf32, #tpu.memory_space<vmem>> -> memref<1x16x128xf32, #tpu.memory_space<vmem>>
    %dma_start3A_298 = tpu.memref_squeeze %dma_start3A_297 : memref<1x16x128xf32, #tpu.memory_space<vmem>> -> memref<16x128xf32, #tpu.memory_space<vmem>>
    %dma_start3A_299 = arith.constant 0 : i32
    %dma_start3A_300 = tpu.memref_slice %arg3[%dma_start3A_299, %multiple_of3A_293] : memref<16x1000000xf32, #tpu.memory_space<hbm>> -> memref<16x128xf32, #tpu.memory_space<hbm>>
    %dma_start3A_301 = arith.constant 0 : i32
    %dma_start3A_302 = arith.constant 0 : i32
    %dma_start3A_303 = tpu.memref_slice %arg23[%dma_start3A_294, %dma_start3A_301, %dma_start3A_302] : memref<16x16x128xf32, #tpu.memory_space<vmem>> -> memref<1x16x128xf32, #tpu.memory_space<vmem>>
    %dma_start3A_304 = tpu.memref_squeeze %dma_start3A_303 : memref<1x16x128xf32, #tpu.memory_space<vmem>> -> memref<16x128xf32, #tpu.memory_space<vmem>>
    %dma_start3A_305 = arith.constant 0 : i32
    %dma_start3A_306 = tpu.memref_slice %arg3[%dma_start3A_305, %multiple_of3A_293] : memref<16x1000000xf32, #tpu.memory_space<hbm>> -> memref<16x128xf32, #tpu.memory_space<hbm>>
    tpu.enqueue_dma source(%dma_start3A_306 : memref<16x128xf32, #tpu.memory_space<hbm>>) target(%dma_start3A_304 : memref<16x128xf32, #tpu.memory_space<vmem>>) target_semaphore(%arg30 : memref<!tpu.dma_semaphore, #tpu.memory_space<semaphore_mem>>)
    %eq3A_307 = arith.constant 3 : i32
    %eq3A_308 = vector.broadcast %eq3A_307 : i32 to vector<16xi32>
    %eq3A_309 = arith.cmpi eq, %iota3A, %eq3A_308 : vector<16xi32>
    %jit3A_310 = arith.constant 0 : i32
    %broadcast_in_dim3A_311 = vector.broadcast %jit3A_310 : i32 to vector<16xi32>
    %select_n3A_312 = arith.select %eq3A_309, %get3A_234, %broadcast_in_dim3A_311 : vector<16xi1>, vector<16xi32>
    %reduce_sum3A_313 = arith.constant true
    %reduce_sum3A_314 = vector.broadcast %reduce_sum3A_313 : i1 to vector<16xi1>
    %reduce_sum3A_315 = tpu.scan <sum>, %select_n3A_312 masked %reduce_sum3A_314 : vector<16xi32>, vector<16xi1> -> vector<16xi32>
    %reduce_sum3A_316 = vector.extract %reduce_sum3A_315[15] : i32 from vector<16xi32>
    %multiple_of3A_317 = tpu.assume_multiple %reduce_sum3A_316, 128 : i32
    %dma_start3A_318 = arith.constant 3 : i32
    %dma_start3A_319 = arith.constant 0 : i32
    %dma_start3A_320 = arith.constant 0 : i32
    %dma_start3A_321 = tpu.memref_slice %arg23[%dma_start3A_318, %dma_start3A_319, %dma_start3A_320] : memref<16x16x128xf32, #tpu.memory_space<vmem>> -> memref<1x16x128xf32, #tpu.memory_space<vmem>>
    %dma_start3A_322 = tpu.memref_squeeze %dma_start3A_321 : memref<1x16x128xf32, #tpu.memory_space<vmem>> -> memref<16x128xf32, #tpu.memory_space<vmem>>
    %dma_start3A_323 = arith.constant 0 : i32
    %dma_start3A_324 = tpu.memref_slice %arg3[%dma_start3A_323, %multiple_of3A_317] : memref<16x1000000xf32, #tpu.memory_space<hbm>> -> memref<16x128xf32, #tpu.memory_space<hbm>>
    %dma_start3A_325 = arith.constant 0 : i32
    %dma_start3A_326 = arith.constant 0 : i32
    %dma_start3A_327 = tpu.memref_slice %arg23[%dma_start3A_318, %dma_start3A_325, %dma_start3A_326] : memref<16x16x128xf32, #tpu.memory_space<vmem>> -> memref<1x16x128xf32, #tpu.memory_space<vmem>>
    %dma_start3A_328 = tpu.memref_squeeze %dma_start3A_327 : memref<1x16x128xf32, #tpu.memory_space<vmem>> -> memref<16x128xf32, #tpu.memory_space<vmem>>
    %dma_start3A_329 = arith.constant 0 : i32
    %dma_start3A_330 = tpu.memref_slice %arg3[%dma_start3A_329, %multiple_of3A_317] : memref<16x1000000xf32, #tpu.memory_space<hbm>> -> memref<16x128xf32, #tpu.memory_space<hbm>>
    tpu.enqueue_dma source(%dma_start3A_330 : memref<16x128xf32, #tpu.memory_space<hbm>>) target(%dma_start3A_328 : memref<16x128xf32, #tpu.memory_space<vmem>>) target_semaphore(%arg30 : memref<!tpu.dma_semaphore, #tpu.memory_space<semaphore_mem>>)
    %eq3A_331 = arith.constant 4 : i32
    %eq3A_332 = vector.broadcast %eq3A_331 : i32 to vector<16xi32>
    %eq3A_333 = arith.cmpi eq, %iota3A, %eq3A_332 : vector<16xi32>
    %jit3A_334 = arith.constant 0 : i32
    %broadcast_in_dim3A_335 = vector.broadcast %jit3A_334 : i32 to vector<16xi32>
    %select_n3A_336 = arith.select %eq3A_333, %get3A_234, %broadcast_in_dim3A_335 : vector<16xi1>, vector<16xi32>
    %reduce_sum3A_337 = arith.constant true
    %reduce_sum3A_338 = vector.broadcast %reduce_sum3A_337 : i1 to vector<16xi1>
    %reduce_sum3A_339 = tpu.scan <sum>, %select_n3A_336 masked %reduce_sum3A_338 : vector<16xi32>, vector<16xi1> -> vector<16xi32>
    %reduce_sum3A_340 = vector.extract %reduce_sum3A_339[15] : i32 from vector<16xi32>
    %multiple_of3A_341 = tpu.assume_multiple %reduce_sum3A_340, 128 : i32
    %dma_start3A_342 = arith.constant 4 : i32
    %dma_start3A_343 = arith.constant 0 : i32
    %dma_start3A_344 = arith.constant 0 : i32
    %dma_start3A_345 = tpu.memref_slice %arg23[%dma_start3A_342, %dma_start3A_343, %dma_start3A_344] : memref<16x16x128xf32, #tpu.memory_space<vmem>> -> memref<1x16x128xf32, #tpu.memory_space<vmem>>
    %dma_start3A_346 = tpu.memref_squeeze %dma_start3A_345 : memref<1x16x128xf32, #tpu.memory_space<vmem>> -> memref<16x128xf32, #tpu.memory_space<vmem>>
    %dma_start3A_347 = arith.constant 0 : i32
    %dma_start3A_348 = tpu.memref_slice %arg3[%dma_start3A_347, %multiple_of3A_341] : memref<16x1000000xf32, #tpu.memory_space<hbm>> -> memref<16x128xf32, #tpu.memory_space<hbm>>
    %dma_start3A_349 = arith.constant 0 : i32
    %dma_start3A_350 = arith.constant 0 : i32
    %dma_start3A_351 = tpu.memref_slice %arg23[%dma_start3A_342, %dma_start3A_349, %dma_start3A_350] : memref<16x16x128xf32, #tpu.memory_space<vmem>> -> memref<1x16x128xf32, #tpu.memory_space<vmem>>
    %dma_start3A_352 = tpu.memref_squeeze %dma_start3A_351 : memref<1x16x128xf32, #tpu.memory_space<vmem>> -> memref<16x128xf32, #tpu.memory_space<vmem>>
    %dma_start3A_353 = arith.constant 0 : i32
    %dma_start3A_354 = tpu.memref_slice %arg3[%dma_start3A_353, %multiple_of3A_341] : memref<16x1000000xf32, #tpu.memory_space<hbm>> -> memref<16x128xf32, #tpu.memory_space<hbm>>
    tpu.enqueue_dma source(%dma_start3A_354 : memref<16x128xf32, #tpu.memory_space<hbm>>) target(%dma_start3A_352 : memref<16x128xf32, #tpu.memory_space<vmem>>) target_semaphore(%arg30 : memref<!tpu.dma_semaphore, #tpu.memory_space<semaphore_mem>>)
    %eq3A_355 = arith.constant 5 : i32
    %eq3A_356 = vector.broadcast %eq3A_355 : i32 to vector<16xi32>
    %eq3A_357 = arith.cmpi eq, %iota3A, %eq3A_356 : vector<16xi32>
    %jit3A_358 = arith.constant 0 : i32
    %broadcast_in_dim3A_359 = vector.broadcast %jit3A_358 : i32 to vector<16xi32>
    %select_n3A_360 = arith.select %eq3A_357, %get3A_234, %broadcast_in_dim3A_359 : vector<16xi1>, vector<16xi32>
    %reduce_sum3A_361 = arith.constant true
    %reduce_sum3A_362 = vector.broadcast %reduce_sum3A_361 : i1 to vector<16xi1>
    %reduce_sum3A_363 = tpu.scan <sum>, %select_n3A_360 masked %reduce_sum3A_362 : vector<16xi32>, vector<16xi1> -> vector<16xi32>
    %reduce_sum3A_364 = vector.extract %reduce_sum3A_363[15] : i32 from vector<16xi32>
    %multiple_of3A_365 = tpu.assume_multiple %reduce_sum3A_364, 128 : i32
    %dma_start3A_366 = arith.constant 5 : i32
    %dma_start3A_367 = arith.constant 0 : i32
    %dma_start3A_368 = arith.constant 0 : i32
    %dma_start3A_369 = tpu.memref_slice %arg23[%dma_start3A_366, %dma_start3A_367, %dma_start3A_368] : memref<16x16x128xf32, #tpu.memory_space<vmem>> -> memref<1x16x128xf32, #tpu.memory_space<vmem>>
    %dma_start3A_370 = tpu.memref_squeeze %dma_start3A_369 : memref<1x16x128xf32, #tpu.memory_space<vmem>> -> memref<16x128xf32, #tpu.memory_space<vmem>>
    %dma_start3A_371 = arith.constant 0 : i32
    %dma_start3A_372 = tpu.memref_slice %arg3[%dma_start3A_371, %multiple_of3A_365] : memref<16x1000000xf32, #tpu.memory_space<hbm>> -> memref<16x128xf32, #tpu.memory_space<hbm>>
    %dma_start3A_373 = arith.constant 0 : i32
    %dma_start3A_374 = arith.constant 0 : i32
    %dma_start3A_375 = tpu.memref_slice %arg23[%dma_start3A_366, %dma_start3A_373, %dma_start3A_374] : memref<16x16x128xf32, #tpu.memory_space<vmem>> -> memref<1x16x128xf32, #tpu.memory_space<vmem>>
    %dma_start3A_376 = tpu.memref_squeeze %dma_start3A_375 : memref<1x16x128xf32, #tpu.memory_space<vmem>> -> memref<16x128xf32, #tpu.memory_space<vmem>>
    %dma_start3A_377 = arith.constant 0 : i32
    %dma_start3A_378 = tpu.memref_slice %arg3[%dma_start3A_377, %multiple_of3A_365] : memref<16x1000000xf32, #tpu.memory_space<hbm>> -> memref<16x128xf32, #tpu.memory_space<hbm>>
    tpu.enqueue_dma source(%dma_start3A_378 : memref<16x128xf32, #tpu.memory_space<hbm>>) target(%dma_start3A_376 : memref<16x128xf32, #tpu.memory_space<vmem>>) target_semaphore(%arg30 : memref<!tpu.dma_semaphore, #tpu.memory_space<semaphore_mem>>)
    %eq3A_379 = arith.constant 6 : i32
    %eq3A_380 = vector.broadcast %eq3A_379 : i32 to vector<16xi32>
    %eq3A_381 = arith.cmpi eq, %iota3A, %eq3A_380 : vector<16xi32>
    %jit3A_382 = arith.constant 0 : i32
    %broadcast_in_dim3A_383 = vector.broadcast %jit3A_382 : i32 to vector<16xi32>
    %select_n3A_384 = arith.select %eq3A_381, %get3A_234, %broadcast_in_dim3A_383 : vector<16xi1>, vector<16xi32>
    %reduce_sum3A_385 = arith.constant true
    %reduce_sum3A_386 = vector.broadcast %reduce_sum3A_385 : i1 to vector<16xi1>
    %reduce_sum3A_387 = tpu.scan <sum>, %select_n3A_384 masked %reduce_sum3A_386 : vector<16xi32>, vector<16xi1> -> vector<16xi32>
    %reduce_sum3A_388 = vector.extract %reduce_sum3A_387[15] : i32 from vector<16xi32>
    %multiple_of3A_389 = tpu.assume_multiple %reduce_sum3A_388, 128 : i32
    %dma_start3A_390 = arith.constant 6 : i32
    %dma_start3A_391 = arith.constant 0 : i32
    %dma_start3A_392 = arith.constant 0 : i32
    %dma_start3A_393 = tpu.memref_slice %arg23[%dma_start3A_390, %dma_start3A_391, %dma_start3A_392] : memref<16x16x128xf32, #tpu.memory_space<vmem>> -> memref<1x16x128xf32, #tpu.memory_space<vmem>>
    %dma_start3A_394 = tpu.memref_squeeze %dma_start3A_393 : memref<1x16x128xf32, #tpu.memory_space<vmem>> -> memref<16x128xf32, #tpu.memory_space<vmem>>
    %dma_start3A_395 = arith.constant 0 : i32
    %dma_start3A_396 = tpu.memref_slice %arg3[%dma_start3A_395, %multiple_of3A_389] : memref<16x1000000xf32, #tpu.memory_space<hbm>> -> memref<16x128xf32, #tpu.memory_space<hbm>>
    %dma_start3A_397 = arith.constant 0 : i32
    %dma_start3A_398 = arith.constant 0 : i32
    %dma_start3A_399 = tpu.memref_slice %arg23[%dma_start3A_390, %dma_start3A_397, %dma_start3A_398] : memref<16x16x128xf32, #tpu.memory_space<vmem>> -> memref<1x16x128xf32, #tpu.memory_space<vmem>>
    %dma_start3A_400 = tpu.memref_squeeze %dma_start3A_399 : memref<1x16x128xf32, #tpu.memory_space<vmem>> -> memref<16x128xf32, #tpu.memory_space<vmem>>
    %dma_start3A_401 = arith.constant 0 : i32
    %dma_start3A_402 = tpu.memref_slice %arg3[%dma_start3A_401, %multiple_of3A_389] : memref<16x1000000xf32, #tpu.memory_space<hbm>> -> memref<16x128xf32, #tpu.memory_space<hbm>>
    tpu.enqueue_dma source(%dma_start3A_402 : memref<16x128xf32, #tpu.memory_space<hbm>>) target(%dma_start3A_400 : memref<16x128xf32, #tpu.memory_space<vmem>>) target_semaphore(%arg30 : memref<!tpu.dma_semaphore, #tpu.memory_space<semaphore_mem>>)
    %eq3A_403 = arith.constant 7 : i32
    %eq3A_404 = vector.broadcast %eq3A_403 : i32 to vector<16xi32>
    %eq3A_405 = arith.cmpi eq, %iota3A, %eq3A_404 : vector<16xi32>
    %jit3A_406 = arith.constant 0 : i32
    %broadcast_in_dim3A_407 = vector.broadcast %jit3A_406 : i32 to vector<16xi32>
    %select_n3A_408 = arith.select %eq3A_405, %get3A_234, %broadcast_in_dim3A_407 : vector<16xi1>, vector<16xi32>
    %reduce_sum3A_409 = arith.constant true
    %reduce_sum3A_410 = vector.broadcast %reduce_sum3A_409 : i1 to vector<16xi1>
    %reduce_sum3A_411 = tpu.scan <sum>, %select_n3A_408 masked %reduce_sum3A_410 : vector<16xi32>, vector<16xi1> -> vector<16xi32>
    %reduce_sum3A_412 = vector.extract %reduce_sum3A_411[15] : i32 from vector<16xi32>
    %multiple_of3A_413 = tpu.assume_multiple %reduce_sum3A_412, 128 : i32
    %dma_start3A_414 = arith.constant 7 : i32
    %dma_start3A_415 = arith.constant 0 : i32
    %dma_start3A_416 = arith.constant 0 : i32
    %dma_start3A_417 = tpu.memref_slice %arg23[%dma_start3A_414, %dma_start3A_415, %dma_start3A_416] : memref<16x16x128xf32, #tpu.memory_space<vmem>> -> memref<1x16x128xf32, #tpu.memory_space<vmem>>
    %dma_start3A_418 = tpu.memref_squeeze %dma_start3A_417 : memref<1x16x128xf32, #tpu.memory_space<vmem>> -> memref<16x128xf32, #tpu.memory_space<vmem>>
    %dma_start3A_419 = arith.constant 0 : i32
    %dma_start3A_420 = tpu.memref_slice %arg3[%dma_start3A_419, %multiple_of3A_413] : memref<16x1000000xf32, #tpu.memory_space<hbm>> -> memref<16x128xf32, #tpu.memory_space<hbm>>
    %dma_start3A_421 = arith.constant 0 : i32
    %dma_start3A_422 = arith.constant 0 : i32
    %dma_start3A_423 = tpu.memref_slice %arg23[%dma_start3A_414, %dma_start3A_421, %dma_start3A_422] : memref<16x16x128xf32, #tpu.memory_space<vmem>> -> memref<1x16x128xf32, #tpu.memory_space<vmem>>
    %dma_start3A_424 = tpu.memref_squeeze %dma_start3A_423 : memref<1x16x128xf32, #tpu.memory_space<vmem>> -> memref<16x128xf32, #tpu.memory_space<vmem>>
    %dma_start3A_425 = arith.constant 0 : i32
    %dma_start3A_426 = tpu.memref_slice %arg3[%dma_start3A_425, %multiple_of3A_413] : memref<16x1000000xf32, #tpu.memory_space<hbm>> -> memref<16x128xf32, #tpu.memory_space<hbm>>
    tpu.enqueue_dma source(%dma_start3A_426 : memref<16x128xf32, #tpu.memory_space<hbm>>) target(%dma_start3A_424 : memref<16x128xf32, #tpu.memory_space<vmem>>) target_semaphore(%arg30 : memref<!tpu.dma_semaphore, #tpu.memory_space<semaphore_mem>>)
    %mul3A_427 = arith.constant 1 : i32
    %mul3A_428 = arith.constant 8 : i32
    %mul3A_429 = arith.muli %mul3A_427, %mul3A_428 : i32
    %get3A_430 = arith.index_cast %mul3A_429 : i32 to index
    %get3A_431 = tpu.vector_load %arg15[%get3A_430] {strides = array<i32>} : memref<528xi32, #tpu.memory_space<vmem>>, vector<16xi32>,
    %eq3A_432 = arith.constant 0 : i32
    %eq3A_433 = vector.broadcast %eq3A_432 : i32 to vector<16xi32>
    %eq3A_434 = arith.cmpi eq, %iota3A, %eq3A_433 : vector<16xi32>
    %jit3A_435 = arith.constant 0 : i32
    %broadcast_in_dim3A_436 = vector.broadcast %jit3A_435 : i32 to vector<16xi32>
    %select_n3A_437 = arith.select %eq3A_434, %get3A_431, %broadcast_in_dim3A_436 : vector<16xi1>, vector<16xi32>
    %reduce_sum3A_438 = arith.constant true
    %reduce_sum3A_439 = vector.broadcast %reduce_sum3A_438 : i1 to vector<16xi1>
    %reduce_sum3A_440 = tpu.scan <sum>, %select_n3A_437 masked %reduce_sum3A_439 : vector<16xi32>, vector<16xi1> -> vector<16xi32>
    %reduce_sum3A_441 = vector.extract %reduce_sum3A_440[15] : i32 from vector<16xi32>
    %multiple_of3A_442 = tpu.assume_multiple %reduce_sum3A_441, 128 : i32
    %dma_start3A_443 = arith.constant 8 : i32
    %dma_start3A_444 = arith.constant 0 : i32
    %dma_start3A_445 = arith.constant 0 : i32
    %dma_start3A_446 = tpu.memref_slice %arg22[%dma_start3A_443, %dma_start3A_444, %dma_start3A_445] : memref<16x16x128xf32, #tpu.memory_space<vmem>> -> memref<1x16x128xf32, #tpu.memory_space<vmem>>
    %dma_start3A_447 = tpu.memref_squeeze %dma_start3A_446 : memref<1x16x128xf32, #tpu.memory_space<vmem>> -> memref<16x128xf32, #tpu.memory_space<vmem>>
    %dma_start3A_448 = arith.constant 0 : i32
    %dma_start3A_449 = tpu.memref_slice %arg2[%dma_start3A_448, %multiple_of3A_442] : memref<16x1000000xf32, #tpu.memory_space<hbm>> -> memref<16x128xf32, #tpu.memory_space<hbm>>
    %dma_start3A_450 = arith.constant 0 : i32
    %dma_start3A_451 = arith.constant 0 : i32
    %dma_start3A_452 = tpu.memref_slice %arg22[%dma_start3A_443, %dma_start3A_450, %dma_start3A_451] : memref<16x16x128xf32, #tpu.memory_space<vmem>> -> memref<1x16x128xf32, #tpu.memory_space<vmem>>
    %dma_start3A_453 = tpu.memref_squeeze %dma_start3A_452 : memref<1x16x128xf32, #tpu.memory_space<vmem>> -> memref<16x128xf32, #tpu.memory_space<vmem>>
    %dma_start3A_454 = arith.constant 0 : i32
    %dma_start3A_455 = tpu.memref_slice %arg2[%dma_start3A_454, %multiple_of3A_442] : memref<16x1000000xf32, #tpu.memory_space<hbm>> -> memref<16x128xf32, #tpu.memory_space<hbm>>
    tpu.enqueue_dma source(%dma_start3A_455 : memref<16x128xf32, #tpu.memory_space<hbm>>) target(%dma_start3A_453 : memref<16x128xf32, #tpu.memory_space<vmem>>) target_semaphore(%arg29 : memref<!tpu.dma_semaphore, #tpu.memory_space<semaphore_mem>>)
    %eq3A_456 = arith.constant 1 : i32
    %eq3A_457 = vector.broadcast %eq3A_456 : i32 to vector<16xi32>
    %eq3A_458 = arith.cmpi eq, %iota3A, %eq3A_457 : vector<16xi32>
    %jit3A_459 = arith.constant 0 : i32
    %broadcast_in_dim3A_460 = vector.broadcast %jit3A_459 : i32 to vector<16xi32>
    %select_n3A_461 = arith.select %eq3A_458, %get3A_431, %broadcast_in_dim3A_460 : vector<16xi1>, vector<16xi32>
    %reduce_sum3A_462 = arith.constant true
    %reduce_sum3A_463 = vector.broadcast %reduce_sum3A_462 : i1 to vector<16xi1>
    %reduce_sum3A_464 = tpu.scan <sum>, %select_n3A_461 masked %reduce_sum3A_463 : vector<16xi32>, vector<16xi1> -> vector<16xi32>
    %reduce_sum3A_465 = vector.extract %reduce_sum3A_464[15] : i32 from vector<16xi32>
    %multiple_of3A_466 = tpu.assume_multiple %reduce_sum3A_465, 128 : i32
    %dma_start3A_467 = arith.constant 9 : i32
    %dma_start3A_468 = arith.constant 0 : i32
    %dma_start3A_469 = arith.constant 0 : i32
    %dma_start3A_470 = tpu.memref_slice %arg22[%dma_start3A_467, %dma_start3A_468, %dma_start3A_469] : memref<16x16x128xf32, #tpu.memory_space<vmem>> -> memref<1x16x128xf32, #tpu.memory_space<vmem>>
    %dma_start3A_471 = tpu.memref_squeeze %dma_start3A_470 : memref<1x16x128xf32, #tpu.memory_space<vmem>> -> memref<16x128xf32, #tpu.memory_space<vmem>>
    %dma_start3A_472 = arith.constant 0 : i32
    %dma_start3A_473 = tpu.memref_slice %arg2[%dma_start3A_472, %multiple_of3A_466] : memref<16x1000000xf32, #tpu.memory_space<hbm>> -> memref<16x128xf32, #tpu.memory_space<hbm>>
    %dma_start3A_474 = arith.constant 0 : i32
    %dma_start3A_475 = arith.constant 0 : i32
    %dma_start3A_476 = tpu.memref_slice %arg22[%dma_start3A_467, %dma_start3A_474, %dma_start3A_475] : memref<16x16x128xf32, #tpu.memory_space<vmem>> -> memref<1x16x128xf32, #tpu.memory_space<vmem>>
    %dma_start3A_477 = tpu.memref_squeeze %dma_start3A_476 : memref<1x16x128xf32, #tpu.memory_space<vmem>> -> memref<16x128xf32, #tpu.memory_space<vmem>>
    %dma_start3A_478 = arith.constant 0 : i32
    %dma_start3A_479 = tpu.memref_slice %arg2[%dma_start3A_478, %multiple_of3A_466] : memref<16x1000000xf32, #tpu.memory_space<hbm>> -> memref<16x128xf32, #tpu.memory_space<hbm>>
    tpu.enqueue_dma source(%dma_start3A_479 : memref<16x128xf32, #tpu.memory_space<hbm>>) target(%dma_start3A_477 : memref<16x128xf32, #tpu.memory_space<vmem>>) target_semaphore(%arg29 : memref<!tpu.dma_semaphore, #tpu.memory_space<semaphore_mem>>)
    %eq3A_480 = arith.constant 2 : i32
    %eq3A_481 = vector.broadcast %eq3A_480 : i32 to vector<16xi32>
    %eq3A_482 = arith.cmpi eq, %iota3A, %eq3A_481 : vector<16xi32>
    %jit3A_483 = arith.constant 0 : i32
    %broadcast_in_dim3A_484 = vector.broadcast %jit3A_483 : i32 to vector<16xi32>
    %select_n3A_485 = arith.select %eq3A_482, %get3A_431, %broadcast_in_dim3A_484 : vector<16xi1>, vector<16xi32>
    %reduce_sum3A_486 = arith.constant true
    %reduce_sum3A_487 = vector.broadcast %reduce_sum3A_486 : i1 to vector<16xi1>
    %reduce_sum3A_488 = tpu.scan <sum>, %select_n3A_485 masked %reduce_sum3A_487 : vector<16xi32>, vector<16xi1> -> vector<16xi32>
    %reduce_sum3A_489 = vector.extract %reduce_sum3A_488[15] : i32 from vector<16xi32>
    %multiple_of3A_490 = tpu.assume_multiple %reduce_sum3A_489, 128 : i32
    %dma_start3A_491 = arith.constant 10 : i32
    %dma_start3A_492 = arith.constant 0 : i32
    %dma_start3A_493 = arith.constant 0 : i32
    %dma_start3A_494 = tpu.memref_slice %arg22[%dma_start3A_491, %dma_start3A_492, %dma_start3A_493] : memref<16x16x128xf32, #tpu.memory_space<vmem>> -> memref<1x16x128xf32, #tpu.memory_space<vmem>>
    %dma_start3A_495 = tpu.memref_squeeze %dma_start3A_494 : memref<1x16x128xf32, #tpu.memory_space<vmem>> -> memref<16x128xf32, #tpu.memory_space<vmem>>
    %dma_start3A_496 = arith.constant 0 : i32
    %dma_start3A_497 = tpu.memref_slice %arg2[%dma_start3A_496, %multiple_of3A_490] : memref<16x1000000xf32, #tpu.memory_space<hbm>> -> memref<16x128xf32, #tpu.memory_space<hbm>>
    %dma_start3A_498 = arith.constant 0 : i32
    %dma_start3A_499 = arith.constant 0 : i32
    %dma_start3A_500 = tpu.memref_slice %arg22[%dma_start3A_491, %dma_start3A_498, %dma_start3A_499] : memref<16x16x128xf32, #tpu.memory_space<vmem>> -> memref<1x16x128xf32, #tpu.memory_space<vmem>>
    %dma_start3A_501 = tpu.memref_squeeze %dma_start3A_500 : memref<1x16x128xf32, #tpu.memory_space<vmem>> -> memref<16x128xf32, #tpu.memory_space<vmem>>
    %dma_start3A_502 = arith.constant 0 : i32
    %dma_start3A_503 = tpu.memref_slice %arg2[%dma_start3A_502, %multiple_of3A_490] : memref<16x1000000xf32, #tpu.memory_space<hbm>> -> memref<16x128xf32, #tpu.memory_space<hbm>>
    tpu.enqueue_dma source(%dma_start3A_503 : memref<16x128xf32, #tpu.memory_space<hbm>>) target(%dma_start3A_501 : memref<16x128xf32, #tpu.memory_space<vmem>>) target_semaphore(%arg29 : memref<!tpu.dma_semaphore, #tpu.memory_space<semaphore_mem>>)
    %eq3A_504 = arith.constant 3 : i32
    %eq3A_505 = vector.broadcast %eq3A_504 : i32 to vector<16xi32>
    %eq3A_506 = arith.cmpi eq, %iota3A, %eq3A_505 : vector<16xi32>
    %jit3A_507 = arith.constant 0 : i32
    %broadcast_in_dim3A_508 = vector.broadcast %jit3A_507 : i32 to vector<16xi32>
    %select_n3A_509 = arith.select %eq3A_506, %get3A_431, %broadcast_in_dim3A_508 : vector<16xi1>, vector<16xi32>
    %reduce_sum3A_510 = arith.constant true
    %reduce_sum3A_511 = vector.broadcast %reduce_sum3A_510 : i1 to vector<16xi1>
    %reduce_sum3A_512 = tpu.scan <sum>, %select_n3A_509 masked %reduce_sum3A_511 : vector<16xi32>, vector<16xi1> -> vector<16xi32>
    %reduce_sum3A_513 = vector.extract %reduce_sum3A_512[15] : i32 from vector<16xi32>
    %multiple_of3A_514 = tpu.assume_multiple %reduce_sum3A_513, 128 : i32
    %dma_start3A_515 = arith.constant 11 : i32
    %dma_start3A_516 = arith.constant 0 : i32
    %dma_start3A_517 = arith.constant 0 : i32
    %dma_start3A_518 = tpu.memref_slice %arg22[%dma_start3A_515, %dma_start3A_516, %dma_start3A_517] : memref<16x16x128xf32, #tpu.memory_space<vmem>> -> memref<1x16x128xf32, #tpu.memory_space<vmem>>
    %dma_start3A_519 = tpu.memref_squeeze %dma_start3A_518 : memref<1x16x128xf32, #tpu.memory_space<vmem>> -> memref<16x128xf32, #tpu.memory_space<vmem>>
    %dma_start3A_520 = arith.constant 0 : i32
    %dma_start3A_521 = tpu.memref_slice %arg2[%dma_start3A_520, %multiple_of3A_514] : memref<16x1000000xf32, #tpu.memory_space<hbm>> -> memref<16x128xf32, #tpu.memory_space<hbm>>
    %dma_start3A_522 = arith.constant 0 : i32
    %dma_start3A_523 = arith.constant 0 : i32
    %dma_start3A_524 = tpu.memref_slice %arg22[%dma_start3A_515, %dma_start3A_522, %dma_start3A_523] : memref<16x16x128xf32, #tpu.memory_space<vmem>> -> memref<1x16x128xf32, #tpu.memory_space<vmem>>
    %dma_start3A_525 = tpu.memref_squeeze %dma_start3A_524 : memref<1x16x128xf32, #tpu.memory_space<vmem>> -> memref<16x128xf32, #tpu.memory_space<vmem>>
    %dma_start3A_526 = arith.constant 0 : i32
    %dma_start3A_527 = tpu.memref_slice %arg2[%dma_start3A_526, %multiple_of3A_514] : memref<16x1000000xf32, #tpu.memory_space<hbm>> -> memref<16x128xf32, #tpu.memory_space<hbm>>
    tpu.enqueue_dma source(%dma_start3A_527 : memref<16x128xf32, #tpu.memory_space<hbm>>) target(%dma_start3A_525 : memref<16x128xf32, #tpu.memory_space<vmem>>) target_semaphore(%arg29 : memref<!tpu.dma_semaphore, #tpu.memory_space<semaphore_mem>>)
    %eq3A_528 = arith.constant 4 : i32
    %eq3A_529 = vector.broadcast %eq3A_528 : i32 to vector<16xi32>
    %eq3A_530 = arith.cmpi eq, %iota3A, %eq3A_529 : vector<16xi32>
    %jit3A_531 = arith.constant 0 : i32
    %broadcast_in_dim3A_532 = vector.broadcast %jit3A_531 : i32 to vector<16xi32>
    %select_n3A_533 = arith.select %eq3A_530, %get3A_431, %broadcast_in_dim3A_532 : vector<16xi1>, vector<16xi32>
    %reduce_sum3A_534 = arith.constant true
    %reduce_sum3A_535 = vector.broadcast %reduce_sum3A_534 : i1 to vector<16xi1>
    %reduce_sum3A_536 = tpu.scan <sum>, %select_n3A_533 masked %reduce_sum3A_535 : vector<16xi32>, vector<16xi1> -> vector<16xi32>
    %reduce_sum3A_537 = vector.extract %reduce_sum3A_536[15] : i32 from vector<16xi32>
    %multiple_of3A_538 = tpu.assume_multiple %reduce_sum3A_537, 128 : i32
    %dma_start3A_539 = arith.constant 12 : i32
    %dma_start3A_540 = arith.constant 0 : i32
    %dma_start3A_541 = arith.constant 0 : i32
    %dma_start3A_542 = tpu.memref_slice %arg22[%dma_start3A_539, %dma_start3A_540, %dma_start3A_541] : memref<16x16x128xf32, #tpu.memory_space<vmem>> -> memref<1x16x128xf32, #tpu.memory_space<vmem>>
    %dma_start3A_543 = tpu.memref_squeeze %dma_start3A_542 : memref<1x16x128xf32, #tpu.memory_space<vmem>> -> memref<16x128xf32, #tpu.memory_space<vmem>>
    %dma_start3A_544 = arith.constant 0 : i32
    %dma_start3A_545 = tpu.memref_slice %arg2[%dma_start3A_544, %multiple_of3A_538] : memref<16x1000000xf32, #tpu.memory_space<hbm>> -> memref<16x128xf32, #tpu.memory_space<hbm>>
    %dma_start3A_546 = arith.constant 0 : i32
    %dma_start3A_547 = arith.constant 0 : i32
    %dma_start3A_548 = tpu.memref_slice %arg22[%dma_start3A_539, %dma_start3A_546, %dma_start3A_547] : memref<16x16x128xf32, #tpu.memory_space<vmem>> -> memref<1x16x128xf32, #tpu.memory_space<vmem>>
    %dma_start3A_549 = tpu.memref_squeeze %dma_start3A_548 : memref<1x16x128xf32, #tpu.memory_space<vmem>> -> memref<16x128xf32, #tpu.memory_space<vmem>>
    %dma_start3A_550 = arith.constant 0 : i32
    %dma_start3A_551 = tpu.memref_slice %arg2[%dma_start3A_550, %multiple_of3A_538] : memref<16x1000000xf32, #tpu.memory_space<hbm>> -> memref<16x128xf32, #tpu.memory_space<hbm>>
    tpu.enqueue_dma source(%dma_start3A_551 : memref<16x128xf32, #tpu.memory_space<hbm>>) target(%dma_start3A_549 : memref<16x128xf32, #tpu.memory_space<vmem>>) target_semaphore(%arg29 : memref<!tpu.dma_semaphore, #tpu.memory_space<semaphore_mem>>)
    %eq3A_552 = arith.constant 5 : i32
    %eq3A_553 = vector.broadcast %eq3A_552 : i32 to vector<16xi32>
    %eq3A_554 = arith.cmpi eq, %iota3A, %eq3A_553 : vector<16xi32>
    %jit3A_555 = arith.constant 0 : i32
    %broadcast_in_dim3A_556 = vector.broadcast %jit3A_555 : i32 to vector<16xi32>
    %select_n3A_557 = arith.select %eq3A_554, %get3A_431, %broadcast_in_dim3A_556 : vector<16xi1>, vector<16xi32>
    %reduce_sum3A_558 = arith.constant true
    %reduce_sum3A_559 = vector.broadcast %reduce_sum3A_558 : i1 to vector<16xi1>
    %reduce_sum3A_560 = tpu.scan <sum>, %select_n3A_557 masked %reduce_sum3A_559 : vector<16xi32>, vector<16xi1> -> vector<16xi32>
    %reduce_sum3A_561 = vector.extract %reduce_sum3A_560[15] : i32 from vector<16xi32>
    %multiple_of3A_562 = tpu.assume_multiple %reduce_sum3A_561, 128 : i32
    %dma_start3A_563 = arith.constant 13 : i32
    %dma_start3A_564 = arith.constant 0 : i32
    %dma_start3A_565 = arith.constant 0 : i32
    %dma_start3A_566 = tpu.memref_slice %arg22[%dma_start3A_563, %dma_start3A_564, %dma_start3A_565] : memref<16x16x128xf32, #tpu.memory_space<vmem>> -> memref<1x16x128xf32, #tpu.memory_space<vmem>>
    %dma_start3A_567 = tpu.memref_squeeze %dma_start3A_566 : memref<1x16x128xf32, #tpu.memory_space<vmem>> -> memref<16x128xf32, #tpu.memory_space<vmem>>
    %dma_start3A_568 = arith.constant 0 : i32
    %dma_start3A_569 = tpu.memref_slice %arg2[%dma_start3A_568, %multiple_of3A_562] : memref<16x1000000xf32, #tpu.memory_space<hbm>> -> memref<16x128xf32, #tpu.memory_space<hbm>>
    %dma_start3A_570 = arith.constant 0 : i32
    %dma_start3A_571 = arith.constant 0 : i32
    %dma_start3A_572 = tpu.memref_slice %arg22[%dma_start3A_563, %dma_start3A_570, %dma_start3A_571] : memref<16x16x128xf32, #tpu.memory_space<vmem>> -> memref<1x16x128xf32, #tpu.memory_space<vmem>>
    %dma_start3A_573 = tpu.memref_squeeze %dma_start3A_572 : memref<1x16x128xf32, #tpu.memory_space<vmem>> -> memref<16x128xf32, #tpu.memory_space<vmem>>
    %dma_start3A_574 = arith.constant 0 : i32
    %dma_start3A_575 = tpu.memref_slice %arg2[%dma_start3A_574, %multiple_of3A_562] : memref<16x1000000xf32, #tpu.memory_space<hbm>> -> memref<16x128xf32, #tpu.memory_space<hbm>>
    tpu.enqueue_dma source(%dma_start3A_575 : memref<16x128xf32, #tpu.memory_space<hbm>>) target(%dma_start3A_573 : memref<16x128xf32, #tpu.memory_space<vmem>>) target_semaphore(%arg29 : memref<!tpu.dma_semaphore, #tpu.memory_space<semaphore_mem>>)
    %eq3A_576 = arith.constant 6 : i32
    %eq3A_577 = vector.broadcast %eq3A_576 : i32 to vector<16xi32>
    %eq3A_578 = arith.cmpi eq, %iota3A, %eq3A_577 : vector<16xi32>
    %jit3A_579 = arith.constant 0 : i32
    %broadcast_in_dim3A_580 = vector.broadcast %jit3A_579 : i32 to vector<16xi32>
    %select_n3A_581 = arith.select %eq3A_578, %get3A_431, %broadcast_in_dim3A_580 : vector<16xi1>, vector<16xi32>
    %reduce_sum3A_582 = arith.constant true
    %reduce_sum3A_583 = vector.broadcast %reduce_sum3A_582 : i1 to vector<16xi1>
    %reduce_sum3A_584 = tpu.scan <sum>, %select_n3A_581 masked %reduce_sum3A_583 : vector<16xi32>, vector<16xi1> -> vector<16xi32>
    %reduce_sum3A_585 = vector.extract %reduce_sum3A_584[15] : i32 from vector<16xi32>
    %multiple_of3A_586 = tpu.assume_multiple %reduce_sum3A_585, 128 : i32
    %dma_start3A_587 = arith.constant 14 : i32
    %dma_start3A_588 = arith.constant 0 : i32
    %dma_start3A_589 = arith.constant 0 : i32
    %dma_start3A_590 = tpu.memref_slice %arg22[%dma_start3A_587, %dma_start3A_588, %dma_start3A_589] : memref<16x16x128xf32, #tpu.memory_space<vmem>> -> memref<1x16x128xf32, #tpu.memory_space<vmem>>
    %dma_start3A_591 = tpu.memref_squeeze %dma_start3A_590 : memref<1x16x128xf32, #tpu.memory_space<vmem>> -> memref<16x128xf32, #tpu.memory_space<vmem>>
    %dma_start3A_592 = arith.constant 0 : i32
    %dma_start3A_593 = tpu.memref_slice %arg2[%dma_start3A_592, %multiple_of3A_586] : memref<16x1000000xf32, #tpu.memory_space<hbm>> -> memref<16x128xf32, #tpu.memory_space<hbm>>
    %dma_start3A_594 = arith.constant 0 : i32
    %dma_start3A_595 = arith.constant 0 : i32
    %dma_start3A_596 = tpu.memref_slice %arg22[%dma_start3A_587, %dma_start3A_594, %dma_start3A_595] : memref<16x16x128xf32, #tpu.memory_space<vmem>> -> memref<1x16x128xf32, #tpu.memory_space<vmem>>
    %dma_start3A_597 = tpu.memref_squeeze %dma_start3A_596 : memref<1x16x128xf32, #tpu.memory_space<vmem>> -> memref<16x128xf32, #tpu.memory_space<vmem>>
    %dma_start3A_598 = arith.constant 0 : i32
    %dma_start3A_599 = tpu.memref_slice %arg2[%dma_start3A_598, %multiple_of3A_586] : memref<16x1000000xf32, #tpu.memory_space<hbm>> -> memref<16x128xf32, #tpu.memory_space<hbm>>
    tpu.enqueue_dma source(%dma_start3A_599 : memref<16x128xf32, #tpu.memory_space<hbm>>) target(%dma_start3A_597 : memref<16x128xf32, #tpu.memory_space<vmem>>) target_semaphore(%arg29 : memref<!tpu.dma_semaphore, #tpu.memory_space<semaphore_mem>>)
    %eq3A_600 = arith.constant 7 : i32
    %eq3A_601 = vector.broadcast %eq3A_600 : i32 to vector<16xi32>
    %eq3A_602 = arith.cmpi eq, %iota3A, %eq3A_601 : vector<16xi32>
    %jit3A_603 = arith.constant 0 : i32
    %broadcast_in_dim3A_604 = vector.broadcast %jit3A_603 : i32 to vector<16xi32>
    %select_n3A_605 = arith.select %eq3A_602, %get3A_431, %broadcast_in_dim3A_604 : vector<16xi1>, vector<16xi32>
    %reduce_sum3A_606 = arith.constant true
    %reduce_sum3A_607 = vector.broadcast %reduce_sum3A_606 : i1 to vector<16xi1>
    %reduce_sum3A_608 = tpu.scan <sum>, %select_n3A_605 masked %reduce_sum3A_607 : vector<16xi32>, vector<16xi1> -> vector<16xi32>
    %reduce_sum3A_609 = vector.extract %reduce_sum3A_608[15] : i32 from vector<16xi32>
    %multiple_of3A_610 = tpu.assume_multiple %reduce_sum3A_609, 128 : i32
    %dma_start3A_611 = arith.constant 15 : i32
    %dma_start3A_612 = arith.constant 0 : i32
    %dma_start3A_613 = arith.constant 0 : i32
    %dma_start3A_614 = tpu.memref_slice %arg22[%dma_start3A_611, %dma_start3A_612, %dma_start3A_613] : memref<16x16x128xf32, #tpu.memory_space<vmem>> -> memref<1x16x128xf32, #tpu.memory_space<vmem>>
    %dma_start3A_615 = tpu.memref_squeeze %dma_start3A_614 : memref<1x16x128xf32, #tpu.memory_space<vmem>> -> memref<16x128xf32, #tpu.memory_space<vmem>>
    %dma_start3A_616 = arith.constant 0 : i32
    %dma_start3A_617 = tpu.memref_slice %arg2[%dma_start3A_616, %multiple_of3A_610] : memref<16x1000000xf32, #tpu.memory_space<hbm>> -> memref<16x128xf32, #tpu.memory_space<hbm>>
    %dma_start3A_618 = arith.constant 0 : i32
    %dma_start3A_619 = arith.constant 0 : i32
    %dma_start3A_620 = tpu.memref_slice %arg22[%dma_start3A_611, %dma_start3A_618, %dma_start3A_619] : memref<16x16x128xf32, #tpu.memory_space<vmem>> -> memref<1x16x128xf32, #tpu.memory_space<vmem>>
    %dma_start3A_621 = tpu.memref_squeeze %dma_start3A_620 : memref<1x16x128xf32, #tpu.memory_space<vmem>> -> memref<16x128xf32, #tpu.memory_space<vmem>>
    %dma_start3A_622 = arith.constant 0 : i32
    %dma_start3A_623 = tpu.memref_slice %arg2[%dma_start3A_622, %multiple_of3A_610] : memref<16x1000000xf32, #tpu.memory_space<hbm>> -> memref<16x128xf32, #tpu.memory_space<hbm>>
    tpu.enqueue_dma source(%dma_start3A_623 : memref<16x128xf32, #tpu.memory_space<hbm>>) target(%dma_start3A_621 : memref<16x128xf32, #tpu.memory_space<vmem>>) target_semaphore(%arg29 : memref<!tpu.dma_semaphore, #tpu.memory_space<semaphore_mem>>)
    %mul3A_624 = arith.constant 1 : i32
    %mul3A_625 = arith.constant 8 : i32
    %mul3A_626 = arith.muli %mul3A_624, %mul3A_625 : i32
    %get3A_627 = arith.index_cast %mul3A_626 : i32 to index
    %get3A_628 = tpu.vector_load %arg17[%get3A_627] {strides = array<i32>} : memref<528xi32, #tpu.memory_space<vmem>>, vector<16xi32>,
    %eq3A_629 = arith.constant 0 : i32
    %eq3A_630 = vector.broadcast %eq3A_629 : i32 to vector<16xi32>
    %eq3A_631 = arith.cmpi eq, %iota3A, %eq3A_630 : vector<16xi32>
    %jit3A_632 = arith.constant 0 : i32
    %broadcast_in_dim3A_633 = vector.broadcast %jit3A_632 : i32 to vector<16xi32>
    %select_n3A_634 = arith.select %eq3A_631, %get3A_628, %broadcast_in_dim3A_633 : vector<16xi1>, vector<16xi32>
    %reduce_sum3A_635 = arith.constant true
    %reduce_sum3A_636 = vector.broadcast %reduce_sum3A_635 : i1 to vector<16xi1>
    %reduce_sum3A_637 = tpu.scan <sum>, %select_n3A_634 masked %reduce_sum3A_636 : vector<16xi32>, vector<16xi1> -> vector<16xi32>
    %reduce_sum3A_638 = vector.extract %reduce_sum3A_637[15] : i32 from vector<16xi32>
    %multiple_of3A_639 = tpu.assume_multiple %reduce_sum3A_638, 128 : i32
    %dma_start3A_640 = arith.constant 8 : i32
    %dma_start3A_641 = arith.constant 0 : i32
    %dma_start3A_642 = arith.constant 0 : i32
    %dma_start3A_643 = tpu.memref_slice %arg23[%dma_start3A_640, %dma_start3A_641, %dma_start3A_642] : memref<16x16x128xf32, #tpu.memory_space<vmem>> -> memref<1x16x128xf32, #tpu.memory_space<vmem>>
    %dma_start3A_644 = tpu.memref_squeeze %dma_start3A_643 : memref<1x16x128xf32, #tpu.memory_space<vmem>> -> memref<16x128xf32, #tpu.memory_space<vmem>>
    %dma_start3A_645 = arith.constant 0 : i32
    %dma_start3A_646 = tpu.memref_slice %arg3[%dma_start3A_645, %multiple_of3A_639] : memref<16x1000000xf32, #tpu.memory_space<hbm>> -> memref<16x128xf32, #tpu.memory_space<hbm>>
    %dma_start3A_647 = arith.constant 0 : i32
    %dma_start3A_648 = arith.constant 0 : i32
    %dma_start3A_649 = tpu.memref_slice %arg23[%dma_start3A_640, %dma_start3A_647, %dma_start3A_648] : memref<16x16x128xf32, #tpu.memory_space<vmem>> -> memref<1x16x128xf32, #tpu.memory_space<vmem>>
    %dma_start3A_650 = tpu.memref_squeeze %dma_start3A_649 : memref<1x16x128xf32, #tpu.memory_space<vmem>> -> memref<16x128xf32, #tpu.memory_space<vmem>>
    %dma_start3A_651 = arith.constant 0 : i32
    %dma_start3A_652 = tpu.memref_slice %arg3[%dma_start3A_651, %multiple_of3A_639] : memref<16x1000000xf32, #tpu.memory_space<hbm>> -> memref<16x128xf32, #tpu.memory_space<hbm>>
    tpu.enqueue_dma source(%dma_start3A_652 : memref<16x128xf32, #tpu.memory_space<hbm>>) target(%dma_start3A_650 : memref<16x128xf32, #tpu.memory_space<vmem>>) target_semaphore(%arg31 : memref<!tpu.dma_semaphore, #tpu.memory_space<semaphore_mem>>)
    %eq3A_653 = arith.constant 1 : i32
    %eq3A_654 = vector.broadcast %eq3A_653 : i32 to vector<16xi32>
    %eq3A_655 = arith.cmpi eq, %iota3A, %eq3A_654 : vector<16xi32>
    %jit3A_656 = arith.constant 0 : i32
    %broadcast_in_dim3A_657 = vector.broadcast %jit3A_656 : i32 to vector<16xi32>
    %select_n3A_658 = arith.select %eq3A_655, %get3A_628, %broadcast_in_dim3A_657 : vector<16xi1>, vector<16xi32>
    %reduce_sum3A_659 = arith.constant true
    %reduce_sum3A_660 = vector.broadcast %reduce_sum3A_659 : i1 to vector<16xi1>
    %reduce_sum3A_661 = tpu.scan <sum>, %select_n3A_658 masked %reduce_sum3A_660 : vector<16xi32>, vector<16xi1> -> vector<16xi32>
    %reduce_sum3A_662 = vector.extract %reduce_sum3A_661[15] : i32 from vector<16xi32>
    %multiple_of3A_663 = tpu.assume_multiple %reduce_sum3A_662, 128 : i32
    %dma_start3A_664 = arith.constant 9 : i32
    %dma_start3A_665 = arith.constant 0 : i32
    %dma_start3A_666 = arith.constant 0 : i32
    %dma_start3A_667 = tpu.memref_slice %arg23[%dma_start3A_664, %dma_start3A_665, %dma_start3A_666] : memref<16x16x128xf32, #tpu.memory_space<vmem>> -> memref<1x16x128xf32, #tpu.memory_space<vmem>>
    %dma_start3A_668 = tpu.memref_squeeze %dma_start3A_667 : memref<1x16x128xf32, #tpu.memory_space<vmem>> -> memref<16x128xf32, #tpu.memory_space<vmem>>
    %dma_start3A_669 = arith.constant 0 : i32
    %dma_start3A_670 = tpu.memref_slice %arg3[%dma_start3A_669, %multiple_of3A_663] : memref<16x1000000xf32, #tpu.memory_space<hbm>> -> memref<16x128xf32, #tpu.memory_space<hbm>>
    %dma_start3A_671 = arith.constant 0 : i32
    %dma_start3A_672 = arith.constant 0 : i32
    %dma_start3A_673 = tpu.memref_slice %arg23[%dma_start3A_664, %dma_start3A_671, %dma_start3A_672] : memref<16x16x128xf32, #tpu.memory_space<vmem>> -> memref<1x16x128xf32, #tpu.memory_space<vmem>>
    %dma_start3A_674 = tpu.memref_squeeze %dma_start3A_673 : memref<1x16x128xf32, #tpu.memory_space<vmem>> -> memref<16x128xf32, #tpu.memory_space<vmem>>
    %dma_start3A_675 = arith.constant 0 : i32
    %dma_start3A_676 = tpu.memref_slice %arg3[%dma_start3A_675, %multiple_of3A_663] : memref<16x1000000xf32, #tpu.memory_space<hbm>> -> memref<16x128xf32, #tpu.memory_space<hbm>>
    tpu.enqueue_dma source(%dma_start3A_676 : memref<16x128xf32, #tpu.memory_space<hbm>>) target(%dma_start3A_674 : memref<16x128xf32, #tpu.memory_space<vmem>>) target_semaphore(%arg31 : memref<!tpu.dma_semaphore, #tpu.memory_space<semaphore_mem>>)
    %eq3A_677 = arith.constant 2 : i32
    %eq3A_678 = vector.broadcast %eq3A_677 : i32 to vector<16xi32>
    %eq3A_679 = arith.cmpi eq, %iota3A, %eq3A_678 : vector<16xi32>
    %jit3A_680 = arith.constant 0 : i32
    %broadcast_in_dim3A_681 = vector.broadcast %jit3A_680 : i32 to vector<16xi32>
    %select_n3A_682 = arith.select %eq3A_679, %get3A_628, %broadcast_in_dim3A_681 : vector<16xi1>, vector<16xi32>
    %reduce_sum3A_683 = arith.constant true
    %reduce_sum3A_684 = vector.broadcast %reduce_sum3A_683 : i1 to vector<16xi1>
    %reduce_sum3A_685 = tpu.scan <sum>, %select_n3A_682 masked %reduce_sum3A_684 : vector<16xi32>, vector<16xi1> -> vector<16xi32>
    %reduce_sum3A_686 = vector.extract %reduce_sum3A_685[15] : i32 from vector<16xi32>
    %multiple_of3A_687 = tpu.assume_multiple %reduce_sum3A_686, 128 : i32
    %dma_start3A_688 = arith.constant 10 : i32
    %dma_start3A_689 = arith.constant 0 : i32
    %dma_start3A_690 = arith.constant 0 : i32
    %dma_start3A_691 = tpu.memref_slice %arg23[%dma_start3A_688, %dma_start3A_689, %dma_start3A_690] : memref<16x16x128xf32, #tpu.memory_space<vmem>> -> memref<1x16x128xf32, #tpu.memory_space<vmem>>
    %dma_start3A_692 = tpu.memref_squeeze %dma_start3A_691 : memref<1x16x128xf32, #tpu.memory_space<vmem>> -> memref<16x128xf32, #tpu.memory_space<vmem>>
    %dma_start3A_693 = arith.constant 0 : i32
    %dma_start3A_694 = tpu.memref_slice %arg3[%dma_start3A_693, %multiple_of3A_687] : memref<16x1000000xf32, #tpu.memory_space<hbm>> -> memref<16x128xf32, #tpu.memory_space<hbm>>
    %dma_start3A_695 = arith.constant 0 : i32
    %dma_start3A_696 = arith.constant 0 : i32
    %dma_start3A_697 = tpu.memref_slice %arg23[%dma_start3A_688, %dma_start3A_695, %dma_start3A_696] : memref<16x16x128xf32, #tpu.memory_space<vmem>> -> memref<1x16x128xf32, #tpu.memory_space<vmem>>
    %dma_start3A_698 = tpu.memref_squeeze %dma_start3A_697 : memref<1x16x128xf32, #tpu.memory_space<vmem>> -> memref<16x128xf32, #tpu.memory_space<vmem>>
    %dma_start3A_699 = arith.constant 0 : i32
    %dma_start3A_700 = tpu.memref_slice %arg3[%dma_start3A_699, %multiple_of3A_687] : memref<16x1000000xf32, #tpu.memory_space<hbm>> -> memref<16x128xf32, #tpu.memory_space<hbm>>
    tpu.enqueue_dma source(%dma_start3A_700 : memref<16x128xf32, #tpu.memory_space<hbm>>) target(%dma_start3A_698 : memref<16x128xf32, #tpu.memory_space<vmem>>) target_semaphore(%arg31 : memref<!tpu.dma_semaphore, #tpu.memory_space<semaphore_mem>>)
    %eq3A_701 = arith.constant 3 : i32
    %eq3A_702 = vector.broadcast %eq3A_701 : i32 to vector<16xi32>
    %eq3A_703 = arith.cmpi eq, %iota3A, %eq3A_702 : vector<16xi32>
    %jit3A_704 = arith.constant 0 : i32
    %broadcast_in_dim3A_705 = vector.broadcast %jit3A_704 : i32 to vector<16xi32>
    %select_n3A_706 = arith.select %eq3A_703, %get3A_628, %broadcast_in_dim3A_705 : vector<16xi1>, vector<16xi32>
    %reduce_sum3A_707 = arith.constant true
    %reduce_sum3A_708 = vector.broadcast %reduce_sum3A_707 : i1 to vector<16xi1>
    %reduce_sum3A_709 = tpu.scan <sum>, %select_n3A_706 masked %reduce_sum3A_708 : vector<16xi32>, vector<16xi1> -> vector<16xi32>
    %reduce_sum3A_710 = vector.extract %reduce_sum3A_709[15] : i32 from vector<16xi32>
    %multiple_of3A_711 = tpu.assume_multiple %reduce_sum3A_710, 128 : i32
    %dma_start3A_712 = arith.constant 11 : i32
    %dma_start3A_713 = arith.constant 0 : i32
    %dma_start3A_714 = arith.constant 0 : i32
    %dma_start3A_715 = tpu.memref_slice %arg23[%dma_start3A_712, %dma_start3A_713, %dma_start3A_714] : memref<16x16x128xf32, #tpu.memory_space<vmem>> -> memref<1x16x128xf32, #tpu.memory_space<vmem>>
    %dma_start3A_716 = tpu.memref_squeeze %dma_start3A_715 : memref<1x16x128xf32, #tpu.memory_space<vmem>> -> memref<16x128xf32, #tpu.memory_space<vmem>>
    %dma_start3A_717 = arith.constant 0 : i32
    %dma_start3A_718 = tpu.memref_slice %arg3[%dma_start3A_717, %multiple_of3A_711] : memref<16x1000000xf32, #tpu.memory_space<hbm>> -> memref<16x128xf32, #tpu.memory_space<hbm>>
    %dma_start3A_719 = arith.constant 0 : i32
    %dma_start3A_720 = arith.constant 0 : i32
    %dma_start3A_721 = tpu.memref_slice %arg23[%dma_start3A_712, %dma_start3A_719, %dma_start3A_720] : memref<16x16x128xf32, #tpu.memory_space<vmem>> -> memref<1x16x128xf32, #tpu.memory_space<vmem>>
    %dma_start3A_722 = tpu.memref_squeeze %dma_start3A_721 : memref<1x16x128xf32, #tpu.memory_space<vmem>> -> memref<16x128xf32, #tpu.memory_space<vmem>>
    %dma_start3A_723 = arith.constant 0 : i32
    %dma_start3A_724 = tpu.memref_slice %arg3[%dma_start3A_723, %multiple_of3A_711] : memref<16x1000000xf32, #tpu.memory_space<hbm>> -> memref<16x128xf32, #tpu.memory_space<hbm>>
    tpu.enqueue_dma source(%dma_start3A_724 : memref<16x128xf32, #tpu.memory_space<hbm>>) target(%dma_start3A_722 : memref<16x128xf32, #tpu.memory_space<vmem>>) target_semaphore(%arg31 : memref<!tpu.dma_semaphore, #tpu.memory_space<semaphore_mem>>)
    %eq3A_725 = arith.constant 4 : i32
    %eq3A_726 = vector.broadcast %eq3A_725 : i32 to vector<16xi32>
    %eq3A_727 = arith.cmpi eq, %iota3A, %eq3A_726 : vector<16xi32>
    %jit3A_728 = arith.constant 0 : i32
    %broadcast_in_dim3A_729 = vector.broadcast %jit3A_728 : i32 to vector<16xi32>
    %select_n3A_730 = arith.select %eq3A_727, %get3A_628, %broadcast_in_dim3A_729 : vector<16xi1>, vector<16xi32>
    %reduce_sum3A_731 = arith.constant true
    %reduce_sum3A_732 = vector.broadcast %reduce_sum3A_731 : i1 to vector<16xi1>
    %reduce_sum3A_733 = tpu.scan <sum>, %select_n3A_730 masked %reduce_sum3A_732 : vector<16xi32>, vector<16xi1> -> vector<16xi32>
    %reduce_sum3A_734 = vector.extract %reduce_sum3A_733[15] : i32 from vector<16xi32>
    %multiple_of3A_735 = tpu.assume_multiple %reduce_sum3A_734, 128 : i32
    %dma_start3A_736 = arith.constant 12 : i32
    %dma_start3A_737 = arith.constant 0 : i32
    %dma_start3A_738 = arith.constant 0 : i32
    %dma_start3A_739 = tpu.memref_slice %arg23[%dma_start3A_736, %dma_start3A_737, %dma_start3A_738] : memref<16x16x128xf32, #tpu.memory_space<vmem>> -> memref<1x16x128xf32, #tpu.memory_space<vmem>>
    %dma_start3A_740 = tpu.memref_squeeze %dma_start3A_739 : memref<1x16x128xf32, #tpu.memory_space<vmem>> -> memref<16x128xf32, #tpu.memory_space<vmem>>
    %dma_start3A_741 = arith.constant 0 : i32
    %dma_start3A_742 = tpu.memref_slice %arg3[%dma_start3A_741, %multiple_of3A_735] : memref<16x1000000xf32, #tpu.memory_space<hbm>> -> memref<16x128xf32, #tpu.memory_space<hbm>>
    %dma_start3A_743 = arith.constant 0 : i32
    %dma_start3A_744 = arith.constant 0 : i32
    %dma_start3A_745 = tpu.memref_slice %arg23[%dma_start3A_736, %dma_start3A_743, %dma_start3A_744] : memref<16x16x128xf32, #tpu.memory_space<vmem>> -> memref<1x16x128xf32, #tpu.memory_space<vmem>>
    %dma_start3A_746 = tpu.memref_squeeze %dma_start3A_745 : memref<1x16x128xf32, #tpu.memory_space<vmem>> -> memref<16x128xf32, #tpu.memory_space<vmem>>
    %dma_start3A_747 = arith.constant 0 : i32
    %dma_start3A_748 = tpu.memref_slice %arg3[%dma_start3A_747, %multiple_of3A_735] : memref<16x1000000xf32, #tpu.memory_space<hbm>> -> memref<16x128xf32, #tpu.memory_space<hbm>>
    tpu.enqueue_dma source(%dma_start3A_748 : memref<16x128xf32, #tpu.memory_space<hbm>>) target(%dma_start3A_746 : memref<16x128xf32, #tpu.memory_space<vmem>>) target_semaphore(%arg31 : memref<!tpu.dma_semaphore, #tpu.memory_space<semaphore_mem>>)
    %eq3A_749 = arith.constant 5 : i32
    %eq3A_750 = vector.broadcast %eq3A_749 : i32 to vector<16xi32>
    %eq3A_751 = arith.cmpi eq, %iota3A, %eq3A_750 : vector<16xi32>
    %jit3A_752 = arith.constant 0 : i32
    %broadcast_in_dim3A_753 = vector.broadcast %jit3A_752 : i32 to vector<16xi32>
    %select_n3A_754 = arith.select %eq3A_751, %get3A_628, %broadcast_in_dim3A_753 : vector<16xi1>, vector<16xi32>
    %reduce_sum3A_755 = arith.constant true
    %reduce_sum3A_756 = vector.broadcast %reduce_sum3A_755 : i1 to vector<16xi1>
    %reduce_sum3A_757 = tpu.scan <sum>, %select_n3A_754 masked %reduce_sum3A_756 : vector<16xi32>, vector<16xi1> -> vector<16xi32>
    %reduce_sum3A_758 = vector.extract %reduce_sum3A_757[15] : i32 from vector<16xi32>
    %multiple_of3A_759 = tpu.assume_multiple %reduce_sum3A_758, 128 : i32
    %dma_start3A_760 = arith.constant 13 : i32
    %dma_start3A_761 = arith.constant 0 : i32
    %dma_start3A_762 = arith.constant 0 : i32
    %dma_start3A_763 = tpu.memref_slice %arg23[%dma_start3A_760, %dma_start3A_761, %dma_start3A_762] : memref<16x16x128xf32, #tpu.memory_space<vmem>> -> memref<1x16x128xf32, #tpu.memory_space<vmem>>
    %dma_start3A_764 = tpu.memref_squeeze %dma_start3A_763 : memref<1x16x128xf32, #tpu.memory_space<vmem>> -> memref<16x128xf32, #tpu.memory_space<vmem>>
    %dma_start3A_765 = arith.constant 0 : i32
    %dma_start3A_766 = tpu.memref_slice %arg3[%dma_start3A_765, %multiple_of3A_759] : memref<16x1000000xf32, #tpu.memory_space<hbm>> -> memref<16x128xf32, #tpu.memory_space<hbm>>
    %dma_start3A_767 = arith.constant 0 : i32
    %dma_start3A_768 = arith.constant 0 : i32
    %dma_start3A_769 = tpu.memref_slice %arg23[%dma_start3A_760, %dma_start3A_767, %dma_start3A_768] : memref<16x16x128xf32, #tpu.memory_space<vmem>> -> memref<1x16x128xf32, #tpu.memory_space<vmem>>
    %dma_start3A_770 = tpu.memref_squeeze %dma_start3A_769 : memref<1x16x128xf32, #tpu.memory_space<vmem>> -> memref<16x128xf32, #tpu.memory_space<vmem>>
    %dma_start3A_771 = arith.constant 0 : i32
    %dma_start3A_772 = tpu.memref_slice %arg3[%dma_start3A_771, %multiple_of3A_759] : memref<16x1000000xf32, #tpu.memory_space<hbm>> -> memref<16x128xf32, #tpu.memory_space<hbm>>
    tpu.enqueue_dma source(%dma_start3A_772 : memref<16x128xf32, #tpu.memory_space<hbm>>) target(%dma_start3A_770 : memref<16x128xf32, #tpu.memory_space<vmem>>) target_semaphore(%arg31 : memref<!tpu.dma_semaphore, #tpu.memory_space<semaphore_mem>>)
    %eq3A_773 = arith.constant 6 : i32
    %eq3A_774 = vector.broadcast %eq3A_773 : i32 to vector<16xi32>
    %eq3A_775 = arith.cmpi eq, %iota3A, %eq3A_774 : vector<16xi32>
    %jit3A_776 = arith.constant 0 : i32
    %broadcast_in_dim3A_777 = vector.broadcast %jit3A_776 : i32 to vector<16xi32>
    %select_n3A_778 = arith.select %eq3A_775, %get3A_628, %broadcast_in_dim3A_777 : vector<16xi1>, vector<16xi32>
    %reduce_sum3A_779 = arith.constant true
    %reduce_sum3A_780 = vector.broadcast %reduce_sum3A_779 : i1 to vector<16xi1>
    %reduce_sum3A_781 = tpu.scan <sum>, %select_n3A_778 masked %reduce_sum3A_780 : vector<16xi32>, vector<16xi1> -> vector<16xi32>
    %reduce_sum3A_782 = vector.extract %reduce_sum3A_781[15] : i32 from vector<16xi32>
    %multiple_of3A_783 = tpu.assume_multiple %reduce_sum3A_782, 128 : i32
    %dma_start3A_784 = arith.constant 14 : i32
    %dma_start3A_785 = arith.constant 0 : i32
    %dma_start3A_786 = arith.constant 0 : i32
    %dma_start3A_787 = tpu.memref_slice %arg23[%dma_start3A_784, %dma_start3A_785, %dma_start3A_786] : memref<16x16x128xf32, #tpu.memory_space<vmem>> -> memref<1x16x128xf32, #tpu.memory_space<vmem>>
    %dma_start3A_788 = tpu.memref_squeeze %dma_start3A_787 : memref<1x16x128xf32, #tpu.memory_space<vmem>> -> memref<16x128xf32, #tpu.memory_space<vmem>>
    %dma_start3A_789 = arith.constant 0 : i32
    %dma_start3A_790 = tpu.memref_slice %arg3[%dma_start3A_789, %multiple_of3A_783] : memref<16x1000000xf32, #tpu.memory_space<hbm>> -> memref<16x128xf32, #tpu.memory_space<hbm>>
    %dma_start3A_791 = arith.constant 0 : i32
    %dma_start3A_792 = arith.constant 0 : i32
    %dma_start3A_793 = tpu.memref_slice %arg23[%dma_start3A_784, %dma_start3A_791, %dma_start3A_792] : memref<16x16x128xf32, #tpu.memory_space<vmem>> -> memref<1x16x128xf32, #tpu.memory_space<vmem>>
    %dma_start3A_794 = tpu.memref_squeeze %dma_start3A_793 : memref<1x16x128xf32, #tpu.memory_space<vmem>> -> memref<16x128xf32, #tpu.memory_space<vmem>>
    %dma_start3A_795 = arith.constant 0 : i32
    %dma_start3A_796 = tpu.memref_slice %arg3[%dma_start3A_795, %multiple_of3A_783] : memref<16x1000000xf32, #tpu.memory_space<hbm>> -> memref<16x128xf32, #tpu.memory_space<hbm>>
    tpu.enqueue_dma source(%dma_start3A_796 : memref<16x128xf32, #tpu.memory_space<hbm>>) target(%dma_start3A_794 : memref<16x128xf32, #tpu.memory_space<vmem>>) target_semaphore(%arg31 : memref<!tpu.dma_semaphore, #tpu.memory_space<semaphore_mem>>)
    %eq3A_797 = arith.constant 7 : i32
    %eq3A_798 = vector.broadcast %eq3A_797 : i32 to vector<16xi32>
    %eq3A_799 = arith.cmpi eq, %iota3A, %eq3A_798 : vector<16xi32>
    %jit3A_800 = arith.constant 0 : i32
    %broadcast_in_dim3A_801 = vector.broadcast %jit3A_800 : i32 to vector<16xi32>
    %select_n3A_802 = arith.select %eq3A_799, %get3A_628, %broadcast_in_dim3A_801 : vector<16xi1>, vector<16xi32>
    %reduce_sum3A_803 = arith.constant true
    %reduce_sum3A_804 = vector.broadcast %reduce_sum3A_803 : i1 to vector<16xi1>
    %reduce_sum3A_805 = tpu.scan <sum>, %select_n3A_802 masked %reduce_sum3A_804 : vector<16xi32>, vector<16xi1> -> vector<16xi32>
    %reduce_sum3A_806 = vector.extract %reduce_sum3A_805[15] : i32 from vector<16xi32>
    %multiple_of3A_807 = tpu.assume_multiple %reduce_sum3A_806, 128 : i32
    %dma_start3A_808 = arith.constant 15 : i32
    %dma_start3A_809 = arith.constant 0 : i32
    %dma_start3A_810 = arith.constant 0 : i32
    %dma_start3A_811 = tpu.memref_slice %arg23[%dma_start3A_808, %dma_start3A_809, %dma_start3A_810] : memref<16x16x128xf32, #tpu.memory_space<vmem>> -> memref<1x16x128xf32, #tpu.memory_space<vmem>>
    %dma_start3A_812 = tpu.memref_squeeze %dma_start3A_811 : memref<1x16x128xf32, #tpu.memory_space<vmem>> -> memref<16x128xf32, #tpu.memory_space<vmem>>
    %dma_start3A_813 = arith.constant 0 : i32
    %dma_start3A_814 = tpu.memref_slice %arg3[%dma_start3A_813, %multiple_of3A_807] : memref<16x1000000xf32, #tpu.memory_space<hbm>> -> memref<16x128xf32, #tpu.memory_space<hbm>>
    %dma_start3A_815 = arith.constant 0 : i32
    %dma_start3A_816 = arith.constant 0 : i32
    %dma_start3A_817 = tpu.memref_slice %arg23[%dma_start3A_808, %dma_start3A_815, %dma_start3A_816] : memref<16x16x128xf32, #tpu.memory_space<vmem>> -> memref<1x16x128xf32, #tpu.memory_space<vmem>>
    %dma_start3A_818 = tpu.memref_squeeze %dma_start3A_817 : memref<1x16x128xf32, #tpu.memory_space<vmem>> -> memref<16x128xf32, #tpu.memory_space<vmem>>
    %dma_start3A_819 = arith.constant 0 : i32
    %dma_start3A_820 = tpu.memref_slice %arg3[%dma_start3A_819, %multiple_of3A_807] : memref<16x1000000xf32, #tpu.memory_space<hbm>> -> memref<16x128xf32, #tpu.memory_space<hbm>>
    tpu.enqueue_dma source(%dma_start3A_820 : memref<16x128xf32, #tpu.memory_space<hbm>>) target(%dma_start3A_818 : memref<16x128xf32, #tpu.memory_space<vmem>>) target_semaphore(%arg31 : memref<!tpu.dma_semaphore, #tpu.memory_space<semaphore_mem>>)
    %scan3A = arith.constant 0 : i32
    %scan3A_821 = arith.constant 32 : i32
    %scan3A_822 = arith.addi %scan3A, %scan3A_821 : i32
    %scan3A_823 = arith.constant 1 : i32
    scf.for %scan3A_1103 = %scan3A to %scan3A_822 step %scan3A_823  : i32 {
      %mul3A_1104 = arith.constant 1 : i32
      %mul3A_1105 = arith.muli %scan3A_1103, %mul3A_1104 : i32
      %add3A_1106 = arith.constant 0 : i32
      %add3A_1107 = arith.addi %add3A_1106, %mul3A_1105 : i32
      %mul3A_1108 = arith.constant 2 : i32
      %mul3A_1109 = arith.muli %add3A_1107, %mul3A_1108 : i32
      %add3A_1110 = arith.constant 0 : i32
      %add3A_1111 = arith.addi %mul3A_1109, %add3A_1110 : i32
      %dma_wait3A_1112 = arith.constant 0 : i32
      %dma_wait3A_1113 = arith.constant 0 : i32
      %dma_wait3A_1114 = arith.constant 0 : i32
      %dma_wait3A_1115 = tpu.memref_slice %arg22[%dma_wait3A_1112, %dma_wait3A_1113, %dma_wait3A_1114] : memref<16x16x128xf32, #tpu.memory_space<vmem>> -> memref<8x16x128xf32, #tpu.memory_space<vmem>>
      %dma_wait3A_1116 = arith.constant 0 : i32
      %dma_wait3A_1117 = arith.constant 0 : i32
      %dma_wait3A_1118 = tpu.memref_slice %arg2[%dma_wait3A_1116, %dma_wait3A_1117] : memref<16x1000000xf32, #tpu.memory_space<hbm>> -> memref<16x1024xf32, #tpu.memory_space<hbm>>
      %dma_wait3A_1119 = arith.constant 0 : i32
      %dma_wait3A_1120 = arith.constant 0 : i32
      %dma_wait3A_1121 = arith.constant 0 : i32
      %dma_wait3A_1122 = tpu.memref_slice %arg22[%dma_wait3A_1119, %dma_wait3A_1120, %dma_wait3A_1121] : memref<16x16x128xf32, #tpu.memory_space<vmem>> -> memref<8x16x128xf32, #tpu.memory_space<vmem>>
      %dma_wait3A_1123 = arith.constant 0 : i32
      %dma_wait3A_1124 = arith.constant 0 : i32
      %dma_wait3A_1125 = tpu.memref_slice %arg2[%dma_wait3A_1123, %dma_wait3A_1124] : memref<16x1000000xf32, #tpu.memory_space<hbm>> -> memref<16x1024xf32, #tpu.memory_space<hbm>>
      tpu.wait_dma2 semaphore(%arg28 : memref<!tpu.dma_semaphore, #tpu.memory_space<semaphore_mem>>) src(%dma_wait3A_1125 : memref<16x1024xf32, #tpu.memory_space<hbm>>) dst(%dma_wait3A_1122 : memref<8x16x128xf32, #tpu.memory_space<vmem>>)
      %mul3A_1126 = arith.constant 8 : i32
      %mul3A_1127 = arith.muli %add3A_1111, %mul3A_1126 : i32
      %get3A_1128 = arith.index_cast %mul3A_1127 : i32 to index
      %get3A_1129 = tpu.vector_load %arg16[%get3A_1128] {strides = array<i32>} : memref<528xi32, #tpu.memory_space<vmem>>, vector<16xi32>,
      %and3A_1130 = arith.constant 127 : i32
      %and3A_1131 = vector.broadcast %and3A_1130 : i32 to vector<16xi32>
      %and3A_1132 = arith.andi %get3A_1129, %and3A_1131 : vector<16xi32>
      %and3A_1133 = arith.constant 7 : i32
      %and3A_1134 = vector.broadcast %and3A_1133 : i32 to vector<16xi32>
      %and3A_1135 = arith.andi %iota3A, %and3A_1134 : vector<16xi32>
      %add3A_1136 = arith.constant 0 : i32
      %add3A_1137 = vector.broadcast %add3A_1136 : i32 to vector<16xi32>
      %add3A_1138 = arith.addi %add3A_1137, %and3A_1135 : vector<16xi32>
      %mul3A_1139 = arith.constant 16 : i32
      %mul3A_1140 = vector.broadcast %mul3A_1139 : i32 to vector<16xi32>
      %mul3A_1141 = arith.muli %iota3A, %mul3A_1140 : vector<16xi32>
      %mul3A_1142 = arith.constant 128 : i32
      %mul3A_1143 = arith.muli %add3A_1111, %mul3A_1142 : i32
      %add3A_1144 = vector.broadcast %mul3A_1143 : i32 to vector<16xi32>
      %add3A_1145 = arith.addi %mul3A_1141, %add3A_1144 : vector<16xi32>
      %scan3A_1146 = arith.constant 0 : i32
      %scan3A_1147 = arith.constant 16 : i32
      %scan3A_1148 = arith.addi %scan3A_1146, %scan3A_1147 : i32
      %scan3A_1149 = arith.constant 1 : i32
      scf.for %scan3A_1290 = %scan3A_1146 to %scan3A_1148 step %scan3A_1149  : i32 {
        %mul3A_1291 = arith.constant 1 : i32
        %mul3A_1292 = arith.muli %scan3A_1290, %mul3A_1291 : i32
        %add3A_1293 = arith.constant 0 : i32
        %add3A_1294 = arith.addi %add3A_1293, %mul3A_1292 : i32
        %broadcast_in_dim3A_1295 = arith.constant 0 : i32
        %broadcast_in_dim3A_1296 = vector.broadcast %broadcast_in_dim3A_1295 : i32 to vector<16xi32>
        %add3A_1297 = vector.broadcast %add3A_1294 : i32 to vector<16xi32>
        %add3A_1298 = arith.addi %broadcast_in_dim3A_1296, %add3A_1297 : vector<16xi32>
        %gather3A = tpu.vector_load_idx %arg22[%add3A_1138, %add3A_1298, %and3A_1132] masked %lt3A_39 : memref<16x16x128xf32, #tpu.memory_space<vmem>>[vector<16xi32>, vector<16xi32>, vector<16xi32>], vector<16xf32>, vector<16xi1>
        %add3A_1299 = vector.broadcast %add3A_1294 : i32 to vector<16xi32>
        %add3A_1300 = arith.addi %add3A_1145, %add3A_1299 : vector<16xi32>
        tpu.vector_store_idx %arg24[%add3A_1300], %gather3A masked %lt3A_39 : memref<8192xf32, #tpu.memory_space<vmem>>[vector<16xi32>], vector<16xf32>, vector<16xi1>
      }
      %scan3A_1150 = arith.constant 16 : i32
      %lt3A_1151 = arith.constant 31 : i32
      %lt3A_1152 = arith.cmpi slt, %add3A_1107, %lt3A_1151 : i32
      %convert_element_type3A = arith.extui %lt3A_1152 : i1 to i32
      %cond3A = arith.constant 0 : i32
      %cond3A_1153 = arith.cmpi ne, %convert_element_type3A, %cond3A : i32
      scf.if %cond3A_1153 {
        %add3A_1290 = arith.constant 2 : i32
        %add3A_1291 = arith.addi %add3A_1111, %add3A_1290 : i32
        %mul3A_1292 = arith.constant 8 : i32
        %mul3A_1293 = arith.muli %add3A_1291, %mul3A_1292 : i32
        %get3A_1294 = arith.index_cast %mul3A_1293 : i32 to index
        %get3A_1295 = tpu.vector_load %arg15[%get3A_1294] {strides = array<i32>} : memref<528xi32, #tpu.memory_space<vmem>>, vector<16xi32>,
        %eq3A_1296 = arith.constant 0 : i32
        %eq3A_1297 = vector.broadcast %eq3A_1296 : i32 to vector<16xi32>
        %eq3A_1298 = arith.cmpi eq, %iota3A, %eq3A_1297 : vector<16xi32>
        %jit3A_1299 = arith.constant 0 : i32
        %broadcast_in_dim3A_1300 = vector.broadcast %jit3A_1299 : i32 to vector<16xi32>
        %select_n3A_1301 = arith.select %eq3A_1298, %get3A_1295, %broadcast_in_dim3A_1300 : vector<16xi1>, vector<16xi32>
        %reduce_sum3A_1302 = arith.constant true
        %reduce_sum3A_1303 = vector.broadcast %reduce_sum3A_1302 : i1 to vector<16xi1>
        %reduce_sum3A_1304 = tpu.scan <sum>, %select_n3A_1301 masked %reduce_sum3A_1303 : vector<16xi32>, vector<16xi1> -> vector<16xi32>
        %reduce_sum3A_1305 = vector.extract %reduce_sum3A_1304[15] : i32 from vector<16xi32>
        %multiple_of3A_1306 = tpu.assume_multiple %reduce_sum3A_1305, 128 : i32
        %dma_start3A_1307 = arith.constant 0 : i32
        %dma_start3A_1308 = arith.constant 0 : i32
        %dma_start3A_1309 = arith.constant 0 : i32
        %dma_start3A_1310 = tpu.memref_slice %arg22[%dma_start3A_1307, %dma_start3A_1308, %dma_start3A_1309] : memref<16x16x128xf32, #tpu.memory_space<vmem>> -> memref<1x16x128xf32, #tpu.memory_space<vmem>>
        %dma_start3A_1311 = tpu.memref_squeeze %dma_start3A_1310 : memref<1x16x128xf32, #tpu.memory_space<vmem>> -> memref<16x128xf32, #tpu.memory_space<vmem>>
        %dma_start3A_1312 = arith.constant 0 : i32
        %dma_start3A_1313 = tpu.memref_slice %arg2[%dma_start3A_1312, %multiple_of3A_1306] : memref<16x1000000xf32, #tpu.memory_space<hbm>> -> memref<16x128xf32, #tpu.memory_space<hbm>>
        %dma_start3A_1314 = arith.constant 0 : i32
        %dma_start3A_1315 = arith.constant 0 : i32
        %dma_start3A_1316 = tpu.memref_slice %arg22[%dma_start3A_1307, %dma_start3A_1314, %dma_start3A_1315] : memref<16x16x128xf32, #tpu.memory_space<vmem>> -> memref<1x16x128xf32, #tpu.memory_space<vmem>>
        %dma_start3A_1317 = tpu.memref_squeeze %dma_start3A_1316 : memref<1x16x128xf32, #tpu.memory_space<vmem>> -> memref<16x128xf32, #tpu.memory_space<vmem>>
        %dma_start3A_1318 = arith.constant 0 : i32
        %dma_start3A_1319 = tpu.memref_slice %arg2[%dma_start3A_1318, %multiple_of3A_1306] : memref<16x1000000xf32, #tpu.memory_space<hbm>> -> memref<16x128xf32, #tpu.memory_space<hbm>>
        tpu.enqueue_dma source(%dma_start3A_1319 : memref<16x128xf32, #tpu.memory_space<hbm>>) target(%dma_start3A_1317 : memref<16x128xf32, #tpu.memory_space<vmem>>) target_semaphore(%arg28 : memref<!tpu.dma_semaphore, #tpu.memory_space<semaphore_mem>>)
        %eq3A_1320 = arith.constant 1 : i32
        %eq3A_1321 = vector.broadcast %eq3A_1320 : i32 to vector<16xi32>
        %eq3A_1322 = arith.cmpi eq, %iota3A, %eq3A_1321 : vector<16xi32>
        %jit3A_1323 = arith.constant 0 : i32
        %broadcast_in_dim3A_1324 = vector.broadcast %jit3A_1323 : i32 to vector<16xi32>
        %select_n3A_1325 = arith.select %eq3A_1322, %get3A_1295, %broadcast_in_dim3A_1324 : vector<16xi1>, vector<16xi32>
        %reduce_sum3A_1326 = arith.constant true
        %reduce_sum3A_1327 = vector.broadcast %reduce_sum3A_1326 : i1 to vector<16xi1>
        %reduce_sum3A_1328 = tpu.scan <sum>, %select_n3A_1325 masked %reduce_sum3A_1327 : vector<16xi32>, vector<16xi1> -> vector<16xi32>
        %reduce_sum3A_1329 = vector.extract %reduce_sum3A_1328[15] : i32 from vector<16xi32>
        %multiple_of3A_1330 = tpu.assume_multiple %reduce_sum3A_1329, 128 : i32
        %dma_start3A_1331 = arith.constant 1 : i32
        %dma_start3A_1332 = arith.constant 0 : i32
        %dma_start3A_1333 = arith.constant 0 : i32
        %dma_start3A_1334 = tpu.memref_slice %arg22[%dma_start3A_1331, %dma_start3A_1332, %dma_start3A_1333] : memref<16x16x128xf32, #tpu.memory_space<vmem>> -> memref<1x16x128xf32, #tpu.memory_space<vmem>>
        %dma_start3A_1335 = tpu.memref_squeeze %dma_start3A_1334 : memref<1x16x128xf32, #tpu.memory_space<vmem>> -> memref<16x128xf32, #tpu.memory_space<vmem>>
        %dma_start3A_1336 = arith.constant 0 : i32
        %dma_start3A_1337 = tpu.memref_slice %arg2[%dma_start3A_1336, %multiple_of3A_1330] : memref<16x1000000xf32, #tpu.memory_space<hbm>> -> memref<16x128xf32, #tpu.memory_space<hbm>>
        %dma_start3A_1338 = arith.constant 0 : i32
        %dma_start3A_1339 = arith.constant 0 : i32
        %dma_start3A_1340 = tpu.memref_slice %arg22[%dma_start3A_1331, %dma_start3A_1338, %dma_start3A_1339] : memref<16x16x128xf32, #tpu.memory_space<vmem>> -> memref<1x16x128xf32, #tpu.memory_space<vmem>>
        %dma_start3A_1341 = tpu.memref_squeeze %dma_start3A_1340 : memref<1x16x128xf32, #tpu.memory_space<vmem>> -> memref<16x128xf32, #tpu.memory_space<vmem>>
        %dma_start3A_1342 = arith.constant 0 : i32
        %dma_start3A_1343 = tpu.memref_slice %arg2[%dma_start3A_1342, %multiple_of3A_1330] : memref<16x1000000xf32, #tpu.memory_space<hbm>> -> memref<16x128xf32, #tpu.memory_space<hbm>>
        tpu.enqueue_dma source(%dma_start3A_1343 : memref<16x128xf32, #tpu.memory_space<hbm>>) target(%dma_start3A_1341 : memref<16x128xf32, #tpu.memory_space<vmem>>) target_semaphore(%arg28 : memref<!tpu.dma_semaphore, #tpu.memory_space<semaphore_mem>>)
        %eq3A_1344 = arith.constant 2 : i32
        %eq3A_1345 = vector.broadcast %eq3A_1344 : i32 to vector<16xi32>
        %eq3A_1346 = arith.cmpi eq, %iota3A, %eq3A_1345 : vector<16xi32>
        %jit3A_1347 = arith.constant 0 : i32
        %broadcast_in_dim3A_1348 = vector.broadcast %jit3A_1347 : i32 to vector<16xi32>
        %select_n3A_1349 = arith.select %eq3A_1346, %get3A_1295, %broadcast_in_dim3A_1348 : vector<16xi1>, vector<16xi32>
        %reduce_sum3A_1350 = arith.constant true
        %reduce_sum3A_1351 = vector.broadcast %reduce_sum3A_1350 : i1 to vector<16xi1>
        %reduce_sum3A_1352 = tpu.scan <sum>, %select_n3A_1349 masked %reduce_sum3A_1351 : vector<16xi32>, vector<16xi1> -> vector<16xi32>
        %reduce_sum3A_1353 = vector.extract %reduce_sum3A_1352[15] : i32 from vector<16xi32>
        %multiple_of3A_1354 = tpu.assume_multiple %reduce_sum3A_1353, 128 : i32
        %dma_start3A_1355 = arith.constant 2 : i32
        %dma_start3A_1356 = arith.constant 0 : i32
        %dma_start3A_1357 = arith.constant 0 : i32
        %dma_start3A_1358 = tpu.memref_slice %arg22[%dma_start3A_1355, %dma_start3A_1356, %dma_start3A_1357] : memref<16x16x128xf32, #tpu.memory_space<vmem>> -> memref<1x16x128xf32, #tpu.memory_space<vmem>>
        %dma_start3A_1359 = tpu.memref_squeeze %dma_start3A_1358 : memref<1x16x128xf32, #tpu.memory_space<vmem>> -> memref<16x128xf32, #tpu.memory_space<vmem>>
        %dma_start3A_1360 = arith.constant 0 : i32
        %dma_start3A_1361 = tpu.memref_slice %arg2[%dma_start3A_1360, %multiple_of3A_1354] : memref<16x1000000xf32, #tpu.memory_space<hbm>> -> memref<16x128xf32, #tpu.memory_space<hbm>>
        %dma_start3A_1362 = arith.constant 0 : i32
        %dma_start3A_1363 = arith.constant 0 : i32
        %dma_start3A_1364 = tpu.memref_slice %arg22[%dma_start3A_1355, %dma_start3A_1362, %dma_start3A_1363] : memref<16x16x128xf32, #tpu.memory_space<vmem>> -> memref<1x16x128xf32, #tpu.memory_space<vmem>>
        %dma_start3A_1365 = tpu.memref_squeeze %dma_start3A_1364 : memref<1x16x128xf32, #tpu.memory_space<vmem>> -> memref<16x128xf32, #tpu.memory_space<vmem>>
        %dma_start3A_1366 = arith.constant 0 : i32
        %dma_start3A_1367 = tpu.memref_slice %arg2[%dma_start3A_1366, %multiple_of3A_1354] : memref<16x1000000xf32, #tpu.memory_space<hbm>> -> memref<16x128xf32, #tpu.memory_space<hbm>>
        tpu.enqueue_dma source(%dma_start3A_1367 : memref<16x128xf32, #tpu.memory_space<hbm>>) target(%dma_start3A_1365 : memref<16x128xf32, #tpu.memory_space<vmem>>) target_semaphore(%arg28 : memref<!tpu.dma_semaphore, #tpu.memory_space<semaphore_mem>>)
        %eq3A_1368 = arith.constant 3 : i32
        %eq3A_1369 = vector.broadcast %eq3A_1368 : i32 to vector<16xi32>
        %eq3A_1370 = arith.cmpi eq, %iota3A, %eq3A_1369 : vector<16xi32>
        %jit3A_1371 = arith.constant 0 : i32
        %broadcast_in_dim3A_1372 = vector.broadcast %jit3A_1371 : i32 to vector<16xi32>
        %select_n3A_1373 = arith.select %eq3A_1370, %get3A_1295, %broadcast_in_dim3A_1372 : vector<16xi1>, vector<16xi32>
        %reduce_sum3A_1374 = arith.constant true
        %reduce_sum3A_1375 = vector.broadcast %reduce_sum3A_1374 : i1 to vector<16xi1>
        %reduce_sum3A_1376 = tpu.scan <sum>, %select_n3A_1373 masked %reduce_sum3A_1375 : vector<16xi32>, vector<16xi1> -> vector<16xi32>
        %reduce_sum3A_1377 = vector.extract %reduce_sum3A_1376[15] : i32 from vector<16xi32>
        %multiple_of3A_1378 = tpu.assume_multiple %reduce_sum3A_1377, 128 : i32
        %dma_start3A_1379 = arith.constant 3 : i32
        %dma_start3A_1380 = arith.constant 0 : i32
        %dma_start3A_1381 = arith.constant 0 : i32
        %dma_start3A_1382 = tpu.memref_slice %arg22[%dma_start3A_1379, %dma_start3A_1380, %dma_start3A_1381] : memref<16x16x128xf32, #tpu.memory_space<vmem>> -> memref<1x16x128xf32, #tpu.memory_space<vmem>>
        %dma_start3A_1383 = tpu.memref_squeeze %dma_start3A_1382 : memref<1x16x128xf32, #tpu.memory_space<vmem>> -> memref<16x128xf32, #tpu.memory_space<vmem>>
        %dma_start3A_1384 = arith.constant 0 : i32
        %dma_start3A_1385 = tpu.memref_slice %arg2[%dma_start3A_1384, %multiple_of3A_1378] : memref<16x1000000xf32, #tpu.memory_space<hbm>> -> memref<16x128xf32, #tpu.memory_space<hbm>>
        %dma_start3A_1386 = arith.constant 0 : i32
        %dma_start3A_1387 = arith.constant 0 : i32
        %dma_start3A_1388 = tpu.memref_slice %arg22[%dma_start3A_1379, %dma_start3A_1386, %dma_start3A_1387] : memref<16x16x128xf32, #tpu.memory_space<vmem>> -> memref<1x16x128xf32, #tpu.memory_space<vmem>>
        %dma_start3A_1389 = tpu.memref_squeeze %dma_start3A_1388 : memref<1x16x128xf32, #tpu.memory_space<vmem>> -> memref<16x128xf32, #tpu.memory_space<vmem>>
        %dma_start3A_1390 = arith.constant 0 : i32
        %dma_start3A_1391 = tpu.memref_slice %arg2[%dma_start3A_1390, %multiple_of3A_1378] : memref<16x1000000xf32, #tpu.memory_space<hbm>> -> memref<16x128xf32, #tpu.memory_space<hbm>>
        tpu.enqueue_dma source(%dma_start3A_1391 : memref<16x128xf32, #tpu.memory_space<hbm>>) target(%dma_start3A_1389 : memref<16x128xf32, #tpu.memory_space<vmem>>) target_semaphore(%arg28 : memref<!tpu.dma_semaphore, #tpu.memory_space<semaphore_mem>>)
        %eq3A_1392 = arith.constant 4 : i32
        %eq3A_1393 = vector.broadcast %eq3A_1392 : i32 to vector<16xi32>
        %eq3A_1394 = arith.cmpi eq, %iota3A, %eq3A_1393 : vector<16xi32>
        %jit3A_1395 = arith.constant 0 : i32
        %broadcast_in_dim3A_1396 = vector.broadcast %jit3A_1395 : i32 to vector<16xi32>
        %select_n3A_1397 = arith.select %eq3A_1394, %get3A_1295, %broadcast_in_dim3A_1396 : vector<16xi1>, vector<16xi32>
        %reduce_sum3A_1398 = arith.constant true
        %reduce_sum3A_1399 = vector.broadcast %reduce_sum3A_1398 : i1 to vector<16xi1>
        %reduce_sum3A_1400 = tpu.scan <sum>, %select_n3A_1397 masked %reduce_sum3A_1399 : vector<16xi32>, vector<16xi1> -> vector<16xi32>
        %reduce_sum3A_1401 = vector.extract %reduce_sum3A_1400[15] : i32 from vector<16xi32>
        %multiple_of3A_1402 = tpu.assume_multiple %reduce_sum3A_1401, 128 : i32
        %dma_start3A_1403 = arith.constant 4 : i32
        %dma_start3A_1404 = arith.constant 0 : i32
        %dma_start3A_1405 = arith.constant 0 : i32
        %dma_start3A_1406 = tpu.memref_slice %arg22[%dma_start3A_1403, %dma_start3A_1404, %dma_start3A_1405] : memref<16x16x128xf32, #tpu.memory_space<vmem>> -> memref<1x16x128xf32, #tpu.memory_space<vmem>>
        %dma_start3A_1407 = tpu.memref_squeeze %dma_start3A_1406 : memref<1x16x128xf32, #tpu.memory_space<vmem>> -> memref<16x128xf32, #tpu.memory_space<vmem>>
        %dma_start3A_1408 = arith.constant 0 : i32
        %dma_start3A_1409 = tpu.memref_slice %arg2[%dma_start3A_1408, %multiple_of3A_1402] : memref<16x1000000xf32, #tpu.memory_space<hbm>> -> memref<16x128xf32, #tpu.memory_space<hbm>>
        %dma_start3A_1410 = arith.constant 0 : i32
        %dma_start3A_1411 = arith.constant 0 : i32
        %dma_start3A_1412 = tpu.memref_slice %arg22[%dma_start3A_1403, %dma_start3A_1410, %dma_start3A_1411] : memref<16x16x128xf32, #tpu.memory_space<vmem>> -> memref<1x16x128xf32, #tpu.memory_space<vmem>>
        %dma_start3A_1413 = tpu.memref_squeeze %dma_start3A_1412 : memref<1x16x128xf32, #tpu.memory_space<vmem>> -> memref<16x128xf32, #tpu.memory_space<vmem>>
        %dma_start3A_1414 = arith.constant 0 : i32
        %dma_start3A_1415 = tpu.memref_slice %arg2[%dma_start3A_1414, %multiple_of3A_1402] : memref<16x1000000xf32, #tpu.memory_space<hbm>> -> memref<16x128xf32, #tpu.memory_space<hbm>>
        tpu.enqueue_dma source(%dma_start3A_1415 : memref<16x128xf32, #tpu.memory_space<hbm>>) target(%dma_start3A_1413 : memref<16x128xf32, #tpu.memory_space<vmem>>) target_semaphore(%arg28 : memref<!tpu.dma_semaphore, #tpu.memory_space<semaphore_mem>>)
        %eq3A_1416 = arith.constant 5 : i32
        %eq3A_1417 = vector.broadcast %eq3A_1416 : i32 to vector<16xi32>
        %eq3A_1418 = arith.cmpi eq, %iota3A, %eq3A_1417 : vector<16xi32>
        %jit3A_1419 = arith.constant 0 : i32
        %broadcast_in_dim3A_1420 = vector.broadcast %jit3A_1419 : i32 to vector<16xi32>
        %select_n3A_1421 = arith.select %eq3A_1418, %get3A_1295, %broadcast_in_dim3A_1420 : vector<16xi1>, vector<16xi32>
        %reduce_sum3A_1422 = arith.constant true
        %reduce_sum3A_1423 = vector.broadcast %reduce_sum3A_1422 : i1 to vector<16xi1>
        %reduce_sum3A_1424 = tpu.scan <sum>, %select_n3A_1421 masked %reduce_sum3A_1423 : vector<16xi32>, vector<16xi1> -> vector<16xi32>
        %reduce_sum3A_1425 = vector.extract %reduce_sum3A_1424[15] : i32 from vector<16xi32>
        %multiple_of3A_1426 = tpu.assume_multiple %reduce_sum3A_1425, 128 : i32
        %dma_start3A_1427 = arith.constant 5 : i32
        %dma_start3A_1428 = arith.constant 0 : i32
        %dma_start3A_1429 = arith.constant 0 : i32
        %dma_start3A_1430 = tpu.memref_slice %arg22[%dma_start3A_1427, %dma_start3A_1428, %dma_start3A_1429] : memref<16x16x128xf32, #tpu.memory_space<vmem>> -> memref<1x16x128xf32, #tpu.memory_space<vmem>>
        %dma_start3A_1431 = tpu.memref_squeeze %dma_start3A_1430 : memref<1x16x128xf32, #tpu.memory_space<vmem>> -> memref<16x128xf32, #tpu.memory_space<vmem>>
        %dma_start3A_1432 = arith.constant 0 : i32
        %dma_start3A_1433 = tpu.memref_slice %arg2[%dma_start3A_1432, %multiple_of3A_1426] : memref<16x1000000xf32, #tpu.memory_space<hbm>> -> memref<16x128xf32, #tpu.memory_space<hbm>>
        %dma_start3A_1434 = arith.constant 0 : i32
        %dma_start3A_1435 = arith.constant 0 : i32
        %dma_start3A_1436 = tpu.memref_slice %arg22[%dma_start3A_1427, %dma_start3A_1434, %dma_start3A_1435] : memref<16x16x128xf32, #tpu.memory_space<vmem>> -> memref<1x16x128xf32, #tpu.memory_space<vmem>>
        %dma_start3A_1437 = tpu.memref_squeeze %dma_start3A_1436 : memref<1x16x128xf32, #tpu.memory_space<vmem>> -> memref<16x128xf32, #tpu.memory_space<vmem>>
        %dma_start3A_1438 = arith.constant 0 : i32
        %dma_start3A_1439 = tpu.memref_slice %arg2[%dma_start3A_1438, %multiple_of3A_1426] : memref<16x1000000xf32, #tpu.memory_space<hbm>> -> memref<16x128xf32, #tpu.memory_space<hbm>>
        tpu.enqueue_dma source(%dma_start3A_1439 : memref<16x128xf32, #tpu.memory_space<hbm>>) target(%dma_start3A_1437 : memref<16x128xf32, #tpu.memory_space<vmem>>) target_semaphore(%arg28 : memref<!tpu.dma_semaphore, #tpu.memory_space<semaphore_mem>>)
        %eq3A_1440 = arith.constant 6 : i32
        %eq3A_1441 = vector.broadcast %eq3A_1440 : i32 to vector<16xi32>
        %eq3A_1442 = arith.cmpi eq, %iota3A, %eq3A_1441 : vector<16xi32>
        %jit3A_1443 = arith.constant 0 : i32
        %broadcast_in_dim3A_1444 = vector.broadcast %jit3A_1443 : i32 to vector<16xi32>
        %select_n3A_1445 = arith.select %eq3A_1442, %get3A_1295, %broadcast_in_dim3A_1444 : vector<16xi1>, vector<16xi32>
        %reduce_sum3A_1446 = arith.constant true
        %reduce_sum3A_1447 = vector.broadcast %reduce_sum3A_1446 : i1 to vector<16xi1>
        %reduce_sum3A_1448 = tpu.scan <sum>, %select_n3A_1445 masked %reduce_sum3A_1447 : vector<16xi32>, vector<16xi1> -> vector<16xi32>
        %reduce_sum3A_1449 = vector.extract %reduce_sum3A_1448[15] : i32 from vector<16xi32>
        %multiple_of3A_1450 = tpu.assume_multiple %reduce_sum3A_1449, 128 : i32
        %dma_start3A_1451 = arith.constant 6 : i32
        %dma_start3A_1452 = arith.constant 0 : i32
        %dma_start3A_1453 = arith.constant 0 : i32
        %dma_start3A_1454 = tpu.memref_slice %arg22[%dma_start3A_1451, %dma_start3A_1452, %dma_start3A_1453] : memref<16x16x128xf32, #tpu.memory_space<vmem>> -> memref<1x16x128xf32, #tpu.memory_space<vmem>>
        %dma_start3A_1455 = tpu.memref_squeeze %dma_start3A_1454 : memref<1x16x128xf32, #tpu.memory_space<vmem>> -> memref<16x128xf32, #tpu.memory_space<vmem>>
        %dma_start3A_1456 = arith.constant 0 : i32
        %dma_start3A_1457 = tpu.memref_slice %arg2[%dma_start3A_1456, %multiple_of3A_1450] : memref<16x1000000xf32, #tpu.memory_space<hbm>> -> memref<16x128xf32, #tpu.memory_space<hbm>>
        %dma_start3A_1458 = arith.constant 0 : i32
        %dma_start3A_1459 = arith.constant 0 : i32
        %dma_start3A_1460 = tpu.memref_slice %arg22[%dma_start3A_1451, %dma_start3A_1458, %dma_start3A_1459] : memref<16x16x128xf32, #tpu.memory_space<vmem>> -> memref<1x16x128xf32, #tpu.memory_space<vmem>>
        %dma_start3A_1461 = tpu.memref_squeeze %dma_start3A_1460 : memref<1x16x128xf32, #tpu.memory_space<vmem>> -> memref<16x128xf32, #tpu.memory_space<vmem>>
        %dma_start3A_1462 = arith.constant 0 : i32
        %dma_start3A_1463 = tpu.memref_slice %arg2[%dma_start3A_1462, %multiple_of3A_1450] : memref<16x1000000xf32, #tpu.memory_space<hbm>> -> memref<16x128xf32, #tpu.memory_space<hbm>>
        tpu.enqueue_dma source(%dma_start3A_1463 : memref<16x128xf32, #tpu.memory_space<hbm>>) target(%dma_start3A_1461 : memref<16x128xf32, #tpu.memory_space<vmem>>) target_semaphore(%arg28 : memref<!tpu.dma_semaphore, #tpu.memory_space<semaphore_mem>>)
        %eq3A_1464 = arith.constant 7 : i32
        %eq3A_1465 = vector.broadcast %eq3A_1464 : i32 to vector<16xi32>
        %eq3A_1466 = arith.cmpi eq, %iota3A, %eq3A_1465 : vector<16xi32>
        %jit3A_1467 = arith.constant 0 : i32
        %broadcast_in_dim3A_1468 = vector.broadcast %jit3A_1467 : i32 to vector<16xi32>
        %select_n3A_1469 = arith.select %eq3A_1466, %get3A_1295, %broadcast_in_dim3A_1468 : vector<16xi1>, vector<16xi32>
        %reduce_sum3A_1470 = arith.constant true
        %reduce_sum3A_1471 = vector.broadcast %reduce_sum3A_1470 : i1 to vector<16xi1>
        %reduce_sum3A_1472 = tpu.scan <sum>, %select_n3A_1469 masked %reduce_sum3A_1471 : vector<16xi32>, vector<16xi1> -> vector<16xi32>
        %reduce_sum3A_1473 = vector.extract %reduce_sum3A_1472[15] : i32 from vector<16xi32>
        %multiple_of3A_1474 = tpu.assume_multiple %reduce_sum3A_1473, 128 : i32
        %dma_start3A_1475 = arith.constant 7 : i32
        %dma_start3A_1476 = arith.constant 0 : i32
        %dma_start3A_1477 = arith.constant 0 : i32
        %dma_start3A_1478 = tpu.memref_slice %arg22[%dma_start3A_1475, %dma_start3A_1476, %dma_start3A_1477] : memref<16x16x128xf32, #tpu.memory_space<vmem>> -> memref<1x16x128xf32, #tpu.memory_space<vmem>>
        %dma_start3A_1479 = tpu.memref_squeeze %dma_start3A_1478 : memref<1x16x128xf32, #tpu.memory_space<vmem>> -> memref<16x128xf32, #tpu.memory_space<vmem>>
        %dma_start3A_1480 = arith.constant 0 : i32
        %dma_start3A_1481 = tpu.memref_slice %arg2[%dma_start3A_1480, %multiple_of3A_1474] : memref<16x1000000xf32, #tpu.memory_space<hbm>> -> memref<16x128xf32, #tpu.memory_space<hbm>>
        %dma_start3A_1482 = arith.constant 0 : i32
        %dma_start3A_1483 = arith.constant 0 : i32
        %dma_start3A_1484 = tpu.memref_slice %arg22[%dma_start3A_1475, %dma_start3A_1482, %dma_start3A_1483] : memref<16x16x128xf32, #tpu.memory_space<vmem>> -> memref<1x16x128xf32, #tpu.memory_space<vmem>>
        %dma_start3A_1485 = tpu.memref_squeeze %dma_start3A_1484 : memref<1x16x128xf32, #tpu.memory_space<vmem>> -> memref<16x128xf32, #tpu.memory_space<vmem>>
        %dma_start3A_1486 = arith.constant 0 : i32
        %dma_start3A_1487 = tpu.memref_slice %arg2[%dma_start3A_1486, %multiple_of3A_1474] : memref<16x1000000xf32, #tpu.memory_space<hbm>> -> memref<16x128xf32, #tpu.memory_space<hbm>>
        tpu.enqueue_dma source(%dma_start3A_1487 : memref<16x128xf32, #tpu.memory_space<hbm>>) target(%dma_start3A_1485 : memref<16x128xf32, #tpu.memory_space<vmem>>) target_semaphore(%arg28 : memref<!tpu.dma_semaphore, #tpu.memory_space<semaphore_mem>>)
      } else {
      }
      %dma_wait3A_1154 = arith.constant 0 : i32
      %dma_wait3A_1155 = arith.constant 0 : i32
      %dma_wait3A_1156 = arith.constant 0 : i32
      %dma_wait3A_1157 = tpu.memref_slice %arg23[%dma_wait3A_1154, %dma_wait3A_1155, %dma_wait3A_1156] : memref<16x16x128xf32, #tpu.memory_space<vmem>> -> memref<8x16x128xf32, #tpu.memory_space<vmem>>
      %dma_wait3A_1158 = arith.constant 0 : i32
      %dma_wait3A_1159 = arith.constant 0 : i32
      %dma_wait3A_1160 = tpu.memref_slice %arg2[%dma_wait3A_1158, %dma_wait3A_1159] : memref<16x1000000xf32, #tpu.memory_space<hbm>> -> memref<16x1024xf32, #tpu.memory_space<hbm>>
      %dma_wait3A_1161 = arith.constant 0 : i32
      %dma_wait3A_1162 = arith.constant 0 : i32
      %dma_wait3A_1163 = arith.constant 0 : i32
      %dma_wait3A_1164 = tpu.memref_slice %arg23[%dma_wait3A_1161, %dma_wait3A_1162, %dma_wait3A_1163] : memref<16x16x128xf32, #tpu.memory_space<vmem>> -> memref<8x16x128xf32, #tpu.memory_space<vmem>>
      %dma_wait3A_1165 = arith.constant 0 : i32
      %dma_wait3A_1166 = arith.constant 0 : i32
      %dma_wait3A_1167 = tpu.memref_slice %arg2[%dma_wait3A_1165, %dma_wait3A_1166] : memref<16x1000000xf32, #tpu.memory_space<hbm>> -> memref<16x1024xf32, #tpu.memory_space<hbm>>
      tpu.wait_dma2 semaphore(%arg30 : memref<!tpu.dma_semaphore, #tpu.memory_space<semaphore_mem>>) src(%dma_wait3A_1167 : memref<16x1024xf32, #tpu.memory_space<hbm>>) dst(%dma_wait3A_1164 : memref<8x16x128xf32, #tpu.memory_space<vmem>>)
      %mul3A_1168 = arith.constant 8 : i32
      %mul3A_1169 = arith.muli %add3A_1111, %mul3A_1168 : i32
      %get3A_1170 = arith.index_cast %mul3A_1169 : i32 to index
      %get3A_1171 = tpu.vector_load %arg18[%get3A_1170] {strides = array<i32>} : memref<528xi32, #tpu.memory_space<vmem>>, vector<16xi32>,
      %and3A_1172 = arith.constant 127 : i32
      %and3A_1173 = vector.broadcast %and3A_1172 : i32 to vector<16xi32>
      %and3A_1174 = arith.andi %get3A_1171, %and3A_1173 : vector<16xi32>
      %and3A_1175 = arith.constant 7 : i32
      %and3A_1176 = vector.broadcast %and3A_1175 : i32 to vector<16xi32>
      %and3A_1177 = arith.andi %iota3A, %and3A_1176 : vector<16xi32>
      %add3A_1178 = arith.constant 0 : i32
      %add3A_1179 = vector.broadcast %add3A_1178 : i32 to vector<16xi32>
      %add3A_1180 = arith.addi %add3A_1179, %and3A_1177 : vector<16xi32>
      %mul3A_1181 = arith.constant 16 : i32
      %mul3A_1182 = vector.broadcast %mul3A_1181 : i32 to vector<16xi32>
      %mul3A_1183 = arith.muli %iota3A, %mul3A_1182 : vector<16xi32>
      %mul3A_1184 = arith.constant 128 : i32
      %mul3A_1185 = arith.muli %add3A_1111, %mul3A_1184 : i32
      %add3A_1186 = vector.broadcast %mul3A_1185 : i32 to vector<16xi32>
      %add3A_1187 = arith.addi %mul3A_1183, %add3A_1186 : vector<16xi32>
      %scan3A_1188 = arith.constant 0 : i32
      %scan3A_1189 = arith.constant 16 : i32
      %scan3A_1190 = arith.addi %scan3A_1188, %scan3A_1189 : i32
      %scan3A_1191 = arith.constant 1 : i32
      scf.for %scan3A_1290 = %scan3A_1188 to %scan3A_1190 step %scan3A_1191  : i32 {
        %mul3A_1291 = arith.constant 1 : i32
        %mul3A_1292 = arith.muli %scan3A_1290, %mul3A_1291 : i32
        %add3A_1293 = arith.constant 0 : i32
        %add3A_1294 = arith.addi %add3A_1293, %mul3A_1292 : i32
        %broadcast_in_dim3A_1295 = arith.constant 0 : i32
        %broadcast_in_dim3A_1296 = vector.broadcast %broadcast_in_dim3A_1295 : i32 to vector<16xi32>
        %add3A_1297 = vector.broadcast %add3A_1294 : i32 to vector<16xi32>
        %add3A_1298 = arith.addi %broadcast_in_dim3A_1296, %add3A_1297 : vector<16xi32>
        %gather3A = tpu.vector_load_idx %arg23[%add3A_1180, %add3A_1298, %and3A_1174] masked %lt3A_39 : memref<16x16x128xf32, #tpu.memory_space<vmem>>[vector<16xi32>, vector<16xi32>, vector<16xi32>], vector<16xf32>, vector<16xi1>
        %add3A_1299 = vector.broadcast %add3A_1294 : i32 to vector<16xi32>
        %add3A_1300 = arith.addi %add3A_1187, %add3A_1299 : vector<16xi32>
        tpu.vector_store_idx %arg25[%add3A_1300], %gather3A masked %lt3A_39 : memref<8192xf32, #tpu.memory_space<vmem>>[vector<16xi32>], vector<16xf32>, vector<16xi1>
      }
      %scan3A_1192 = arith.constant 16 : i32
      %lt3A_1193 = arith.constant 31 : i32
      %lt3A_1194 = arith.cmpi slt, %add3A_1107, %lt3A_1193 : i32
      %convert_element_type3A_1195 = arith.extui %lt3A_1194 : i1 to i32
      %cond3A_1196 = arith.constant 0 : i32
      %cond3A_1197 = arith.cmpi ne, %convert_element_type3A_1195, %cond3A_1196 : i32
      scf.if %cond3A_1197 {
        %add3A_1290 = arith.constant 2 : i32
        %add3A_1291 = arith.addi %add3A_1111, %add3A_1290 : i32
        %mul3A_1292 = arith.constant 8 : i32
        %mul3A_1293 = arith.muli %add3A_1291, %mul3A_1292 : i32
        %get3A_1294 = arith.index_cast %mul3A_1293 : i32 to index
        %get3A_1295 = tpu.vector_load %arg17[%get3A_1294] {strides = array<i32>} : memref<528xi32, #tpu.memory_space<vmem>>, vector<16xi32>,
        %eq3A_1296 = arith.constant 0 : i32
        %eq3A_1297 = vector.broadcast %eq3A_1296 : i32 to vector<16xi32>
        %eq3A_1298 = arith.cmpi eq, %iota3A, %eq3A_1297 : vector<16xi32>
        %jit3A_1299 = arith.constant 0 : i32
        %broadcast_in_dim3A_1300 = vector.broadcast %jit3A_1299 : i32 to vector<16xi32>
        %select_n3A_1301 = arith.select %eq3A_1298, %get3A_1295, %broadcast_in_dim3A_1300 : vector<16xi1>, vector<16xi32>
        %reduce_sum3A_1302 = arith.constant true
        %reduce_sum3A_1303 = vector.broadcast %reduce_sum3A_1302 : i1 to vector<16xi1>
        %reduce_sum3A_1304 = tpu.scan <sum>, %select_n3A_1301 masked %reduce_sum3A_1303 : vector<16xi32>, vector<16xi1> -> vector<16xi32>
        %reduce_sum3A_1305 = vector.extract %reduce_sum3A_1304[15] : i32 from vector<16xi32>
        %multiple_of3A_1306 = tpu.assume_multiple %reduce_sum3A_1305, 128 : i32
        %dma_start3A_1307 = arith.constant 0 : i32
        %dma_start3A_1308 = arith.constant 0 : i32
        %dma_start3A_1309 = arith.constant 0 : i32
        %dma_start3A_1310 = tpu.memref_slice %arg23[%dma_start3A_1307, %dma_start3A_1308, %dma_start3A_1309] : memref<16x16x128xf32, #tpu.memory_space<vmem>> -> memref<1x16x128xf32, #tpu.memory_space<vmem>>
        %dma_start3A_1311 = tpu.memref_squeeze %dma_start3A_1310 : memref<1x16x128xf32, #tpu.memory_space<vmem>> -> memref<16x128xf32, #tpu.memory_space<vmem>>
        %dma_start3A_1312 = arith.constant 0 : i32
        %dma_start3A_1313 = tpu.memref_slice %arg3[%dma_start3A_1312, %multiple_of3A_1306] : memref<16x1000000xf32, #tpu.memory_space<hbm>> -> memref<16x128xf32, #tpu.memory_space<hbm>>
        %dma_start3A_1314 = arith.constant 0 : i32
        %dma_start3A_1315 = arith.constant 0 : i32
        %dma_start3A_1316 = tpu.memref_slice %arg23[%dma_start3A_1307, %dma_start3A_1314, %dma_start3A_1315] : memref<16x16x128xf32, #tpu.memory_space<vmem>> -> memref<1x16x128xf32, #tpu.memory_space<vmem>>
        %dma_start3A_1317 = tpu.memref_squeeze %dma_start3A_1316 : memref<1x16x128xf32, #tpu.memory_space<vmem>> -> memref<16x128xf32, #tpu.memory_space<vmem>>
        %dma_start3A_1318 = arith.constant 0 : i32
        %dma_start3A_1319 = tpu.memref_slice %arg3[%dma_start3A_1318, %multiple_of3A_1306] : memref<16x1000000xf32, #tpu.memory_space<hbm>> -> memref<16x128xf32, #tpu.memory_space<hbm>>
        tpu.enqueue_dma source(%dma_start3A_1319 : memref<16x128xf32, #tpu.memory_space<hbm>>) target(%dma_start3A_1317 : memref<16x128xf32, #tpu.memory_space<vmem>>) target_semaphore(%arg30 : memref<!tpu.dma_semaphore, #tpu.memory_space<semaphore_mem>>)
        %eq3A_1320 = arith.constant 1 : i32
        %eq3A_1321 = vector.broadcast %eq3A_1320 : i32 to vector<16xi32>
        %eq3A_1322 = arith.cmpi eq, %iota3A, %eq3A_1321 : vector<16xi32>
        %jit3A_1323 = arith.constant 0 : i32
        %broadcast_in_dim3A_1324 = vector.broadcast %jit3A_1323 : i32 to vector<16xi32>
        %select_n3A_1325 = arith.select %eq3A_1322, %get3A_1295, %broadcast_in_dim3A_1324 : vector<16xi1>, vector<16xi32>
        %reduce_sum3A_1326 = arith.constant true
        %reduce_sum3A_1327 = vector.broadcast %reduce_sum3A_1326 : i1 to vector<16xi1>
        %reduce_sum3A_1328 = tpu.scan <sum>, %select_n3A_1325 masked %reduce_sum3A_1327 : vector<16xi32>, vector<16xi1> -> vector<16xi32>
        %reduce_sum3A_1329 = vector.extract %reduce_sum3A_1328[15] : i32 from vector<16xi32>
        %multiple_of3A_1330 = tpu.assume_multiple %reduce_sum3A_1329, 128 : i32
        %dma_start3A_1331 = arith.constant 1 : i32
        %dma_start3A_1332 = arith.constant 0 : i32
        %dma_start3A_1333 = arith.constant 0 : i32
        %dma_start3A_1334 = tpu.memref_slice %arg23[%dma_start3A_1331, %dma_start3A_1332, %dma_start3A_1333] : memref<16x16x128xf32, #tpu.memory_space<vmem>> -> memref<1x16x128xf32, #tpu.memory_space<vmem>>
        %dma_start3A_1335 = tpu.memref_squeeze %dma_start3A_1334 : memref<1x16x128xf32, #tpu.memory_space<vmem>> -> memref<16x128xf32, #tpu.memory_space<vmem>>
        %dma_start3A_1336 = arith.constant 0 : i32
        %dma_start3A_1337 = tpu.memref_slice %arg3[%dma_start3A_1336, %multiple_of3A_1330] : memref<16x1000000xf32, #tpu.memory_space<hbm>> -> memref<16x128xf32, #tpu.memory_space<hbm>>
        %dma_start3A_1338 = arith.constant 0 : i32
        %dma_start3A_1339 = arith.constant 0 : i32
        %dma_start3A_1340 = tpu.memref_slice %arg23[%dma_start3A_1331, %dma_start3A_1338, %dma_start3A_1339] : memref<16x16x128xf32, #tpu.memory_space<vmem>> -> memref<1x16x128xf32, #tpu.memory_space<vmem>>
        %dma_start3A_1341 = tpu.memref_squeeze %dma_start3A_1340 : memref<1x16x128xf32, #tpu.memory_space<vmem>> -> memref<16x128xf32, #tpu.memory_space<vmem>>
        %dma_start3A_1342 = arith.constant 0 : i32
        %dma_start3A_1343 = tpu.memref_slice %arg3[%dma_start3A_1342, %multiple_of3A_1330] : memref<16x1000000xf32, #tpu.memory_space<hbm>> -> memref<16x128xf32, #tpu.memory_space<hbm>>
        tpu.enqueue_dma source(%dma_start3A_1343 : memref<16x128xf32, #tpu.memory_space<hbm>>) target(%dma_start3A_1341 : memref<16x128xf32, #tpu.memory_space<vmem>>) target_semaphore(%arg30 : memref<!tpu.dma_semaphore, #tpu.memory_space<semaphore_mem>>)
        %eq3A_1344 = arith.constant 2 : i32
        %eq3A_1345 = vector.broadcast %eq3A_1344 : i32 to vector<16xi32>
        %eq3A_1346 = arith.cmpi eq, %iota3A, %eq3A_1345 : vector<16xi32>
        %jit3A_1347 = arith.constant 0 : i32
        %broadcast_in_dim3A_1348 = vector.broadcast %jit3A_1347 : i32 to vector<16xi32>
        %select_n3A_1349 = arith.select %eq3A_1346, %get3A_1295, %broadcast_in_dim3A_1348 : vector<16xi1>, vector<16xi32>
        %reduce_sum3A_1350 = arith.constant true
        %reduce_sum3A_1351 = vector.broadcast %reduce_sum3A_1350 : i1 to vector<16xi1>
        %reduce_sum3A_1352 = tpu.scan <sum>, %select_n3A_1349 masked %reduce_sum3A_1351 : vector<16xi32>, vector<16xi1> -> vector<16xi32>
        %reduce_sum3A_1353 = vector.extract %reduce_sum3A_1352[15] : i32 from vector<16xi32>
        %multiple_of3A_1354 = tpu.assume_multiple %reduce_sum3A_1353, 128 : i32
        %dma_start3A_1355 = arith.constant 2 : i32
        %dma_start3A_1356 = arith.constant 0 : i32
        %dma_start3A_1357 = arith.constant 0 : i32
        %dma_start3A_1358 = tpu.memref_slice %arg23[%dma_start3A_1355, %dma_start3A_1356, %dma_start3A_1357] : memref<16x16x128xf32, #tpu.memory_space<vmem>> -> memref<1x16x128xf32, #tpu.memory_space<vmem>>
        %dma_start3A_1359 = tpu.memref_squeeze %dma_start3A_1358 : memref<1x16x128xf32, #tpu.memory_space<vmem>> -> memref<16x128xf32, #tpu.memory_space<vmem>>
        %dma_start3A_1360 = arith.constant 0 : i32
        %dma_start3A_1361 = tpu.memref_slice %arg3[%dma_start3A_1360, %multiple_of3A_1354] : memref<16x1000000xf32, #tpu.memory_space<hbm>> -> memref<16x128xf32, #tpu.memory_space<hbm>>
        %dma_start3A_1362 = arith.constant 0 : i32
        %dma_start3A_1363 = arith.constant 0 : i32
        %dma_start3A_1364 = tpu.memref_slice %arg23[%dma_start3A_1355, %dma_start3A_1362, %dma_start3A_1363] : memref<16x16x128xf32, #tpu.memory_space<vmem>> -> memref<1x16x128xf32, #tpu.memory_space<vmem>>
        %dma_start3A_1365 = tpu.memref_squeeze %dma_start3A_1364 : memref<1x16x128xf32, #tpu.memory_space<vmem>> -> memref<16x128xf32, #tpu.memory_space<vmem>>
        %dma_start3A_1366 = arith.constant 0 : i32
        %dma_start3A_1367 = tpu.memref_slice %arg3[%dma_start3A_1366, %multiple_of3A_1354] : memref<16x1000000xf32, #tpu.memory_space<hbm>> -> memref<16x128xf32, #tpu.memory_space<hbm>>
        tpu.enqueue_dma source(%dma_start3A_1367 : memref<16x128xf32, #tpu.memory_space<hbm>>) target(%dma_start3A_1365 : memref<16x128xf32, #tpu.memory_space<vmem>>) target_semaphore(%arg30 : memref<!tpu.dma_semaphore, #tpu.memory_space<semaphore_mem>>)
        %eq3A_1368 = arith.constant 3 : i32
        %eq3A_1369 = vector.broadcast %eq3A_1368 : i32 to vector<16xi32>
        %eq3A_1370 = arith.cmpi eq, %iota3A, %eq3A_1369 : vector<16xi32>
        %jit3A_1371 = arith.constant 0 : i32
        %broadcast_in_dim3A_1372 = vector.broadcast %jit3A_1371 : i32 to vector<16xi32>
        %select_n3A_1373 = arith.select %eq3A_1370, %get3A_1295, %broadcast_in_dim3A_1372 : vector<16xi1>, vector<16xi32>
        %reduce_sum3A_1374 = arith.constant true
        %reduce_sum3A_1375 = vector.broadcast %reduce_sum3A_1374 : i1 to vector<16xi1>
        %reduce_sum3A_1376 = tpu.scan <sum>, %select_n3A_1373 masked %reduce_sum3A_1375 : vector<16xi32>, vector<16xi1> -> vector<16xi32>
        %reduce_sum3A_1377 = vector.extract %reduce_sum3A_1376[15] : i32 from vector<16xi32>
        %multiple_of3A_1378 = tpu.assume_multiple %reduce_sum3A_1377, 128 : i32
        %dma_start3A_1379 = arith.constant 3 : i32
        %dma_start3A_1380 = arith.constant 0 : i32
        %dma_start3A_1381 = arith.constant 0 : i32
        %dma_start3A_1382 = tpu.memref_slice %arg23[%dma_start3A_1379, %dma_start3A_1380, %dma_start3A_1381] : memref<16x16x128xf32, #tpu.memory_space<vmem>> -> memref<1x16x128xf32, #tpu.memory_space<vmem>>
        %dma_start3A_1383 = tpu.memref_squeeze %dma_start3A_1382 : memref<1x16x128xf32, #tpu.memory_space<vmem>> -> memref<16x128xf32, #tpu.memory_space<vmem>>
        %dma_start3A_1384 = arith.constant 0 : i32
        %dma_start3A_1385 = tpu.memref_slice %arg3[%dma_start3A_1384, %multiple_of3A_1378] : memref<16x1000000xf32, #tpu.memory_space<hbm>> -> memref<16x128xf32, #tpu.memory_space<hbm>>
        %dma_start3A_1386 = arith.constant 0 : i32
        %dma_start3A_1387 = arith.constant 0 : i32
        %dma_start3A_1388 = tpu.memref_slice %arg23[%dma_start3A_1379, %dma_start3A_1386, %dma_start3A_1387] : memref<16x16x128xf32, #tpu.memory_space<vmem>> -> memref<1x16x128xf32, #tpu.memory_space<vmem>>
        %dma_start3A_1389 = tpu.memref_squeeze %dma_start3A_1388 : memref<1x16x128xf32, #tpu.memory_space<vmem>> -> memref<16x128xf32, #tpu.memory_space<vmem>>
        %dma_start3A_1390 = arith.constant 0 : i32
        %dma_start3A_1391 = tpu.memref_slice %arg3[%dma_start3A_1390, %multiple_of3A_1378] : memref<16x1000000xf32, #tpu.memory_space<hbm>> -> memref<16x128xf32, #tpu.memory_space<hbm>>
        tpu.enqueue_dma source(%dma_start3A_1391 : memref<16x128xf32, #tpu.memory_space<hbm>>) target(%dma_start3A_1389 : memref<16x128xf32, #tpu.memory_space<vmem>>) target_semaphore(%arg30 : memref<!tpu.dma_semaphore, #tpu.memory_space<semaphore_mem>>)
        %eq3A_1392 = arith.constant 4 : i32
        %eq3A_1393 = vector.broadcast %eq3A_1392 : i32 to vector<16xi32>
        %eq3A_1394 = arith.cmpi eq, %iota3A, %eq3A_1393 : vector<16xi32>
        %jit3A_1395 = arith.constant 0 : i32
        %broadcast_in_dim3A_1396 = vector.broadcast %jit3A_1395 : i32 to vector<16xi32>
        %select_n3A_1397 = arith.select %eq3A_1394, %get3A_1295, %broadcast_in_dim3A_1396 : vector<16xi1>, vector<16xi32>
        %reduce_sum3A_1398 = arith.constant true
        %reduce_sum3A_1399 = vector.broadcast %reduce_sum3A_1398 : i1 to vector<16xi1>
        %reduce_sum3A_1400 = tpu.scan <sum>, %select_n3A_1397 masked %reduce_sum3A_1399 : vector<16xi32>, vector<16xi1> -> vector<16xi32>
        %reduce_sum3A_1401 = vector.extract %reduce_sum3A_1400[15] : i32 from vector<16xi32>
        %multiple_of3A_1402 = tpu.assume_multiple %reduce_sum3A_1401, 128 : i32
        %dma_start3A_1403 = arith.constant 4 : i32
        %dma_start3A_1404 = arith.constant 0 : i32
        %dma_start3A_1405 = arith.constant 0 : i32
        %dma_start3A_1406 = tpu.memref_slice %arg23[%dma_start3A_1403, %dma_start3A_1404, %dma_start3A_1405] : memref<16x16x128xf32, #tpu.memory_space<vmem>> -> memref<1x16x128xf32, #tpu.memory_space<vmem>>
        %dma_start3A_1407 = tpu.memref_squeeze %dma_start3A_1406 : memref<1x16x128xf32, #tpu.memory_space<vmem>> -> memref<16x128xf32, #tpu.memory_space<vmem>>
        %dma_start3A_1408 = arith.constant 0 : i32
        %dma_start3A_1409 = tpu.memref_slice %arg3[%dma_start3A_1408, %multiple_of3A_1402] : memref<16x1000000xf32, #tpu.memory_space<hbm>> -> memref<16x128xf32, #tpu.memory_space<hbm>>
        %dma_start3A_1410 = arith.constant 0 : i32
        %dma_start3A_1411 = arith.constant 0 : i32
        %dma_start3A_1412 = tpu.memref_slice %arg23[%dma_start3A_1403, %dma_start3A_1410, %dma_start3A_1411] : memref<16x16x128xf32, #tpu.memory_space<vmem>> -> memref<1x16x128xf32, #tpu.memory_space<vmem>>
        %dma_start3A_1413 = tpu.memref_squeeze %dma_start3A_1412 : memref<1x16x128xf32, #tpu.memory_space<vmem>> -> memref<16x128xf32, #tpu.memory_space<vmem>>
        %dma_start3A_1414 = arith.constant 0 : i32
        %dma_start3A_1415 = tpu.memref_slice %arg3[%dma_start3A_1414, %multiple_of3A_1402] : memref<16x1000000xf32, #tpu.memory_space<hbm>> -> memref<16x128xf32, #tpu.memory_space<hbm>>
        tpu.enqueue_dma source(%dma_start3A_1415 : memref<16x128xf32, #tpu.memory_space<hbm>>) target(%dma_start3A_1413 : memref<16x128xf32, #tpu.memory_space<vmem>>) target_semaphore(%arg30 : memref<!tpu.dma_semaphore, #tpu.memory_space<semaphore_mem>>)
        %eq3A_1416 = arith.constant 5 : i32
        %eq3A_1417 = vector.broadcast %eq3A_1416 : i32 to vector<16xi32>
        %eq3A_1418 = arith.cmpi eq, %iota3A, %eq3A_1417 : vector<16xi32>
        %jit3A_1419 = arith.constant 0 : i32
        %broadcast_in_dim3A_1420 = vector.broadcast %jit3A_1419 : i32 to vector<16xi32>
        %select_n3A_1421 = arith.select %eq3A_1418, %get3A_1295, %broadcast_in_dim3A_1420 : vector<16xi1>, vector<16xi32>
        %reduce_sum3A_1422 = arith.constant true
        %reduce_sum3A_1423 = vector.broadcast %reduce_sum3A_1422 : i1 to vector<16xi1>
        %reduce_sum3A_1424 = tpu.scan <sum>, %select_n3A_1421 masked %reduce_sum3A_1423 : vector<16xi32>, vector<16xi1> -> vector<16xi32>
        %reduce_sum3A_1425 = vector.extract %reduce_sum3A_1424[15] : i32 from vector<16xi32>
        %multiple_of3A_1426 = tpu.assume_multiple %reduce_sum3A_1425, 128 : i32
        %dma_start3A_1427 = arith.constant 5 : i32
        %dma_start3A_1428 = arith.constant 0 : i32
        %dma_start3A_1429 = arith.constant 0 : i32
        %dma_start3A_1430 = tpu.memref_slice %arg23[%dma_start3A_1427, %dma_start3A_1428, %dma_start3A_1429] : memref<16x16x128xf32, #tpu.memory_space<vmem>> -> memref<1x16x128xf32, #tpu.memory_space<vmem>>
        %dma_start3A_1431 = tpu.memref_squeeze %dma_start3A_1430 : memref<1x16x128xf32, #tpu.memory_space<vmem>> -> memref<16x128xf32, #tpu.memory_space<vmem>>
        %dma_start3A_1432 = arith.constant 0 : i32
        %dma_start3A_1433 = tpu.memref_slice %arg3[%dma_start3A_1432, %multiple_of3A_1426] : memref<16x1000000xf32, #tpu.memory_space<hbm>> -> memref<16x128xf32, #tpu.memory_space<hbm>>
        %dma_start3A_1434 = arith.constant 0 : i32
        %dma_start3A_1435 = arith.constant 0 : i32
        %dma_start3A_1436 = tpu.memref_slice %arg23[%dma_start3A_1427, %dma_start3A_1434, %dma_start3A_1435] : memref<16x16x128xf32, #tpu.memory_space<vmem>> -> memref<1x16x128xf32, #tpu.memory_space<vmem>>
        %dma_start3A_1437 = tpu.memref_squeeze %dma_start3A_1436 : memref<1x16x128xf32, #tpu.memory_space<vmem>> -> memref<16x128xf32, #tpu.memory_space<vmem>>
        %dma_start3A_1438 = arith.constant 0 : i32
        %dma_start3A_1439 = tpu.memref_slice %arg3[%dma_start3A_1438, %multiple_of3A_1426] : memref<16x1000000xf32, #tpu.memory_space<hbm>> -> memref<16x128xf32, #tpu.memory_space<hbm>>
        tpu.enqueue_dma source(%dma_start3A_1439 : memref<16x128xf32, #tpu.memory_space<hbm>>) target(%dma_start3A_1437 : memref<16x128xf32, #tpu.memory_space<vmem>>) target_semaphore(%arg30 : memref<!tpu.dma_semaphore, #tpu.memory_space<semaphore_mem>>)
        %eq3A_1440 = arith.constant 6 : i32
        %eq3A_1441 = vector.broadcast %eq3A_1440 : i32 to vector<16xi32>
        %eq3A_1442 = arith.cmpi eq, %iota3A, %eq3A_1441 : vector<16xi32>
        %jit3A_1443 = arith.constant 0 : i32
        %broadcast_in_dim3A_1444 = vector.broadcast %jit3A_1443 : i32 to vector<16xi32>
        %select_n3A_1445 = arith.select %eq3A_1442, %get3A_1295, %broadcast_in_dim3A_1444 : vector<16xi1>, vector<16xi32>
        %reduce_sum3A_1446 = arith.constant true
        %reduce_sum3A_1447 = vector.broadcast %reduce_sum3A_1446 : i1 to vector<16xi1>
        %reduce_sum3A_1448 = tpu.scan <sum>, %select_n3A_1445 masked %reduce_sum3A_1447 : vector<16xi32>, vector<16xi1> -> vector<16xi32>
        %reduce_sum3A_1449 = vector.extract %reduce_sum3A_1448[15] : i32 from vector<16xi32>
        %multiple_of3A_1450 = tpu.assume_multiple %reduce_sum3A_1449, 128 : i32
        %dma_start3A_1451 = arith.constant 6 : i32
        %dma_start3A_1452 = arith.constant 0 : i32
        %dma_start3A_1453 = arith.constant 0 : i32
        %dma_start3A_1454 = tpu.memref_slice %arg23[%dma_start3A_1451, %dma_start3A_1452, %dma_start3A_1453] : memref<16x16x128xf32, #tpu.memory_space<vmem>> -> memref<1x16x128xf32, #tpu.memory_space<vmem>>
        %dma_start3A_1455 = tpu.memref_squeeze %dma_start3A_1454 : memref<1x16x128xf32, #tpu.memory_space<vmem>> -> memref<16x128xf32, #tpu.memory_space<vmem>>
        %dma_start3A_1456 = arith.constant 0 : i32
        %dma_start3A_1457 = tpu.memref_slice %arg3[%dma_start3A_1456, %multiple_of3A_1450] : memref<16x1000000xf32, #tpu.memory_space<hbm>> -> memref<16x128xf32, #tpu.memory_space<hbm>>
        %dma_start3A_1458 = arith.constant 0 : i32
        %dma_start3A_1459 = arith.constant 0 : i32
        %dma_start3A_1460 = tpu.memref_slice %arg23[%dma_start3A_1451, %dma_start3A_1458, %dma_start3A_1459] : memref<16x16x128xf32, #tpu.memory_space<vmem>> -> memref<1x16x128xf32, #tpu.memory_space<vmem>>
        %dma_start3A_1461 = tpu.memref_squeeze %dma_start3A_1460 : memref<1x16x128xf32, #tpu.memory_space<vmem>> -> memref<16x128xf32, #tpu.memory_space<vmem>>
        %dma_start3A_1462 = arith.constant 0 : i32
        %dma_start3A_1463 = tpu.memref_slice %arg3[%dma_start3A_1462, %multiple_of3A_1450] : memref<16x1000000xf32, #tpu.memory_space<hbm>> -> memref<16x128xf32, #tpu.memory_space<hbm>>
        tpu.enqueue_dma source(%dma_start3A_1463 : memref<16x128xf32, #tpu.memory_space<hbm>>) target(%dma_start3A_1461 : memref<16x128xf32, #tpu.memory_space<vmem>>) target_semaphore(%arg30 : memref<!tpu.dma_semaphore, #tpu.memory_space<semaphore_mem>>)
        %eq3A_1464 = arith.constant 7 : i32
        %eq3A_1465 = vector.broadcast %eq3A_1464 : i32 to vector<16xi32>
        %eq3A_1466 = arith.cmpi eq, %iota3A, %eq3A_1465 : vector<16xi32>
        %jit3A_1467 = arith.constant 0 : i32
        %broadcast_in_dim3A_1468 = vector.broadcast %jit3A_1467 : i32 to vector<16xi32>
        %select_n3A_1469 = arith.select %eq3A_1466, %get3A_1295, %broadcast_in_dim3A_1468 : vector<16xi1>, vector<16xi32>
        %reduce_sum3A_1470 = arith.constant true
        %reduce_sum3A_1471 = vector.broadcast %reduce_sum3A_1470 : i1 to vector<16xi1>
        %reduce_sum3A_1472 = tpu.scan <sum>, %select_n3A_1469 masked %reduce_sum3A_1471 : vector<16xi32>, vector<16xi1> -> vector<16xi32>
        %reduce_sum3A_1473 = vector.extract %reduce_sum3A_1472[15] : i32 from vector<16xi32>
        %multiple_of3A_1474 = tpu.assume_multiple %reduce_sum3A_1473, 128 : i32
        %dma_start3A_1475 = arith.constant 7 : i32
        %dma_start3A_1476 = arith.constant 0 : i32
        %dma_start3A_1477 = arith.constant 0 : i32
        %dma_start3A_1478 = tpu.memref_slice %arg23[%dma_start3A_1475, %dma_start3A_1476, %dma_start3A_1477] : memref<16x16x128xf32, #tpu.memory_space<vmem>> -> memref<1x16x128xf32, #tpu.memory_space<vmem>>
        %dma_start3A_1479 = tpu.memref_squeeze %dma_start3A_1478 : memref<1x16x128xf32, #tpu.memory_space<vmem>> -> memref<16x128xf32, #tpu.memory_space<vmem>>
        %dma_start3A_1480 = arith.constant 0 : i32
        %dma_start3A_1481 = tpu.memref_slice %arg3[%dma_start3A_1480, %multiple_of3A_1474] : memref<16x1000000xf32, #tpu.memory_space<hbm>> -> memref<16x128xf32, #tpu.memory_space<hbm>>
        %dma_start3A_1482 = arith.constant 0 : i32
        %dma_start3A_1483 = arith.constant 0 : i32
        %dma_start3A_1484 = tpu.memref_slice %arg23[%dma_start3A_1475, %dma_start3A_1482, %dma_start3A_1483] : memref<16x16x128xf32, #tpu.memory_space<vmem>> -> memref<1x16x128xf32, #tpu.memory_space<vmem>>
        %dma_start3A_1485 = tpu.memref_squeeze %dma_start3A_1484 : memref<1x16x128xf32, #tpu.memory_space<vmem>> -> memref<16x128xf32, #tpu.memory_space<vmem>>
        %dma_start3A_1486 = arith.constant 0 : i32
        %dma_start3A_1487 = tpu.memref_slice %arg3[%dma_start3A_1486, %multiple_of3A_1474] : memref<16x1000000xf32, #tpu.memory_space<hbm>> -> memref<16x128xf32, #tpu.memory_space<hbm>>
        tpu.enqueue_dma source(%dma_start3A_1487 : memref<16x128xf32, #tpu.memory_space<hbm>>) target(%dma_start3A_1485 : memref<16x128xf32, #tpu.memory_space<vmem>>) target_semaphore(%arg30 : memref<!tpu.dma_semaphore, #tpu.memory_space<semaphore_mem>>)
      } else {
      }
      %mul3A_1198 = arith.constant 2 : i32
      %mul3A_1199 = arith.muli %add3A_1107, %mul3A_1198 : i32
      %add3A_1200 = arith.constant 1 : i32
      %add3A_1201 = arith.addi %mul3A_1199, %add3A_1200 : i32
      %dma_wait3A_1202 = arith.constant 8 : i32
      %dma_wait3A_1203 = arith.constant 0 : i32
      %dma_wait3A_1204 = arith.constant 0 : i32
      %dma_wait3A_1205 = tpu.memref_slice %arg22[%dma_wait3A_1202, %dma_wait3A_1203, %dma_wait3A_1204] : memref<16x16x128xf32, #tpu.memory_space<vmem>> -> memref<8x16x128xf32, #tpu.memory_space<vmem>>
      %dma_wait3A_1206 = arith.constant 0 : i32
      %dma_wait3A_1207 = arith.constant 0 : i32
      %dma_wait3A_1208 = tpu.memref_slice %arg2[%dma_wait3A_1206, %dma_wait3A_1207] : memref<16x1000000xf32, #tpu.memory_space<hbm>> -> memref<16x1024xf32, #tpu.memory_space<hbm>>
      %dma_wait3A_1209 = arith.constant 8 : i32
      %dma_wait3A_1210 = arith.constant 0 : i32
      %dma_wait3A_1211 = arith.constant 0 : i32
      %dma_wait3A_1212 = tpu.memref_slice %arg22[%dma_wait3A_1209, %dma_wait3A_1210, %dma_wait3A_1211] : memref<16x16x128xf32, #tpu.memory_space<vmem>> -> memref<8x16x128xf32, #tpu.memory_space<vmem>>
      %dma_wait3A_1213 = arith.constant 0 : i32
      %dma_wait3A_1214 = arith.constant 0 : i32
      %dma_wait3A_1215 = tpu.memref_slice %arg2[%dma_wait3A_1213, %dma_wait3A_1214] : memref<16x1000000xf32, #tpu.memory_space<hbm>> -> memref<16x1024xf32, #tpu.memory_space<hbm>>
      tpu.wait_dma2 semaphore(%arg29 : memref<!tpu.dma_semaphore, #tpu.memory_space<semaphore_mem>>) src(%dma_wait3A_1215 : memref<16x1024xf32, #tpu.memory_space<hbm>>) dst(%dma_wait3A_1212 : memref<8x16x128xf32, #tpu.memory_space<vmem>>)
      %mul3A_1216 = arith.constant 8 : i32
      %mul3A_1217 = arith.muli %add3A_1201, %mul3A_1216 : i32
      %get3A_1218 = arith.index_cast %mul3A_1217 : i32 to index
      %get3A_1219 = tpu.vector_load %arg16[%get3A_1218] {strides = array<i32>} : memref<528xi32, #tpu.memory_space<vmem>>, vector<16xi32>,
      %and3A_1220 = arith.constant 127 : i32
      %and3A_1221 = vector.broadcast %and3A_1220 : i32 to vector<16xi32>
      %and3A_1222 = arith.andi %get3A_1219, %and3A_1221 : vector<16xi32>
      %and3A_1223 = arith.constant 7 : i32
      %and3A_1224 = vector.broadcast %and3A_1223 : i32 to vector<16xi32>
      %and3A_1225 = arith.andi %iota3A, %and3A_1224 : vector<16xi32>
      %add3A_1226 = arith.constant 8 : i32
      %add3A_1227 = vector.broadcast %add3A_1226 : i32 to vector<16xi32>
      %add3A_1228 = arith.addi %add3A_1227, %and3A_1225 : vector<16xi32>
      %mul3A_1229 = arith.constant 16 : i32
      %mul3A_1230 = vector.broadcast %mul3A_1229 : i32 to vector<16xi32>
      %mul3A_1231 = arith.muli %iota3A, %mul3A_1230 : vector<16xi32>
      %mul3A_1232 = arith.constant 128 : i32
      %mul3A_1233 = arith.muli %add3A_1201, %mul3A_1232 : i32
      %add3A_1234 = vector.broadcast %mul3A_1233 : i32 to vector<16xi32>
      %add3A_1235 = arith.addi %mul3A_1231, %add3A_1234 : vector<16xi32>
      %scan3A_1236 = arith.constant 0 : i32
      %scan3A_1237 = arith.constant 16 : i32
      %scan3A_1238 = arith.addi %scan3A_1236, %scan3A_1237 : i32
      %scan3A_1239 = arith.constant 1 : i32
      scf.for %scan3A_1290 = %scan3A_1236 to %scan3A_1238 step %scan3A_1239  : i32 {
        %mul3A_1291 = arith.constant 1 : i32
        %mul3A_1292 = arith.muli %scan3A_1290, %mul3A_1291 : i32
        %add3A_1293 = arith.constant 0 : i32
        %add3A_1294 = arith.addi %add3A_1293, %mul3A_1292 : i32
        %broadcast_in_dim3A_1295 = arith.constant 0 : i32
        %broadcast_in_dim3A_1296 = vector.broadcast %broadcast_in_dim3A_1295 : i32 to vector<16xi32>
        %add3A_1297 = vector.broadcast %add3A_1294 : i32 to vector<16xi32>
        %add3A_1298 = arith.addi %broadcast_in_dim3A_1296, %add3A_1297 : vector<16xi32>
        %gather3A = tpu.vector_load_idx %arg22[%add3A_1228, %add3A_1298, %and3A_1222] masked %lt3A_39 : memref<16x16x128xf32, #tpu.memory_space<vmem>>[vector<16xi32>, vector<16xi32>, vector<16xi32>], vector<16xf32>, vector<16xi1>
        %add3A_1299 = vector.broadcast %add3A_1294 : i32 to vector<16xi32>
        %add3A_1300 = arith.addi %add3A_1235, %add3A_1299 : vector<16xi32>
        tpu.vector_store_idx %arg24[%add3A_1300], %gather3A masked %lt3A_39 : memref<8192xf32, #tpu.memory_space<vmem>>[vector<16xi32>], vector<16xf32>, vector<16xi1>
      }
      %scan3A_1240 = arith.constant 16 : i32
      %lt3A_1241 = arith.constant 31 : i32
      %lt3A_1242 = arith.cmpi slt, %add3A_1107, %lt3A_1241 : i32
      %convert_element_type3A_1243 = arith.extui %lt3A_1242 : i1 to i32
      %cond3A_1244 = arith.constant 0 : i32
      %cond3A_1245 = arith.cmpi ne, %convert_element_type3A_1243, %cond3A_1244 : i32
      scf.if %cond3A_1245 {
        %add3A_1290 = arith.constant 2 : i32
        %add3A_1291 = arith.addi %add3A_1201, %add3A_1290 : i32
        %mul3A_1292 = arith.constant 8 : i32
        %mul3A_1293 = arith.muli %add3A_1291, %mul3A_1292 : i32
        %get3A_1294 = arith.index_cast %mul3A_1293 : i32 to index
        %get3A_1295 = tpu.vector_load %arg15[%get3A_1294] {strides = array<i32>} : memref<528xi32, #tpu.memory_space<vmem>>, vector<16xi32>,
        %eq3A_1296 = arith.constant 0 : i32
        %eq3A_1297 = vector.broadcast %eq3A_1296 : i32 to vector<16xi32>
        %eq3A_1298 = arith.cmpi eq, %iota3A, %eq3A_1297 : vector<16xi32>
        %jit3A_1299 = arith.constant 0 : i32
        %broadcast_in_dim3A_1300 = vector.broadcast %jit3A_1299 : i32 to vector<16xi32>
        %select_n3A_1301 = arith.select %eq3A_1298, %get3A_1295, %broadcast_in_dim3A_1300 : vector<16xi1>, vector<16xi32>
        %reduce_sum3A_1302 = arith.constant true
        %reduce_sum3A_1303 = vector.broadcast %reduce_sum3A_1302 : i1 to vector<16xi1>
        %reduce_sum3A_1304 = tpu.scan <sum>, %select_n3A_1301 masked %reduce_sum3A_1303 : vector<16xi32>, vector<16xi1> -> vector<16xi32>
        %reduce_sum3A_1305 = vector.extract %reduce_sum3A_1304[15] : i32 from vector<16xi32>
        %multiple_of3A_1306 = tpu.assume_multiple %reduce_sum3A_1305, 128 : i32
        %dma_start3A_1307 = arith.constant 8 : i32
        %dma_start3A_1308 = arith.constant 0 : i32
        %dma_start3A_1309 = arith.constant 0 : i32
        %dma_start3A_1310 = tpu.memref_slice %arg22[%dma_start3A_1307, %dma_start3A_1308, %dma_start3A_1309] : memref<16x16x128xf32, #tpu.memory_space<vmem>> -> memref<1x16x128xf32, #tpu.memory_space<vmem>>
        %dma_start3A_1311 = tpu.memref_squeeze %dma_start3A_1310 : memref<1x16x128xf32, #tpu.memory_space<vmem>> -> memref<16x128xf32, #tpu.memory_space<vmem>>
        %dma_start3A_1312 = arith.constant 0 : i32
        %dma_start3A_1313 = tpu.memref_slice %arg2[%dma_start3A_1312, %multiple_of3A_1306] : memref<16x1000000xf32, #tpu.memory_space<hbm>> -> memref<16x128xf32, #tpu.memory_space<hbm>>
        %dma_start3A_1314 = arith.constant 0 : i32
        %dma_start3A_1315 = arith.constant 0 : i32
        %dma_start3A_1316 = tpu.memref_slice %arg22[%dma_start3A_1307, %dma_start3A_1314, %dma_start3A_1315] : memref<16x16x128xf32, #tpu.memory_space<vmem>> -> memref<1x16x128xf32, #tpu.memory_space<vmem>>
        %dma_start3A_1317 = tpu.memref_squeeze %dma_start3A_1316 : memref<1x16x128xf32, #tpu.memory_space<vmem>> -> memref<16x128xf32, #tpu.memory_space<vmem>>
        %dma_start3A_1318 = arith.constant 0 : i32
        %dma_start3A_1319 = tpu.memref_slice %arg2[%dma_start3A_1318, %multiple_of3A_1306] : memref<16x1000000xf32, #tpu.memory_space<hbm>> -> memref<16x128xf32, #tpu.memory_space<hbm>>
        tpu.enqueue_dma source(%dma_start3A_1319 : memref<16x128xf32, #tpu.memory_space<hbm>>) target(%dma_start3A_1317 : memref<16x128xf32, #tpu.memory_space<vmem>>) target_semaphore(%arg29 : memref<!tpu.dma_semaphore, #tpu.memory_space<semaphore_mem>>)
        %eq3A_1320 = arith.constant 1 : i32
        %eq3A_1321 = vector.broadcast %eq3A_1320 : i32 to vector<16xi32>
        %eq3A_1322 = arith.cmpi eq, %iota3A, %eq3A_1321 : vector<16xi32>
        %jit3A_1323 = arith.constant 0 : i32
        %broadcast_in_dim3A_1324 = vector.broadcast %jit3A_1323 : i32 to vector<16xi32>
        %select_n3A_1325 = arith.select %eq3A_1322, %get3A_1295, %broadcast_in_dim3A_1324 : vector<16xi1>, vector<16xi32>
        %reduce_sum3A_1326 = arith.constant true
        %reduce_sum3A_1327 = vector.broadcast %reduce_sum3A_1326 : i1 to vector<16xi1>
        %reduce_sum3A_1328 = tpu.scan <sum>, %select_n3A_1325 masked %reduce_sum3A_1327 : vector<16xi32>, vector<16xi1> -> vector<16xi32>
        %reduce_sum3A_1329 = vector.extract %reduce_sum3A_1328[15] : i32 from vector<16xi32>
        %multiple_of3A_1330 = tpu.assume_multiple %reduce_sum3A_1329, 128 : i32
        %dma_start3A_1331 = arith.constant 9 : i32
        %dma_start3A_1332 = arith.constant 0 : i32
        %dma_start3A_1333 = arith.constant 0 : i32
        %dma_start3A_1334 = tpu.memref_slice %arg22[%dma_start3A_1331, %dma_start3A_1332, %dma_start3A_1333] : memref<16x16x128xf32, #tpu.memory_space<vmem>> -> memref<1x16x128xf32, #tpu.memory_space<vmem>>
        %dma_start3A_1335 = tpu.memref_squeeze %dma_start3A_1334 : memref<1x16x128xf32, #tpu.memory_space<vmem>> -> memref<16x128xf32, #tpu.memory_space<vmem>>
        %dma_start3A_1336 = arith.constant 0 : i32
        %dma_start3A_1337 = tpu.memref_slice %arg2[%dma_start3A_1336, %multiple_of3A_1330] : memref<16x1000000xf32, #tpu.memory_space<hbm>> -> memref<16x128xf32, #tpu.memory_space<hbm>>
        %dma_start3A_1338 = arith.constant 0 : i32
        %dma_start3A_1339 = arith.constant 0 : i32
        %dma_start3A_1340 = tpu.memref_slice %arg22[%dma_start3A_1331, %dma_start3A_1338, %dma_start3A_1339] : memref<16x16x128xf32, #tpu.memory_space<vmem>> -> memref<1x16x128xf32, #tpu.memory_space<vmem>>
        %dma_start3A_1341 = tpu.memref_squeeze %dma_start3A_1340 : memref<1x16x128xf32, #tpu.memory_space<vmem>> -> memref<16x128xf32, #tpu.memory_space<vmem>>
        %dma_start3A_1342 = arith.constant 0 : i32
        %dma_start3A_1343 = tpu.memref_slice %arg2[%dma_start3A_1342, %multiple_of3A_1330] : memref<16x1000000xf32, #tpu.memory_space<hbm>> -> memref<16x128xf32, #tpu.memory_space<hbm>>
        tpu.enqueue_dma source(%dma_start3A_1343 : memref<16x128xf32, #tpu.memory_space<hbm>>) target(%dma_start3A_1341 : memref<16x128xf32, #tpu.memory_space<vmem>>) target_semaphore(%arg29 : memref<!tpu.dma_semaphore, #tpu.memory_space<semaphore_mem>>)
        %eq3A_1344 = arith.constant 2 : i32
        %eq3A_1345 = vector.broadcast %eq3A_1344 : i32 to vector<16xi32>
        %eq3A_1346 = arith.cmpi eq, %iota3A, %eq3A_1345 : vector<16xi32>
        %jit3A_1347 = arith.constant 0 : i32
        %broadcast_in_dim3A_1348 = vector.broadcast %jit3A_1347 : i32 to vector<16xi32>
        %select_n3A_1349 = arith.select %eq3A_1346, %get3A_1295, %broadcast_in_dim3A_1348 : vector<16xi1>, vector<16xi32>
        %reduce_sum3A_1350 = arith.constant true
        %reduce_sum3A_1351 = vector.broadcast %reduce_sum3A_1350 : i1 to vector<16xi1>
        %reduce_sum3A_1352 = tpu.scan <sum>, %select_n3A_1349 masked %reduce_sum3A_1351 : vector<16xi32>, vector<16xi1> -> vector<16xi32>
        %reduce_sum3A_1353 = vector.extract %reduce_sum3A_1352[15] : i32 from vector<16xi32>
        %multiple_of3A_1354 = tpu.assume_multiple %reduce_sum3A_1353, 128 : i32
        %dma_start3A_1355 = arith.constant 10 : i32
        %dma_start3A_1356 = arith.constant 0 : i32
        %dma_start3A_1357 = arith.constant 0 : i32
        %dma_start3A_1358 = tpu.memref_slice %arg22[%dma_start3A_1355, %dma_start3A_1356, %dma_start3A_1357] : memref<16x16x128xf32, #tpu.memory_space<vmem>> -> memref<1x16x128xf32, #tpu.memory_space<vmem>>
        %dma_start3A_1359 = tpu.memref_squeeze %dma_start3A_1358 : memref<1x16x128xf32, #tpu.memory_space<vmem>> -> memref<16x128xf32, #tpu.memory_space<vmem>>
        %dma_start3A_1360 = arith.constant 0 : i32
        %dma_start3A_1361 = tpu.memref_slice %arg2[%dma_start3A_1360, %multiple_of3A_1354] : memref<16x1000000xf32, #tpu.memory_space<hbm>> -> memref<16x128xf32, #tpu.memory_space<hbm>>
        %dma_start3A_1362 = arith.constant 0 : i32
        %dma_start3A_1363 = arith.constant 0 : i32
        %dma_start3A_1364 = tpu.memref_slice %arg22[%dma_start3A_1355, %dma_start3A_1362, %dma_start3A_1363] : memref<16x16x128xf32, #tpu.memory_space<vmem>> -> memref<1x16x128xf32, #tpu.memory_space<vmem>>
        %dma_start3A_1365 = tpu.memref_squeeze %dma_start3A_1364 : memref<1x16x128xf32, #tpu.memory_space<vmem>> -> memref<16x128xf32, #tpu.memory_space<vmem>>
        %dma_start3A_1366 = arith.constant 0 : i32
        %dma_start3A_1367 = tpu.memref_slice %arg2[%dma_start3A_1366, %multiple_of3A_1354] : memref<16x1000000xf32, #tpu.memory_space<hbm>> -> memref<16x128xf32, #tpu.memory_space<hbm>>
        tpu.enqueue_dma source(%dma_start3A_1367 : memref<16x128xf32, #tpu.memory_space<hbm>>) target(%dma_start3A_1365 : memref<16x128xf32, #tpu.memory_space<vmem>>) target_semaphore(%arg29 : memref<!tpu.dma_semaphore, #tpu.memory_space<semaphore_mem>>)
        %eq3A_1368 = arith.constant 3 : i32
        %eq3A_1369 = vector.broadcast %eq3A_1368 : i32 to vector<16xi32>
        %eq3A_1370 = arith.cmpi eq, %iota3A, %eq3A_1369 : vector<16xi32>
        %jit3A_1371 = arith.constant 0 : i32
        %broadcast_in_dim3A_1372 = vector.broadcast %jit3A_1371 : i32 to vector<16xi32>
        %select_n3A_1373 = arith.select %eq3A_1370, %get3A_1295, %broadcast_in_dim3A_1372 : vector<16xi1>, vector<16xi32>
        %reduce_sum3A_1374 = arith.constant true
        %reduce_sum3A_1375 = vector.broadcast %reduce_sum3A_1374 : i1 to vector<16xi1>
        %reduce_sum3A_1376 = tpu.scan <sum>, %select_n3A_1373 masked %reduce_sum3A_1375 : vector<16xi32>, vector<16xi1> -> vector<16xi32>
        %reduce_sum3A_1377 = vector.extract %reduce_sum3A_1376[15] : i32 from vector<16xi32>
        %multiple_of3A_1378 = tpu.assume_multiple %reduce_sum3A_1377, 128 : i32
        %dma_start3A_1379 = arith.constant 11 : i32
        %dma_start3A_1380 = arith.constant 0 : i32
        %dma_start3A_1381 = arith.constant 0 : i32
        %dma_start3A_1382 = tpu.memref_slice %arg22[%dma_start3A_1379, %dma_start3A_1380, %dma_start3A_1381] : memref<16x16x128xf32, #tpu.memory_space<vmem>> -> memref<1x16x128xf32, #tpu.memory_space<vmem>>
        %dma_start3A_1383 = tpu.memref_squeeze %dma_start3A_1382 : memref<1x16x128xf32, #tpu.memory_space<vmem>> -> memref<16x128xf32, #tpu.memory_space<vmem>>
        %dma_start3A_1384 = arith.constant 0 : i32
        %dma_start3A_1385 = tpu.memref_slice %arg2[%dma_start3A_1384, %multiple_of3A_1378] : memref<16x1000000xf32, #tpu.memory_space<hbm>> -> memref<16x128xf32, #tpu.memory_space<hbm>>
        %dma_start3A_1386 = arith.constant 0 : i32
        %dma_start3A_1387 = arith.constant 0 : i32
        %dma_start3A_1388 = tpu.memref_slice %arg22[%dma_start3A_1379, %dma_start3A_1386, %dma_start3A_1387] : memref<16x16x128xf32, #tpu.memory_space<vmem>> -> memref<1x16x128xf32, #tpu.memory_space<vmem>>
        %dma_start3A_1389 = tpu.memref_squeeze %dma_start3A_1388 : memref<1x16x128xf32, #tpu.memory_space<vmem>> -> memref<16x128xf32, #tpu.memory_space<vmem>>
        %dma_start3A_1390 = arith.constant 0 : i32
        %dma_start3A_1391 = tpu.memref_slice %arg2[%dma_start3A_1390, %multiple_of3A_1378] : memref<16x1000000xf32, #tpu.memory_space<hbm>> -> memref<16x128xf32, #tpu.memory_space<hbm>>
        tpu.enqueue_dma source(%dma_start3A_1391 : memref<16x128xf32, #tpu.memory_space<hbm>>) target(%dma_start3A_1389 : memref<16x128xf32, #tpu.memory_space<vmem>>) target_semaphore(%arg29 : memref<!tpu.dma_semaphore, #tpu.memory_space<semaphore_mem>>)
        %eq3A_1392 = arith.constant 4 : i32
        %eq3A_1393 = vector.broadcast %eq3A_1392 : i32 to vector<16xi32>
        %eq3A_1394 = arith.cmpi eq, %iota3A, %eq3A_1393 : vector<16xi32>
        %jit3A_1395 = arith.constant 0 : i32
        %broadcast_in_dim3A_1396 = vector.broadcast %jit3A_1395 : i32 to vector<16xi32>
        %select_n3A_1397 = arith.select %eq3A_1394, %get3A_1295, %broadcast_in_dim3A_1396 : vector<16xi1>, vector<16xi32>
        %reduce_sum3A_1398 = arith.constant true
        %reduce_sum3A_1399 = vector.broadcast %reduce_sum3A_1398 : i1 to vector<16xi1>
        %reduce_sum3A_1400 = tpu.scan <sum>, %select_n3A_1397 masked %reduce_sum3A_1399 : vector<16xi32>, vector<16xi1> -> vector<16xi32>
        %reduce_sum3A_1401 = vector.extract %reduce_sum3A_1400[15] : i32 from vector<16xi32>
        %multiple_of3A_1402 = tpu.assume_multiple %reduce_sum3A_1401, 128 : i32
        %dma_start3A_1403 = arith.constant 12 : i32
        %dma_start3A_1404 = arith.constant 0 : i32
        %dma_start3A_1405 = arith.constant 0 : i32
        %dma_start3A_1406 = tpu.memref_slice %arg22[%dma_start3A_1403, %dma_start3A_1404, %dma_start3A_1405] : memref<16x16x128xf32, #tpu.memory_space<vmem>> -> memref<1x16x128xf32, #tpu.memory_space<vmem>>
        %dma_start3A_1407 = tpu.memref_squeeze %dma_start3A_1406 : memref<1x16x128xf32, #tpu.memory_space<vmem>> -> memref<16x128xf32, #tpu.memory_space<vmem>>
        %dma_start3A_1408 = arith.constant 0 : i32
        %dma_start3A_1409 = tpu.memref_slice %arg2[%dma_start3A_1408, %multiple_of3A_1402] : memref<16x1000000xf32, #tpu.memory_space<hbm>> -> memref<16x128xf32, #tpu.memory_space<hbm>>
        %dma_start3A_1410 = arith.constant 0 : i32
        %dma_start3A_1411 = arith.constant 0 : i32
        %dma_start3A_1412 = tpu.memref_slice %arg22[%dma_start3A_1403, %dma_start3A_1410, %dma_start3A_1411] : memref<16x16x128xf32, #tpu.memory_space<vmem>> -> memref<1x16x128xf32, #tpu.memory_space<vmem>>
        %dma_start3A_1413 = tpu.memref_squeeze %dma_start3A_1412 : memref<1x16x128xf32, #tpu.memory_space<vmem>> -> memref<16x128xf32, #tpu.memory_space<vmem>>
        %dma_start3A_1414 = arith.constant 0 : i32
        %dma_start3A_1415 = tpu.memref_slice %arg2[%dma_start3A_1414, %multiple_of3A_1402] : memref<16x1000000xf32, #tpu.memory_space<hbm>> -> memref<16x128xf32, #tpu.memory_space<hbm>>
        tpu.enqueue_dma source(%dma_start3A_1415 : memref<16x128xf32, #tpu.memory_space<hbm>>) target(%dma_start3A_1413 : memref<16x128xf32, #tpu.memory_space<vmem>>) target_semaphore(%arg29 : memref<!tpu.dma_semaphore, #tpu.memory_space<semaphore_mem>>)
        %eq3A_1416 = arith.constant 5 : i32
        %eq3A_1417 = vector.broadcast %eq3A_1416 : i32 to vector<16xi32>
        %eq3A_1418 = arith.cmpi eq, %iota3A, %eq3A_1417 : vector<16xi32>
        %jit3A_1419 = arith.constant 0 : i32
        %broadcast_in_dim3A_1420 = vector.broadcast %jit3A_1419 : i32 to vector<16xi32>
        %select_n3A_1421 = arith.select %eq3A_1418, %get3A_1295, %broadcast_in_dim3A_1420 : vector<16xi1>, vector<16xi32>
        %reduce_sum3A_1422 = arith.constant true
        %reduce_sum3A_1423 = vector.broadcast %reduce_sum3A_1422 : i1 to vector<16xi1>
        %reduce_sum3A_1424 = tpu.scan <sum>, %select_n3A_1421 masked %reduce_sum3A_1423 : vector<16xi32>, vector<16xi1> -> vector<16xi32>
        %reduce_sum3A_1425 = vector.extract %reduce_sum3A_1424[15] : i32 from vector<16xi32>
        %multiple_of3A_1426 = tpu.assume_multiple %reduce_sum3A_1425, 128 : i32
        %dma_start3A_1427 = arith.constant 13 : i32
        %dma_start3A_1428 = arith.constant 0 : i32
        %dma_start3A_1429 = arith.constant 0 : i32
        %dma_start3A_1430 = tpu.memref_slice %arg22[%dma_start3A_1427, %dma_start3A_1428, %dma_start3A_1429] : memref<16x16x128xf32, #tpu.memory_space<vmem>> -> memref<1x16x128xf32, #tpu.memory_space<vmem>>
        %dma_start3A_1431 = tpu.memref_squeeze %dma_start3A_1430 : memref<1x16x128xf32, #tpu.memory_space<vmem>> -> memref<16x128xf32, #tpu.memory_space<vmem>>
        %dma_start3A_1432 = arith.constant 0 : i32
        %dma_start3A_1433 = tpu.memref_slice %arg2[%dma_start3A_1432, %multiple_of3A_1426] : memref<16x1000000xf32, #tpu.memory_space<hbm>> -> memref<16x128xf32, #tpu.memory_space<hbm>>
        %dma_start3A_1434 = arith.constant 0 : i32
        %dma_start3A_1435 = arith.constant 0 : i32
        %dma_start3A_1436 = tpu.memref_slice %arg22[%dma_start3A_1427, %dma_start3A_1434, %dma_start3A_1435] : memref<16x16x128xf32, #tpu.memory_space<vmem>> -> memref<1x16x128xf32, #tpu.memory_space<vmem>>
        %dma_start3A_1437 = tpu.memref_squeeze %dma_start3A_1436 : memref<1x16x128xf32, #tpu.memory_space<vmem>> -> memref<16x128xf32, #tpu.memory_space<vmem>>
        %dma_start3A_1438 = arith.constant 0 : i32
        %dma_start3A_1439 = tpu.memref_slice %arg2[%dma_start3A_1438, %multiple_of3A_1426] : memref<16x1000000xf32, #tpu.memory_space<hbm>> -> memref<16x128xf32, #tpu.memory_space<hbm>>
        tpu.enqueue_dma source(%dma_start3A_1439 : memref<16x128xf32, #tpu.memory_space<hbm>>) target(%dma_start3A_1437 : memref<16x128xf32, #tpu.memory_space<vmem>>) target_semaphore(%arg29 : memref<!tpu.dma_semaphore, #tpu.memory_space<semaphore_mem>>)
        %eq3A_1440 = arith.constant 6 : i32
        %eq3A_1441 = vector.broadcast %eq3A_1440 : i32 to vector<16xi32>
        %eq3A_1442 = arith.cmpi eq, %iota3A, %eq3A_1441 : vector<16xi32>
        %jit3A_1443 = arith.constant 0 : i32
        %broadcast_in_dim3A_1444 = vector.broadcast %jit3A_1443 : i32 to vector<16xi32>
        %select_n3A_1445 = arith.select %eq3A_1442, %get3A_1295, %broadcast_in_dim3A_1444 : vector<16xi1>, vector<16xi32>
        %reduce_sum3A_1446 = arith.constant true
        %reduce_sum3A_1447 = vector.broadcast %reduce_sum3A_1446 : i1 to vector<16xi1>
        %reduce_sum3A_1448 = tpu.scan <sum>, %select_n3A_1445 masked %reduce_sum3A_1447 : vector<16xi32>, vector<16xi1> -> vector<16xi32>
        %reduce_sum3A_1449 = vector.extract %reduce_sum3A_1448[15] : i32 from vector<16xi32>
        %multiple_of3A_1450 = tpu.assume_multiple %reduce_sum3A_1449, 128 : i32
        %dma_start3A_1451 = arith.constant 14 : i32
        %dma_start3A_1452 = arith.constant 0 : i32
        %dma_start3A_1453 = arith.constant 0 : i32
        %dma_start3A_1454 = tpu.memref_slice %arg22[%dma_start3A_1451, %dma_start3A_1452, %dma_start3A_1453] : memref<16x16x128xf32, #tpu.memory_space<vmem>> -> memref<1x16x128xf32, #tpu.memory_space<vmem>>
        %dma_start3A_1455 = tpu.memref_squeeze %dma_start3A_1454 : memref<1x16x128xf32, #tpu.memory_space<vmem>> -> memref<16x128xf32, #tpu.memory_space<vmem>>
        %dma_start3A_1456 = arith.constant 0 : i32
        %dma_start3A_1457 = tpu.memref_slice %arg2[%dma_start3A_1456, %multiple_of3A_1450] : memref<16x1000000xf32, #tpu.memory_space<hbm>> -> memref<16x128xf32, #tpu.memory_space<hbm>>
        %dma_start3A_1458 = arith.constant 0 : i32
        %dma_start3A_1459 = arith.constant 0 : i32
        %dma_start3A_1460 = tpu.memref_slice %arg22[%dma_start3A_1451, %dma_start3A_1458, %dma_start3A_1459] : memref<16x16x128xf32, #tpu.memory_space<vmem>> -> memref<1x16x128xf32, #tpu.memory_space<vmem>>
        %dma_start3A_1461 = tpu.memref_squeeze %dma_start3A_1460 : memref<1x16x128xf32, #tpu.memory_space<vmem>> -> memref<16x128xf32, #tpu.memory_space<vmem>>
        %dma_start3A_1462 = arith.constant 0 : i32
        %dma_start3A_1463 = tpu.memref_slice %arg2[%dma_start3A_1462, %multiple_of3A_1450] : memref<16x1000000xf32, #tpu.memory_space<hbm>> -> memref<16x128xf32, #tpu.memory_space<hbm>>
        tpu.enqueue_dma source(%dma_start3A_1463 : memref<16x128xf32, #tpu.memory_space<hbm>>) target(%dma_start3A_1461 : memref<16x128xf32, #tpu.memory_space<vmem>>) target_semaphore(%arg29 : memref<!tpu.dma_semaphore, #tpu.memory_space<semaphore_mem>>)
        %eq3A_1464 = arith.constant 7 : i32
        %eq3A_1465 = vector.broadcast %eq3A_1464 : i32 to vector<16xi32>
        %eq3A_1466 = arith.cmpi eq, %iota3A, %eq3A_1465 : vector<16xi32>
        %jit3A_1467 = arith.constant 0 : i32
        %broadcast_in_dim3A_1468 = vector.broadcast %jit3A_1467 : i32 to vector<16xi32>
        %select_n3A_1469 = arith.select %eq3A_1466, %get3A_1295, %broadcast_in_dim3A_1468 : vector<16xi1>, vector<16xi32>
        %reduce_sum3A_1470 = arith.constant true
        %reduce_sum3A_1471 = vector.broadcast %reduce_sum3A_1470 : i1 to vector<16xi1>
        %reduce_sum3A_1472 = tpu.scan <sum>, %select_n3A_1469 masked %reduce_sum3A_1471 : vector<16xi32>, vector<16xi1> -> vector<16xi32>
        %reduce_sum3A_1473 = vector.extract %reduce_sum3A_1472[15] : i32 from vector<16xi32>
        %multiple_of3A_1474 = tpu.assume_multiple %reduce_sum3A_1473, 128 : i32
        %dma_start3A_1475 = arith.constant 15 : i32
        %dma_start3A_1476 = arith.constant 0 : i32
        %dma_start3A_1477 = arith.constant 0 : i32
        %dma_start3A_1478 = tpu.memref_slice %arg22[%dma_start3A_1475, %dma_start3A_1476, %dma_start3A_1477] : memref<16x16x128xf32, #tpu.memory_space<vmem>> -> memref<1x16x128xf32, #tpu.memory_space<vmem>>
        %dma_start3A_1479 = tpu.memref_squeeze %dma_start3A_1478 : memref<1x16x128xf32, #tpu.memory_space<vmem>> -> memref<16x128xf32, #tpu.memory_space<vmem>>
        %dma_start3A_1480 = arith.constant 0 : i32
        %dma_start3A_1481 = tpu.memref_slice %arg2[%dma_start3A_1480, %multiple_of3A_1474] : memref<16x1000000xf32, #tpu.memory_space<hbm>> -> memref<16x128xf32, #tpu.memory_space<hbm>>
        %dma_start3A_1482 = arith.constant 0 : i32
        %dma_start3A_1483 = arith.constant 0 : i32
        %dma_start3A_1484 = tpu.memref_slice %arg22[%dma_start3A_1475, %dma_start3A_1482, %dma_start3A_1483] : memref<16x16x128xf32, #tpu.memory_space<vmem>> -> memref<1x16x128xf32, #tpu.memory_space<vmem>>
        %dma_start3A_1485 = tpu.memref_squeeze %dma_start3A_1484 : memref<1x16x128xf32, #tpu.memory_space<vmem>> -> memref<16x128xf32, #tpu.memory_space<vmem>>
        %dma_start3A_1486 = arith.constant 0 : i32
        %dma_start3A_1487 = tpu.memref_slice %arg2[%dma_start3A_1486, %multiple_of3A_1474] : memref<16x1000000xf32, #tpu.memory_space<hbm>> -> memref<16x128xf32, #tpu.memory_space<hbm>>
        tpu.enqueue_dma source(%dma_start3A_1487 : memref<16x128xf32, #tpu.memory_space<hbm>>) target(%dma_start3A_1485 : memref<16x128xf32, #tpu.memory_space<vmem>>) target_semaphore(%arg29 : memref<!tpu.dma_semaphore, #tpu.memory_space<semaphore_mem>>)
      } else {
      }
      %dma_wait3A_1246 = arith.constant 8 : i32
      %dma_wait3A_1247 = arith.constant 0 : i32
      %dma_wait3A_1248 = arith.constant 0 : i32
      %dma_wait3A_1249 = tpu.memref_slice %arg23[%dma_wait3A_1246, %dma_wait3A_1247, %dma_wait3A_1248] : memref<16x16x128xf32, #tpu.memory_space<vmem>> -> memref<8x16x128xf32, #tpu.memory_space<vmem>>
      %dma_wait3A_1250 = arith.constant 0 : i32
      %dma_wait3A_1251 = arith.constant 0 : i32
      %dma_wait3A_1252 = tpu.memref_slice %arg2[%dma_wait3A_1250, %dma_wait3A_1251] : memref<16x1000000xf32, #tpu.memory_space<hbm>> -> memref<16x1024xf32, #tpu.memory_space<hbm>>
      %dma_wait3A_1253 = arith.constant 8 : i32
      %dma_wait3A_1254 = arith.constant 0 : i32
      %dma_wait3A_1255 = arith.constant 0 : i32
      %dma_wait3A_1256 = tpu.memref_slice %arg23[%dma_wait3A_1253, %dma_wait3A_1254, %dma_wait3A_1255] : memref<16x16x128xf32, #tpu.memory_space<vmem>> -> memref<8x16x128xf32, #tpu.memory_space<vmem>>
      %dma_wait3A_1257 = arith.constant 0 : i32
      %dma_wait3A_1258 = arith.constant 0 : i32
      %dma_wait3A_1259 = tpu.memref_slice %arg2[%dma_wait3A_1257, %dma_wait3A_1258] : memref<16x1000000xf32, #tpu.memory_space<hbm>> -> memref<16x1024xf32, #tpu.memory_space<hbm>>
      tpu.wait_dma2 semaphore(%arg31 : memref<!tpu.dma_semaphore, #tpu.memory_space<semaphore_mem>>) src(%dma_wait3A_1259 : memref<16x1024xf32, #tpu.memory_space<hbm>>) dst(%dma_wait3A_1256 : memref<8x16x128xf32, #tpu.memory_space<vmem>>)
      %mul3A_1260 = arith.constant 8 : i32
      %mul3A_1261 = arith.muli %add3A_1201, %mul3A_1260 : i32
      %get3A_1262 = arith.index_cast %mul3A_1261 : i32 to index
      %get3A_1263 = tpu.vector_load %arg18[%get3A_1262] {strides = array<i32>} : memref<528xi32, #tpu.memory_space<vmem>>, vector<16xi32>,
      %and3A_1264 = arith.constant 127 : i32
      %and3A_1265 = vector.broadcast %and3A_1264 : i32 to vector<16xi32>
      %and3A_1266 = arith.andi %get3A_1263, %and3A_1265 : vector<16xi32>
      %and3A_1267 = arith.constant 7 : i32
      %and3A_1268 = vector.broadcast %and3A_1267 : i32 to vector<16xi32>
      %and3A_1269 = arith.andi %iota3A, %and3A_1268 : vector<16xi32>
      %add3A_1270 = arith.constant 8 : i32
      %add3A_1271 = vector.broadcast %add3A_1270 : i32 to vector<16xi32>
      %add3A_1272 = arith.addi %add3A_1271, %and3A_1269 : vector<16xi32>
      %mul3A_1273 = arith.constant 16 : i32
      %mul3A_1274 = vector.broadcast %mul3A_1273 : i32 to vector<16xi32>
      %mul3A_1275 = arith.muli %iota3A, %mul3A_1274 : vector<16xi32>
      %mul3A_1276 = arith.constant 128 : i32
      %mul3A_1277 = arith.muli %add3A_1201, %mul3A_1276 : i32
      %add3A_1278 = vector.broadcast %mul3A_1277 : i32 to vector<16xi32>
      %add3A_1279 = arith.addi %mul3A_1275, %add3A_1278 : vector<16xi32>
      %scan3A_1280 = arith.constant 0 : i32
      %scan3A_1281 = arith.constant 16 : i32
      %scan3A_1282 = arith.addi %scan3A_1280, %scan3A_1281 : i32
      %scan3A_1283 = arith.constant 1 : i32
      scf.for %scan3A_1290 = %scan3A_1280 to %scan3A_1282 step %scan3A_1283  : i32 {
        %mul3A_1291 = arith.constant 1 : i32
        %mul3A_1292 = arith.muli %scan3A_1290, %mul3A_1291 : i32
        %add3A_1293 = arith.constant 0 : i32
        %add3A_1294 = arith.addi %add3A_1293, %mul3A_1292 : i32
        %broadcast_in_dim3A_1295 = arith.constant 0 : i32
        %broadcast_in_dim3A_1296 = vector.broadcast %broadcast_in_dim3A_1295 : i32 to vector<16xi32>
        %add3A_1297 = vector.broadcast %add3A_1294 : i32 to vector<16xi32>
        %add3A_1298 = arith.addi %broadcast_in_dim3A_1296, %add3A_1297 : vector<16xi32>
        %gather3A = tpu.vector_load_idx %arg23[%add3A_1272, %add3A_1298, %and3A_1266] masked %lt3A_39 : memref<16x16x128xf32, #tpu.memory_space<vmem>>[vector<16xi32>, vector<16xi32>, vector<16xi32>], vector<16xf32>, vector<16xi1>
        %add3A_1299 = vector.broadcast %add3A_1294 : i32 to vector<16xi32>
        %add3A_1300 = arith.addi %add3A_1279, %add3A_1299 : vector<16xi32>
        tpu.vector_store_idx %arg25[%add3A_1300], %gather3A masked %lt3A_39 : memref<8192xf32, #tpu.memory_space<vmem>>[vector<16xi32>], vector<16xf32>, vector<16xi1>
      }
      %scan3A_1284 = arith.constant 16 : i32
      %lt3A_1285 = arith.constant 31 : i32
      %lt3A_1286 = arith.cmpi slt, %add3A_1107, %lt3A_1285 : i32
      %convert_element_type3A_1287 = arith.extui %lt3A_1286 : i1 to i32
      %cond3A_1288 = arith.constant 0 : i32
      %cond3A_1289 = arith.cmpi ne, %convert_element_type3A_1287, %cond3A_1288 : i32
      scf.if %cond3A_1289 {
        %add3A_1290 = arith.constant 2 : i32
        %add3A_1291 = arith.addi %add3A_1201, %add3A_1290 : i32
        %mul3A_1292 = arith.constant 8 : i32
        %mul3A_1293 = arith.muli %add3A_1291, %mul3A_1292 : i32
        %get3A_1294 = arith.index_cast %mul3A_1293 : i32 to index
        %get3A_1295 = tpu.vector_load %arg17[%get3A_1294] {strides = array<i32>} : memref<528xi32, #tpu.memory_space<vmem>>, vector<16xi32>,
        %eq3A_1296 = arith.constant 0 : i32
        %eq3A_1297 = vector.broadcast %eq3A_1296 : i32 to vector<16xi32>
        %eq3A_1298 = arith.cmpi eq, %iota3A, %eq3A_1297 : vector<16xi32>
        %jit3A_1299 = arith.constant 0 : i32
        %broadcast_in_dim3A_1300 = vector.broadcast %jit3A_1299 : i32 to vector<16xi32>
        %select_n3A_1301 = arith.select %eq3A_1298, %get3A_1295, %broadcast_in_dim3A_1300 : vector<16xi1>, vector<16xi32>
        %reduce_sum3A_1302 = arith.constant true
        %reduce_sum3A_1303 = vector.broadcast %reduce_sum3A_1302 : i1 to vector<16xi1>
        %reduce_sum3A_1304 = tpu.scan <sum>, %select_n3A_1301 masked %reduce_sum3A_1303 : vector<16xi32>, vector<16xi1> -> vector<16xi32>
        %reduce_sum3A_1305 = vector.extract %reduce_sum3A_1304[15] : i32 from vector<16xi32>
        %multiple_of3A_1306 = tpu.assume_multiple %reduce_sum3A_1305, 128 : i32
        %dma_start3A_1307 = arith.constant 8 : i32
        %dma_start3A_1308 = arith.constant 0 : i32
        %dma_start3A_1309 = arith.constant 0 : i32
        %dma_start3A_1310 = tpu.memref_slice %arg23[%dma_start3A_1307, %dma_start3A_1308, %dma_start3A_1309] : memref<16x16x128xf32, #tpu.memory_space<vmem>> -> memref<1x16x128xf32, #tpu.memory_space<vmem>>
        %dma_start3A_1311 = tpu.memref_squeeze %dma_start3A_1310 : memref<1x16x128xf32, #tpu.memory_space<vmem>> -> memref<16x128xf32, #tpu.memory_space<vmem>>
        %dma_start3A_1312 = arith.constant 0 : i32
        %dma_start3A_1313 = tpu.memref_slice %arg3[%dma_start3A_1312, %multiple_of3A_1306] : memref<16x1000000xf32, #tpu.memory_space<hbm>> -> memref<16x128xf32, #tpu.memory_space<hbm>>
        %dma_start3A_1314 = arith.constant 0 : i32
        %dma_start3A_1315 = arith.constant 0 : i32
        %dma_start3A_1316 = tpu.memref_slice %arg23[%dma_start3A_1307, %dma_start3A_1314, %dma_start3A_1315] : memref<16x16x128xf32, #tpu.memory_space<vmem>> -> memref<1x16x128xf32, #tpu.memory_space<vmem>>
        %dma_start3A_1317 = tpu.memref_squeeze %dma_start3A_1316 : memref<1x16x128xf32, #tpu.memory_space<vmem>> -> memref<16x128xf32, #tpu.memory_space<vmem>>
        %dma_start3A_1318 = arith.constant 0 : i32
        %dma_start3A_1319 = tpu.memref_slice %arg3[%dma_start3A_1318, %multiple_of3A_1306] : memref<16x1000000xf32, #tpu.memory_space<hbm>> -> memref<16x128xf32, #tpu.memory_space<hbm>>
        tpu.enqueue_dma source(%dma_start3A_1319 : memref<16x128xf32, #tpu.memory_space<hbm>>) target(%dma_start3A_1317 : memref<16x128xf32, #tpu.memory_space<vmem>>) target_semaphore(%arg31 : memref<!tpu.dma_semaphore, #tpu.memory_space<semaphore_mem>>)
        %eq3A_1320 = arith.constant 1 : i32
        %eq3A_1321 = vector.broadcast %eq3A_1320 : i32 to vector<16xi32>
        %eq3A_1322 = arith.cmpi eq, %iota3A, %eq3A_1321 : vector<16xi32>
        %jit3A_1323 = arith.constant 0 : i32
        %broadcast_in_dim3A_1324 = vector.broadcast %jit3A_1323 : i32 to vector<16xi32>
        %select_n3A_1325 = arith.select %eq3A_1322, %get3A_1295, %broadcast_in_dim3A_1324 : vector<16xi1>, vector<16xi32>
        %reduce_sum3A_1326 = arith.constant true
        %reduce_sum3A_1327 = vector.broadcast %reduce_sum3A_1326 : i1 to vector<16xi1>
        %reduce_sum3A_1328 = tpu.scan <sum>, %select_n3A_1325 masked %reduce_sum3A_1327 : vector<16xi32>, vector<16xi1> -> vector<16xi32>
        %reduce_sum3A_1329 = vector.extract %reduce_sum3A_1328[15] : i32 from vector<16xi32>
        %multiple_of3A_1330 = tpu.assume_multiple %reduce_sum3A_1329, 128 : i32
        %dma_start3A_1331 = arith.constant 9 : i32
        %dma_start3A_1332 = arith.constant 0 : i32
        %dma_start3A_1333 = arith.constant 0 : i32
        %dma_start3A_1334 = tpu.memref_slice %arg23[%dma_start3A_1331, %dma_start3A_1332, %dma_start3A_1333] : memref<16x16x128xf32, #tpu.memory_space<vmem>> -> memref<1x16x128xf32, #tpu.memory_space<vmem>>
        %dma_start3A_1335 = tpu.memref_squeeze %dma_start3A_1334 : memref<1x16x128xf32, #tpu.memory_space<vmem>> -> memref<16x128xf32, #tpu.memory_space<vmem>>
        %dma_start3A_1336 = arith.constant 0 : i32
        %dma_start3A_1337 = tpu.memref_slice %arg3[%dma_start3A_1336, %multiple_of3A_1330] : memref<16x1000000xf32, #tpu.memory_space<hbm>> -> memref<16x128xf32, #tpu.memory_space<hbm>>
        %dma_start3A_1338 = arith.constant 0 : i32
        %dma_start3A_1339 = arith.constant 0 : i32
        %dma_start3A_1340 = tpu.memref_slice %arg23[%dma_start3A_1331, %dma_start3A_1338, %dma_start3A_1339] : memref<16x16x128xf32, #tpu.memory_space<vmem>> -> memref<1x16x128xf32, #tpu.memory_space<vmem>>
        %dma_start3A_1341 = tpu.memref_squeeze %dma_start3A_1340 : memref<1x16x128xf32, #tpu.memory_space<vmem>> -> memref<16x128xf32, #tpu.memory_space<vmem>>
        %dma_start3A_1342 = arith.constant 0 : i32
        %dma_start3A_1343 = tpu.memref_slice %arg3[%dma_start3A_1342, %multiple_of3A_1330] : memref<16x1000000xf32, #tpu.memory_space<hbm>> -> memref<16x128xf32, #tpu.memory_space<hbm>>
        tpu.enqueue_dma source(%dma_start3A_1343 : memref<16x128xf32, #tpu.memory_space<hbm>>) target(%dma_start3A_1341 : memref<16x128xf32, #tpu.memory_space<vmem>>) target_semaphore(%arg31 : memref<!tpu.dma_semaphore, #tpu.memory_space<semaphore_mem>>)
        %eq3A_1344 = arith.constant 2 : i32
        %eq3A_1345 = vector.broadcast %eq3A_1344 : i32 to vector<16xi32>
        %eq3A_1346 = arith.cmpi eq, %iota3A, %eq3A_1345 : vector<16xi32>
        %jit3A_1347 = arith.constant 0 : i32
        %broadcast_in_dim3A_1348 = vector.broadcast %jit3A_1347 : i32 to vector<16xi32>
        %select_n3A_1349 = arith.select %eq3A_1346, %get3A_1295, %broadcast_in_dim3A_1348 : vector<16xi1>, vector<16xi32>
        %reduce_sum3A_1350 = arith.constant true
        %reduce_sum3A_1351 = vector.broadcast %reduce_sum3A_1350 : i1 to vector<16xi1>
        %reduce_sum3A_1352 = tpu.scan <sum>, %select_n3A_1349 masked %reduce_sum3A_1351 : vector<16xi32>, vector<16xi1> -> vector<16xi32>
        %reduce_sum3A_1353 = vector.extract %reduce_sum3A_1352[15] : i32 from vector<16xi32>
        %multiple_of3A_1354 = tpu.assume_multiple %reduce_sum3A_1353, 128 : i32
        %dma_start3A_1355 = arith.constant 10 : i32
        %dma_start3A_1356 = arith.constant 0 : i32
        %dma_start3A_1357 = arith.constant 0 : i32
        %dma_start3A_1358 = tpu.memref_slice %arg23[%dma_start3A_1355, %dma_start3A_1356, %dma_start3A_1357] : memref<16x16x128xf32, #tpu.memory_space<vmem>> -> memref<1x16x128xf32, #tpu.memory_space<vmem>>
        %dma_start3A_1359 = tpu.memref_squeeze %dma_start3A_1358 : memref<1x16x128xf32, #tpu.memory_space<vmem>> -> memref<16x128xf32, #tpu.memory_space<vmem>>
        %dma_start3A_1360 = arith.constant 0 : i32
        %dma_start3A_1361 = tpu.memref_slice %arg3[%dma_start3A_1360, %multiple_of3A_1354] : memref<16x1000000xf32, #tpu.memory_space<hbm>> -> memref<16x128xf32, #tpu.memory_space<hbm>>
        %dma_start3A_1362 = arith.constant 0 : i32
        %dma_start3A_1363 = arith.constant 0 : i32
        %dma_start3A_1364 = tpu.memref_slice %arg23[%dma_start3A_1355, %dma_start3A_1362, %dma_start3A_1363] : memref<16x16x128xf32, #tpu.memory_space<vmem>> -> memref<1x16x128xf32, #tpu.memory_space<vmem>>
        %dma_start3A_1365 = tpu.memref_squeeze %dma_start3A_1364 : memref<1x16x128xf32, #tpu.memory_space<vmem>> -> memref<16x128xf32, #tpu.memory_space<vmem>>
        %dma_start3A_1366 = arith.constant 0 : i32
        %dma_start3A_1367 = tpu.memref_slice %arg3[%dma_start3A_1366, %multiple_of3A_1354] : memref<16x1000000xf32, #tpu.memory_space<hbm>> -> memref<16x128xf32, #tpu.memory_space<hbm>>
        tpu.enqueue_dma source(%dma_start3A_1367 : memref<16x128xf32, #tpu.memory_space<hbm>>) target(%dma_start3A_1365 : memref<16x128xf32, #tpu.memory_space<vmem>>) target_semaphore(%arg31 : memref<!tpu.dma_semaphore, #tpu.memory_space<semaphore_mem>>)
        %eq3A_1368 = arith.constant 3 : i32
        %eq3A_1369 = vector.broadcast %eq3A_1368 : i32 to vector<16xi32>
        %eq3A_1370 = arith.cmpi eq, %iota3A, %eq3A_1369 : vector<16xi32>
        %jit3A_1371 = arith.constant 0 : i32
        %broadcast_in_dim3A_1372 = vector.broadcast %jit3A_1371 : i32 to vector<16xi32>
        %select_n3A_1373 = arith.select %eq3A_1370, %get3A_1295, %broadcast_in_dim3A_1372 : vector<16xi1>, vector<16xi32>
        %reduce_sum3A_1374 = arith.constant true
        %reduce_sum3A_1375 = vector.broadcast %reduce_sum3A_1374 : i1 to vector<16xi1>
        %reduce_sum3A_1376 = tpu.scan <sum>, %select_n3A_1373 masked %reduce_sum3A_1375 : vector<16xi32>, vector<16xi1> -> vector<16xi32>
        %reduce_sum3A_1377 = vector.extract %reduce_sum3A_1376[15] : i32 from vector<16xi32>
        %multiple_of3A_1378 = tpu.assume_multiple %reduce_sum3A_1377, 128 : i32
        %dma_start3A_1379 = arith.constant 11 : i32
        %dma_start3A_1380 = arith.constant 0 : i32
        %dma_start3A_1381 = arith.constant 0 : i32
        %dma_start3A_1382 = tpu.memref_slice %arg23[%dma_start3A_1379, %dma_start3A_1380, %dma_start3A_1381] : memref<16x16x128xf32, #tpu.memory_space<vmem>> -> memref<1x16x128xf32, #tpu.memory_space<vmem>>
        %dma_start3A_1383 = tpu.memref_squeeze %dma_start3A_1382 : memref<1x16x128xf32, #tpu.memory_space<vmem>> -> memref<16x128xf32, #tpu.memory_space<vmem>>
        %dma_start3A_1384 = arith.constant 0 : i32
        %dma_start3A_1385 = tpu.memref_slice %arg3[%dma_start3A_1384, %multiple_of3A_1378] : memref<16x1000000xf32, #tpu.memory_space<hbm>> -> memref<16x128xf32, #tpu.memory_space<hbm>>
        %dma_start3A_1386 = arith.constant 0 : i32
        %dma_start3A_1387 = arith.constant 0 : i32
        %dma_start3A_1388 = tpu.memref_slice %arg23[%dma_start3A_1379, %dma_start3A_1386, %dma_start3A_1387] : memref<16x16x128xf32, #tpu.memory_space<vmem>> -> memref<1x16x128xf32, #tpu.memory_space<vmem>>
        %dma_start3A_1389 = tpu.memref_squeeze %dma_start3A_1388 : memref<1x16x128xf32, #tpu.memory_space<vmem>> -> memref<16x128xf32, #tpu.memory_space<vmem>>
        %dma_start3A_1390 = arith.constant 0 : i32
        %dma_start3A_1391 = tpu.memref_slice %arg3[%dma_start3A_1390, %multiple_of3A_1378] : memref<16x1000000xf32, #tpu.memory_space<hbm>> -> memref<16x128xf32, #tpu.memory_space<hbm>>
        tpu.enqueue_dma source(%dma_start3A_1391 : memref<16x128xf32, #tpu.memory_space<hbm>>) target(%dma_start3A_1389 : memref<16x128xf32, #tpu.memory_space<vmem>>) target_semaphore(%arg31 : memref<!tpu.dma_semaphore, #tpu.memory_space<semaphore_mem>>)
        %eq3A_1392 = arith.constant 4 : i32
        %eq3A_1393 = vector.broadcast %eq3A_1392 : i32 to vector<16xi32>
        %eq3A_1394 = arith.cmpi eq, %iota3A, %eq3A_1393 : vector<16xi32>
        %jit3A_1395 = arith.constant 0 : i32
        %broadcast_in_dim3A_1396 = vector.broadcast %jit3A_1395 : i32 to vector<16xi32>
        %select_n3A_1397 = arith.select %eq3A_1394, %get3A_1295, %broadcast_in_dim3A_1396 : vector<16xi1>, vector<16xi32>
        %reduce_sum3A_1398 = arith.constant true
        %reduce_sum3A_1399 = vector.broadcast %reduce_sum3A_1398 : i1 to vector<16xi1>
        %reduce_sum3A_1400 = tpu.scan <sum>, %select_n3A_1397 masked %reduce_sum3A_1399 : vector<16xi32>, vector<16xi1> -> vector<16xi32>
        %reduce_sum3A_1401 = vector.extract %reduce_sum3A_1400[15] : i32 from vector<16xi32>
        %multiple_of3A_1402 = tpu.assume_multiple %reduce_sum3A_1401, 128 : i32
        %dma_start3A_1403 = arith.constant 12 : i32
        %dma_start3A_1404 = arith.constant 0 : i32
        %dma_start3A_1405 = arith.constant 0 : i32
        %dma_start3A_1406 = tpu.memref_slice %arg23[%dma_start3A_1403, %dma_start3A_1404, %dma_start3A_1405] : memref<16x16x128xf32, #tpu.memory_space<vmem>> -> memref<1x16x128xf32, #tpu.memory_space<vmem>>
        %dma_start3A_1407 = tpu.memref_squeeze %dma_start3A_1406 : memref<1x16x128xf32, #tpu.memory_space<vmem>> -> memref<16x128xf32, #tpu.memory_space<vmem>>
        %dma_start3A_1408 = arith.constant 0 : i32
        %dma_start3A_1409 = tpu.memref_slice %arg3[%dma_start3A_1408, %multiple_of3A_1402] : memref<16x1000000xf32, #tpu.memory_space<hbm>> -> memref<16x128xf32, #tpu.memory_space<hbm>>
        %dma_start3A_1410 = arith.constant 0 : i32
        %dma_start3A_1411 = arith.constant 0 : i32
        %dma_start3A_1412 = tpu.memref_slice %arg23[%dma_start3A_1403, %dma_start3A_1410, %dma_start3A_1411] : memref<16x16x128xf32, #tpu.memory_space<vmem>> -> memref<1x16x128xf32, #tpu.memory_space<vmem>>
        %dma_start3A_1413 = tpu.memref_squeeze %dma_start3A_1412 : memref<1x16x128xf32, #tpu.memory_space<vmem>> -> memref<16x128xf32, #tpu.memory_space<vmem>>
        %dma_start3A_1414 = arith.constant 0 : i32
        %dma_start3A_1415 = tpu.memref_slice %arg3[%dma_start3A_1414, %multiple_of3A_1402] : memref<16x1000000xf32, #tpu.memory_space<hbm>> -> memref<16x128xf32, #tpu.memory_space<hbm>>
        tpu.enqueue_dma source(%dma_start3A_1415 : memref<16x128xf32, #tpu.memory_space<hbm>>) target(%dma_start3A_1413 : memref<16x128xf32, #tpu.memory_space<vmem>>) target_semaphore(%arg31 : memref<!tpu.dma_semaphore, #tpu.memory_space<semaphore_mem>>)
        %eq3A_1416 = arith.constant 5 : i32
        %eq3A_1417 = vector.broadcast %eq3A_1416 : i32 to vector<16xi32>
        %eq3A_1418 = arith.cmpi eq, %iota3A, %eq3A_1417 : vector<16xi32>
        %jit3A_1419 = arith.constant 0 : i32
        %broadcast_in_dim3A_1420 = vector.broadcast %jit3A_1419 : i32 to vector<16xi32>
        %select_n3A_1421 = arith.select %eq3A_1418, %get3A_1295, %broadcast_in_dim3A_1420 : vector<16xi1>, vector<16xi32>
        %reduce_sum3A_1422 = arith.constant true
        %reduce_sum3A_1423 = vector.broadcast %reduce_sum3A_1422 : i1 to vector<16xi1>
        %reduce_sum3A_1424 = tpu.scan <sum>, %select_n3A_1421 masked %reduce_sum3A_1423 : vector<16xi32>, vector<16xi1> -> vector<16xi32>
        %reduce_sum3A_1425 = vector.extract %reduce_sum3A_1424[15] : i32 from vector<16xi32>
        %multiple_of3A_1426 = tpu.assume_multiple %reduce_sum3A_1425, 128 : i32
        %dma_start3A_1427 = arith.constant 13 : i32
        %dma_start3A_1428 = arith.constant 0 : i32
        %dma_start3A_1429 = arith.constant 0 : i32
        %dma_start3A_1430 = tpu.memref_slice %arg23[%dma_start3A_1427, %dma_start3A_1428, %dma_start3A_1429] : memref<16x16x128xf32, #tpu.memory_space<vmem>> -> memref<1x16x128xf32, #tpu.memory_space<vmem>>
        %dma_start3A_1431 = tpu.memref_squeeze %dma_start3A_1430 : memref<1x16x128xf32, #tpu.memory_space<vmem>> -> memref<16x128xf32, #tpu.memory_space<vmem>>
        %dma_start3A_1432 = arith.constant 0 : i32
        %dma_start3A_1433 = tpu.memref_slice %arg3[%dma_start3A_1432, %multiple_of3A_1426] : memref<16x1000000xf32, #tpu.memory_space<hbm>> -> memref<16x128xf32, #tpu.memory_space<hbm>>
        %dma_start3A_1434 = arith.constant 0 : i32
        %dma_start3A_1435 = arith.constant 0 : i32
        %dma_start3A_1436 = tpu.memref_slice %arg23[%dma_start3A_1427, %dma_start3A_1434, %dma_start3A_1435] : memref<16x16x128xf32, #tpu.memory_space<vmem>> -> memref<1x16x128xf32, #tpu.memory_space<vmem>>
        %dma_start3A_1437 = tpu.memref_squeeze %dma_start3A_1436 : memref<1x16x128xf32, #tpu.memory_space<vmem>> -> memref<16x128xf32, #tpu.memory_space<vmem>>
        %dma_start3A_1438 = arith.constant 0 : i32
        %dma_start3A_1439 = tpu.memref_slice %arg3[%dma_start3A_1438, %multiple_of3A_1426] : memref<16x1000000xf32, #tpu.memory_space<hbm>> -> memref<16x128xf32, #tpu.memory_space<hbm>>
        tpu.enqueue_dma source(%dma_start3A_1439 : memref<16x128xf32, #tpu.memory_space<hbm>>) target(%dma_start3A_1437 : memref<16x128xf32, #tpu.memory_space<vmem>>) target_semaphore(%arg31 : memref<!tpu.dma_semaphore, #tpu.memory_space<semaphore_mem>>)
        %eq3A_1440 = arith.constant 6 : i32
        %eq3A_1441 = vector.broadcast %eq3A_1440 : i32 to vector<16xi32>
        %eq3A_1442 = arith.cmpi eq, %iota3A, %eq3A_1441 : vector<16xi32>
        %jit3A_1443 = arith.constant 0 : i32
        %broadcast_in_dim3A_1444 = vector.broadcast %jit3A_1443 : i32 to vector<16xi32>
        %select_n3A_1445 = arith.select %eq3A_1442, %get3A_1295, %broadcast_in_dim3A_1444 : vector<16xi1>, vector<16xi32>
        %reduce_sum3A_1446 = arith.constant true
        %reduce_sum3A_1447 = vector.broadcast %reduce_sum3A_1446 : i1 to vector<16xi1>
        %reduce_sum3A_1448 = tpu.scan <sum>, %select_n3A_1445 masked %reduce_sum3A_1447 : vector<16xi32>, vector<16xi1> -> vector<16xi32>
        %reduce_sum3A_1449 = vector.extract %reduce_sum3A_1448[15] : i32 from vector<16xi32>
        %multiple_of3A_1450 = tpu.assume_multiple %reduce_sum3A_1449, 128 : i32
        %dma_start3A_1451 = arith.constant 14 : i32
        %dma_start3A_1452 = arith.constant 0 : i32
        %dma_start3A_1453 = arith.constant 0 : i32
        %dma_start3A_1454 = tpu.memref_slice %arg23[%dma_start3A_1451, %dma_start3A_1452, %dma_start3A_1453] : memref<16x16x128xf32, #tpu.memory_space<vmem>> -> memref<1x16x128xf32, #tpu.memory_space<vmem>>
        %dma_start3A_1455 = tpu.memref_squeeze %dma_start3A_1454 : memref<1x16x128xf32, #tpu.memory_space<vmem>> -> memref<16x128xf32, #tpu.memory_space<vmem>>
        %dma_start3A_1456 = arith.constant 0 : i32
        %dma_start3A_1457 = tpu.memref_slice %arg3[%dma_start3A_1456, %multiple_of3A_1450] : memref<16x1000000xf32, #tpu.memory_space<hbm>> -> memref<16x128xf32, #tpu.memory_space<hbm>>
        %dma_start3A_1458 = arith.constant 0 : i32
        %dma_start3A_1459 = arith.constant 0 : i32
        %dma_start3A_1460 = tpu.memref_slice %arg23[%dma_start3A_1451, %dma_start3A_1458, %dma_start3A_1459] : memref<16x16x128xf32, #tpu.memory_space<vmem>> -> memref<1x16x128xf32, #tpu.memory_space<vmem>>
        %dma_start3A_1461 = tpu.memref_squeeze %dma_start3A_1460 : memref<1x16x128xf32, #tpu.memory_space<vmem>> -> memref<16x128xf32, #tpu.memory_space<vmem>>
        %dma_start3A_1462 = arith.constant 0 : i32
        %dma_start3A_1463 = tpu.memref_slice %arg3[%dma_start3A_1462, %multiple_of3A_1450] : memref<16x1000000xf32, #tpu.memory_space<hbm>> -> memref<16x128xf32, #tpu.memory_space<hbm>>
        tpu.enqueue_dma source(%dma_start3A_1463 : memref<16x128xf32, #tpu.memory_space<hbm>>) target(%dma_start3A_1461 : memref<16x128xf32, #tpu.memory_space<vmem>>) target_semaphore(%arg31 : memref<!tpu.dma_semaphore, #tpu.memory_space<semaphore_mem>>)
        %eq3A_1464 = arith.constant 7 : i32
        %eq3A_1465 = vector.broadcast %eq3A_1464 : i32 to vector<16xi32>
        %eq3A_1466 = arith.cmpi eq, %iota3A, %eq3A_1465 : vector<16xi32>
        %jit3A_1467 = arith.constant 0 : i32
        %broadcast_in_dim3A_1468 = vector.broadcast %jit3A_1467 : i32 to vector<16xi32>
        %select_n3A_1469 = arith.select %eq3A_1466, %get3A_1295, %broadcast_in_dim3A_1468 : vector<16xi1>, vector<16xi32>
        %reduce_sum3A_1470 = arith.constant true
        %reduce_sum3A_1471 = vector.broadcast %reduce_sum3A_1470 : i1 to vector<16xi1>
        %reduce_sum3A_1472 = tpu.scan <sum>, %select_n3A_1469 masked %reduce_sum3A_1471 : vector<16xi32>, vector<16xi1> -> vector<16xi32>
        %reduce_sum3A_1473 = vector.extract %reduce_sum3A_1472[15] : i32 from vector<16xi32>
        %multiple_of3A_1474 = tpu.assume_multiple %reduce_sum3A_1473, 128 : i32
        %dma_start3A_1475 = arith.constant 15 : i32
        %dma_start3A_1476 = arith.constant 0 : i32
        %dma_start3A_1477 = arith.constant 0 : i32
        %dma_start3A_1478 = tpu.memref_slice %arg23[%dma_start3A_1475, %dma_start3A_1476, %dma_start3A_1477] : memref<16x16x128xf32, #tpu.memory_space<vmem>> -> memref<1x16x128xf32, #tpu.memory_space<vmem>>
        %dma_start3A_1479 = tpu.memref_squeeze %dma_start3A_1478 : memref<1x16x128xf32, #tpu.memory_space<vmem>> -> memref<16x128xf32, #tpu.memory_space<vmem>>
        %dma_start3A_1480 = arith.constant 0 : i32
        %dma_start3A_1481 = tpu.memref_slice %arg3[%dma_start3A_1480, %multiple_of3A_1474] : memref<16x1000000xf32, #tpu.memory_space<hbm>> -> memref<16x128xf32, #tpu.memory_space<hbm>>
        %dma_start3A_1482 = arith.constant 0 : i32
        %dma_start3A_1483 = arith.constant 0 : i32
        %dma_start3A_1484 = tpu.memref_slice %arg23[%dma_start3A_1475, %dma_start3A_1482, %dma_start3A_1483] : memref<16x16x128xf32, #tpu.memory_space<vmem>> -> memref<1x16x128xf32, #tpu.memory_space<vmem>>
        %dma_start3A_1485 = tpu.memref_squeeze %dma_start3A_1484 : memref<1x16x128xf32, #tpu.memory_space<vmem>> -> memref<16x128xf32, #tpu.memory_space<vmem>>
        %dma_start3A_1486 = arith.constant 0 : i32
        %dma_start3A_1487 = tpu.memref_slice %arg3[%dma_start3A_1486, %multiple_of3A_1474] : memref<16x1000000xf32, #tpu.memory_space<hbm>> -> memref<16x128xf32, #tpu.memory_space<hbm>>
        tpu.enqueue_dma source(%dma_start3A_1487 : memref<16x128xf32, #tpu.memory_space<hbm>>) target(%dma_start3A_1485 : memref<16x128xf32, #tpu.memory_space<vmem>>) target_semaphore(%arg31 : memref<!tpu.dma_semaphore, #tpu.memory_space<semaphore_mem>>)
      } else {
      }
    }
    %scan3A_824 = arith.constant 32 : i32
    %mul3A_825 = arith.constant 16 : i32
    %mul3A_826 = arith.muli %mul3A_2, %mul3A_825 : i32
    %dma_start3A_827 = tpu.memref_slice %arg12[%mul3A_826] : memref<262144xf32, #tpu.memory_space<hbm>> -> memref<8192xf32, #tpu.memory_space<hbm>>
    %dma_start3A_828 = tpu.memref_slice %arg12[%mul3A_826] : memref<262144xf32, #tpu.memory_space<hbm>> -> memref<8192xf32, #tpu.memory_space<hbm>>
    tpu.enqueue_dma source(%arg24 : memref<8192xf32, #tpu.memory_space<vmem>>) target(%dma_start3A_828 : memref<8192xf32, #tpu.memory_space<hbm>>) target_semaphore(%arg34 : memref<!tpu.dma_semaphore, #tpu.memory_space<semaphore_mem>>)
    %mul3A_829 = arith.constant 16 : i32
    %mul3A_830 = arith.muli %mul3A_2, %mul3A_829 : i32
    %dma_start3A_831 = tpu.memref_slice %arg13[%mul3A_830] : memref<266240xf32, #tpu.memory_space<hbm>> -> memref<8192xf32, #tpu.memory_space<hbm>>
    %dma_start3A_832 = tpu.memref_slice %arg13[%mul3A_830] : memref<266240xf32, #tpu.memory_space<hbm>> -> memref<8192xf32, #tpu.memory_space<hbm>>
    tpu.enqueue_dma source(%arg25 : memref<8192xf32, #tpu.memory_space<vmem>>) target(%dma_start3A_832 : memref<8192xf32, #tpu.memory_space<hbm>>) target_semaphore(%arg34 : memref<!tpu.dma_semaphore, #tpu.memory_space<semaphore_mem>>)
    %get3A_833 = arith.constant 0 : index
    %get3A_834 = tpu.vector_load %arg19[%get3A_833] {strides = array<i32>} : memref<16xi32, #tpu.memory_space<vmem>>, vector<16xi32>,
    %eq3A_835 = arith.constant 0 : i32
    %eq3A_836 = vector.broadcast %eq3A_835 : i32 to vector<16xi32>
    %eq3A_837 = arith.cmpi eq, %iota3A, %eq3A_836 : vector<16xi32>
    %jit3A_838 = arith.constant 0 : i32
    %broadcast_in_dim3A_839 = vector.broadcast %jit3A_838 : i32 to vector<16xi32>
    %select_n3A_840 = arith.select %eq3A_837, %get3A_834, %broadcast_in_dim3A_839 : vector<16xi1>, vector<16xi32>
    %reduce_sum3A_841 = arith.constant true
    %reduce_sum3A_842 = vector.broadcast %reduce_sum3A_841 : i1 to vector<16xi1>
    %reduce_sum3A_843 = tpu.scan <sum>, %select_n3A_840 masked %reduce_sum3A_842 : vector<16xi32>, vector<16xi1> -> vector<16xi32>
    %reduce_sum3A_844 = vector.extract %reduce_sum3A_843[15] : i32 from vector<16xi32>
    %multiple_of3A_845 = tpu.assume_multiple %reduce_sum3A_844, 128 : i32
    %dma_start3A_846 = arith.constant 0 : i32
    %dma_start3A_847 = arith.constant 0 : i32
    %dma_start3A_848 = arith.constant 0 : i32
    %dma_start3A_849 = tpu.memref_slice %arg23[%dma_start3A_846, %dma_start3A_847, %dma_start3A_848] : memref<16x16x128xf32, #tpu.memory_space<vmem>> -> memref<1x16x128xf32, #tpu.memory_space<vmem>>
    %dma_start3A_850 = tpu.memref_squeeze %dma_start3A_849 : memref<1x16x128xf32, #tpu.memory_space<vmem>> -> memref<16x128xf32, #tpu.memory_space<vmem>>
    %dma_start3A_851 = arith.constant 0 : i32
    %dma_start3A_852 = tpu.memref_slice %arg3[%dma_start3A_851, %multiple_of3A_845] : memref<16x1000000xf32, #tpu.memory_space<hbm>> -> memref<16x128xf32, #tpu.memory_space<hbm>>
    %dma_start3A_853 = arith.constant 0 : i32
    %dma_start3A_854 = arith.constant 0 : i32
    %dma_start3A_855 = tpu.memref_slice %arg23[%dma_start3A_846, %dma_start3A_853, %dma_start3A_854] : memref<16x16x128xf32, #tpu.memory_space<vmem>> -> memref<1x16x128xf32, #tpu.memory_space<vmem>>
    %dma_start3A_856 = tpu.memref_squeeze %dma_start3A_855 : memref<1x16x128xf32, #tpu.memory_space<vmem>> -> memref<16x128xf32, #tpu.memory_space<vmem>>
    %dma_start3A_857 = arith.constant 0 : i32
    %dma_start3A_858 = tpu.memref_slice %arg3[%dma_start3A_857, %multiple_of3A_845] : memref<16x1000000xf32, #tpu.memory_space<hbm>> -> memref<16x128xf32, #tpu.memory_space<hbm>>
    tpu.enqueue_dma source(%dma_start3A_858 : memref<16x128xf32, #tpu.memory_space<hbm>>) target(%dma_start3A_856 : memref<16x128xf32, #tpu.memory_space<vmem>>) target_semaphore(%arg32 : memref<!tpu.dma_semaphore, #tpu.memory_space<semaphore_mem>>)
    %eq3A_859 = arith.constant 1 : i32
    %eq3A_860 = vector.broadcast %eq3A_859 : i32 to vector<16xi32>
    %eq3A_861 = arith.cmpi eq, %iota3A, %eq3A_860 : vector<16xi32>
    %jit3A_862 = arith.constant 0 : i32
    %broadcast_in_dim3A_863 = vector.broadcast %jit3A_862 : i32 to vector<16xi32>
    %select_n3A_864 = arith.select %eq3A_861, %get3A_834, %broadcast_in_dim3A_863 : vector<16xi1>, vector<16xi32>
    %reduce_sum3A_865 = arith.constant true
    %reduce_sum3A_866 = vector.broadcast %reduce_sum3A_865 : i1 to vector<16xi1>
    %reduce_sum3A_867 = tpu.scan <sum>, %select_n3A_864 masked %reduce_sum3A_866 : vector<16xi32>, vector<16xi1> -> vector<16xi32>
    %reduce_sum3A_868 = vector.extract %reduce_sum3A_867[15] : i32 from vector<16xi32>
    %multiple_of3A_869 = tpu.assume_multiple %reduce_sum3A_868, 128 : i32
    %dma_start3A_870 = arith.constant 1 : i32
    %dma_start3A_871 = arith.constant 0 : i32
    %dma_start3A_872 = arith.constant 0 : i32
    %dma_start3A_873 = tpu.memref_slice %arg23[%dma_start3A_870, %dma_start3A_871, %dma_start3A_872] : memref<16x16x128xf32, #tpu.memory_space<vmem>> -> memref<1x16x128xf32, #tpu.memory_space<vmem>>
    %dma_start3A_874 = tpu.memref_squeeze %dma_start3A_873 : memref<1x16x128xf32, #tpu.memory_space<vmem>> -> memref<16x128xf32, #tpu.memory_space<vmem>>
    %dma_start3A_875 = arith.constant 0 : i32
    %dma_start3A_876 = tpu.memref_slice %arg3[%dma_start3A_875, %multiple_of3A_869] : memref<16x1000000xf32, #tpu.memory_space<hbm>> -> memref<16x128xf32, #tpu.memory_space<hbm>>
    %dma_start3A_877 = arith.constant 0 : i32
    %dma_start3A_878 = arith.constant 0 : i32
    %dma_start3A_879 = tpu.memref_slice %arg23[%dma_start3A_870, %dma_start3A_877, %dma_start3A_878] : memref<16x16x128xf32, #tpu.memory_space<vmem>> -> memref<1x16x128xf32, #tpu.memory_space<vmem>>
    %dma_start3A_880 = tpu.memref_squeeze %dma_start3A_879 : memref<1x16x128xf32, #tpu.memory_space<vmem>> -> memref<16x128xf32, #tpu.memory_space<vmem>>
    %dma_start3A_881 = arith.constant 0 : i32
    %dma_start3A_882 = tpu.memref_slice %arg3[%dma_start3A_881, %multiple_of3A_869] : memref<16x1000000xf32, #tpu.memory_space<hbm>> -> memref<16x128xf32, #tpu.memory_space<hbm>>
    tpu.enqueue_dma source(%dma_start3A_882 : memref<16x128xf32, #tpu.memory_space<hbm>>) target(%dma_start3A_880 : memref<16x128xf32, #tpu.memory_space<vmem>>) target_semaphore(%arg32 : memref<!tpu.dma_semaphore, #tpu.memory_space<semaphore_mem>>)
    %eq3A_883 = arith.constant 2 : i32
    %eq3A_884 = vector.broadcast %eq3A_883 : i32 to vector<16xi32>
    %eq3A_885 = arith.cmpi eq, %iota3A, %eq3A_884 : vector<16xi32>
    %jit3A_886 = arith.constant 0 : i32
    %broadcast_in_dim3A_887 = vector.broadcast %jit3A_886 : i32 to vector<16xi32>
    %select_n3A_888 = arith.select %eq3A_885, %get3A_834, %broadcast_in_dim3A_887 : vector<16xi1>, vector<16xi32>
    %reduce_sum3A_889 = arith.constant true
    %reduce_sum3A_890 = vector.broadcast %reduce_sum3A_889 : i1 to vector<16xi1>
    %reduce_sum3A_891 = tpu.scan <sum>, %select_n3A_888 masked %reduce_sum3A_890 : vector<16xi32>, vector<16xi1> -> vector<16xi32>
    %reduce_sum3A_892 = vector.extract %reduce_sum3A_891[15] : i32 from vector<16xi32>
    %multiple_of3A_893 = tpu.assume_multiple %reduce_sum3A_892, 128 : i32
    %dma_start3A_894 = arith.constant 2 : i32
    %dma_start3A_895 = arith.constant 0 : i32
    %dma_start3A_896 = arith.constant 0 : i32
    %dma_start3A_897 = tpu.memref_slice %arg23[%dma_start3A_894, %dma_start3A_895, %dma_start3A_896] : memref<16x16x128xf32, #tpu.memory_space<vmem>> -> memref<1x16x128xf32, #tpu.memory_space<vmem>>
    %dma_start3A_898 = tpu.memref_squeeze %dma_start3A_897 : memref<1x16x128xf32, #tpu.memory_space<vmem>> -> memref<16x128xf32, #tpu.memory_space<vmem>>
    %dma_start3A_899 = arith.constant 0 : i32
    %dma_start3A_900 = tpu.memref_slice %arg3[%dma_start3A_899, %multiple_of3A_893] : memref<16x1000000xf32, #tpu.memory_space<hbm>> -> memref<16x128xf32, #tpu.memory_space<hbm>>
    %dma_start3A_901 = arith.constant 0 : i32
    %dma_start3A_902 = arith.constant 0 : i32
    %dma_start3A_903 = tpu.memref_slice %arg23[%dma_start3A_894, %dma_start3A_901, %dma_start3A_902] : memref<16x16x128xf32, #tpu.memory_space<vmem>> -> memref<1x16x128xf32, #tpu.memory_space<vmem>>
    %dma_start3A_904 = tpu.memref_squeeze %dma_start3A_903 : memref<1x16x128xf32, #tpu.memory_space<vmem>> -> memref<16x128xf32, #tpu.memory_space<vmem>>
    %dma_start3A_905 = arith.constant 0 : i32
    %dma_start3A_906 = tpu.memref_slice %arg3[%dma_start3A_905, %multiple_of3A_893] : memref<16x1000000xf32, #tpu.memory_space<hbm>> -> memref<16x128xf32, #tpu.memory_space<hbm>>
    tpu.enqueue_dma source(%dma_start3A_906 : memref<16x128xf32, #tpu.memory_space<hbm>>) target(%dma_start3A_904 : memref<16x128xf32, #tpu.memory_space<vmem>>) target_semaphore(%arg32 : memref<!tpu.dma_semaphore, #tpu.memory_space<semaphore_mem>>)
    %eq3A_907 = arith.constant 3 : i32
    %eq3A_908 = vector.broadcast %eq3A_907 : i32 to vector<16xi32>
    %eq3A_909 = arith.cmpi eq, %iota3A, %eq3A_908 : vector<16xi32>
    %jit3A_910 = arith.constant 0 : i32
    %broadcast_in_dim3A_911 = vector.broadcast %jit3A_910 : i32 to vector<16xi32>
    %select_n3A_912 = arith.select %eq3A_909, %get3A_834, %broadcast_in_dim3A_911 : vector<16xi1>, vector<16xi32>
    %reduce_sum3A_913 = arith.constant true
    %reduce_sum3A_914 = vector.broadcast %reduce_sum3A_913 : i1 to vector<16xi1>
    %reduce_sum3A_915 = tpu.scan <sum>, %select_n3A_912 masked %reduce_sum3A_914 : vector<16xi32>, vector<16xi1> -> vector<16xi32>
    %reduce_sum3A_916 = vector.extract %reduce_sum3A_915[15] : i32 from vector<16xi32>
    %multiple_of3A_917 = tpu.assume_multiple %reduce_sum3A_916, 128 : i32
    %dma_start3A_918 = arith.constant 3 : i32
    %dma_start3A_919 = arith.constant 0 : i32
    %dma_start3A_920 = arith.constant 0 : i32
    %dma_start3A_921 = tpu.memref_slice %arg23[%dma_start3A_918, %dma_start3A_919, %dma_start3A_920] : memref<16x16x128xf32, #tpu.memory_space<vmem>> -> memref<1x16x128xf32, #tpu.memory_space<vmem>>
    %dma_start3A_922 = tpu.memref_squeeze %dma_start3A_921 : memref<1x16x128xf32, #tpu.memory_space<vmem>> -> memref<16x128xf32, #tpu.memory_space<vmem>>
    %dma_start3A_923 = arith.constant 0 : i32
    %dma_start3A_924 = tpu.memref_slice %arg3[%dma_start3A_923, %multiple_of3A_917] : memref<16x1000000xf32, #tpu.memory_space<hbm>> -> memref<16x128xf32, #tpu.memory_space<hbm>>
    %dma_start3A_925 = arith.constant 0 : i32
    %dma_start3A_926 = arith.constant 0 : i32
    %dma_start3A_927 = tpu.memref_slice %arg23[%dma_start3A_918, %dma_start3A_925, %dma_start3A_926] : memref<16x16x128xf32, #tpu.memory_space<vmem>> -> memref<1x16x128xf32, #tpu.memory_space<vmem>>
    %dma_start3A_928 = tpu.memref_squeeze %dma_start3A_927 : memref<1x16x128xf32, #tpu.memory_space<vmem>> -> memref<16x128xf32, #tpu.memory_space<vmem>>
    %dma_start3A_929 = arith.constant 0 : i32
    %dma_start3A_930 = tpu.memref_slice %arg3[%dma_start3A_929, %multiple_of3A_917] : memref<16x1000000xf32, #tpu.memory_space<hbm>> -> memref<16x128xf32, #tpu.memory_space<hbm>>
    tpu.enqueue_dma source(%dma_start3A_930 : memref<16x128xf32, #tpu.memory_space<hbm>>) target(%dma_start3A_928 : memref<16x128xf32, #tpu.memory_space<vmem>>) target_semaphore(%arg32 : memref<!tpu.dma_semaphore, #tpu.memory_space<semaphore_mem>>)
    %eq3A_931 = arith.constant 4 : i32
    %eq3A_932 = vector.broadcast %eq3A_931 : i32 to vector<16xi32>
    %eq3A_933 = arith.cmpi eq, %iota3A, %eq3A_932 : vector<16xi32>
    %jit3A_934 = arith.constant 0 : i32
    %broadcast_in_dim3A_935 = vector.broadcast %jit3A_934 : i32 to vector<16xi32>
    %select_n3A_936 = arith.select %eq3A_933, %get3A_834, %broadcast_in_dim3A_935 : vector<16xi1>, vector<16xi32>
    %reduce_sum3A_937 = arith.constant true
    %reduce_sum3A_938 = vector.broadcast %reduce_sum3A_937 : i1 to vector<16xi1>
    %reduce_sum3A_939 = tpu.scan <sum>, %select_n3A_936 masked %reduce_sum3A_938 : vector<16xi32>, vector<16xi1> -> vector<16xi32>
    %reduce_sum3A_940 = vector.extract %reduce_sum3A_939[15] : i32 from vector<16xi32>
    %multiple_of3A_941 = tpu.assume_multiple %reduce_sum3A_940, 128 : i32
    %dma_start3A_942 = arith.constant 4 : i32
    %dma_start3A_943 = arith.constant 0 : i32
    %dma_start3A_944 = arith.constant 0 : i32
    %dma_start3A_945 = tpu.memref_slice %arg23[%dma_start3A_942, %dma_start3A_943, %dma_start3A_944] : memref<16x16x128xf32, #tpu.memory_space<vmem>> -> memref<1x16x128xf32, #tpu.memory_space<vmem>>
    %dma_start3A_946 = tpu.memref_squeeze %dma_start3A_945 : memref<1x16x128xf32, #tpu.memory_space<vmem>> -> memref<16x128xf32, #tpu.memory_space<vmem>>
    %dma_start3A_947 = arith.constant 0 : i32
    %dma_start3A_948 = tpu.memref_slice %arg3[%dma_start3A_947, %multiple_of3A_941] : memref<16x1000000xf32, #tpu.memory_space<hbm>> -> memref<16x128xf32, #tpu.memory_space<hbm>>
    %dma_start3A_949 = arith.constant 0 : i32
    %dma_start3A_950 = arith.constant 0 : i32
    %dma_start3A_951 = tpu.memref_slice %arg23[%dma_start3A_942, %dma_start3A_949, %dma_start3A_950] : memref<16x16x128xf32, #tpu.memory_space<vmem>> -> memref<1x16x128xf32, #tpu.memory_space<vmem>>
    %dma_start3A_952 = tpu.memref_squeeze %dma_start3A_951 : memref<1x16x128xf32, #tpu.memory_space<vmem>> -> memref<16x128xf32, #tpu.memory_space<vmem>>
    %dma_start3A_953 = arith.constant 0 : i32
    %dma_start3A_954 = tpu.memref_slice %arg3[%dma_start3A_953, %multiple_of3A_941] : memref<16x1000000xf32, #tpu.memory_space<hbm>> -> memref<16x128xf32, #tpu.memory_space<hbm>>
    tpu.enqueue_dma source(%dma_start3A_954 : memref<16x128xf32, #tpu.memory_space<hbm>>) target(%dma_start3A_952 : memref<16x128xf32, #tpu.memory_space<vmem>>) target_semaphore(%arg32 : memref<!tpu.dma_semaphore, #tpu.memory_space<semaphore_mem>>)
    %eq3A_955 = arith.constant 5 : i32
    %eq3A_956 = vector.broadcast %eq3A_955 : i32 to vector<16xi32>
    %eq3A_957 = arith.cmpi eq, %iota3A, %eq3A_956 : vector<16xi32>
    %jit3A_958 = arith.constant 0 : i32
    %broadcast_in_dim3A_959 = vector.broadcast %jit3A_958 : i32 to vector<16xi32>
    %select_n3A_960 = arith.select %eq3A_957, %get3A_834, %broadcast_in_dim3A_959 : vector<16xi1>, vector<16xi32>
    %reduce_sum3A_961 = arith.constant true
    %reduce_sum3A_962 = vector.broadcast %reduce_sum3A_961 : i1 to vector<16xi1>
    %reduce_sum3A_963 = tpu.scan <sum>, %select_n3A_960 masked %reduce_sum3A_962 : vector<16xi32>, vector<16xi1> -> vector<16xi32>
    %reduce_sum3A_964 = vector.extract %reduce_sum3A_963[15] : i32 from vector<16xi32>
    %multiple_of3A_965 = tpu.assume_multiple %reduce_sum3A_964, 128 : i32
    %dma_start3A_966 = arith.constant 5 : i32
    %dma_start3A_967 = arith.constant 0 : i32
    %dma_start3A_968 = arith.constant 0 : i32
    %dma_start3A_969 = tpu.memref_slice %arg23[%dma_start3A_966, %dma_start3A_967, %dma_start3A_968] : memref<16x16x128xf32, #tpu.memory_space<vmem>> -> memref<1x16x128xf32, #tpu.memory_space<vmem>>
    %dma_start3A_970 = tpu.memref_squeeze %dma_start3A_969 : memref<1x16x128xf32, #tpu.memory_space<vmem>> -> memref<16x128xf32, #tpu.memory_space<vmem>>
    %dma_start3A_971 = arith.constant 0 : i32
    %dma_start3A_972 = tpu.memref_slice %arg3[%dma_start3A_971, %multiple_of3A_965] : memref<16x1000000xf32, #tpu.memory_space<hbm>> -> memref<16x128xf32, #tpu.memory_space<hbm>>
    %dma_start3A_973 = arith.constant 0 : i32
    %dma_start3A_974 = arith.constant 0 : i32
    %dma_start3A_975 = tpu.memref_slice %arg23[%dma_start3A_966, %dma_start3A_973, %dma_start3A_974] : memref<16x16x128xf32, #tpu.memory_space<vmem>> -> memref<1x16x128xf32, #tpu.memory_space<vmem>>
    %dma_start3A_976 = tpu.memref_squeeze %dma_start3A_975 : memref<1x16x128xf32, #tpu.memory_space<vmem>> -> memref<16x128xf32, #tpu.memory_space<vmem>>
    %dma_start3A_977 = arith.constant 0 : i32
    %dma_start3A_978 = tpu.memref_slice %arg3[%dma_start3A_977, %multiple_of3A_965] : memref<16x1000000xf32, #tpu.memory_space<hbm>> -> memref<16x128xf32, #tpu.memory_space<hbm>>
    tpu.enqueue_dma source(%dma_start3A_978 : memref<16x128xf32, #tpu.memory_space<hbm>>) target(%dma_start3A_976 : memref<16x128xf32, #tpu.memory_space<vmem>>) target_semaphore(%arg32 : memref<!tpu.dma_semaphore, #tpu.memory_space<semaphore_mem>>)
    %eq3A_979 = arith.constant 6 : i32
    %eq3A_980 = vector.broadcast %eq3A_979 : i32 to vector<16xi32>
    %eq3A_981 = arith.cmpi eq, %iota3A, %eq3A_980 : vector<16xi32>
    %jit3A_982 = arith.constant 0 : i32
    %broadcast_in_dim3A_983 = vector.broadcast %jit3A_982 : i32 to vector<16xi32>
    %select_n3A_984 = arith.select %eq3A_981, %get3A_834, %broadcast_in_dim3A_983 : vector<16xi1>, vector<16xi32>
    %reduce_sum3A_985 = arith.constant true
    %reduce_sum3A_986 = vector.broadcast %reduce_sum3A_985 : i1 to vector<16xi1>
    %reduce_sum3A_987 = tpu.scan <sum>, %select_n3A_984 masked %reduce_sum3A_986 : vector<16xi32>, vector<16xi1> -> vector<16xi32>
    %reduce_sum3A_988 = vector.extract %reduce_sum3A_987[15] : i32 from vector<16xi32>
    %multiple_of3A_989 = tpu.assume_multiple %reduce_sum3A_988, 128 : i32
    %dma_start3A_990 = arith.constant 6 : i32
    %dma_start3A_991 = arith.constant 0 : i32
    %dma_start3A_992 = arith.constant 0 : i32
    %dma_start3A_993 = tpu.memref_slice %arg23[%dma_start3A_990, %dma_start3A_991, %dma_start3A_992] : memref<16x16x128xf32, #tpu.memory_space<vmem>> -> memref<1x16x128xf32, #tpu.memory_space<vmem>>
    %dma_start3A_994 = tpu.memref_squeeze %dma_start3A_993 : memref<1x16x128xf32, #tpu.memory_space<vmem>> -> memref<16x128xf32, #tpu.memory_space<vmem>>
    %dma_start3A_995 = arith.constant 0 : i32
    %dma_start3A_996 = tpu.memref_slice %arg3[%dma_start3A_995, %multiple_of3A_989] : memref<16x1000000xf32, #tpu.memory_space<hbm>> -> memref<16x128xf32, #tpu.memory_space<hbm>>
    %dma_start3A_997 = arith.constant 0 : i32
    %dma_start3A_998 = arith.constant 0 : i32
    %dma_start3A_999 = tpu.memref_slice %arg23[%dma_start3A_990, %dma_start3A_997, %dma_start3A_998] : memref<16x16x128xf32, #tpu.memory_space<vmem>> -> memref<1x16x128xf32, #tpu.memory_space<vmem>>
    %dma_start3A_1000 = tpu.memref_squeeze %dma_start3A_999 : memref<1x16x128xf32, #tpu.memory_space<vmem>> -> memref<16x128xf32, #tpu.memory_space<vmem>>
    %dma_start3A_1001 = arith.constant 0 : i32
    %dma_start3A_1002 = tpu.memref_slice %arg3[%dma_start3A_1001, %multiple_of3A_989] : memref<16x1000000xf32, #tpu.memory_space<hbm>> -> memref<16x128xf32, #tpu.memory_space<hbm>>
    tpu.enqueue_dma source(%dma_start3A_1002 : memref<16x128xf32, #tpu.memory_space<hbm>>) target(%dma_start3A_1000 : memref<16x128xf32, #tpu.memory_space<vmem>>) target_semaphore(%arg32 : memref<!tpu.dma_semaphore, #tpu.memory_space<semaphore_mem>>)
    %eq3A_1003 = arith.constant 7 : i32
    %eq3A_1004 = vector.broadcast %eq3A_1003 : i32 to vector<16xi32>
    %eq3A_1005 = arith.cmpi eq, %iota3A, %eq3A_1004 : vector<16xi32>
    %jit3A_1006 = arith.constant 0 : i32
    %broadcast_in_dim3A_1007 = vector.broadcast %jit3A_1006 : i32 to vector<16xi32>
    %select_n3A_1008 = arith.select %eq3A_1005, %get3A_834, %broadcast_in_dim3A_1007 : vector<16xi1>, vector<16xi32>
    %reduce_sum3A_1009 = arith.constant true
    %reduce_sum3A_1010 = vector.broadcast %reduce_sum3A_1009 : i1 to vector<16xi1>
    %reduce_sum3A_1011 = tpu.scan <sum>, %select_n3A_1008 masked %reduce_sum3A_1010 : vector<16xi32>, vector<16xi1> -> vector<16xi32>
    %reduce_sum3A_1012 = vector.extract %reduce_sum3A_1011[15] : i32 from vector<16xi32>
    %multiple_of3A_1013 = tpu.assume_multiple %reduce_sum3A_1012, 128 : i32
    %dma_start3A_1014 = arith.constant 7 : i32
    %dma_start3A_1015 = arith.constant 0 : i32
    %dma_start3A_1016 = arith.constant 0 : i32
    %dma_start3A_1017 = tpu.memref_slice %arg23[%dma_start3A_1014, %dma_start3A_1015, %dma_start3A_1016] : memref<16x16x128xf32, #tpu.memory_space<vmem>> -> memref<1x16x128xf32, #tpu.memory_space<vmem>>
    %dma_start3A_1018 = tpu.memref_squeeze %dma_start3A_1017 : memref<1x16x128xf32, #tpu.memory_space<vmem>> -> memref<16x128xf32, #tpu.memory_space<vmem>>
    %dma_start3A_1019 = arith.constant 0 : i32
    %dma_start3A_1020 = tpu.memref_slice %arg3[%dma_start3A_1019, %multiple_of3A_1013] : memref<16x1000000xf32, #tpu.memory_space<hbm>> -> memref<16x128xf32, #tpu.memory_space<hbm>>
    %dma_start3A_1021 = arith.constant 0 : i32
    %dma_start3A_1022 = arith.constant 0 : i32
    %dma_start3A_1023 = tpu.memref_slice %arg23[%dma_start3A_1014, %dma_start3A_1021, %dma_start3A_1022] : memref<16x16x128xf32, #tpu.memory_space<vmem>> -> memref<1x16x128xf32, #tpu.memory_space<vmem>>
    %dma_start3A_1024 = tpu.memref_squeeze %dma_start3A_1023 : memref<1x16x128xf32, #tpu.memory_space<vmem>> -> memref<16x128xf32, #tpu.memory_space<vmem>>
    %dma_start3A_1025 = arith.constant 0 : i32
    %dma_start3A_1026 = tpu.memref_slice %arg3[%dma_start3A_1025, %multiple_of3A_1013] : memref<16x1000000xf32, #tpu.memory_space<hbm>> -> memref<16x128xf32, #tpu.memory_space<hbm>>
    tpu.enqueue_dma source(%dma_start3A_1026 : memref<16x128xf32, #tpu.memory_space<hbm>>) target(%dma_start3A_1024 : memref<16x128xf32, #tpu.memory_space<vmem>>) target_semaphore(%arg32 : memref<!tpu.dma_semaphore, #tpu.memory_space<semaphore_mem>>)
    %dma_wait3A = arith.constant 0 : i32
    %dma_wait3A_1027 = arith.constant 0 : i32
    %dma_wait3A_1028 = arith.constant 0 : i32
    %dma_wait3A_1029 = tpu.memref_slice %arg23[%dma_wait3A, %dma_wait3A_1027, %dma_wait3A_1028] : memref<16x16x128xf32, #tpu.memory_space<vmem>> -> memref<8x16x128xf32, #tpu.memory_space<vmem>>
    %dma_wait3A_1030 = arith.constant 0 : i32
    %dma_wait3A_1031 = arith.constant 0 : i32
    %dma_wait3A_1032 = tpu.memref_slice %arg2[%dma_wait3A_1030, %dma_wait3A_1031] : memref<16x1000000xf32, #tpu.memory_space<hbm>> -> memref<16x1024xf32, #tpu.memory_space<hbm>>
    %dma_wait3A_1033 = arith.constant 0 : i32
    %dma_wait3A_1034 = arith.constant 0 : i32
    %dma_wait3A_1035 = arith.constant 0 : i32
    %dma_wait3A_1036 = tpu.memref_slice %arg23[%dma_wait3A_1033, %dma_wait3A_1034, %dma_wait3A_1035] : memref<16x16x128xf32, #tpu.memory_space<vmem>> -> memref<8x16x128xf32, #tpu.memory_space<vmem>>
    %dma_wait3A_1037 = arith.constant 0 : i32
    %dma_wait3A_1038 = arith.constant 0 : i32
    %dma_wait3A_1039 = tpu.memref_slice %arg2[%dma_wait3A_1037, %dma_wait3A_1038] : memref<16x1000000xf32, #tpu.memory_space<hbm>> -> memref<16x1024xf32, #tpu.memory_space<hbm>>
    tpu.wait_dma2 semaphore(%arg32 : memref<!tpu.dma_semaphore, #tpu.memory_space<semaphore_mem>>) src(%dma_wait3A_1039 : memref<16x1024xf32, #tpu.memory_space<hbm>>) dst(%dma_wait3A_1036 : memref<8x16x128xf32, #tpu.memory_space<vmem>>)
    %get3A_1040 = arith.constant 0 : index
    %get3A_1041 = tpu.vector_load %arg20[%get3A_1040] {strides = array<i32>} : memref<16xi32, #tpu.memory_space<vmem>>, vector<16xi32>,
    %and3A = arith.constant 127 : i32
    %and3A_1042 = vector.broadcast %and3A : i32 to vector<16xi32>
    %and3A_1043 = arith.andi %get3A_1041, %and3A_1042 : vector<16xi32>
    %and3A_1044 = arith.constant 7 : i32
    %and3A_1045 = vector.broadcast %and3A_1044 : i32 to vector<16xi32>
    %and3A_1046 = arith.andi %iota3A, %and3A_1045 : vector<16xi32>
    %mul3A_1047 = arith.constant 16 : i32
    %mul3A_1048 = vector.broadcast %mul3A_1047 : i32 to vector<16xi32>
    %mul3A_1049 = arith.muli %iota3A, %mul3A_1048 : vector<16xi32>
    %scan3A_1050 = arith.constant 0 : i32
    %scan3A_1051 = arith.constant 16 : i32
    %scan3A_1052 = arith.addi %scan3A_1050, %scan3A_1051 : i32
    %scan3A_1053 = arith.constant 1 : i32
    scf.for %scan3A_1103 = %scan3A_1050 to %scan3A_1052 step %scan3A_1053  : i32 {
      %mul3A_1104 = arith.constant 1 : i32
      %mul3A_1105 = arith.muli %scan3A_1103, %mul3A_1104 : i32
      %add3A_1106 = arith.constant 0 : i32
      %add3A_1107 = arith.addi %add3A_1106, %mul3A_1105 : i32
      %broadcast_in_dim3A_1108 = arith.constant 0 : i32
      %broadcast_in_dim3A_1109 = vector.broadcast %broadcast_in_dim3A_1108 : i32 to vector<16xi32>
      %add3A_1110 = vector.broadcast %add3A_1107 : i32 to vector<16xi32>
      %add3A_1111 = arith.addi %broadcast_in_dim3A_1109, %add3A_1110 : vector<16xi32>
      %gather3A = tpu.vector_load_idx %arg23[%and3A_1046, %add3A_1111, %and3A_1043] masked %lt3A_39 : memref<16x16x128xf32, #tpu.memory_space<vmem>>[vector<16xi32>, vector<16xi32>, vector<16xi32>], vector<16xf32>, vector<16xi1>
      %add3A_1112 = vector.broadcast %add3A_1107 : i32 to vector<16xi32>
      %add3A_1113 = arith.addi %mul3A_1049, %add3A_1112 : vector<16xi32>
      tpu.vector_store_idx %arg26[%add3A_1113], %gather3A masked %lt3A_39 : memref<128xf32, #tpu.memory_space<vmem>>[vector<16xi32>], vector<16xf32>, vector<16xi1>
    }
    %scan3A_1054 = arith.constant 16 : i32
    %mul3A_1055 = arith.constant 8 : i32
    %mul3A_1056 = arith.muli %add3A, %mul3A_1055 : i32
    %add3A_1057 = arith.constant 16384 : i32
    %add3A_1058 = arith.addi %add3A_1057, %mul3A_1056 : i32
    %mul3A_1059 = arith.constant 16 : i32
    %mul3A_1060 = arith.muli %add3A_1058, %mul3A_1059 : i32
    %dma_start3A_1061 = tpu.memref_slice %arg13[%mul3A_1060] : memref<266240xf32, #tpu.memory_space<hbm>> -> memref<128xf32, #tpu.memory_space<hbm>>
    %dma_start3A_1062 = tpu.memref_slice %arg13[%mul3A_1060] : memref<266240xf32, #tpu.memory_space<hbm>> -> memref<128xf32, #tpu.memory_space<hbm>>
    tpu.enqueue_dma source(%arg26 : memref<128xf32, #tpu.memory_space<vmem>>) target(%dma_start3A_1062 : memref<128xf32, #tpu.memory_space<hbm>>) target_semaphore(%arg34 : memref<!tpu.dma_semaphore, #tpu.memory_space<semaphore_mem>>)
    %dma_wait3A_1063 = arith.constant 0 : i32
    %dma_wait3A_1064 = tpu.memref_slice %arg27[%dma_wait3A_1063] : memref<520xf32, #tpu.memory_space<vmem>> -> memref<128xf32, #tpu.memory_space<vmem>>
    %dma_wait3A_1065 = arith.constant 0 : i32
    %dma_wait3A_1066 = tpu.memref_slice %arg21[%dma_wait3A_1065] : memref<520xi32, #tpu.memory_space<vmem>> -> memref<128xi32, #tpu.memory_space<vmem>>
    %dma_wait3A_1067 = arith.constant 0 : i32
    %dma_wait3A_1068 = tpu.memref_slice %arg4[%dma_wait3A_1067] : memref<1000000xf32, #tpu.memory_space<hbm>> -> memref<1000000xf32, #tpu.memory_space<hbm>>
    tpu.wait_indirect_dma semaphore(%arg33 : memref<!tpu.dma_semaphore, #tpu.memory_space<semaphore_mem>>) src(%dma_wait3A_1068 : memref<1000000xf32, #tpu.memory_space<hbm>>) dst(%dma_wait3A_1064 : memref<128xf32, #tpu.memory_space<vmem>>)
    %dma_wait3A_1069 = arith.constant 128 : i32
    %dma_wait3A_1070 = tpu.memref_slice %arg27[%dma_wait3A_1069] : memref<520xf32, #tpu.memory_space<vmem>> -> memref<128xf32, #tpu.memory_space<vmem>>
    %dma_wait3A_1071 = arith.constant 128 : i32
    %dma_wait3A_1072 = tpu.memref_slice %arg21[%dma_wait3A_1071] : memref<520xi32, #tpu.memory_space<vmem>> -> memref<128xi32, #tpu.memory_space<vmem>>
    %dma_wait3A_1073 = arith.constant 0 : i32
    %dma_wait3A_1074 = tpu.memref_slice %arg4[%dma_wait3A_1073] : memref<1000000xf32, #tpu.memory_space<hbm>> -> memref<1000000xf32, #tpu.memory_space<hbm>>
    tpu.wait_indirect_dma semaphore(%arg33 : memref<!tpu.dma_semaphore, #tpu.memory_space<semaphore_mem>>) src(%dma_wait3A_1074 : memref<1000000xf32, #tpu.memory_space<hbm>>) dst(%dma_wait3A_1070 : memref<128xf32, #tpu.memory_space<vmem>>)
    %dma_wait3A_1075 = arith.constant 256 : i32
    %dma_wait3A_1076 = tpu.memref_slice %arg27[%dma_wait3A_1075] : memref<520xf32, #tpu.memory_space<vmem>> -> memref<128xf32, #tpu.memory_space<vmem>>
    %dma_wait3A_1077 = arith.constant 256 : i32
    %dma_wait3A_1078 = tpu.memref_slice %arg21[%dma_wait3A_1077] : memref<520xi32, #tpu.memory_space<vmem>> -> memref<128xi32, #tpu.memory_space<vmem>>
    %dma_wait3A_1079 = arith.constant 0 : i32
    %dma_wait3A_1080 = tpu.memref_slice %arg4[%dma_wait3A_1079] : memref<1000000xf32, #tpu.memory_space<hbm>> -> memref<1000000xf32, #tpu.memory_space<hbm>>
    tpu.wait_indirect_dma semaphore(%arg33 : memref<!tpu.dma_semaphore, #tpu.memory_space<semaphore_mem>>) src(%dma_wait3A_1080 : memref<1000000xf32, #tpu.memory_space<hbm>>) dst(%dma_wait3A_1076 : memref<128xf32, #tpu.memory_space<vmem>>)
    %dma_wait3A_1081 = arith.constant 384 : i32
    %dma_wait3A_1082 = tpu.memref_slice %arg27[%dma_wait3A_1081] : memref<520xf32, #tpu.memory_space<vmem>> -> memref<128xf32, #tpu.memory_space<vmem>>
    %dma_wait3A_1083 = arith.constant 384 : i32
    %dma_wait3A_1084 = tpu.memref_slice %arg21[%dma_wait3A_1083] : memref<520xi32, #tpu.memory_space<vmem>> -> memref<128xi32, #tpu.memory_space<vmem>>
    %dma_wait3A_1085 = arith.constant 0 : i32
    %dma_wait3A_1086 = tpu.memref_slice %arg4[%dma_wait3A_1085] : memref<1000000xf32, #tpu.memory_space<hbm>> -> memref<1000000xf32, #tpu.memory_space<hbm>>
    tpu.wait_indirect_dma semaphore(%arg33 : memref<!tpu.dma_semaphore, #tpu.memory_space<semaphore_mem>>) src(%dma_wait3A_1086 : memref<1000000xf32, #tpu.memory_space<hbm>>) dst(%dma_wait3A_1082 : memref<128xf32, #tpu.memory_space<vmem>>)
    %dma_wait3A_1087 = arith.constant 512 : i32
    %dma_wait3A_1088 = tpu.memref_slice %arg27[%dma_wait3A_1087] : memref<520xf32, #tpu.memory_space<vmem>> -> memref<8xf32, #tpu.memory_space<vmem>>
    %dma_wait3A_1089 = arith.constant 512 : i32
    %dma_wait3A_1090 = tpu.memref_slice %arg21[%dma_wait3A_1089] : memref<520xi32, #tpu.memory_space<vmem>> -> memref<8xi32, #tpu.memory_space<vmem>>
    %dma_wait3A_1091 = arith.constant 0 : i32
    %dma_wait3A_1092 = tpu.memref_slice %arg4[%dma_wait3A_1091] : memref<1000000xf32, #tpu.memory_space<hbm>> -> memref<1000000xf32, #tpu.memory_space<hbm>>
    tpu.wait_indirect_dma semaphore(%arg33 : memref<!tpu.dma_semaphore, #tpu.memory_space<semaphore_mem>>) src(%dma_wait3A_1092 : memref<1000000xf32, #tpu.memory_space<hbm>>) dst(%dma_wait3A_1088 : memref<8xf32, #tpu.memory_space<vmem>>)
    %dma_start3A_1093 = tpu.memref_slice %arg14[%mul3A_4] : memref<16640xf32, #tpu.memory_space<hbm>> -> memref<520xf32, #tpu.memory_space<hbm>>
    %dma_start3A_1094 = tpu.memref_slice %arg14[%mul3A_4] : memref<16640xf32, #tpu.memory_space<hbm>> -> memref<520xf32, #tpu.memory_space<hbm>>
    tpu.enqueue_dma source(%arg27 : memref<520xf32, #tpu.memory_space<vmem>>) target(%dma_start3A_1094 : memref<520xf32, #tpu.memory_space<hbm>>) target_semaphore(%arg34 : memref<!tpu.dma_semaphore, #tpu.memory_space<semaphore_mem>>)
    %dma_wait3A_1095 = tpu.memref_slice %arg12[%mul3A_826] : memref<262144xf32, #tpu.memory_space<hbm>> -> memref<8192xf32, #tpu.memory_space<hbm>>
    %dma_wait3A_1096 = tpu.memref_slice %arg12[%mul3A_826] : memref<262144xf32, #tpu.memory_space<hbm>> -> memref<8192xf32, #tpu.memory_space<hbm>>
    tpu.wait_dma2 semaphore(%arg34 : memref<!tpu.dma_semaphore, #tpu.memory_space<semaphore_mem>>) src(%arg24 : memref<8192xf32, #tpu.memory_space<vmem>>) dst(%dma_wait3A_1096 : memref<8192xf32, #tpu.memory_space<hbm>>)
    %dma_wait3A_1097 = tpu.memref_slice %arg13[%mul3A_830] : memref<266240xf32, #tpu.memory_space<hbm>> -> memref<8192xf32, #tpu.memory_space<hbm>>
    %dma_wait3A_1098 = tpu.memref_slice %arg13[%mul3A_830] : memref<266240xf32, #tpu.memory_space<hbm>> -> memref<8192xf32, #tpu.memory_space<hbm>>
    tpu.wait_dma2 semaphore(%arg34 : memref<!tpu.dma_semaphore, #tpu.memory_space<semaphore_mem>>) src(%arg25 : memref<8192xf32, #tpu.memory_space<vmem>>) dst(%dma_wait3A_1098 : memref<8192xf32, #tpu.memory_space<hbm>>)
    %dma_wait3A_1099 = tpu.memref_slice %arg13[%mul3A_1060] : memref<266240xf32, #tpu.memory_space<hbm>> -> memref<128xf32, #tpu.memory_space<hbm>>
    %dma_wait3A_1100 = tpu.memref_slice %arg13[%mul3A_1060] : memref<266240xf32, #tpu.memory_space<hbm>> -> memref<128xf32, #tpu.memory_space<hbm>>
    tpu.wait_dma2 semaphore(%arg34 : memref<!tpu.dma_semaphore, #tpu.memory_space<semaphore_mem>>) src(%arg26 : memref<128xf32, #tpu.memory_space<vmem>>) dst(%dma_wait3A_1100 : memref<128xf32, #tpu.memory_space<hbm>>)
    %dma_wait3A_1101 = tpu.memref_slice %arg14[%mul3A_4] : memref<16640xf32, #tpu.memory_space<hbm>> -> memref<520xf32, #tpu.memory_space<hbm>>
    %dma_wait3A_1102 = tpu.memref_slice %arg14[%mul3A_4] : memref<16640xf32, #tpu.memory_space<hbm>> -> memref<520xf32, #tpu.memory_space<hbm>>
    tpu.wait_dma2 semaphore(%arg34 : memref<!tpu.dma_semaphore, #tpu.memory_space<semaphore_mem>>) src(%arg27 : memref<520xf32, #tpu.memory_space<vmem>>) dst(%dma_wait3A_1102 : memref<520xf32, #tpu.memory_space<hbm>>)
    return
  }
}

module attributes {stable_mosaic.version = 14 : i64} {
  func.func @_tc_loss_body(%arg0: memref<2048x128xf32, #tpu.memory_space<vmem>>, %arg1: memref<2048x128xf32, #tpu.memory_space<vmem>>, %arg2: memref<2048x8xf32, #tpu.memory_space<vmem>>, %arg3: memref<1x64xf32, #tpu.memory_space<vmem>>, %arg4: memref<2048x8xi32, #tpu.memory_space<vmem>>, %arg5: memref<1x64xi32, #tpu.memory_space<vmem>>, %arg6: memref<16x64xf32, #tpu.memory_space<vmem>>, %arg7: memref<1x1xf32, #tpu.memory_space<vmem>>) attributes {dimension_semantics = [], scalar_prefetch = 0 : i64, scratch_operands = 0 : i64, tpu.core_type = #tpu.core_type<tc>} {
    %get3A = arith.constant 0 : index
    %get3A_0 = arith.constant 0 : index
    %get3A_1 = vector.load %arg0[%get3A, %get3A_0] : memref<2048x128xf32, #tpu.memory_space<vmem>>, vector<2048x128xf32>
    %get3A_2 = arith.constant 0 : index
    %get3A_3 = arith.constant 0 : index
    %get3A_4 = vector.load %arg1[%get3A_2, %get3A_3] : memref<2048x128xf32, #tpu.memory_space<vmem>>, vector<2048x128xf32>
    %get3A_5 = arith.constant 0 : index
    %get3A_6 = arith.constant 0 : index
    %get3A_7 = vector.load %arg2[%get3A_5, %get3A_6] : memref<2048x8xf32, #tpu.memory_space<vmem>>, vector<2048x8xf32>
    %get3A_8 = arith.constant 0 : index
    %get3A_9 = arith.constant 0 : index
    %get3A_10 = vector.load %arg4[%get3A_8, %get3A_9] : memref<2048x8xi32, #tpu.memory_space<vmem>>, vector<2048x8xi32>
    %convert_element_type3A = arith.sitofp %get3A_10 : vector<2048x8xi32> to vector<2048x8xf32>
    %get3A_11 = arith.constant 0 : index
    %get3A_12 = arith.constant 0 : index
    %get3A_13 = vector.load %arg5[%get3A_11, %get3A_12] : memref<1x64xi32, #tpu.memory_space<vmem>>, vector<1x64xi32>
    %convert_element_type3A_14 = arith.sitofp %get3A_13 : vector<1x64xi32> to vector<1x64xf32>
    %get3A_15 = arith.constant 0 : index
    %get3A_16 = arith.constant 0 : index
    %get3A_17 = vector.load %arg3[%get3A_15, %get3A_16] : memref<1x64xf32, #tpu.memory_space<vmem>>, vector<1x64xf32>
    %get3A_18 = arith.constant 0 : index
    %get3A_19 = arith.constant 0 : index
    %get3A_20 = vector.load %arg6[%get3A_18, %get3A_19] : memref<16x64xf32, #tpu.memory_space<vmem>>, vector<16x64xf32>
    %log3A = arith.constant 0x49742410 : f32
    %log3A_21 = math.log %log3A : f32
    %add3A = arith.constant 2.000000e+00 : f32
    %add3A_22 = vector.broadcast %add3A : f32 to vector<2048x8xf32>
    %add3A_23 = arith.addf %convert_element_type3A, %add3A_22 : vector<2048x8xf32>
    %log3A_24 = math.log %add3A_23 : vector<2048x8xf32>
    %add3A_25 = arith.constant 1.000000e+00 : f32
    %add3A_26 = vector.broadcast %add3A_25 : f32 to vector<2048x8xf32>
    %add3A_27 = arith.addf %convert_element_type3A, %add3A_26 : vector<2048x8xf32>
    %log3A_28 = math.log %add3A_27 : vector<2048x8xf32>
    %sub3A = arith.subf %log3A_24, %log3A_28 : vector<2048x8xf32>
    %div3A = vector.broadcast %log3A_21 : f32 to vector<2048x8xf32>
    %div3A_29 = arith.divf %sub3A, %div3A : vector<2048x8xf32>
    %add3A_30 = arith.constant 2.000000e+00 : f32
    %add3A_31 = vector.broadcast %add3A_30 : f32 to vector<1x64xf32>
    %add3A_32 = arith.addf %convert_element_type3A_14, %add3A_31 : vector<1x64xf32>
    %log3A_33 = math.log %add3A_32 : vector<1x64xf32>
    %add3A_34 = arith.constant 1.000000e+00 : f32
    %add3A_35 = vector.broadcast %add3A_34 : f32 to vector<1x64xf32>
    %add3A_36 = arith.addf %convert_element_type3A_14, %add3A_35 : vector<1x64xf32>
    %log3A_37 = math.log %add3A_36 : vector<1x64xf32>
    %sub3A_38 = arith.subf %log3A_33, %log3A_37 : vector<1x64xf32>
    %div3A_39 = vector.broadcast %log3A_21 : f32 to vector<1x64xf32>
    %div3A_40 = arith.divf %sub3A_38, %div3A_39 : vector<1x64xf32>
    %iota3A = tpu.iota {dimensions = array<i32: 0>} : vector<128x8xi32>
    %iota3A_41 = tpu.iota {dimensions = array<i32: 1>} : vector<128x8xi32>
    %jit3A = arith.constant 16 : i32
    %div3A_42 = vector.broadcast %jit3A : i32 to vector<128x8xi32>
    %div3A_43 = arith.divsi %iota3A, %div3A_42 : vector<128x8xi32>
    %sign3A = arith.constant 0 : i32
    %sign3A_44 = vector.broadcast %sign3A : i32 to vector<128x8xi32>
    %sign3A_45 = arith.cmpi sgt, %iota3A, %sign3A_44 : vector<128x8xi32>
    %sign3A_46 = arith.extui %sign3A_45 : vector<128x8xi1> to vector<128x8xi32>
    %sign3A_47 = arith.constant 0 : i32
    %sign3A_48 = vector.broadcast %sign3A_47 : i32 to vector<128x8xi32>
    %sign3A_49 = arith.cmpi slt, %iota3A, %sign3A_48 : vector<128x8xi32>
    %sign3A_50 = arith.extui %sign3A_49 : vector<128x8xi1> to vector<128x8xi32>
    %sign3A_51 = arith.subi %sign3A_46, %sign3A_50 : vector<128x8xi32>
    %sign3A_52 = arith.constant 0 : i32
    %sign3A_53 = arith.cmpi sgt, %jit3A, %sign3A_52 : i32
    %sign3A_54 = arith.extui %sign3A_53 : i1 to i32
    %sign3A_55 = arith.constant 0 : i32
    %sign3A_56 = arith.cmpi slt, %jit3A, %sign3A_55 : i32
    %sign3A_57 = arith.extui %sign3A_56 : i1 to i32
    %sign3A_58 = arith.subi %sign3A_54, %sign3A_57 : i32
    %ne3A = vector.broadcast %sign3A_58 : i32 to vector<128x8xi32>
    %ne3A_59 = arith.cmpi ne, %sign3A_51, %ne3A : vector<128x8xi32>
    %rem3A = vector.broadcast %jit3A : i32 to vector<128x8xi32>
    %rem3A_60 = arith.remsi %iota3A, %rem3A : vector<128x8xi32>
    %ne3A_61 = arith.constant 0 : i32
    %ne3A_62 = vector.broadcast %ne3A_61 : i32 to vector<128x8xi32>
    %ne3A_63 = arith.cmpi ne, %rem3A_60, %ne3A_62 : vector<128x8xi32>
    %and3A = arith.andi %ne3A_59, %ne3A_63 : vector<128x8xi1>
    %sub3A_64 = arith.constant 1 : i32
    %sub3A_65 = vector.broadcast %sub3A_64 : i32 to vector<128x8xi32>
    %sub3A_66 = arith.subi %div3A_43, %sub3A_65 : vector<128x8xi32>
    %select_n3A = arith.select %and3A, %sub3A_66, %div3A_43 : vector<128x8xi1>, vector<128x8xi32>
    %eq3A = arith.cmpi eq, %select_n3A, %iota3A_41 : vector<128x8xi32>
    %jit3A_67 = arith.constant 1.000000e+00 : f32
    %jit3A_68 = arith.constant 0.000000e+00 : f32
    %broadcast_in_dim3A = vector.broadcast %jit3A_67 : f32 to vector<128x8xf32>
    %broadcast_in_dim3A_69 = vector.broadcast %jit3A_68 : f32 to vector<128x8xf32>
    %select_n3A_70 = arith.select %eq3A, %broadcast_in_dim3A, %broadcast_in_dim3A_69 : vector<128x8xi1>, vector<128x8xf32>
    %mul3A = arith.mulf %get3A_1, %get3A_4 : vector<2048x128xf32>
    %dot_general3A = arith.constant dense<0.000000e+00> : vector<2048x8xf32>
    %dot_general3A_71 = tpu.matmul %mul3A, %select_n3A_70, %dot_general3A {dimension_numbers = #tpu.dot_dimension_numbers<[1], [0], [0], [1], [0, 0, 1, 1], [], []>, transpose_lhs_hint = false} : vector<2048x128xf32>, vector<128x8xf32>, vector<2048x8xf32> -> vector<2048x8xf32>
    %add3A_72 = arith.addf %dot_general3A_71, %get3A_7 : vector<2048x8xf32>
    %mul3A_73 = arith.constant 6.400000e+01 : f32
    %mul3A_74 = vector.broadcast %mul3A_73 : f32 to vector<2048x8xf32>
    %mul3A_75 = arith.mulf %mul3A_74, %div3A_29 : vector<2048x8xf32>
    %log3A_76 = math.log %mul3A_75 : vector<2048x8xf32>
    %sub3A_77 = arith.subf %add3A_72, %log3A_76 : vector<2048x8xf32>
    %broadcast_in_dim3A_78 = arith.constant 0.000000e+00 : f32
    %broadcast_in_dim3A_79 = vector.broadcast %broadcast_in_dim3A_78 : f32 to vector<16x64xf32>
    %concatenate3A = tpu.concatenate %get3A_20, %broadcast_in_dim3A_79, %broadcast_in_dim3A_79, %broadcast_in_dim3A_79, %broadcast_in_dim3A_79, %broadcast_in_dim3A_79, %broadcast_in_dim3A_79, %broadcast_in_dim3A_79 in 1 : vector<16x64xf32>, vector<16x64xf32>, vector<16x64xf32>, vector<16x64xf32>, vector<16x64xf32>, vector<16x64xf32>, vector<16x64xf32>, vector<16x64xf32> -> vector<16x512xf32>
    %concatenate3A_80 = tpu.concatenate %broadcast_in_dim3A_79, %get3A_20, %broadcast_in_dim3A_79, %broadcast_in_dim3A_79, %broadcast_in_dim3A_79, %broadcast_in_dim3A_79, %broadcast_in_dim3A_79, %broadcast_in_dim3A_79 in 1 : vector<16x64xf32>, vector<16x64xf32>, vector<16x64xf32>, vector<16x64xf32>, vector<16x64xf32>, vector<16x64xf32>, vector<16x64xf32>, vector<16x64xf32> -> vector<16x512xf32>
    %concatenate3A_81 = tpu.concatenate %broadcast_in_dim3A_79, %broadcast_in_dim3A_79, %get3A_20, %broadcast_in_dim3A_79, %broadcast_in_dim3A_79, %broadcast_in_dim3A_79, %broadcast_in_dim3A_79, %broadcast_in_dim3A_79 in 1 : vector<16x64xf32>, vector<16x64xf32>, vector<16x64xf32>, vector<16x64xf32>, vector<16x64xf32>, vector<16x64xf32>, vector<16x64xf32>, vector<16x64xf32> -> vector<16x512xf32>
    %concatenate3A_82 = tpu.concatenate %broadcast_in_dim3A_79, %broadcast_in_dim3A_79, %broadcast_in_dim3A_79, %get3A_20, %broadcast_in_dim3A_79, %broadcast_in_dim3A_79, %broadcast_in_dim3A_79, %broadcast_in_dim3A_79 in 1 : vector<16x64xf32>, vector<16x64xf32>, vector<16x64xf32>, vector<16x64xf32>, vector<16x64xf32>, vector<16x64xf32>, vector<16x64xf32>, vector<16x64xf32> -> vector<16x512xf32>
    %concatenate3A_83 = tpu.concatenate %broadcast_in_dim3A_79, %broadcast_in_dim3A_79, %broadcast_in_dim3A_79, %broadcast_in_dim3A_79, %get3A_20, %broadcast_in_dim3A_79, %broadcast_in_dim3A_79, %broadcast_in_dim3A_79 in 1 : vector<16x64xf32>, vector<16x64xf32>, vector<16x64xf32>, vector<16x64xf32>, vector<16x64xf32>, vector<16x64xf32>, vector<16x64xf32>, vector<16x64xf32> -> vector<16x512xf32>
    %concatenate3A_84 = tpu.concatenate %broadcast_in_dim3A_79, %broadcast_in_dim3A_79, %broadcast_in_dim3A_79, %broadcast_in_dim3A_79, %broadcast_in_dim3A_79, %get3A_20, %broadcast_in_dim3A_79, %broadcast_in_dim3A_79 in 1 : vector<16x64xf32>, vector<16x64xf32>, vector<16x64xf32>, vector<16x64xf32>, vector<16x64xf32>, vector<16x64xf32>, vector<16x64xf32>, vector<16x64xf32> -> vector<16x512xf32>
    %concatenate3A_85 = tpu.concatenate %broadcast_in_dim3A_79, %broadcast_in_dim3A_79, %broadcast_in_dim3A_79, %broadcast_in_dim3A_79, %broadcast_in_dim3A_79, %broadcast_in_dim3A_79, %get3A_20, %broadcast_in_dim3A_79 in 1 : vector<16x64xf32>, vector<16x64xf32>, vector<16x64xf32>, vector<16x64xf32>, vector<16x64xf32>, vector<16x64xf32>, vector<16x64xf32>, vector<16x64xf32> -> vector<16x512xf32>
    %concatenate3A_86 = tpu.concatenate %broadcast_in_dim3A_79, %broadcast_in_dim3A_79, %broadcast_in_dim3A_79, %broadcast_in_dim3A_79, %broadcast_in_dim3A_79, %broadcast_in_dim3A_79, %broadcast_in_dim3A_79, %get3A_20 in 1 : vector<16x64xf32>, vector<16x64xf32>, vector<16x64xf32>, vector<16x64xf32>, vector<16x64xf32>, vector<16x64xf32>, vector<16x64xf32>, vector<16x64xf32> -> vector<16x512xf32>
    %concatenate3A_87 = tpu.concatenate %concatenate3A, %concatenate3A_80, %concatenate3A_81, %concatenate3A_82, %concatenate3A_83, %concatenate3A_84, %concatenate3A_85, %concatenate3A_86 in 0 : vector<16x512xf32>, vector<16x512xf32>, vector<16x512xf32>, vector<16x512xf32>, vector<16x512xf32>, vector<16x512xf32>, vector<16x512xf32>, vector<16x512xf32> -> vector<128x512xf32>
    %dot_general3A_88 = arith.constant dense<0.000000e+00> : vector<2048x512xf32>
    %dot_general3A_89 = tpu.matmul %get3A_1, %concatenate3A_87, %dot_general3A_88 {dimension_numbers = #tpu.dot_dimension_numbers<[1], [0], [0], [1], [0, 0, 1, 1], [], []>, transpose_lhs_hint = false} : vector<2048x128xf32>, vector<128x512xf32>, vector<2048x512xf32> -> vector<2048x512xf32>
    %mul3A_90 = arith.constant 6.400000e+01 : f32
    %mul3A_91 = vector.broadcast %mul3A_90 : f32 to vector<1x64xf32>
    %mul3A_92 = arith.mulf %mul3A_91, %div3A_40 : vector<1x64xf32>
    %log3A_93 = math.log %mul3A_92 : vector<1x64xf32>
    %sub3A_94 = arith.subf %get3A_17, %log3A_93 : vector<1x64xf32>
    %concatenate3A_95 = tpu.concatenate %sub3A_94, %sub3A_94, %sub3A_94, %sub3A_94, %sub3A_94, %sub3A_94, %sub3A_94, %sub3A_94 in 1 : vector<1x64xf32>, vector<1x64xf32>, vector<1x64xf32>, vector<1x64xf32>, vector<1x64xf32>, vector<1x64xf32>, vector<1x64xf32>, vector<1x64xf32> -> vector<1x512xf32>
    %add3A_96 = vector.broadcast %concatenate3A_95 : vector<1x512xf32> to vector<2048x512xf32>
    %add3A_97 = arith.addf %dot_general3A_89, %add3A_96 : vector<2048x512xf32>
    %neg3A = arith.constant 0.000000e+00 : f32
    %neg3A_98 = vector.broadcast %neg3A : f32 to vector<2048x8xf32>
    %neg3A_99 = arith.subf %neg3A_98, %sub3A_77 : vector<2048x8xf32>
    %custom_jvp_call3A = arith.constant 0.000000e+00 : f32
    %max3A = vector.broadcast %custom_jvp_call3A : f32 to vector<2048x8xf32>
    %max3A_100 = arith.maximumf %neg3A_99, %max3A : vector<2048x8xf32>
    %sub3A_101 = vector.broadcast %custom_jvp_call3A : f32 to vector<2048x8xf32>
    %sub3A_102 = arith.subf %neg3A_99, %sub3A_101 : vector<2048x8xf32>
    %ne3A_103 = arith.cmpf one, %sub3A_102, %sub3A_102 : vector<2048x8xf32>
    %add3A_104 = vector.broadcast %custom_jvp_call3A : f32 to vector<2048x8xf32>
    %add3A_105 = arith.addf %neg3A_99, %add3A_104 : vector<2048x8xf32>
    %abs3A = math.absf %sub3A_102 : vector<2048x8xf32>
    %neg3A_106 = arith.constant 0.000000e+00 : f32
    %neg3A_107 = vector.broadcast %neg3A_106 : f32 to vector<2048x8xf32>
    %neg3A_108 = arith.subf %neg3A_107, %abs3A : vector<2048x8xf32>
    %exp3A = math.exp %neg3A_108 : vector<2048x8xf32>
    %log1p3A = math.log1p %exp3A : vector<2048x8xf32>
    %add3A_109 = arith.addf %max3A_100, %log1p3A : vector<2048x8xf32>
    %select_n3A_110 = arith.select %ne3A_103, %add3A_105, %add3A_109 : vector<2048x8xi1>, vector<2048x8xf32>
    %reduce_sum3A = vector.shape_cast %select_n3A_110 : vector<2048x8xf32> to vector<1x2048x8xf32>
    %reduce_sum3A_111 = arith.constant dense<0.000000e+00> : vector<1xf32>
    %reduce_sum3A_112 = vector.multi_reduction <add>, %reduce_sum3A, %reduce_sum3A_111 [1, 2] : vector<1x2048x8xf32> to vector<1xf32>
    %reduce_sum3A_113 = vector.shape_cast %reduce_sum3A_112 : vector<1xf32> to vector<1x1x1xf32>
    %reduce_sum3A_114 = vector.extract %reduce_sum3A_113[0, 0, 0] : f32 from vector<1x1x1xf32>
    %custom_jvp_call3A_115 = arith.constant 0.000000e+00 : f32
    %max3A_116 = vector.broadcast %custom_jvp_call3A_115 : f32 to vector<2048x512xf32>
    %max3A_117 = arith.maximumf %add3A_97, %max3A_116 : vector<2048x512xf32>
    %sub3A_118 = vector.broadcast %custom_jvp_call3A_115 : f32 to vector<2048x512xf32>
    %sub3A_119 = arith.subf %add3A_97, %sub3A_118 : vector<2048x512xf32>
    %ne3A_120 = arith.cmpf one, %sub3A_119, %sub3A_119 : vector<2048x512xf32>
    %add3A_121 = vector.broadcast %custom_jvp_call3A_115 : f32 to vector<2048x512xf32>
    %add3A_122 = arith.addf %add3A_97, %add3A_121 : vector<2048x512xf32>
    %abs3A_123 = math.absf %sub3A_119 : vector<2048x512xf32>
    %neg3A_124 = arith.constant 0.000000e+00 : f32
    %neg3A_125 = vector.broadcast %neg3A_124 : f32 to vector<2048x512xf32>
    %neg3A_126 = arith.subf %neg3A_125, %abs3A_123 : vector<2048x512xf32>
    %exp3A_127 = math.exp %neg3A_126 : vector<2048x512xf32>
    %log1p3A_128 = math.log1p %exp3A_127 : vector<2048x512xf32>
    %add3A_129 = arith.addf %max3A_117, %log1p3A_128 : vector<2048x512xf32>
    %select_n3A_130 = arith.select %ne3A_120, %add3A_122, %add3A_129 : vector<2048x512xi1>, vector<2048x512xf32>
    %reduce_sum3A_131 = vector.shape_cast %select_n3A_130 : vector<2048x512xf32> to vector<1x2048x512xf32>
    %reduce_sum3A_132 = arith.constant dense<0.000000e+00> : vector<1xf32>
    %reduce_sum3A_133 = vector.multi_reduction <add>, %reduce_sum3A_131, %reduce_sum3A_132 [1, 2] : vector<1x2048x512xf32> to vector<1xf32>
    %reduce_sum3A_134 = vector.shape_cast %reduce_sum3A_133 : vector<1xf32> to vector<1x1x1xf32>
    %reduce_sum3A_135 = vector.extract %reduce_sum3A_134[0, 0, 0] : f32 from vector<1x1x1xf32>
    %add3A_136 = arith.addf %reduce_sum3A_114, %reduce_sum3A_135 : f32
    %div3A_137 = arith.constant 1.638400e+04 : f32
    %div3A_138 = arith.divf %add3A_136, %div3A_137 : f32
    %reshape3A = vector.broadcast %div3A_138 : f32 to vector<1x1xf32>
    %swap3A = arith.constant 0 : index
    %swap3A_139 = arith.constant 0 : index
    %swap3A_140 = vector.load %arg7[%swap3A, %swap3A_139] : memref<1x1xf32, #tpu.memory_space<vmem>>, vector<1x1xf32>
    tpu.vector_store %arg7[%swap3A, %swap3A_139], %reshape3A {strides = array<i32>} : memref<1x1xf32, #tpu.memory_space<vmem>>, vector<1x1xf32>,
    return
  }
}

</mosaic_0001>

<sc_bundles>
// kernel: kernel.4.cloned.1.call-start
scs
__scs_entry_jumppad:
0x0: {  	(pc) =	sbr.rel $0x88, $3  }
0x1: {  	(tag) =	ssettag $0x0;
	lr =	simm.s32 $0x1  }
0x2: {  	[smem:$0x3F9C] =	sst lr;
	_ =	strace $0xD0000000  }
0x3: {  	_ = 	snop  }
0x4: {  	_ = 	snop  }
0x5: {  	_ = 	snop  }
0x6: {  	_ = 	snop  }
0x7: {  	_ = 	snop  }
__scs_overlays_trampoline_lowered:
0x8: {  	[smem:$0x3FAB] =	sst s0  }
0x9: {  	[smem:$0x3FAC] =	sst s1  }
0xa: {  	[smem:$0x3FAD] =	sst s2  }
0xb: {  	[smem:$0x3FAE] =	sst s3  }
0xc: {  	[smem:$0x3FAF] =	sst s4  }
0xd: {  	[smem:$0x3FB0] =	sst s5  }
0xe: {  	[smem:$0x3FB1] =	sst s6  }
0xf: {  	[smem:$0x3FB2] =	sst s7  }
0x10: {  	[smem:$0x3FB3] =	sst s8  }
0x11: {  	[smem:$0x3FB4] =	sst s9;
	s0 =	simm.s32 @!p0 $0x0  }
0x12: {  	s1 =	sld [smem:$0x3F9A];
	s0 =	simm.s32 @p0 $0x1  }
0x13: {  	[smem:$0x3FB5] =	sst s0;
	s0 =	simm.s32 @!p1 $0x0  }
0x14: {  	s2 =	sld [smem:$0x3F99];
	s0 =	simm.s32 @p1 $0x1  }
0x15: {  	[smem:$0x3FB6] =	sst s0;
	s0 =	simm.s32 @!p2 $0x0  }
0x16: {  	s3 =	sld [smem:$0x3FDB];
	s0 =	simm.s32 @p2 $0x1  }
0x17: {  	s4 =	simm.s32 $0x1BF5;
	[smem:$0x3FB8] =	sst s0  }
0x18: {  	s0 =	sld [smem:$0x3F9B];
	_ =	swait.ge [sflag:s4], $0x0  }
0x19: {  	s7 =	sld [smem:$0x3F9C]  }
0x1a: {  	s8 =	sadd.s32 $0xFFFFE003, lr  }
0x1b: {  	s9 =	sadd.s32 $0xFFFFFEF7, lr;
	s5 =	simm.s32 $0xFFFFFFFF;
	p2 =	slt.u32 s8, $0xFFFFF086  }
0x1c: {  	p1 =	slt.u32 s9, $0xF7A;
	s5 =	simm.s32 @!p2 $0x0  }
0x1d: {  	s5 =	simm.s32 @p1 $0x1;
	p0 =	seq.s32 s7, s2  }
0x1e: {  	s7 =	smul.u32 @!p0 $0xF7A, s2;
	p2 =	seq.s32 @!p0 s5, $0x0  }
0x1f: {  	s9 =	smul.u32 $0xF7A, s1;
	s8 =	simm.s32 @!p0 $0x1BF5;
	p2 =	por !p2, p0  }
0x20: {  	[sflag:s8] =	ssyncset.s32 @!p0 $0xFFFFF086;
	s6 =	sadd.s32 @!p0 s3, s7;
	s7 =	simm.s32 @!p0 $0x108  }
0x21: {  	s3 =	sadd.s32 s3, s9;
	s6 =	sadd.s32 @!p0 $0x88, s6;
	s7 =	simm.s32 @p2 $0x1082  }
0x22: {  	[simem:s7], [sflag:s8] =	dma.local @!p0 [hbm:s6], $0xF7A  }
0x23: {  	s9 =	sor.u32 $0xD0000000, s2;
	s6 =	simm.s32 $0x108;
	_ =	swait.ge @!p0 [sflag:s8], $0x0  }
0x24: {  	s3 =	sadd.s32 $0x88, s3;
	s6 =	simm.s32 @!p1 $0x1082;
	[sflag:s4] =	ssyncset.s32 $0xFFFFF086  }
0x25: {  	[simem:s6], [sflag:s4] =	dma.local [hbm:s3], $0xF7A  }
0x26: {  	[smem:$0x3F9C] =	sst s1;
	(tag) =	ssettag s2;
	_ =	strace s9  }
0x27: {  	s1 =	sld [smem:$0x3FAC]  }
0x28: {  	s2 =	sld [smem:$0x3FAD]  }
0x29: {  	s4 =	sld [smem:$0x3FAF]  }
0x2a: {  	p0 =	seq.s32 s5, $0x0;
	s5 =	sld [smem:$0x3FB0]  }
0x2b: {  	s6 =	sld [smem:$0x3FB1]  }
0x2c: {  	s7 =	sld [smem:$0x3FB2]  }
0x2d: {  	s3 =	simm.s32 $0x108;
	s8 =	sld [smem:$0x3FB3]  }
0x2e: {  	s3 =	simm.s32 @!p0 $0x1082;
	s9 =	sld [smem:$0x3FB4]  }
0x2f: {  	lr =	sadd.s32 s0, s3;
	s0 =	sld [smem:$0x3FAB]  }
0x30: {  	s3 =	sld [smem:$0x3FAE]  }
0x31: {  	[smem:$0x3FB7] =	sst s10  }
0x32: {  	s10 =	sld [smem:$0x3FB5];
	_ =	sdelay $0x3  }
0x33: {  	p0 =	seq.s32 s10, $0x1;
	s10 =	sld [smem:$0x3FB7];
	_ =	sdelay $0x3  }
0x34: {  	[smem:$0x3FB7] =	sst s10  }
0x35: {  	s10 =	sld [smem:$0x3FB6];
	_ =	sdelay $0x3  }
0x36: {  	p1 =	seq.s32 s10, $0x1;
	s10 =	sld [smem:$0x3FB7];
	_ =	sdelay $0x3  }
0x37: {  	[smem:$0x3FB7] =	sst s10  }
0x38: {  	s10 =	sld [smem:$0x3FB8]  }
0x39: {  	_ = 	snop;
	(pc) =	sbr.ind lr, $3  }
0x3a: {  	_ = 	snop  }
0x3b: {  	_ = 	snop  }
0x3c: {  	p2 =	seq.s32 s10, $0x1;
	s10 =	sld [smem:$0x3FB7]  }
0x3d: {  	_ =	shalt  }
0x3e: {  	_ =	shalt  }
0x3f: {  	_ =	shalt  }
0x40: {  	_ =	shalt  }
0x41: {  	_ =	shalt  }
0x42: {  	_ =	shalt  }
0x43: {  	_ =	shalt  }
0x44: {  	_ =	shalt  }
0x45: {  	_ =	shalt  }
0x46: {  	_ =	shalt  }
0x47: {  	_ =	shalt  }
0x48: {  	_ =	shalt  }
0x49: {  	_ =	shalt  }
0x4a: {  	_ =	shalt  }
0x4b: {  	_ =	shalt  }
0x4c: {  	_ =	shalt  }
0x4d: {  	_ =	shalt  }
0x4e: {  	_ =	shalt  }
0x4f: {  	_ =	shalt  }
0x50: {  	_ =	shalt  }
0x51: {  	_ =	shalt  }
0x52: {  	_ =	shalt  }
0x53: {  	_ =	shalt  }
0x54: {  	_ =	shalt  }
0x55: {  	_ =	shalt  }
0x56: {  	_ =	shalt  }
0x57: {  	_ =	shalt  }
0x58: {  	_ =	shalt  }
0x59: {  	_ =	shalt  }
0x5a: {  	_ =	shalt  }
0x5b: {  	_ =	shalt  }
0x5c: {  	_ =	shalt  }
0x5d: {  	_ =	shalt  }
0x5e: {  	_ =	shalt  }
0x5f: {  	_ =	shalt  }
0x60: {  	_ =	shalt  }
0x61: {  	_ =	shalt  }
0x62: {  	_ =	shalt  }
0x63: {  	_ =	shalt  }
0x64: {  	_ =	shalt  }
0x65: {  	_ =	shalt  }
0x66: {  	_ =	shalt  }
0x67: {  	_ =	shalt  }
0x68: {  	_ =	shalt  }
0x69: {  	_ =	shalt  }
0x6a: {  	_ =	shalt  }
0x6b: {  	_ =	shalt  }
0x6c: {  	_ =	shalt  }
0x6d: {  	_ =	shalt  }
0x6e: {  	_ =	shalt  }
0x6f: {  	_ =	shalt  }
0x70: {  	_ =	shalt  }
0x71: {  	_ =	shalt  }
0x72: {  	_ =	shalt  }
0x73: {  	_ =	shalt  }
0x74: {  	_ =	shalt  }
0x75: {  	_ =	shalt  }
0x76: {  	_ =	shalt  }
0x77: {  	_ =	shalt  }
0x78: {  	_ =	shalt  }
0x79: {  	_ =	shalt  }
0x7a: {  	_ =	shalt  }
0x7b: {  	_ =	shalt  }
0x7c: {  	_ =	shalt  }
0x7d: {  	_ =	shalt  }
0x7e: {  	_ =	shalt  }
0x7f: {  	_ =	shalt  }
0x80: {  	_ =	shalt  }
0x81: {  	_ =	shalt  }
0x82: {  	_ =	shalt  }
0x83: {  	_ =	shalt  }
0x84: {  	_ =	shalt  }
0x85: {  	_ =	shalt  }
0x86: {  	_ =	shalt  }
0x87: {  	_ =	shalt  }
.Lfunc_end0:
.L_simem_size_0:
called_computation_lowered:
.L_overlay_start_0:
0x88: {  	s2 =	sld [smem:$0x3FD9]  }
0x89: {  	s3 =	sld [smem:$0x3FFE];
	_ =	sdelay $0x1  }
0x8a: {  	s1 =	srdreg.scid  }
0x8b: {  	s0 =	sand.u32 $0x1, s1  }
0x8c: {  	s14 =	sshll.u32 s0, $0xA;
	s2 =	sadd.s32 s3, s2  }
0x8d: {  	s2 =	sadd.s32 s2, s14  }
0x8e: {  	[smem:$0x3FC3] =	sst s2  }
0x8f: {  	_ = 	snop  }
0x90: {  	s2 =	sld [smem:$0x3FD0]  }
0x91: {  	s15 =	sld [smem:$0x3FC7]  }
0x92: {  	s4 =	sld [smem:$0x3FC6]  }
0x93: {  	s6 =	simm.s32 $0xA;
	s7 =	simm.s32 $0x10;
	s5 =	sld [smem:$0x3FC5]  }
0x94: {  	[smem:s7], [sflag:s6] =	dma.local [hbm:s2], $0x1  }
0x95: {  	_ =	swait.eq [sflag:s6], $0x1  }
0x96: {  	[sflag:s6] =	ssyncset.done $0x0  }
0x97: {  	[sflag:s6] =	ssyncadd.s32 $0xFFFFFFFF  }
0x98: {  	s16 =	sld [smem:$0x10];
	(tm) =	ssettm $0x1  }
0x99: {  	s17 =	sld [smem:$0x3FFB];
	_ =	sdelay $0x3  }
0x9a: {  	_ =	strace s17  }
0x9b: {  	s6 =	sld [smem:$0x3FFC];
	_ =	sdelay $0x3  }
0x9c: {  	_ =	strace s6  }
0x9d: {  	s6 =	sld [smem:$0x3FFD];
	_ =	sdelay $0x3  }
0x9e: {  	_ =	strace s6  }
0x9f: {  	_ =	strace $0x8FFFFFFF  }
0xa0: {  	s18 =	sld [smem:$0x3FDB];
	_ =	sdelay $0x1  }
0xa1: {  	s19 =	simm.s32 $_scs_section_size  }
0xa2: {  	s8 =	simm.s32 $_size__tile_overlayer_lowered;
	s9 =	simm.s32 $_tile_overlayer_lowered  }
0xa3: {  	s22 =	simm.s32 $0x1BFF;
	s21 =	sshll.u32 s9, $0x1;
	s6 =	sadd.s32 s19, s18  }
0xa4: {  	s10 =	simm.s32 $0x0;
	s20 =	sshll.u32 s8, $0x1;
	s8 =	sadd.s32 s21, s6  }
0xa5: {  	[timem:s10], [sflag:s22] =	dma.local [hbm:s8], s20  }
0xa6: {  	_ =	swait.ge [sflag:s22], s20  }
0xa7: {  	s7 =	ssub.s32 $0x0, s20;
	[sflag:s22] =	ssyncset.done $0x0  }
0xa8: {  	[sflag:s22] =	ssyncadd.s32 s7;
	_ =	sdelay $0x1  }
0xa9: {  	s23 =	simm.s32 $0x1B8B  }
0xaa: {  	_ =	swait.ge [sflag:s23], $0x1  }
0xab: {  	[sflag:s23] =	ssyncset.done $0x0  }
0xac: {  	s25 =	simm.s32 $0x1B8E;
	s24 =	sld [smem:$0x3FFE];
	[sflag:s23] =	ssyncadd.s32 $0xFFFFFFFF  }
0xad: {  	s26 =	simm.s32 $execute0_lowered;
	[smem:$0x3FD2] =	sst s25  }
0xae: {  	s8 =	sshll.u32 s26, $0x1;
	_ =	strace $0x80000046;
	[dreg:$0x1] =	wrdreg $0xFFFFFFFF  }
0xaf: {  	s28 =	simm.s32 $_size_execute0_lowered;
	s6 =	sadd.s32 s6, s8;
	[dreg:$0x0] =	wrdreg $0x0  }
0xb0: {  	s8 =	sshll.u32 s28, $0x1;
	[dreg:$0x2] =	wrdreg s6  }
0xb1: {  	[dreg:$0x3] =	wrdreg s8  }
0xb2: {  	[dreg:$0x4] =	wrdreg $0xC0  }
0xb3: {  	_ =	task [dreg:s10], $0x5FFFF  }
0xb4: {  	[dreg:$0x1] =	wrdreg $0xFFFFFFFF  }
0xb5: {  	[dreg:$0x0] =	wrdreg $0x60  }
0xb6: {  	[dreg:$0x2] =	wrdreg s15  }
0xb7: {  	[dreg:$0x3] =	wrdreg s4  }
0xb8: {  	[dreg:$0x4] =	wrdreg s5  }
0xb9: {  	[dreg:$0x5] =	wrdreg s24  }
0xba: {  	[dreg:$0x6] =	wrdreg s16  }
0xbb: {  	[dreg:$0x7] =	wrdreg $0x9  }
0xbc: {  	_ =	task.clear_ibuf [dreg:s10], $0x8FFFF;
	_ =	strace $0x90000046  }
0xbd: {  	s29 =	simm.s32 $0x9;
	_ =	strace $0x80000048  }
0xbe: {  	_ =	swait.ge [sflag:s29], $0x1  }
0xbf: {  	[sflag:s29] =	ssyncadd.s32 $0xFFFFFFFF  }
0xc0: {  	_ =	strace $0x90000048  }
0xc1: {  	_ =	sfence  }
0xc2: {  	s30 =	sld [smem:$0x0];
	_ =	sdelay $0x2  }
0xc3: {  	s31 =	sshll.u32 s1, $0xD;
	s1 =	sshrl.u32 s1, $0x2  }
0xc4: {  	s3 =	sand.u32 $0x4000, s31;
	s1 =	sadd.s32 s1, s30  }
0xc5: {  	s0 =	sor.u32 s3, s0;
	s1 =	sshll.u32 s1, $0x11  }
0xc6: {  	s0 =	sor.u32 s1, s0  }
0xc7: {  	s0 =	sadd.s32 $0x8F2B, s0  }
0xc8: {  	[sflag:s0] =	ssyncadd.remote.s32 $0x1  }
0xc9: {  	_ =	sfence.sel $0xFFFF  }
0xca: {  	[dreg:$0x0] =	wrdreg $0xFFFFFFFF;
	(pc) =	sbr.abs _section_cstart, $3  }
0xcb: {  	[dreg:$0x1] =	wrdreg $0xFFFFFFFF  }
0xcc: {  	_ =	task.clear_ibuf [dreg:s10], $0x2FFFF;
	_ =	strace $0x9FFFFFFF  }
0xcd: {  	(tm) =	ssettm $0x7FFFFFFF  }
tec
execute0_lowered:
.L_overlay_start_1:
0x0: {  	(tag) =	ssettag $0x1  }
0x1: {  	s1 =	rddreg [dreg:$0x0]  }
0x2: {  	s2 =	rddreg [dreg:$0x1]  }
0x3: {  	s0 =	rddreg [dreg:$0x3]  }
0x4: {  	s3 =	rddreg [dreg:$0x4]  }
0x5: {  	s4 =	srdreg.scid;
	s5 =	stileid.u32;
	s17 =	simm.s32 $0x0  }
0x6: {  	s10 =	simm.s32 $0xB580;
	s11 =	simm.s32 $0xBD80;
	s28 =	simm.s32 $0xDD80  }
0x7: {  	s29 =	simm.s32 $0xE580;
	s30 =	simm.s32 $0xED80;
	s31 =	simm.s32 $0xF580  }
0x8: {  	s12 =	simm.s32 $0x3;
	s13 =	simm.s32 $0x12D80;
	s14 =	simm.s32 $0x2  }
0x9: {  	s4 =	sand.u32 $0x1, s4;
	s5 =	sshll.u32 s5, $0x1;
	[smem:$0x7FF] =	sst s17  }
0xa: {  	s9 =	sadd.s32 $0x4200, s0;
	s5 =	sor.u32 s4, s5;
	_ =	strace $0x80000047  }
0xb: {  	s4 =	ssub.s32 $0x2, s4;
	s6 =	sshll.u32 s5, $0x6;
	s7 =	smul.u32 $0x41, s5  }
0xc: {  	s8 =	sadd.s32 s5, s0;
	s15 =	sshrl.u32 s4, $0x1;
	s22 =	sshll.u32 s5, $0xA  }
0xd: {  	s5 =	sshll.u32 s5, $0x4;
	s6 =	sadd.s32 s6, s0;
	s4 =	ssub.s32 s4, s15  }
0xe: {  	s20 =	sadd.s32 $0x1400, s8;
	s21 =	sadd.s32 $0x1600, s8;
	s3 =	sadd.s32 s3, s22  }
0xf: {  	s24 =	sadd.s32 s5, s9;
	s25 =	sadd.s32 s9, s22;
	[dreg:$0xa] =	wrdreg s20  }
0x10: {  	s9 =	simm.s32 $0x14E00;
	s22 =	simm.s32 $0x7A1400;
	[dreg:$0xb] =	wrdreg s21  }
0x11: {  	s5 =	simm.s32 $0xD580;
	s15 =	simm.s32 $0x4;
	[dreg:$0xd] =	wrdreg s3  }
0x12: {  	s8 =	simm.s32 $0x0;
	s16 =	sadd.s32 $0x3200, s6;
	[dreg:$0xe] =	wrdreg s25  }
0x13: {  	s0 =	sadd.s32 s7, s0;
	s18 =	sadd.s32 $0x3A00, s6;
	[dreg:$0x6] =	wrdreg s16  }
0x14: {  	s19 =	sadd.s32 $0x2A00, s6;
	s6 =	sadd.s32 $0x2200, s6;
	[dreg:$0x7] =	wrdreg s18  }
0x15: {  	s3 =	sadd.s32 $0x8000, s24;
	s26 =	smax.u32 s4, $0x1;
	[dreg:$0x8] =	wrdreg s19  }
0x16: {  	s21 =	simm.s32 $0x400;
	s20 =	simm.s32 $0x8D80;
	[dreg:$0x9] =	wrdreg s6  }
0x17: {  	v1 =	vlaneseq.u32;
	s24 =	simm.s32 $0xC580;
	s4 =	simm.s32 $0x10580;
	[dreg:$0xf] =	wrdreg s3  }
0x18: {  	vm0 =	vmmov $0x1;
	vm1 =	vcmask $0x308;
	v0 =	vand.u32 $0x7, v1;
	s23 =	sadd.s32 $0x1800, s0;
	s0 =	sadd.s32 $0xC400, s0;
	[dreg:$0x11] =	wrdreg s26  }
0x19: {  	vm2 =	vcmask $0x70C;
	vm3 =	vcmask $0xB10;
	v0 =	vmul.u32 $0x800, v0;
	s18 =	simm.s32 $0x8;
	s3 =	simm.s32 $0xCD80;
	s19 =	simm.s32 $0x1  }
0x1a: {  	vm4 =	vcmask $0xF14;
	vm5 =	vcmask $0x1318;
	v1 =	vmul.u32 $0x10, v1;
	s26 =	simm.s32 $0x10D80;
	s16 =	simm.s32 $0x14D80;
	[dreg:$0xc] =	wrdreg s23  }
0x1b: {  	vm6 =	vcmask $0x171C;
	vm7 =	vcmask $0x1B20;
	v2 =	vor.u32 $0x4000, v0;
	[dreg:$0x10] =	wrdreg s0;
	s23 =	simm.s32 $0xD80;
	s0 =	simm.s32 $0xFD80  }
.LBB2_1:
0x1c: {  	[dreg:$0x12] =	wrdreg s8  }
0x1d: {  	s6 =	rddreg [dreg:$0x6]  }
0x1e: {  	[tilespmem:s17], [sflag:$0x8] =	stream.linear.gather [hbm4b:s6+s17], $0x200, $0x38;
	[tilespmem:$0x15080] =	vst v63  }
0x1f: {  	_ =	swait.ge [sflag:s18], $0x200  }
0x20: {  	[sflag:s18] =	ssyncset.done $0x0  }
0x21: {  	s7 =	simm.s32 $0x280;
	s25 =	rddreg [dreg:$0x7];
	[sflag:s18] =	ssyncadd.s32 $0xFFFFFE00  }
0x22: {  	[tilespmem:s7], [sflag:$0x8] =	stream.linear.gather [hbm4b:s25+s17], $0x200, $0x38;
	[tilespmem:$0x15080] =	vst v63  }
0x23: {  	_ =	swait.ge [sflag:s18], $0x200  }
0x24: {  	[sflag:s18] =	ssyncset.done $0x0  }
0x25: {  	s25 =	simm.s32 $0x500;
	s8 =	rddreg [dreg:$0x8];
	[sflag:s18] =	ssyncadd.s32 $0xFFFFFE00  }
0x26: {  	[tilespmem:s25], [sflag:$0x8] =	stream.linear.gather [hbm4b:s8+s17], $0x200, $0x38;
	[tilespmem:$0x15080] =	vst v63  }
0x27: {  	_ =	swait.ge [sflag:s18], $0x200  }
0x28: {  	[sflag:s18] =	ssyncset.done $0x0  }
0x29: {  	s25 =	simm.s32 $0x780;
	s8 =	rddreg [dreg:$0x9];
	[sflag:s18] =	ssyncadd.s32 $0xFFFFFE00  }
0x2a: {  	[tilespmem:s25], [sflag:$0x8] =	stream.linear.gather [hbm4b:s8+s17], $0x200, $0x38;
	[tilespmem:$0x15080] =	vst v63  }
0x2b: {  	_ =	swait.ge [sflag:s18], $0x200  }
0x2c: {  	[sflag:s18] =	ssyncset.done $0x0  }
0x2d: {  	s25 =	simm.s32 $0xA00;
	s8 =	rddreg [dreg:$0xa];
	[sflag:s18] =	ssyncadd.s32 $0xFFFFFE00  }
0x2e: {  	[tilespmem:s25], [sflag:$0x8] =	stream.linear.gather [hbm4b:s8+s17], $0x8, $0x38;
	[tilespmem:$0x15080] =	vst v63  }
0x2f: {  	_ =	swait.ge [sflag:s18], $0x8  }
0x30: {  	[sflag:s18] =	ssyncset.done $0x0  }
0x31: {  	s25 =	simm.s32 $0xA80;
	s8 =	rddreg [dreg:$0xb];
	[sflag:s18] =	ssyncadd.s32 $0xFFFFFFF8  }
0x32: {  	[tilespmem:s25], [sflag:$0x8] =	stream.linear.gather [hbm4b:s8+s17], $0x8, $0x38;
	[tilespmem:$0x15080] =	vst v63  }
0x33: {  	_ =	swait.ge [sflag:s18], $0x8  }
0x34: {  	[sflag:s18] =	ssyncset.done $0x0  }
0x35: {  	s25 =	simm.s32 $0xB00;
	s8 =	rddreg [dreg:$0xc];
	[sflag:s18] =	ssyncadd.s32 $0xFFFFFFF8  }
0x36: {  	[tilespmem:s25], [sflag:$0x8] =	stream.linear.gather [hbm4b:s8+s17], $0x208, $0x38;
	[tilespmem:$0x15080] =	vst v63  }
0x37: {  	_ =	swait.ge [sflag:s18], $0x208  }
0x38: {  	[sflag:s18] =	ssyncset.done $0x0  }
0x39: {  	[sflag:s18] =	ssyncadd.s32 $0xFFFFFDF8  }
0x3a: {  	s8 =	simm.s32 $0x80;
	s6 =	rddreg [dreg:$0x2]  }
0x3b: {  	[tilespmem:s9], [sflag:$0x6] =	stream.indirect.gather [hbm4b:s6+s8], $0x1, s25, s8, $0xb8;
	[tilespmem:$0x15080] =	vst v63  }
0x3c: {  	s17 =	simm.s32 $0xB80;
	s25 =	simm.s32 $0x14E80  }
0x3d: {  	[tilespmem:s25], [sflag:$0x6] =	stream.indirect.gather [hbm4b:s6+s8], $0x1, s17, s8, $0xb8;
	[tilespmem:$0x15080] =	vst v63  }
0x3e: {  	s17 =	simm.s32 $0xC00;
	s25 =	simm.s32 $0x14F00  }
0x3f: {  	[tilespmem:s25], [sflag:$0x6] =	stream.indirect.gather [hbm4b:s6+s8], $0x1, s17, s8, $0xb8;
	[tilespmem:$0x15080] =	vst v63  }
0x40: {  	s17 =	simm.s32 $0xC80;
	s25 =	simm.s32 $0x14F80  }
0x41: {  	[tilespmem:s25], [sflag:$0x6] =	stream.indirect.gather [hbm4b:s6+s8], $0x1, s17, s8, $0xb8;
	[tilespmem:$0x15080] =	vst v63  }
0x42: {  	s17 =	simm.s32 $0xD00;
	s25 =	simm.s32 $0x15000  }
0x43: {  	[tilespmem:s25], [sflag:$0x6] =	stream.indirect.gather [hbm4b:s6+s18], $0x1, s17, s18, $0xb8;
	[tilespmem:$0x15080] =	vst v63  }
0x44: {  	v3 =	vld [tilespmem:$0x0];
	_ =	sdelay $0x4  }
0x45: {  	v4 =	vnsel vm0, $0x0, v3  }
0x46: {  	(xrf0) =	vadd.scan.msk.s32 $0xffff, v4  }
0x47: {  	v13 =	vsel vm1, $0x0, v3  }
0x48: {  	(xrf0) =	vadd.scan.msk.s32 $0xffff, v13;
	_ =	sdelay $0x3  }
0x49: {  	v15 =	vsel vm2, $0x0, v3;
	v14, _, _ =	vpop (xrf0)  }
0x4a: {  	(xrf0) =	vadd.scan.msk.s32 $0xffff, v15;
	(v2sf) =	vpush v14, $0xF  }
0x4b: {  	v17 =	vsel vm3, $0x0, v3;
	v16, _, _ =	vpop (xrf0)  }
0x4c: {  	(xrf0) =	vadd.scan.msk.s32 $0xffff, v17;
	(v2sf) =	vpush v16, $0xF;
	_ =	sdelay $0x3  }
0x4d: {  	v18, _, _ =	vpop (xrf0)  }
0x4e: {  	v19 =	vsel vm4, $0x0, v3;
	(v2sf) =	vpush v18, $0xF  }
0x4f: {  	(xrf0) =	vadd.scan.msk.s32 $0xffff, v19;
	v20, _, _ =	vpop (xrf0)  }
0x50: {  	v21 =	vsel vm5, $0x0, v3;
	(v2sf) =	vpush v20, $0xF  }
0x51: {  	(xrf0) =	vadd.scan.msk.s32 $0xffff, v21;
	_ =	sdelay $0x3  }
0x52: {  	v23 =	vsel vm6, $0x0, v3;
	v22, _, _ =	vpop (xrf0)  }
0x53: {  	(xrf0) =	vadd.scan.msk.s32 $0xffff, v23;
	s9 =	spop (v2sf);
	(v2sf) =	vpush v22, $0xF  }
0x54: {  	v3 =	vsel vm7, $0x0, v3;
	v24, _, _ =	vpop (xrf0)  }
0x55: {  	(xrf0) =	vadd.scan.msk.s32 $0xffff, v3;
	s17 =	spop (v2sf);
	(v2sf) =	vpush v24, $0xF  }
0x56: {  	s6 =	sand.u32 $0xFFFFF80, s9  }
0x57: {  	s6 =	sadd.s32 s1, s6  }
0x58: {  	[tilespmem:s23], [sflag:$0x1] =	stream.strided.gather [hbm4b:s6+s21], $0x800, s22, s21, $0x38;
	[tilespmem:$0x15080] =	vst v63  }
0x59: {  	v3, _, _ =	vpop (xrf0);
	s6 =	sand.u32 $0xFFFFF80, s17  }
0x5a: {  	s25 =	simm.s32 $0x1580;
	s6 =	sadd.s32 s1, s6;
	s8 =	spop (v2sf);
	(v2sf) =	vpush v3, $0xF  }
0x5b: {  	[tilespmem:s25], [sflag:$0x1] =	stream.strided.gather [hbm4b:s6+s21], $0x800, s22, s21, $0x38;
	v3, _, _ =	vpop (xrf0);
	[tilespmem:$0x15080] =	vst v63  }
0x5c: {  	s6 =	sand.u32 $0xFFFFF80, s8;
	s17 =	spop (v2sf);
	(v2sf) =	vpush v3, $0xF  }
0x5d: {  	s9 =	simm.s32 $0x1D80;
	s6 =	sadd.s32 s1, s6  }
0x5e: {  	[tilespmem:s9], [sflag:$0x1] =	stream.strided.gather [hbm4b:s6+s21], $0x800, s22, s21, $0x38;
	[tilespmem:$0x15080] =	vst v63  }
0x5f: {  	s6 =	sand.u32 $0xFFFFF80, s17  }
0x60: {  	s25 =	simm.s32 $0x2580;
	s6 =	sadd.s32 s1, s6  }
0x61: {  	[tilespmem:s25], [sflag:$0x1] =	stream.strided.gather [hbm4b:s6+s21], $0x800, s22, s21, $0x38;
	[tilespmem:$0x15080] =	vst v63  }
0x62: {  	s8 =	spop (v2sf)  }
0x63: {  	s6 =	sand.u32 $0xFFFFF80, s8  }
0x64: {  	s9 =	simm.s32 $0x2D80;
	s17 =	spop (v2sf);
	s6 =	sadd.s32 s1, s6  }
0x65: {  	[tilespmem:s9], [sflag:$0x1] =	stream.strided.gather [hbm4b:s6+s21], $0x800, s22, s21, $0x38;
	[tilespmem:$0x15080] =	vst v63  }
0x66: {  	s6 =	sand.u32 $0xFFFFF80, s17  }
0x67: {  	s25 =	simm.s32 $0x3580;
	s6 =	sadd.s32 s1, s6  }
0x68: {  	[tilespmem:s25], [sflag:$0x1] =	stream.strided.gather [hbm4b:s6+s21], $0x800, s22, s21, $0x38;
	[tilespmem:$0x15080] =	vst v63  }
0x69: {  	s8 =	spop (v2sf)  }
0x6a: {  	s6 =	sand.u32 $0xFFFFF80, s8  }
0x6b: {  	s9 =	simm.s32 $0x3D80;
	s17 =	spop (v2sf);
	s6 =	sadd.s32 s1, s6  }
0x6c: {  	[tilespmem:s9], [sflag:$0x1] =	stream.strided.gather [hbm4b:s6+s21], $0x800, s22, s21, $0x38;
	[tilespmem:$0x15080] =	vst v63  }
0x6d: {  	s6 =	sand.u32 $0xFFFFF80, s17  }
0x6e: {  	s25 =	simm.s32 $0x4580;
	s6 =	sadd.s32 s1, s6  }
0x6f: {  	[tilespmem:s25], [sflag:$0x1] =	stream.strided.gather [hbm4b:s6+s21], $0x800, s22, s21, $0x38;
	[tilespmem:$0x15080] =	vst v63  }
0x70: {  	v3 =	vld [tilespmem:$0x500];
	_ =	sdelay $0x4  }
0x71: {  	v25 =	vnsel vm0, $0x0, v3  }
0x72: {  	(xrf0) =	vadd.scan.msk.s32 $0xffff, v25  }
0x73: {  	v26 =	vsel vm1, $0x0, v3  }
0x74: {  	(xrf0) =	vadd.scan.msk.s32 $0xffff, v26;
	_ =	sdelay $0x3  }
0x75: {  	v28 =	vsel vm2, $0x0, v3;
	v27, _, _ =	vpop (xrf0)  }
0x76: {  	(xrf0) =	vadd.scan.msk.s32 $0xffff, v28;
	(v2sf) =	vpush v27, $0xF  }
0x77: {  	v30 =	vsel vm3, $0x0, v3;
	v29, _, _ =	vpop (xrf0)  }
0x78: {  	(xrf0) =	vadd.scan.msk.s32 $0xffff, v30;
	(v2sf) =	vpush v29, $0xF;
	_ =	sdelay $0x3  }
0x79: {  	v31, _, _ =	vpop (xrf0)  }
0x7a: {  	v32 =	vsel vm4, $0x0, v3;
	(v2sf) =	vpush v31, $0xF  }
0x7b: {  	(xrf0) =	vadd.scan.msk.s32 $0xffff, v32;
	v33, _, _ =	vpop (xrf0)  }
0x7c: {  	v34 =	vsel vm5, $0x0, v3;
	(v2sf) =	vpush v33, $0xF  }
0x7d: {  	(xrf0) =	vadd.scan.msk.s32 $0xffff, v34;
	_ =	sdelay $0x3  }
0x7e: {  	v36 =	vsel vm6, $0x0, v3;
	v35, _, _ =	vpop (xrf0)  }
0x7f: {  	(xrf0) =	vadd.scan.msk.s32 $0xffff, v36;
	s7 =	spop (v2sf);
	(v2sf) =	vpush v35, $0xF  }
0x80: {  	v3 =	vsel vm7, $0x0, v3;
	v37, _, _ =	vpop (xrf0)  }
0x81: {  	(xrf0) =	vadd.scan.msk.s32 $0xffff, v3;
	s8 =	spop (v2sf);
	(v2sf) =	vpush v37, $0xF  }
0x82: {  	s6 =	sand.u32 $0xFFFFF80, s7  }
0x83: {  	s6 =	sadd.s32 s2, s6  }
0x84: {  	[tilespmem:s20], [sflag:$0x3] =	stream.strided.gather [hbm4b:s6+s21], $0x800, s22, s21, $0x38;
	[tilespmem:$0x15080] =	vst v63  }
0x85: {  	v3, _, _ =	vpop (xrf0);
	s6 =	sand.u32 $0xFFFFF80, s8  }
0x86: {  	s9 =	simm.s32 $0x9580;
	s6 =	sadd.s32 s2, s6;
	s17 =	spop (v2sf);
	(v2sf) =	vpush v3, $0xF  }
0x87: {  	[tilespmem:s9], [sflag:$0x3] =	stream.strided.gather [hbm4b:s6+s21], $0x800, s22, s21, $0x38;
	v3, _, _ =	vpop (xrf0);
	[tilespmem:$0x15080] =	vst v63  }
0x88: {  	s6 =	sand.u32 $0xFFFFF80, s17;
	s8 =	spop (v2sf);
	(v2sf) =	vpush v3, $0xF  }
0x89: {  	s25 =	simm.s32 $0x9D80;
	s6 =	sadd.s32 s2, s6  }
0x8a: {  	[tilespmem:s25], [sflag:$0x3] =	stream.strided.gather [hbm4b:s6+s21], $0x800, s22, s21, $0x38;
	[tilespmem:$0x15080] =	vst v63  }
0x8b: {  	s6 =	sand.u32 $0xFFFFF80, s8  }
0x8c: {  	s9 =	simm.s32 $0xA580;
	s6 =	sadd.s32 s2, s6  }
0x8d: {  	[tilespmem:s9], [sflag:$0x3] =	stream.strided.gather [hbm4b:s6+s21], $0x800, s22, s21, $0x38;
	[tilespmem:$0x15080] =	vst v63  }
0x8e: {  	s17 =	spop (v2sf)  }
0x8f: {  	s6 =	sand.u32 $0xFFFFF80, s17  }
0x90: {  	s25 =	simm.s32 $0xAD80;
	s7 =	spop (v2sf);
	s6 =	sadd.s32 s2, s6  }
0x91: {  	[tilespmem:s25], [sflag:$0x3] =	stream.strided.gather [hbm4b:s6+s21], $0x800, s22, s21, $0x38;
	[tilespmem:$0x15080] =	vst v63  }
0x92: {  	s6 =	sand.u32 $0xFFFFF80, s7  }
0x93: {  	s6 =	sadd.s32 s2, s6  }
0x94: {  	[tilespmem:s10], [sflag:$0x3] =	stream.strided.gather [hbm4b:s6+s21], $0x800, s22, s21, $0x38;
	[tilespmem:$0x15080] =	vst v63  }
0x95: {  	s8 =	spop (v2sf)  }
0x96: {  	s6 =	sand.u32 $0xFFFFF80, s8  }
0x97: {  	s9 =	spop (v2sf);
	s6 =	sadd.s32 s2, s6  }
0x98: {  	[tilespmem:s11], [sflag:$0x3] =	stream.strided.gather [hbm4b:s6+s21], $0x800, s22, s21, $0x38;
	[tilespmem:$0x15080] =	vst v63  }
0x99: {  	s6 =	sand.u32 $0xFFFFF80, s9  }
0x9a: {  	s6 =	sadd.s32 s2, s6  }
0x9b: {  	[tilespmem:s24], [sflag:$0x3] =	stream.strided.gather [hbm4b:s6+s21], $0x800, s22, s21, $0x38;
	[tilespmem:$0x15080] =	vst v63  }
0x9c: {  	v3 =	vld [tilespmem:$0x8];
	_ =	sdelay $0x4  }
0x9d: {  	v38 =	vnsel vm0, $0x0, v3  }
0x9e: {  	(xrf0) =	vadd.scan.msk.s32 $0xffff, v38  }
0x9f: {  	v39 =	vsel vm1, $0x0, v3  }
0xa0: {  	(xrf0) =	vadd.scan.msk.s32 $0xffff, v39;
	_ =	sdelay $0x3  }
0xa1: {  	v41 =	vsel vm2, $0x0, v3;
	v40, _, _ =	vpop (xrf0)  }
0xa2: {  	(xrf0) =	vadd.scan.msk.s32 $0xffff, v41;
	(v2sf) =	vpush v40, $0xF  }
0xa3: {  	v43 =	vsel vm3, $0x0, v3;
	v42, _, _ =	vpop (xrf0)  }
0xa4: {  	(xrf0) =	vadd.scan.msk.s32 $0xffff, v43;
	(v2sf) =	vpush v42, $0xF;
	_ =	sdelay $0x3  }
0xa5: {  	v44, _, _ =	vpop (xrf0)  }
0xa6: {  	v45 =	vsel vm4, $0x0, v3;
	(v2sf) =	vpush v44, $0xF  }
0xa7: {  	(xrf0) =	vadd.scan.msk.s32 $0xffff, v45;
	v46, _, _ =	vpop (xrf0)  }
0xa8: {  	v47 =	vsel vm5, $0x0, v3;
	(v2sf) =	vpush v46, $0xF  }
0xa9: {  	(xrf0) =	vadd.scan.msk.s32 $0xffff, v47;
	_ =	sdelay $0x3  }
0xaa: {  	v49 =	vsel vm6, $0x0, v3;
	v48, _, _ =	vpop (xrf0)  }
0xab: {  	(xrf0) =	vadd.scan.msk.s32 $0xffff, v49;
	s17 =	spop (v2sf);
	(v2sf) =	vpush v48, $0xF  }
0xac: {  	v3 =	vsel vm7, $0x0, v3;
	v50, _, _ =	vpop (xrf0)  }
0xad: {  	(xrf0) =	vadd.scan.msk.s32 $0xffff, v3;
	s8 =	spop (v2sf);
	(v2sf) =	vpush v50, $0xF  }
0xae: {  	s6 =	sand.u32 $0xFFFFF80, s17  }
0xaf: {  	s25 =	simm.s32 $0x4D80;
	s6 =	sadd.s32 s1, s6  }
0xb0: {  	[tilespmem:s25], [sflag:$0x2] =	stream.strided.gather [hbm4b:s6+s21], $0x800, s22, s21, $0x38;
	[tilespmem:$0x15080] =	vst v63  }
0xb1: {  	v3, _, _ =	vpop (xrf0);
	s6 =	sand.u32 $0xFFFFF80, s8  }
0xb2: {  	s9 =	simm.s32 $0x5580;
	s6 =	sadd.s32 s1, s6;
	s17 =	spop (v2sf);
	(v2sf) =	vpush v3, $0xF  }
0xb3: {  	[tilespmem:s9], [sflag:$0x2] =	stream.strided.gather [hbm4b:s6+s21], $0x800, s22, s21, $0x38;
	v3, _, _ =	vpop (xrf0);
	[tilespmem:$0x15080] =	vst v63  }
0xb4: {  	s6 =	sand.u32 $0xFFFFF80, s17;
	s8 =	spop (v2sf);
	(v2sf) =	vpush v3, $0xF  }
0xb5: {  	s25 =	simm.s32 $0x5D80;
	s6 =	sadd.s32 s1, s6  }
0xb6: {  	[tilespmem:s25], [sflag:$0x2] =	stream.strided.gather [hbm4b:s6+s21], $0x800, s22, s21, $0x38;
	[tilespmem:$0x15080] =	vst v63  }
0xb7: {  	s6 =	sand.u32 $0xFFFFF80, s8  }
0xb8: {  	s9 =	simm.s32 $0x6580;
	s6 =	sadd.s32 s1, s6  }
0xb9: {  	[tilespmem:s9], [sflag:$0x2] =	stream.strided.gather [hbm4b:s6+s21], $0x800, s22, s21, $0x38;
	[tilespmem:$0x15080] =	vst v63  }
0xba: {  	s17 =	spop (v2sf)  }
0xbb: {  	s6 =	sand.u32 $0xFFFFF80, s17  }
0xbc: {  	s25 =	simm.s32 $0x6D80;
	s8 =	spop (v2sf);
	s6 =	sadd.s32 s1, s6  }
0xbd: {  	[tilespmem:s25], [sflag:$0x2] =	stream.strided.gather [hbm4b:s6+s21], $0x800, s22, s21, $0x38;
	[tilespmem:$0x15080] =	vst v63  }
0xbe: {  	s6 =	sand.u32 $0xFFFFF80, s8  }
0xbf: {  	s9 =	simm.s32 $0x7580;
	s6 =	sadd.s32 s1, s6  }
0xc0: {  	[tilespmem:s9], [sflag:$0x2] =	stream.strided.gather [hbm4b:s6+s21], $0x800, s22, s21, $0x38;
	[tilespmem:$0x15080] =	vst v63  }
0xc1: {  	s17 =	spop (v2sf)  }
0xc2: {  	s6 =	sand.u32 $0xFFFFF80, s17  }
0xc3: {  	s25 =	simm.s32 $0x7D80;
	s7 =	spop (v2sf);
	s6 =	sadd.s32 s1, s6  }
0xc4: {  	[tilespmem:s25], [sflag:$0x2] =	stream.strided.gather [hbm4b:s6+s21], $0x800, s22, s21, $0x38;
	[tilespmem:$0x15080] =	vst v63  }
0xc5: {  	s6 =	sand.u32 $0xFFFFF80, s7  }
0xc6: {  	s8 =	simm.s32 $0x8580;
	s6 =	sadd.s32 s1, s6  }
0xc7: {  	[tilespmem:s8], [sflag:$0x2] =	stream.strided.gather [hbm4b:s6+s21], $0x800, s22, s21, $0x38;
	[tilespmem:$0x15080] =	vst v63  }
0xc8: {  	v3 =	vld [tilespmem:$0x508];
	_ =	sdelay $0x4  }
0xc9: {  	v51 =	vnsel vm0, $0x0, v3  }
0xca: {  	(xrf0) =	vadd.scan.msk.s32 $0xffff, v51  }
0xcb: {  	v52 =	vsel vm1, $0x0, v3  }
0xcc: {  	(xrf0) =	vadd.scan.msk.s32 $0xffff, v52;
	_ =	sdelay $0x3  }
0xcd: {  	v54 =	vsel vm2, $0x0, v3;
	v53, _, _ =	vpop (xrf0)  }
0xce: {  	(xrf0) =	vadd.scan.msk.s32 $0xffff, v54;
	(v2sf) =	vpush v53, $0xF  }
0xcf: {  	v56 =	vsel vm3, $0x0, v3;
	v55, _, _ =	vpop (xrf0)  }
0xd0: {  	(xrf0) =	vadd.scan.msk.s32 $0xffff, v56;
	(v2sf) =	vpush v55, $0xF;
	_ =	sdelay $0x3  }
0xd1: {  	v57, _, _ =	vpop (xrf0)  }
0xd2: {  	v58 =	vsel vm4, $0x0, v3;
	(v2sf) =	vpush v57, $0xF  }
0xd3: {  	(xrf0) =	vadd.scan.msk.s32 $0xffff, v58;
	v59, _, _ =	vpop (xrf0)  }
0xd4: {  	v60 =	vsel vm5, $0x0, v3;
	(v2sf) =	vpush v59, $0xF  }
0xd5: {  	(xrf0) =	vadd.scan.msk.s32 $0xffff, v60;
	_ =	sdelay $0x3  }
0xd6: {  	v62 =	vsel vm6, $0x0, v3;
	v61, _, _ =	vpop (xrf0)  }
0xd7: {  	(xrf0) =	vadd.scan.msk.s32 $0xffff, v62;
	s9 =	spop (v2sf);
	(v2sf) =	vpush v61, $0xF  }
0xd8: {  	v3 =	vsel vm7, $0x0, v3;
	v63, _, _ =	vpop (xrf0)  }
0xd9: {  	(xrf0) =	vadd.scan.msk.s32 $0xffff, v3;
	s17 =	spop (v2sf);
	(v2sf) =	vpush v63, $0xF  }
0xda: {  	s6 =	sand.u32 $0xFFFFF80, s9  }
0xdb: {  	s6 =	sadd.s32 s2, s6  }
0xdc: {  	[tilespmem:s3], [sflag:$0x4] =	stream.strided.gather [hbm4b:s6+s21], $0x800, s22, s21, $0x38;
	[tilespmem:$0x15080] =	vst v63  }
0xdd: {  	v3, _, _ =	vpop (xrf0);
	s6 =	sand.u32 $0xFFFFF80, s17  }
0xde: {  	s6 =	sadd.s32 s2, s6;
	s25 =	spop (v2sf);
	(v2sf) =	vpush v3, $0xF  }
0xdf: {  	[tilespmem:s5], [sflag:$0x4] =	stream.strided.gather [hbm4b:s6+s21], $0x800, s22, s21, $0x38;
	v3, _, _ =	vpop (xrf0);
	[tilespmem:$0x15080] =	vst v63  }
0xe0: {  	s6 =	sand.u32 $0xFFFFF80, s25;
	s7 =	spop (v2sf);
	(v2sf) =	vpush v3, $0xF  }
0xe1: {  	s6 =	sadd.s32 s2, s6  }
0xe2: {  	[tilespmem:s28], [sflag:$0x4] =	stream.strided.gather [hbm4b:s6+s21], $0x800, s22, s21, $0x38;
	[tilespmem:$0x15080] =	vst v63  }
0xe3: {  	s6 =	sand.u32 $0xFFFFF80, s7  }
0xe4: {  	s6 =	sadd.s32 s2, s6  }
0xe5: {  	[tilespmem:s29], [sflag:$0x4] =	stream.strided.gather [hbm4b:s6+s21], $0x800, s22, s21, $0x38;
	[tilespmem:$0x15080] =	vst v63  }
0xe6: {  	s8 =	spop (v2sf)  }
0xe7: {  	s6 =	sand.u32 $0xFFFFF80, s8  }
0xe8: {  	s9 =	spop (v2sf);
	s6 =	sadd.s32 s2, s6  }
0xe9: {  	[tilespmem:s30], [sflag:$0x4] =	stream.strided.gather [hbm4b:s6+s21], $0x800, s22, s21, $0x38;
	[tilespmem:$0x15080] =	vst v63  }
0xea: {  	s6 =	sand.u32 $0xFFFFF80, s9  }
0xeb: {  	s6 =	sadd.s32 s2, s6  }
0xec: {  	[tilespmem:s31], [sflag:$0x4] =	stream.strided.gather [hbm4b:s6+s21], $0x800, s22, s21, $0x38;
	[tilespmem:$0x15080] =	vst v63  }
0xed: {  	s17 =	spop (v2sf)  }
0xee: {  	s6 =	sand.u32 $0xFFFFF80, s17  }
0xef: {  	s25 =	spop (v2sf);
	s6 =	sadd.s32 s2, s6  }
0xf0: {  	[tilespmem:s0], [sflag:$0x4] =	stream.strided.gather [hbm4b:s6+s21], $0x800, s22, s21, $0x38;
	[tilespmem:$0x15080] =	vst v63  }
0xf1: {  	s6 =	sand.u32 $0xFFFFF80, s25  }
0xf2: {  	s17 =	simm.s32 $0x0;
	s6 =	sadd.s32 s2, s6  }
0xf3: {  	[tilespmem:s4], [sflag:$0x4] =	stream.strided.gather [hbm4b:s6+s21], $0x800, s22, s21, $0x38;
	[tilespmem:$0x15080] =	vst v63  }
.LBB2_2:
0xf4: {  	_ =	swait.ge [sflag:s19], $0x4000  }
0xf5: {  	[sflag:s19] =	ssyncset.done $0x0  }
0xf6: {  	s25 =	sshll.u32 s17, $0x4;
	[sflag:s19] =	ssyncadd.s32 $0xFFFFC000  }
0xf7: {  	v3 =	vld [tilespmem:s25+$0x280];
	_ =	sdelay $0x3  }
0xf8: {  	s6 =	simm.s32 $0x0  }
0xf9: {  	v5 =	vmov s6;
	v3 =	vand.u32 $0x7F, v3  }
0xfa: {  	v4 =	vor.u32 v0, v3;
	v3 =	vshll.u32 v5, $0x7  }
0xfb: {  	v5 =	vadd.s32 v4, v3;
	_ =	sdelay $0x3  }
0xfc: {  	s8 =	sshll.u32 s17, $0x8;
	s7 =	simm.s32 $0x1  }
0xfd: {  	v6 =	vmov s7;
	v3 =	vor.u32 s8, v1;
	s8 =	simm.s32 $0x2;
	v5 =	vld.idx.msk [tilespmem:v5+s23+$0x0], $0xff  }
.LBB2_3:
0xfe: {  	p0 =	sne.s32 s8, $0xF;
	v6 =	vshll.u32 v6, $0x7;
	v7 =	vor.u32 s6, v3;
	s6 =	smov.u32 s7;
	s7 =	smov.u32 s8  }
0xff: {  	v8 =	vadd.s32 v4, v6  }
.Ltmp0:
0x100: {  	(pc) =	sbr.rel @p0 .LBB2_3-.Ltmp0, $3  }
0x101: {  	_ =	sdelay $0x1  }
0x102: {  	[tilespmem:v7+s26+$0x0] =	vst.idx.msk $0xff, v5  }
0x103: {  	s8 =	sadd.s32 $0x1, s8;
	v6 =	vmov s7;
	v5 =	vld.idx.msk [tilespmem:v8+s23+$0x0], $0xff  }
0x104: {  	v6 =	vshll.u32 v6, $0x7;
	v7 =	vor.u32 s6, v3  }
0x105: {  	v4 =	vadd.s32 v4, v6;
	_ =	sdelay $0x3  }
0x106: {  	[tilespmem:v7+s26+$0x0] =	vst.idx.msk $0xff, v5  }
0x107: {  	p0 =	seq.s32 s17, $0x1F;
	v5 =	vor.u32 s7, v3;
	v4 =	vld.idx.msk [tilespmem:v4+s23+$0x0], $0xff  }
.Ltmp1:
0x108: {  	_ = 	snop;
	(pc) =	sbr.rel @p0 .LBB2_6-.Ltmp1, $2  }
0x109: {  	_ =	sdelay $0x2  }
0x10a: {  	[tilespmem:v5+s26+$0x0] =	vst.idx.msk $0xff, v4  }
0x10b: {  	s6 =	sand.u32 $0x3FFFFFF0, s25  }
0x10c: {  	v4 =	vld [tilespmem:s6+$0x10];
	_ =	sdelay $0x4  }
0x10d: {  	v5 =	vnsel vm0, $0x0, v4  }
0x10e: {  	(xrf0) =	vadd.scan.msk.s32 $0xffff, v5;
	_ =	sdelay $0x2  }
0x10f: {  	v5 =	vsel vm1, $0x0, v4  }
0x110: {  	(xrf0) =	vadd.scan.msk.s32 $0xffff, v5;
	_ =	sdelay $0x1  }
0x111: {  	v5, _, _ =	vpop (xrf0)  }
0x112: {  	(v2sf) =	vpush v5, $0xF;
	v5 =	vsel vm2, $0x0, v4  }
0x113: {  	(xrf0) =	vadd.scan.msk.s32 $0xffff, v5;
	_ =	sdelay $0x1  }
0x114: {  	v5, _, _ =	vpop (xrf0)  }
0x115: {  	(v2sf) =	vpush v5, $0xF;
	v5 =	vsel vm3, $0x0, v4  }
0x116: {  	(xrf0) =	vadd.scan.msk.s32 $0xffff, v5;
	_ =	sdelay $0x1  }
0x117: {  	v5, _, _ =	vpop (xrf0)  }
0x118: {  	(v2sf) =	vpush v5, $0xF;
	v5 =	vsel vm4, $0x0, v4  }
0x119: {  	(xrf0) =	vadd.scan.msk.s32 $0xffff, v5;
	_ =	sdelay $0x1  }
0x11a: {  	v5, _, _ =	vpop (xrf0)  }
0x11b: {  	(v2sf) =	vpush v5, $0xF;
	v5 =	vsel vm5, $0x0, v4  }
0x11c: {  	(xrf0) =	vadd.scan.msk.s32 $0xffff, v5;
	_ =	sdelay $0x1  }
0x11d: {  	s9 =	spop (v2sf);
	v5, _, _ =	vpop (xrf0)  }
0x11e: {  	s6 =	sand.u32 $0xFFFFF80, s9;
	(v2sf) =	vpush v5, $0xF;
	v5 =	vsel vm6, $0x0, v4  }
0x11f: {  	s6 =	sadd.s32 s1, s6;
	(xrf0) =	vadd.scan.msk.s32 $0xffff, v5  }
0x120: {  	[tilespmem:s23], [sflag:$0x1] =	stream.strided.gather [hbm4b:s6+s21], $0x800, s22, s21, $0x38;
	[tilespmem:$0x15080] =	vst v63  }
0x121: {  	s7 =	spop (v2sf);
	v5, _, _ =	vpop (xrf0)  }
0x122: {  	v4 =	vsel vm7, $0x0, v4;
	s6 =	sand.u32 $0xFFFFF80, s7;
	(v2sf) =	vpush v5, $0xF  }
0x123: {  	(xrf0) =	vadd.scan.msk.s32 $0xffff, v4;
	s7 =	simm.s32 $0x1580;
	s6 =	sadd.s32 s1, s6  }
0x124: {  	[tilespmem:s7], [sflag:$0x1] =	stream.strided.gather [hbm4b:s6+s21], $0x800, s22, s21, $0x38;
	[tilespmem:$0x15080] =	vst v63  }
0x125: {  	v4, _, _ =	vpop (xrf0);
	s8 =	spop (v2sf)  }
0x126: {  	s6 =	sand.u32 $0xFFFFF80, s8;
	(v2sf) =	vpush v4, $0xF  }
0x127: {  	s9 =	simm.s32 $0x1D80;
	s6 =	sadd.s32 s1, s6  }
0x128: {  	[tilespmem:s9], [sflag:$0x1] =	stream.strided.gather [hbm4b:s6+s21], $0x800, s22, s21, $0x38;
	[tilespmem:$0x15080] =	vst v63  }
0x129: {  	v4, _, _ =	vpop (xrf0);
	s8 =	spop (v2sf)  }
0x12a: {  	(v2sf) =	vpush v4, $0xF;
	s6 =	sand.u32 $0xFFFFF80, s8  }
0x12b: {  	s9 =	simm.s32 $0x2580;
	s6 =	sadd.s32 s1, s6  }
0x12c: {  	[tilespmem:s9], [sflag:$0x1] =	stream.strided.gather [hbm4b:s6+s21], $0x800, s22, s21, $0x38;
	[tilespmem:$0x15080] =	vst v63  }
0x12d: {  	s8 =	spop (v2sf)  }
0x12e: {  	s6 =	sand.u32 $0xFFFFF80, s8  }
0x12f: {  	s9 =	simm.s32 $0x2D80;
	s6 =	sadd.s32 s1, s6  }
0x130: {  	[tilespmem:s9], [sflag:$0x1] =	stream.strided.gather [hbm4b:s6+s21], $0x800, s22, s21, $0x38;
	[tilespmem:$0x15080] =	vst v63  }
0x131: {  	s8 =	spop (v2sf)  }
0x132: {  	s6 =	sand.u32 $0xFFFFF80, s8  }
0x133: {  	s9 =	simm.s32 $0x3580;
	s6 =	sadd.s32 s1, s6  }
0x134: {  	[tilespmem:s9], [sflag:$0x1] =	stream.strided.gather [hbm4b:s6+s21], $0x800, s22, s21, $0x38;
	[tilespmem:$0x15080] =	vst v63  }
0x135: {  	s8 =	spop (v2sf)  }
0x136: {  	s6 =	sand.u32 $0xFFFFF80, s8  }
0x137: {  	s9 =	simm.s32 $0x3D80;
	s6 =	sadd.s32 s1, s6  }
0x138: {  	[tilespmem:s9], [sflag:$0x1] =	stream.strided.gather [hbm4b:s6+s21], $0x800, s22, s21, $0x38;
	[tilespmem:$0x15080] =	vst v63  }
0x139: {  	s8 =	spop (v2sf)  }
0x13a: {  	s6 =	sand.u32 $0xFFFFF80, s8  }
0x13b: {  	s9 =	simm.s32 $0x4580;
	s6 =	sadd.s32 s1, s6  }
0x13c: {  	[tilespmem:s9], [sflag:$0x1] =	stream.strided.gather [hbm4b:s6+s21], $0x800, s22, s21, $0x38;
	[tilespmem:$0x15080] =	vst v63  }
.LBB2_6:
0x13d: {  	_ =	swait.ge [sflag:s12], $0x4000  }
0x13e: {  	[sflag:s12] =	ssyncset.done $0x0  }
0x13f: {  	[sflag:s12] =	ssyncadd.s32 $0xFFFFC000  }
0x140: {  	v4 =	vld [tilespmem:s25+$0x780];
	_ =	sdelay $0x3  }
0x141: {  	s7 =	simm.s32 $0x0  }
0x142: {  	v5 =	vmov s7;
	v4 =	vand.u32 $0x7F, v4  }
0x143: {  	v5 =	vshll.u32 v5, $0x7;
	v4 =	vor.u32 v0, v4  }
0x144: {  	v5 =	vadd.s32 v4, v5;
	_ =	sdelay $0x3  }
0x145: {  	s8 =	simm.s32 $0x1  }
0x146: {  	s6 =	sshll.u32 s17, $0x1;
	s9 =	simm.s32 $0x2;
	v6 =	vmov s8;
	v5 =	vld.idx.msk [tilespmem:v5+s20+$0x0], $0xff  }
.LBB2_7:
0x147: {  	p1 =	sne.s32 s9, $0xF;
	v6 =	vshll.u32 v6, $0x7;
	v7 =	vor.u32 s7, v3;
	s7 =	smov.u32 s8;
	s8 =	smov.u32 s9  }
0x148: {  	v8 =	vadd.s32 v4, v6  }
.Ltmp2:
0x149: {  	(pc) =	sbr.rel @p1 .LBB2_7-.Ltmp2, $3  }
0x14a: {  	_ =	sdelay $0x1  }
0x14b: {  	[tilespmem:v7+s13+$0x0] =	vst.idx.msk $0xff, v5  }
0x14c: {  	s9 =	sadd.s32 $0x1, s9;
	v6 =	vmov s8;
	v5 =	vld.idx.msk [tilespmem:v8+s20+$0x0], $0xff  }
0x14d: {  	v6 =	vshll.u32 v6, $0x7;
	v7 =	vor.u32 s7, v3  }
0x14e: {  	v4 =	vadd.s32 v4, v6;
	_ =	sdelay $0x3  }
0x14f: {  	[tilespmem:v7+s13+$0x0] =	vst.idx.msk $0xff, v5  }
0x150: {  	v3 =	vor.u32 s8, v3;
	v4 =	vld.idx.msk [tilespmem:v4+s20+$0x0], $0xff  }
.Ltmp3:
0x151: {  	_ = 	snop;
	(pc) =	sbr.rel @p0 .LBB2_10-.Ltmp3, $2  }
0x152: {  	_ =	sdelay $0x2  }
0x153: {  	[tilespmem:v3+s13+$0x0] =	vst.idx.msk $0xff, v4  }
0x154: {  	s7 =	sand.u32 $0x3FFFFFF0, s25  }
0x155: {  	v3 =	vld [tilespmem:s7+$0x510];
	_ =	sdelay $0x4  }
0x156: {  	v4 =	vnsel vm0, $0x0, v3  }
0x157: {  	(xrf0) =	vadd.scan.msk.s32 $0xffff, v4;
	_ =	sdelay $0x1  }
0x158: {  	v52 =	vsel vm1, $0x0, v3  }
0x159: {  	(xrf0) =	vadd.scan.msk.s32 $0xffff, v52;
	_ =	sdelay $0x2  }
0x15a: {  	v53, _, _ =	vpop (xrf0)  }
0x15b: {  	v54 =	vsel vm2, $0x0, v3;
	(v2sf) =	vpush v53, $0xF  }
0x15c: {  	(xrf0) =	vadd.scan.msk.s32 $0xffff, v54  }
0x15d: {  	v56 =	vsel vm3, $0x0, v3;
	v55, _, _ =	vpop (xrf0)  }
0x15e: {  	(xrf0) =	vadd.scan.msk.s32 $0xffff, v56;
	(v2sf) =	vpush v55, $0xF;
	_ =	sdelay $0x3  }
0x15f: {  	v58 =	vsel vm4, $0x0, v3;
	v57, _, _ =	vpop (xrf0)  }
0x160: {  	(xrf0) =	vadd.scan.msk.s32 $0xffff, v58;
	(v2sf) =	vpush v57, $0xF  }
0x161: {  	v59, _, _ =	vpop (xrf0)  }
0x162: {  	(v2sf) =	vpush v59, $0xF  }
0x163: {  	v60 =	vsel vm5, $0x0, v3  }
0x164: {  	(xrf0) =	vadd.scan.msk.s32 $0xffff, v60;
	_ =	sdelay $0x1  }
0x165: {  	v61, _, _ =	vpop (xrf0)  }
0x166: {  	v62 =	vsel vm6, $0x0, v3;
	s8 =	spop (v2sf);
	(v2sf) =	vpush v61, $0xF  }
0x167: {  	(xrf0) =	vadd.scan.msk.s32 $0xffff, v62  }
0x168: {  	v3 =	vsel vm7, $0x0, v3;
	s7 =	sand.u32 $0xFFFFF80, s8  }
0x169: {  	v63, _, _ =	vpop (xrf0);
	(xrf0) =	vadd.scan.msk.s32 $0xffff, v3;
	s9 =	spop (v2sf);
	s7 =	sadd.s32 s2, s7  }
0x16a: {  	(v2sf) =	vpush v63, $0xF;
	[tilespmem:s20], [sflag:$0x3] =	stream.strided.gather [hbm4b:s7+s21], $0x800, s22, s21, $0x38;
	[tilespmem:$0x15080] =	vst v63  }
0x16b: {  	s7 =	sand.u32 $0xFFFFF80, s9  }
0x16c: {  	s8 =	simm.s32 $0x9580;
	s7 =	sadd.s32 s2, s7  }
0x16d: {  	v3, _, _ =	vpop (xrf0);
	[tilespmem:s8], [sflag:$0x3] =	stream.strided.gather [hbm4b:s7+s21], $0x800, s22, s21, $0x38;
	[tilespmem:$0x15080] =	vst v63  }
0x16e: {  	s8 =	spop (v2sf);
	(v2sf) =	vpush v3, $0xF  }
0x16f: {  	v3, _, _ =	vpop (xrf0);
	s7 =	sand.u32 $0xFFFFF80, s8  }
0x170: {  	s9 =	simm.s32 $0x9D80;
	s8 =	spop (v2sf);
	(v2sf) =	vpush v3, $0xF;
	s7 =	sadd.s32 s2, s7  }
0x171: {  	[tilespmem:s9], [sflag:$0x3] =	stream.strided.gather [hbm4b:s7+s21], $0x800, s22, s21, $0x38;
	[tilespmem:$0x15080] =	vst v63  }
0x172: {  	s7 =	sand.u32 $0xFFFFF80, s8  }
0x173: {  	s9 =	simm.s32 $0xA580;
	s7 =	sadd.s32 s2, s7  }
0x174: {  	[tilespmem:s9], [sflag:$0x3] =	stream.strided.gather [hbm4b:s7+s21], $0x800, s22, s21, $0x38;
	[tilespmem:$0x15080] =	vst v63  }
0x175: {  	s8 =	spop (v2sf)  }
0x176: {  	s7 =	sand.u32 $0xFFFFF80, s8  }
0x177: {  	s9 =	simm.s32 $0xAD80;
	s7 =	sadd.s32 s2, s7  }
0x178: {  	[tilespmem:s9], [sflag:$0x3] =	stream.strided.gather [hbm4b:s7+s21], $0x800, s22, s21, $0x38;
	[tilespmem:$0x15080] =	vst v63  }
0x179: {  	s9 =	spop (v2sf)  }
0x17a: {  	s7 =	sand.u32 $0xFFFFF80, s9  }
0x17b: {  	s7 =	sadd.s32 s2, s7  }
0x17c: {  	[tilespmem:s10], [sflag:$0x3] =	stream.strided.gather [hbm4b:s7+s21], $0x800, s22, s21, $0x38;
	[tilespmem:$0x15080] =	vst v63  }
0x17d: {  	s8 =	spop (v2sf)  }
0x17e: {  	s7 =	sand.u32 $0xFFFFF80, s8  }
0x17f: {  	s9 =	spop (v2sf);
	s7 =	sadd.s32 s2, s7  }
0x180: {  	[tilespmem:s11], [sflag:$0x3] =	stream.strided.gather [hbm4b:s7+s21], $0x800, s22, s21, $0x38;
	[tilespmem:$0x15080] =	vst v63  }
0x181: {  	s7 =	sand.u32 $0xFFFFF80, s9  }
0x182: {  	s7 =	sadd.s32 s2, s7  }
0x183: {  	[tilespmem:s24], [sflag:$0x3] =	stream.strided.gather [hbm4b:s7+s21], $0x800, s22, s21, $0x38;
	[tilespmem:$0x15080] =	vst v63  }
.LBB2_10:
0x184: {  	_ =	swait.ge [sflag:s14], $0x4000  }
0x185: {  	s8 =	sor.u32 $0x1, s6;
	[sflag:s14] =	ssyncset.done $0x0  }
0x186: {  	s6 =	sshll.u32 s8, $0x3;
	[sflag:s14] =	ssyncadd.s32 $0xFFFFC000  }
0x187: {  	v3 =	vld [tilespmem:s6+$0x280];
	_ =	sdelay $0x3  }
0x188: {  	s7 =	simm.s32 $0x0  }
0x189: {  	v5 =	vmov s7;
	v3 =	vand.u32 $0x7F, v3  }
0x18a: {  	v4 =	vor.u32 v2, v3;
	v3 =	vshll.u32 v5, $0x7  }
0x18b: {  	v5 =	vadd.s32 v4, v3;
	_ =	sdelay $0x3  }
0x18c: {  	s9 =	sshll.u32 s8, $0x7;
	s8 =	simm.s32 $0x1  }
0x18d: {  	v6 =	vmov s8;
	v3 =	vadd.s32 s9, v1;
	s9 =	simm.s32 $0x2;
	v5 =	vld.idx.msk [tilespmem:v5+s23+$0x0], $0xff  }
.LBB2_11:
0x18e: {  	p1 =	sne.s32 s9, $0xF;
	v6 =	vshll.u32 v6, $0x7;
	v7 =	vor.u32 s7, v3;
	s7 =	smov.u32 s8;
	s8 =	smov.u32 s9  }
0x18f: {  	v8 =	vadd.s32 v4, v6  }
.Ltmp4:
0x190: {  	(pc) =	sbr.rel @p1 .LBB2_11-.Ltmp4, $3  }
0x191: {  	_ =	sdelay $0x1  }
0x192: {  	[tilespmem:v7+s26+$0x0] =	vst.idx.msk $0xff, v5  }
0x193: {  	s9 =	sadd.s32 $0x1, s9;
	v6 =	vmov s8;
	v5 =	vld.idx.msk [tilespmem:v8+s23+$0x0], $0xff  }
0x194: {  	v6 =	vshll.u32 v6, $0x7;
	v7 =	vor.u32 s7, v3  }
0x195: {  	v4 =	vadd.s32 v4, v6;
	_ =	sdelay $0x3  }
0x196: {  	[tilespmem:v7+s26+$0x0] =	vst.idx.msk $0xff, v5  }
0x197: {  	v5 =	vor.u32 s8, v3;
	v4 =	vld.idx.msk [tilespmem:v4+s23+$0x0], $0xff  }
.Ltmp5:
0x198: {  	_ = 	snop;
	(pc) =	sbr.rel @p0 .LBB2_14-.Ltmp5, $2  }
0x199: {  	_ =	sdelay $0x2  }
0x19a: {  	[tilespmem:v5+s26+$0x0] =	vst.idx.msk $0xff, v4  }
0x19b: {  	s7 =	sand.u32 $0x3FFFFFF0, s25  }
0x19c: {  	v4 =	vld [tilespmem:s7+$0x18];
	_ =	sdelay $0x4  }
0x19d: {  	v5 =	vnsel vm0, $0x0, v4  }
0x19e: {  	(xrf0) =	vadd.scan.msk.s32 $0xffff, v5;
	_ =	sdelay $0x2  }
0x19f: {  	v5 =	vsel vm1, $0x0, v4  }
0x1a0: {  	(xrf0) =	vadd.scan.msk.s32 $0xffff, v5;
	_ =	sdelay $0x1  }
0x1a1: {  	v5, _, _ =	vpop (xrf0)  }
0x1a2: {  	(v2sf) =	vpush v5, $0xF;
	v5 =	vsel vm2, $0x0, v4  }
0x1a3: {  	(xrf0) =	vadd.scan.msk.s32 $0xffff, v5;
	_ =	sdelay $0x1  }
0x1a4: {  	v5, _, _ =	vpop (xrf0)  }
0x1a5: {  	(v2sf) =	vpush v5, $0xF;
	v5 =	vsel vm3, $0x0, v4  }
0x1a6: {  	(xrf0) =	vadd.scan.msk.s32 $0xffff, v5;
	_ =	sdelay $0x1  }
0x1a7: {  	v5, _, _ =	vpop (xrf0)  }
0x1a8: {  	(v2sf) =	vpush v5, $0xF;
	v5 =	vsel vm4, $0x0, v4  }
0x1a9: {  	(xrf0) =	vadd.scan.msk.s32 $0xffff, v5;
	_ =	sdelay $0x1  }
0x1aa: {  	v5, _, _ =	vpop (xrf0)  }
0x1ab: {  	(v2sf) =	vpush v5, $0xF;
	v5 =	vsel vm5, $0x0, v4  }
0x1ac: {  	(xrf0) =	vadd.scan.msk.s32 $0xffff, v5;
	_ =	sdelay $0x1  }
0x1ad: {  	s9 =	spop (v2sf);
	v5, _, _ =	vpop (xrf0)  }
0x1ae: {  	s7 =	sand.u32 $0xFFFFF80, s9;
	(v2sf) =	vpush v5, $0xF;
	v5 =	vsel vm6, $0x0, v4  }
0x1af: {  	s8 =	simm.s32 $0x4D80;
	s7 =	sadd.s32 s1, s7;
	(xrf0) =	vadd.scan.msk.s32 $0xffff, v5  }
0x1b0: {  	[tilespmem:s8], [sflag:$0x2] =	stream.strided.gather [hbm4b:s7+s21], $0x800, s22, s21, $0x38;
	[tilespmem:$0x15080] =	vst v63  }
0x1b1: {  	s8 =	spop (v2sf);
	v5, _, _ =	vpop (xrf0)  }
0x1b2: {  	v4 =	vsel vm7, $0x0, v4;
	s7 =	sand.u32 $0xFFFFF80, s8;
	(v2sf) =	vpush v5, $0xF  }
0x1b3: {  	s9 =	simm.s32 $0x5580;
	(xrf0) =	vadd.scan.msk.s32 $0xffff, v4;
	s7 =	sadd.s32 s1, s7  }
0x1b4: {  	[tilespmem:s9], [sflag:$0x2] =	stream.strided.gather [hbm4b:s7+s21], $0x800, s22, s21, $0x38;
	[tilespmem:$0x15080] =	vst v63  }
0x1b5: {  	v4, _, _ =	vpop (xrf0);
	s8 =	spop (v2sf)  }
0x1b6: {  	s7 =	sand.u32 $0xFFFFF80, s8;
	(v2sf) =	vpush v4, $0xF  }
0x1b7: {  	s9 =	simm.s32 $0x5D80;
	s7 =	sadd.s32 s1, s7  }
0x1b8: {  	[tilespmem:s9], [sflag:$0x2] =	stream.strided.gather [hbm4b:s7+s21], $0x800, s22, s21, $0x38;
	[tilespmem:$0x15080] =	vst v63  }
0x1b9: {  	v4, _, _ =	vpop (xrf0);
	s8 =	spop (v2sf)  }
0x1ba: {  	(v2sf) =	vpush v4, $0xF;
	s7 =	sand.u32 $0xFFFFF80, s8  }
0x1bb: {  	s9 =	simm.s32 $0x6580;
	s7 =	sadd.s32 s1, s7  }
0x1bc: {  	[tilespmem:s9], [sflag:$0x2] =	stream.strided.gather [hbm4b:s7+s21], $0x800, s22, s21, $0x38;
	[tilespmem:$0x15080] =	vst v63  }
0x1bd: {  	s8 =	spop (v2sf)  }
0x1be: {  	s7 =	sand.u32 $0xFFFFF80, s8  }
0x1bf: {  	s9 =	simm.s32 $0x6D80;
	s7 =	sadd.s32 s1, s7  }
0x1c0: {  	[tilespmem:s9], [sflag:$0x2] =	stream.strided.gather [hbm4b:s7+s21], $0x800, s22, s21, $0x38;
	[tilespmem:$0x15080] =	vst v63  }
0x1c1: {  	s8 =	spop (v2sf)  }
0x1c2: {  	s7 =	sand.u32 $0xFFFFF80, s8  }
0x1c3: {  	s9 =	simm.s32 $0x7580;
	s7 =	sadd.s32 s1, s7  }
0x1c4: {  	[tilespmem:s9], [sflag:$0x2] =	stream.strided.gather [hbm4b:s7+s21], $0x800, s22, s21, $0x38;
	[tilespmem:$0x15080] =	vst v63  }
0x1c5: {  	s8 =	spop (v2sf)  }
0x1c6: {  	s7 =	sand.u32 $0xFFFFF80, s8  }
0x1c7: {  	s9 =	simm.s32 $0x7D80;
	s7 =	sadd.s32 s1, s7  }
0x1c8: {  	[tilespmem:s9], [sflag:$0x2] =	stream.strided.gather [hbm4b:s7+s21], $0x800, s22, s21, $0x38;
	[tilespmem:$0x15080] =	vst v63  }
0x1c9: {  	s8 =	spop (v2sf)  }
0x1ca: {  	s7 =	sand.u32 $0xFFFFF80, s8  }
0x1cb: {  	s9 =	simm.s32 $0x8580;
	s7 =	sadd.s32 s1, s7  }
0x1cc: {  	[tilespmem:s9], [sflag:$0x2] =	stream.strided.gather [hbm4b:s7+s21], $0x800, s22, s21, $0x38;
	[tilespmem:$0x15080] =	vst v63  }
.LBB2_14:
0x1cd: {  	_ =	swait.ge [sflag:s15], $0x4000  }
0x1ce: {  	[sflag:s15] =	ssyncset.done $0x0  }
0x1cf: {  	[sflag:s15] =	ssyncadd.s32 $0xFFFFC000  }
0x1d0: {  	v4 =	vld [tilespmem:s6+$0x780];
	_ =	sdelay $0x3  }
0x1d1: {  	s6 =	simm.s32 $0x0  }
0x1d2: {  	v5 =	vmov s6;
	v4 =	vand.u32 $0x7F, v4  }
0x1d3: {  	v5 =	vshll.u32 v5, $0x7;
	v4 =	vor.u32 v2, v4  }
0x1d4: {  	v5 =	vadd.s32 v4, v5;
	_ =	sdelay $0x3  }
0x1d5: {  	s7 =	simm.s32 $0x1  }
0x1d6: {  	s8 =	simm.s32 $0x2;
	v6 =	vmov s7;
	v5 =	vld.idx.msk [tilespmem:v5+s20+$0x0], $0xff  }
.LBB2_15:
0x1d7: {  	p1 =	sne.s32 s8, $0xF;
	v6 =	vshll.u32 v6, $0x7;
	v7 =	vor.u32 s6, v3;
	s6 =	smov.u32 s7;
	s7 =	smov.u32 s8  }
0x1d8: {  	v8 =	vadd.s32 v4, v6  }
.Ltmp6:
0x1d9: {  	(pc) =	sbr.rel @p1 .LBB2_15-.Ltmp6, $3  }
0x1da: {  	_ =	sdelay $0x1  }
0x1db: {  	[tilespmem:v7+s13+$0x0] =	vst.idx.msk $0xff, v5  }
0x1dc: {  	s8 =	sadd.s32 $0x1, s8;
	v6 =	vmov s7;
	v5 =	vld.idx.msk [tilespmem:v8+s20+$0x0], $0xff  }
0x1dd: {  	v6 =	vshll.u32 v6, $0x7;
	v7 =	vor.u32 s6, v3  }
0x1de: {  	v4 =	vadd.s32 v4, v6;
	_ =	sdelay $0x3  }
0x1df: {  	[tilespmem:v7+s13+$0x0] =	vst.idx.msk $0xff, v5  }
0x1e0: {  	v3 =	vor.u32 s7, v3;
	v4 =	vld.idx.msk [tilespmem:v4+s20+$0x0], $0xff  }
.Ltmp7:
0x1e1: {  	_ = 	snop;
	(pc) =	sbr.rel @p0 .LBB2_18-.Ltmp7, $2  }
0x1e2: {  	_ =	sdelay $0x2  }
0x1e3: {  	[tilespmem:v3+s13+$0x0] =	vst.idx.msk $0xff, v4  }
0x1e4: {  	s6 =	sand.u32 $0x3FFFFFF0, s25  }
0x1e5: {  	v3 =	vld [tilespmem:s6+$0x518];
	_ =	sdelay $0x4  }
0x1e6: {  	v4 =	vnsel vm0, $0x0, v3  }
0x1e7: {  	(xrf0) =	vadd.scan.msk.s32 $0xffff, v4  }
0x1e8: {  	v52 =	vsel vm1, $0x0, v3  }
0x1e9: {  	(xrf0) =	vadd.scan.msk.s32 $0xffff, v52;
	_ =	sdelay $0x3  }
0x1ea: {  	v54 =	vsel vm2, $0x0, v3;
	v53, _, _ =	vpop (xrf0)  }
0x1eb: {  	(xrf0) =	vadd.scan.msk.s32 $0xffff, v54;
	(v2sf) =	vpush v53, $0xF  }
0x1ec: {  	v56 =	vsel vm3, $0x0, v3;
	v55, _, _ =	vpop (xrf0)  }
0x1ed: {  	(xrf0) =	vadd.scan.msk.s32 $0xffff, v56;
	(v2sf) =	vpush v55, $0xF;
	_ =	sdelay $0x3  }
0x1ee: {  	v57, _, _ =	vpop (xrf0)  }
0x1ef: {  	v58 =	vsel vm4, $0x0, v3;
	(v2sf) =	vpush v57, $0xF  }
0x1f0: {  	(xrf0) =	vadd.scan.msk.s32 $0xffff, v58;
	v59, _, _ =	vpop (xrf0)  }
0x1f1: {  	v60 =	vsel vm5, $0x0, v3;
	(v2sf) =	vpush v59, $0xF  }
0x1f2: {  	(xrf0) =	vadd.scan.msk.s32 $0xffff, v60;
	_ =	sdelay $0x3  }
0x1f3: {  	v62 =	vsel vm6, $0x0, v3;
	v61, _, _ =	vpop (xrf0)  }
0x1f4: {  	(xrf0) =	vadd.scan.msk.s32 $0xffff, v62;
	s7 =	spop (v2sf);
	(v2sf) =	vpush v61, $0xF  }
0x1f5: {  	v3 =	vsel vm7, $0x0, v3;
	v63, _, _ =	vpop (xrf0)  }
0x1f6: {  	(xrf0) =	vadd.scan.msk.s32 $0xffff, v3;
	s8 =	spop (v2sf);
	(v2sf) =	vpush v63, $0xF  }
0x1f7: {  	s6 =	sand.u32 $0xFFFFF80, s7  }
0x1f8: {  	s6 =	sadd.s32 s2, s6  }
0x1f9: {  	[tilespmem:s3], [sflag:$0x4] =	stream.strided.gather [hbm4b:s6+s21], $0x800, s22, s21, $0x38;
	[tilespmem:$0x15080] =	vst v63  }
0x1fa: {  	v3, _, _ =	vpop (xrf0);
	s6 =	sand.u32 $0xFFFFF80, s8  }
0x1fb: {  	s6 =	sadd.s32 s2, s6;
	s9 =	spop (v2sf);
	(v2sf) =	vpush v3, $0xF  }
0x1fc: {  	[tilespmem:s5], [sflag:$0x4] =	stream.strided.gather [hbm4b:s6+s21], $0x800, s22, s21, $0x38;
	v3, _, _ =	vpop (xrf0);
	[tilespmem:$0x15080] =	vst v63  }
0x1fd: {  	s6 =	sand.u32 $0xFFFFF80, s9;
	s25 =	spop (v2sf);
	(v2sf) =	vpush v3, $0xF  }
0x1fe: {  	s6 =	sadd.s32 s2, s6  }
0x1ff: {  	[tilespmem:s28], [sflag:$0x4] =	stream.strided.gather [hbm4b:s6+s21], $0x800, s22, s21, $0x38;
	[tilespmem:$0x15080] =	vst v63  }
0x200: {  	s6 =	sand.u32 $0xFFFFF80, s25  }
0x201: {  	s6 =	sadd.s32 s2, s6  }
0x202: {  	[tilespmem:s29], [sflag:$0x4] =	stream.strided.gather [hbm4b:s6+s21], $0x800, s22, s21, $0x38;
	[tilespmem:$0x15080] =	vst v63  }
0x203: {  	s7 =	spop (v2sf)  }
0x204: {  	s6 =	sand.u32 $0xFFFFF80, s7  }
0x205: {  	s8 =	spop (v2sf);
	s6 =	sadd.s32 s2, s6  }
0x206: {  	[tilespmem:s30], [sflag:$0x4] =	stream.strided.gather [hbm4b:s6+s21], $0x800, s22, s21, $0x38;
	[tilespmem:$0x15080] =	vst v63  }
0x207: {  	s6 =	sand.u32 $0xFFFFF80, s8  }
0x208: {  	s6 =	sadd.s32 s2, s6  }
0x209: {  	[tilespmem:s31], [sflag:$0x4] =	stream.strided.gather [hbm4b:s6+s21], $0x800, s22, s21, $0x38;
	[tilespmem:$0x15080] =	vst v63  }
0x20a: {  	s9 =	spop (v2sf)  }
0x20b: {  	s6 =	sand.u32 $0xFFFFF80, s9  }
.Ltmp8:
0x20c: {  	s25 =	spop (v2sf);
	s6 =	sadd.s32 s2, s6;
	(pc) =	sbr.rel .LBB2_2-.Ltmp8, $4  }
0x20d: {  	[tilespmem:s0], [sflag:$0x4] =	stream.strided.gather [hbm4b:s6+s21], $0x800, s22, s21, $0x38;
	[tilespmem:$0x15080] =	vst v63  }
0x20e: {  	s6 =	sand.u32 $0xFFFFF80, s25  }
0x20f: {  	s17 =	sadd.s32 $0x1, s17;
	s6 =	sadd.s32 s2, s6  }
0x210: {  	[tilespmem:s4], [sflag:$0x4] =	stream.strided.gather [hbm4b:s6+s21], $0x800, s22, s21, $0x38;
	[tilespmem:$0x15080] =	vst v63  }
.LBB2_18:
0x211: {  	s6 =	simm.s32 $0x0;
	s7 =	rddreg [dreg:$0xd]  }
0x212: {  	[hbm4b:s7+s6] =	stream.linear.scatter [tilespmem:s26], [sflag:$0x7], $0x2000, $0x38;
	[tilespmem:$0x15080] =	vst v63  }
0x213: {  	s25 =	rddreg [dreg:$0xe]  }
0x214: {  	[hbm4b:s25+s6] =	stream.linear.scatter [tilespmem:s13], [sflag:$0x7], $0x2000, $0x38;
	[tilespmem:$0x15080] =	vst v63  }
0x215: {  	v3 =	vld [tilespmem:$0xA00];
	_ =	sdelay $0x4  }
0x216: {  	v4 =	vnsel vm0, $0x0, v3  }
0x217: {  	(xrf0) =	vadd.scan.msk.s32 $0xffff, v4;
	_ =	sdelay $0x1  }
0x218: {  	v4 =	vsel vm1, $0x0, v3  }
0x219: {  	(xrf0) =	vadd.scan.msk.s32 $0xffff, v4;
	_ =	sdelay $0x2  }
0x21a: {  	v4, _, _ =	vpop (xrf0)  }
0x21b: {  	(v2sf) =	vpush v4, $0xF;
	v4 =	vsel vm2, $0x0, v3  }
0x21c: {  	(xrf0) =	vadd.scan.msk.s32 $0xffff, v4  }
0x21d: {  	v5, _, _ =	vpop (xrf0);
	v4 =	vsel vm3, $0x0, v3  }
0x21e: {  	(v2sf) =	vpush v5, $0xF;
	(xrf0) =	vadd.scan.msk.s32 $0xffff, v4  }
0x21f: {  	v4 =	vsel vm4, $0x0, v3  }
0x220: {  	(xrf0) =	vadd.scan.msk.s32 $0xffff, v4;
	_ =	sdelay $0x1  }
0x221: {  	v4, _, _ =	vpop (xrf0)  }
0x222: {  	(v2sf) =	vpush v4, $0xF  }
0x223: {  	v4 =	vsel vm5, $0x0, v3;
	v5, _, _ =	vpop (xrf0)  }
0x224: {  	(xrf0) =	vadd.scan.msk.s32 $0xffff, v4;
	(v2sf) =	vpush v5, $0xF;
	v4 =	vsel vm6, $0x0, v3  }
0x225: {  	v5, _, _ =	vpop (xrf0);
	(xrf0) =	vadd.scan.msk.s32 $0xffff, v4  }
0x226: {  	(v2sf) =	vpush v5, $0xF;
	_ =	sdelay $0x1  }
0x227: {  	v3 =	vsel vm7, $0x0, v3;
	_ =	sdelay $0x1  }
0x228: {  	s8 =	spop (v2sf);
	v4, _, _ =	vpop (xrf0);
	(xrf0) =	vadd.scan.msk.s32 $0xffff, v3  }
0x229: {  	s7 =	sand.u32 $0xFFFFF80, s8;
	(v2sf) =	vpush v4, $0xF;
	v3, _, _ =	vpop (xrf0)  }
0x22a: {  	s9 =	spop (v2sf);
	s7 =	sadd.s32 s2, s7;
	(v2sf) =	vpush v3, $0xF  }
0x22b: {  	[tilespmem:s20], [sflag:$0x5] =	stream.strided.gather [hbm4b:s7+s21], $0x800, s22, s21, $0x38;
	[tilespmem:$0x15080] =	vst v63  }
0x22c: {  	s7 =	sand.u32 $0xFFFFF80, s9  }
0x22d: {  	s8 =	simm.s32 $0x9580;
	s7 =	sadd.s32 s2, s7  }
0x22e: {  	[tilespmem:s8], [sflag:$0x5] =	stream.strided.gather [hbm4b:s7+s21], $0x800, s22, s21, $0x38;
	v3, _, _ =	vpop (xrf0);
	[tilespmem:$0x15080] =	vst v63  }
0x22f: {  	s17 =	spop (v2sf);
	(v2sf) =	vpush v3, $0xF  }
0x230: {  	s7 =	sand.u32 $0xFFFFF80, s17  }
0x231: {  	s9 =	simm.s32 $0x9D80;
	s25 =	spop (v2sf);
	s7 =	sadd.s32 s2, s7  }
0x232: {  	[tilespmem:s9], [sflag:$0x5] =	stream.strided.gather [hbm4b:s7+s21], $0x800, s22, s21, $0x38;
	[tilespmem:$0x15080] =	vst v63  }
0x233: {  	s17 =	spop (v2sf);
	s9 =	sand.u32 $0xFFFFF80, s25  }
0x234: {  	s25 =	simm.s32 $0xA580;
	s7 =	sadd.s32 s2, s9;
	s9 =	sand.u32 $0xFFFFF80, s17  }
0x235: {  	[tilespmem:s25], [sflag:$0x5] =	stream.strided.gather [hbm4b:s7+s21], $0x800, s22, s21, $0x38;
	[tilespmem:$0x15080] =	vst v63  }
0x236: {  	s7 =	sadd.s32 s2, s9;
	s25 =	simm.s32 $0xAD80  }
0x237: {  	[tilespmem:s25], [sflag:$0x5] =	stream.strided.gather [hbm4b:s7+s21], $0x800, s22, s21, $0x38;
	[tilespmem:$0x15080] =	vst v63  }
0x238: {  	s17 =	spop (v2sf)  }
0x239: {  	s17 =	sand.u32 $0xFFFFF80, s17;
	s25 =	spop (v2sf)  }
0x23a: {  	s7 =	sadd.s32 s2, s17;
	s9 =	sand.u32 $0xFFFFF80, s25  }
0x23b: {  	[tilespmem:s10], [sflag:$0x5] =	stream.strided.gather [hbm4b:s7+s21], $0x800, s22, s21, $0x38;
	[tilespmem:$0x15080] =	vst v63  }
0x23c: {  	s7 =	sadd.s32 s2, s9  }
0x23d: {  	[tilespmem:s11], [sflag:$0x5] =	stream.strided.gather [hbm4b:s7+s21], $0x800, s22, s21, $0x38;
	[tilespmem:$0x15080] =	vst v63  }
0x23e: {  	s17 =	spop (v2sf)  }
0x23f: {  	s7 =	sand.u32 $0xFFFFF80, s17  }
0x240: {  	s25 =	simm.s32 $0x5;
	s7 =	sadd.s32 s2, s7  }
0x241: {  	[tilespmem:s24], [sflag:$0x5] =	stream.strided.gather [hbm4b:s7+s21], $0x800, s22, s21, $0x38;
	[tilespmem:$0x15080] =	vst v63  }
0x242: {  	_ =	swait.ge [sflag:s25], $0x4000  }
0x243: {  	[sflag:s25] =	ssyncset.done $0x0  }
0x244: {  	[sflag:s25] =	ssyncadd.s32 $0xFFFFC000  }
0x245: {  	v3 =	vld [tilespmem:$0xA80];
	_ =	sdelay $0x4  }
0x246: {  	v4 =	vmov s6;
	v3 =	vand.u32 $0x7F, v3  }
0x247: {  	v4 =	vshll.u32 v4, $0x7;
	v3 =	vor.u32 v0, v3  }
0x248: {  	v4 =	vadd.s32 v3, v4;
	_ =	sdelay $0x3  }
0x249: {  	s7 =	simm.s32 $0x1  }
0x24a: {  	s8 =	simm.s32 $0x2;
	v5 =	vmov s7;
	v4 =	vld.idx.msk [tilespmem:v4+s20+$0x0], $0xff  }
.LBB2_19:
0x24b: {  	p0 =	sne.s32 s8, $0xF;
	v5 =	vshll.u32 v5, $0x7;
	v6 =	vor.u32 s6, v1;
	s6 =	smov.u32 s7;
	s7 =	smov.u32 s8  }
0x24c: {  	v7 =	vadd.s32 v3, v5  }
.Ltmp9:
0x24d: {  	(pc) =	sbr.rel @p0 .LBB2_19-.Ltmp9, $3  }
0x24e: {  	_ =	sdelay $0x1  }
0x24f: {  	[tilespmem:v6+s16+$0x0] =	vst.idx.msk $0xff, v4  }
0x250: {  	s8 =	sadd.s32 $0x1, s8;
	v5 =	vmov s7;
	v4 =	vld.idx.msk [tilespmem:v7+s20+$0x0], $0xff  }
0x251: {  	v5 =	vshll.u32 v5, $0x7;
	v6 =	vor.u32 s6, v1  }
0x252: {  	v3 =	vadd.s32 v3, v5;
	_ =	sdelay $0x3  }
0x253: {  	[tilespmem:v6+s16+$0x0] =	vst.idx.msk $0xff, v4  }
0x254: {  	v63 =	vor.u32 s7, v1;
	v3 =	vld.idx.msk [tilespmem:v3+s20+$0x0], $0xff;
	_ =	sdelay $0x4  }
0x255: {  	s17 =	simm.s32 $0x0;
	s25 =	rddreg [dreg:$0xf];
	s7 =	simm.s32 $0x6;
	[tilespmem:v63+s16+$0x0] =	vst.idx.msk $0xff, v3  }
0x256: {  	[hbm4b:s25+s17] =	stream.linear.scatter [tilespmem:s16], [sflag:$0x7], $0x80, $0x38;
	[tilespmem:$0x15080] =	vst v63  }
0x257: {  	_ =	swait.ge [sflag:s7], $0x80  }
0x258: {  	[sflag:s7] =	ssyncset.done $0x0  }
0x259: {  	[sflag:s7] =	ssyncadd.s32 $0xFFFFFF80  }
0x25a: {  	_ =	swait.ge [sflag:s7], $0x80  }
0x25b: {  	[sflag:s7] =	ssyncset.done $0x0  }
0x25c: {  	[sflag:s7] =	ssyncadd.s32 $0xFFFFFF80  }
0x25d: {  	_ =	swait.ge [sflag:s7], $0x80  }
0x25e: {  	[sflag:s7] =	ssyncset.done $0x0  }
0x25f: {  	[sflag:s7] =	ssyncadd.s32 $0xFFFFFF80  }
0x260: {  	_ =	swait.ge [sflag:s7], $0x80  }
0x261: {  	[sflag:s7] =	ssyncset.done $0x0  }
0x262: {  	[sflag:s7] =	ssyncadd.s32 $0xFFFFFF80  }
0x263: {  	_ =	swait.ge [sflag:s7], $0x8  }
0x264: {  	s9 =	simm.s32 $0x14E00;
	[sflag:s7] =	ssyncset.done $0x0  }
0x265: {  	s8 =	rddreg [dreg:$0x10];
	[sflag:s7] =	ssyncadd.s32 $0xFFFFFFF8;
	s7 =	simm.s32 $0x7  }
0x266: {  	[hbm4b:s8+s17] =	stream.linear.scatter [tilespmem:s9], [sflag:$0x7], $0x208, $0x38;
	[tilespmem:$0x15080] =	vst v63  }
0x267: {  	_ =	swait.ge [sflag:s7], $0x2000  }
0x268: {  	[sflag:s7] =	ssyncset.done $0x0  }
0x269: {  	[sflag:s7] =	ssyncadd.s32 $0xFFFFE000  }
0x26a: {  	_ =	swait.ge [sflag:s7], $0x2000  }
0x26b: {  	[sflag:s7] =	ssyncset.done $0x0  }
0x26c: {  	[sflag:s7] =	ssyncadd.s32 $0xFFFFE000  }
0x26d: {  	_ =	swait.ge [sflag:s7], $0x80  }
0x26e: {  	[sflag:s7] =	ssyncset.done $0x0  }
0x26f: {  	[sflag:s7] =	ssyncadd.s32 $0xFFFFFF80  }
0x270: {  	_ =	swait.ge [sflag:s7], $0x208  }
0x271: {  	s8 =	rddreg [dreg:$0x12]  }
0x272: {  	s25 =	rddreg [dreg:$0x11];
	s8 =	sadd.s32 $0x1, s8  }
0x273: {  	p0 =	sne.s32 s8, s25  }
.Ltmp10:
0x274: {  	_ = 	snop;
	(pc) =	sbr.rel @p0 .LBB2_1-.Ltmp10, $3  }
0x275: {  	_ =	sdelay $0x1  }
0x276: {  	[sflag:s7] =	ssyncset.done $0x0  }
0x277: {  	[sflag:s7] =	ssyncadd.s32 $0xFFFFFDF8  }
0x278: {  	_ =	sfence.sel $0x180000  }
0x279: {  	[bflag:$0x0] =	sbarrier.arrive $0xFFFF  }
0x27a: {  	_ =	strace $0x90000047  }
0x27b: {  	s0 =	stileid.u32;
	[bflag:$0x2] =	sbarrier.arrive $0xFFFF  }
0x27c: {  	p0 =	sne.s32 s0, $0x0;
	s0 =	rddreg [dreg:$0x5]  }
0x27d: {  	s0 =	sadd.s32 @!p0 $0x100000, s0  }
0x27e: {  	[sflag:s0] =	ssyncadd.tile.s32 @!p0 $0x1;
	_ =	shalt  }
.Lfunc_end2:
_tile_overlayer_lowered:
.L_overlay_start_2:
0x27f: {  	(tag) =	ssettag $0x2  }
0x280: {  	s0 =	rddreg [dreg:$0x0];
	s2 =	stileid.u32  }
0x281: {  	s1 =	rddreg [dreg:$0x1];
	p0 =	sne.s32 s2, $0x0  }
0x282: {  	s3 =	rddreg [dreg:$0x2];
	[bflag:$0x3] =	sbarrier.arrive $0xFFFF;
	s2 =	simm.s32 @!p0 $0x1C08  }
0x283: {  	[timem:s3], [sflag:s2] =	dma.local @!p0 [hbm:s0], s1  }
0x284: {  	s0 =	simm.s32 @!p0 $0x8  }
0x285: {  	_ =	swait.ge @!p0 [sflag:s0], s1  }
0x286: {  	s1 =	ssub.s32 @!p0 $0x0, s1;
	[sflag:s0] =	ssyncset.done @!p0 $0x0  }
0x287: {  	[sflag:s0] =	ssyncadd.s32 @!p0 s1  }
0x288: {  	[bflag:$0x3] =	sbarrier.arrive $0xFFFF  }
0x289: {  	_ =	shalt  }

</sc_bundles>
